<compile_context>
chip_gen: v7x
topology: tpu7x:2x2x1
jax: 0.10.2.dev20260603
libtpu: 0.0.44.dev20260713+nightly
codegen_flags: <defaults>
</compile_context>

<pallas_src>
import jax
import jax.numpy as jnp
from jax import lax
from jax.experimental import pallas as pl
from jax.experimental.pallas import tpu as pltpu
from jax.experimental.pallas import tpu_sc as plsc

BATCH = 16384
F = 32
NROWS = 1000000
NC = 2
NS = 16
NW = NC * NS
BPW = BATCH // NW
L = 16
CHUNKS = BPW // L

TCOLS = NROWS // 128
NTILES = 4 * TCOLS
NBLK = NTILES // 8
XROWS = (NBLK + 1) * 64
TAIL = TCOLS * 128
BLK_PER_W = (NBLK + NW - 1) // NW


def _detile_body(uft_hbm, ift_hbm, xu_hbm, xi_hbm,
                 bu0_v, bi0_v, bu1_v, bi1_v,
                 sin_u0, sin_i0, sin_u1, sin_i1, sou0, soi0, sou1, soi1):
    wid = lax.axis_index("s") * NC + lax.axis_index("c")
    sets = ((bu0_v, bi0_v, sin_u0, sin_i0, sou0, soi0),
            (bu1_v, bi1_v, sin_u1, sin_i1, sou1, soi1))

    def fire_in(k, bu, bi, su, si):
        for j in range(8):
            g = j % 4
            coff = pl.multiple_of((2 * k + j // 4) * 128, 128)
            pltpu.async_copy(uft_hbm.at[pl.ds(8 * g, 8), pl.ds(coff, 128)],
                             bu.at[pl.ds(8 * j, 8), :], su)
            pltpu.async_copy(ift_hbm.at[pl.ds(8 * g, 8), pl.ds(coff, 128)],
                             bi.at[pl.ds(8 * j, 8), :], si)

    def flush(k, bu, bi, su, si, so_u, so_i):
        pltpu.make_async_copy(xu_hbm.at[pl.ds(0, 64), :], bu, su).wait()
        pltpu.make_async_copy(xi_hbm.at[pl.ds(0, 64), :], bi, si).wait()
        rowoff = pl.multiple_of(64 * k, 8)
        pltpu.async_copy(bu, xu_hbm.at[pl.ds(rowoff, 64), :], so_u)
        pltpu.async_copy(bi, xi_hbm.at[pl.ds(rowoff, 64), :], so_i)

    def drain_out(bu, bi, so_u, so_i):
        pltpu.make_async_copy(xu_hbm.at[pl.ds(0, 64), :], bu, so_u).wait()
        pltpu.make_async_copy(xi_hbm.at[pl.ds(0, 64), :], bi, so_i).wait()

    def pair(kk2, _):
        ks = (wid + NW * 2 * kk2, wid + NW * (2 * kk2 + 1))
        for d in range(2):
            @pl.when(ks[d] < NBLK)
            def _(d=d):
                bu, bi, su, si, _, _ = sets[d]
                fire_in(ks[d], bu, bi, su, si)
        for d in range(2):
            @pl.when(ks[d] < NBLK)
            def _(d=d):
                flush(ks[d], *sets[d])
        for d in range(2):
            @pl.when(ks[d] < NBLK)
            def _(d=d):
                bu, bi, _, _, so_u, so_i = sets[d]
                drain_out(bu, bi, so_u, so_i)
        return 0

    lax.fori_loop(0, (BLK_PER_W + 1) // 2, pair, 0)


def _gather_body(xu_hbm, xi_hbm, ub_hbm, ib_hbm, user_hbm, item_hbm,
                 auxu_hbm, auxi_hbm, out_hbm,
                 uidx_v, iidx_v, idxu_v, idxi_v, upl_v, ipl_v,
                 ub_v, ib_v, auxu_v, auxi_v, out_v,
                 sem_u, sem_i, sem_b, sem_s):
    wid = lax.axis_index("s") * NC + lax.axis_index("c")
    base = wid * BPW

    pltpu.async_copy(user_hbm.at[pl.ds(base, BPW)], uidx_v, sem_s).wait()
    pltpu.async_copy(item_hbm.at[pl.ds(base, BPW)], iidx_v, sem_s).wait()
    pltpu.async_copy(auxu_hbm, auxu_v, sem_s).wait()
    pltpu.async_copy(auxi_hbm, auxi_v, sem_s).wait()

    cb0 = pltpu.async_copy(ub_hbm.at[uidx_v], ub_v, sem_b)
    cb1 = pltpu.async_copy(ib_hbm.at[iidx_v], ib_v, sem_b)

    offs = [(f >> 3) * 1024 + (f & 7) * 128 for f in range(F)]

    def flat_base(r):
        rc = jnp.minimum(r, TAIL - 1)
        return (rc >> 8) * 8192 + ((rc >> 7) & 1) * 4096 + (rc & 127)

    def compute_idx(c, _):
        s = pl.ds(c * L, L)
        bu = flat_base(uidx_v[s])
        bi = flat_base(iidx_v[s])
        for f in range(F):
            idxu_v[f, s] = bu + offs[f]
            idxi_v[f, s] = bi + offs[f]
        return 0

    lax.fori_loop(0, CHUNKS, compute_idx, 0)

    plane_copies = []
    for f in range(F):
        plane_copies.append(
            pltpu.async_copy(xu_hbm.at[idxu_v.at[f]], upl_v.at[f], sem_u))
        plane_copies.append(
            pltpu.async_copy(xi_hbm.at[idxi_v.at[f]], ipl_v.at[f], sem_i))
    for c in plane_copies:
        c.wait()
    cb0.wait()
    cb1.wait()

    iota = lax.iota(jnp.int32, L)

    def chunk(c, _):
        s = pl.ds(c * L, L)
        ru = uidx_v[s]
        ri = iidx_v[s]
        acc = ub_v[s] + ib_v[s]
        for f in range(F):
            acc = acc + upl_v[f, s] * ipl_v[f, s]
        out_v[s] = acc

        tu = ru >= TAIL
        ti = ri >= TAIL
        any_tail = jnp.max(jnp.where(tu | ti, 1, 0))

        @pl.when(any_tail > 0)
        def _fixup():
            du = jnp.clip(ru - TAIL, 0, 63)
            di = jnp.clip(ri - TAIL, 0, 63)
            acc2 = ub_v[s] + ib_v[s]
            for f in range(F):
                au = plsc.load_gather(auxu_v, [f * 64 + du])
                ai = plsc.load_gather(auxi_v, [f * 64 + di])
                u = jnp.where(tu, au, upl_v[f, s])
                it = jnp.where(ti, ai, ipl_v[f, s])
                acc2 = acc2 + u * it
            out_v[s] = acc2

        return 0

    lax.fori_loop(0, CHUNKS, chunk, 0)

    pltpu.sync_copy(out_v, out_hbm.at[pl.ds(base, BPW)])


@jax.jit
def _mf(user, item, user_factors, item_factors, user_biases, item_biases):
    mesh = plsc.VectorSubcoreMesh(core_axis_name="c", subcore_axis_name="s")

    detile = pl.kernel(
        _detile_body,
        out_type=(jax.ShapeDtypeStruct((XROWS, 128), jnp.float32),
                  jax.ShapeDtypeStruct((XROWS, 128), jnp.float32)),
        mesh=mesh,
        compiler_params=pltpu.CompilerParams(use_tc_tiling_on_sc=True),
        scratch_types=[
            pltpu.VMEM((64, 128), jnp.float32),
            pltpu.VMEM((64, 128), jnp.float32),
            pltpu.VMEM((64, 128), jnp.float32),
            pltpu.VMEM((64, 128), jnp.float32),
            pltpu.SemaphoreType.DMA,
            pltpu.SemaphoreType.DMA,
            pltpu.SemaphoreType.DMA,
            pltpu.SemaphoreType.DMA,
            pltpu.SemaphoreType.DMA,
            pltpu.SemaphoreType.DMA,
            pltpu.SemaphoreType.DMA,
            pltpu.SemaphoreType.DMA,
        ],
    )
    xu, xi = detile(user_factors.T, item_factors.T)

    gather = pl.kernel(
        _gather_body,
        out_type=jax.ShapeDtypeStruct((BATCH,), jnp.float32),
        mesh=mesh,
        compiler_params=pltpu.CompilerParams(
            needs_layout_passes=False, use_tc_tiling_on_sc=False),
        scratch_types=[
            pltpu.VMEM((BPW,), jnp.int32),
            pltpu.VMEM((BPW,), jnp.int32),
            pltpu.VMEM((F, BPW), jnp.int32),
            pltpu.VMEM((F, BPW), jnp.int32),
            pltpu.VMEM((F, BPW), jnp.float32),
            pltpu.VMEM((F, BPW), jnp.float32),
            pltpu.VMEM((BPW,), jnp.float32),
            pltpu.VMEM((BPW,), jnp.float32),
            pltpu.VMEM((64 * F,), jnp.float32),
            pltpu.VMEM((64 * F,), jnp.float32),
            pltpu.VMEM((BPW,), jnp.float32),
            pltpu.SemaphoreType.DMA,
            pltpu.SemaphoreType.DMA,
            pltpu.SemaphoreType.DMA,
            pltpu.SemaphoreType.DMA,
        ],
    )
    auxu = user_factors[TAIL:, :].T.reshape(-1)
    auxi = item_factors[TAIL:, :].T.reshape(-1)
    return gather(xu.reshape(-1), xi.reshape(-1),
                  user_biases.reshape(-1), item_biases.reshape(-1),
                  user, item, auxu, auxi)


def kernel(user, item, user_factors, item_factors, user_biases, item_biases):
    return _mf(user, item, user_factors, item_factors, user_biases, item_biases)

# --- scband reference (transcript-rebuilt; emitter-appended) ---
"""Pipeline reference for scband-matrix-factorization-65687229826003 (READ-ONLY COPY).

The authoritative reference and input builder live on the scoring server;
editing this copy changes nothing except your own understanding.
"""

import jax, jax.numpy as jnp
import numpy as np

N_USERS = 1000000
N_ITEMS = 1000000
N_FACTORS = 32
BATCH = 16384

def _xavier_uniform(key, shape):
    fan_in, fan_out = shape[1], shape[0]
    limit = float(np.sqrt(6.0 / (fan_in + fan_out)))
    return jax.random.uniform(key, shape, dtype=jnp.float32, minval=-limit, maxval=limit)

def setup_inputs(seed: int = 0) -> dict:
    key = jax.random.key(seed)
    k1, k2, k3, k4 = jax.random.split(key, 4)
    user = jax.random.randint(k1, (BATCH,), 0, N_USERS, dtype=jnp.int64) if jax.config.jax_enable_x64 else jax.random.randint(k1, (BATCH,), 0, N_USERS, dtype=jnp.int32)
    item = jax.random.randint(k2, (BATCH,), 0, N_ITEMS, dtype=jnp.int32)
    user = user.astype(jnp.int32)
    user_factors = _xavier_uniform(k3, (N_USERS, N_FACTORS))
    item_factors = _xavier_uniform(k4, (N_ITEMS, N_FACTORS))
    user_biases = jnp.zeros((N_USERS, 1), dtype=jnp.float32)
    item_biases = jnp.zeros((N_ITEMS, 1), dtype=jnp.float32)
    return {"user": user, "item": item,
            "user_factors": user_factors, "item_factors": item_factors,
            "user_biases": user_biases, "item_biases": item_biases}

def reference(user, item, user_factors, item_factors, user_biases, item_biases):
    # Embedding gathers (SparseCore-friendly)
    ub = jnp.take(user_biases, user, axis=0)        # [B, 1]
    ib = jnp.take(item_biases, item, axis=0)        # [B, 1]
    uf = jnp.take(user_factors, user, axis=0)       # [B, F]
    itf = jnp.take(item_factors, item, axis=0)      # [B, F]
    pred = ub + ib
    pred = pred + jnp.sum(uf * itf, axis=1, keepdims=True)  # [B, 1]
    return jnp.squeeze(pred)                         # [B]

if __name__ == "__main__":
    import jax
    _d = setup_inputs()
    print(jax.jit(kernel)(*tuple(_d.values())))

</pallas_src>

<mosaic_0001>
#map = affine_map<(d0, d1) -> (0, 0)>
module attributes {stable_mosaic.version = 14 : i64} {
  func.func @_detile_body(%arg0: i32, %arg1: i32, %arg2: memref<32x1000000xf32, #tpu.memory_space<hbm>>, %arg3: memref<32x1000000xf32, #tpu.memory_space<hbm>>, %arg4: memref<250048x128xf32, #tpu.memory_space<hbm>>, %arg5: memref<250048x128xf32, #tpu.memory_space<hbm>>, %arg6: memref<64x128xf32, #tpu.memory_space<vmem>>, %arg7: memref<64x128xf32, #tpu.memory_space<vmem>>, %arg8: memref<64x128xf32, #tpu.memory_space<vmem>>, %arg9: memref<64x128xf32, #tpu.memory_space<vmem>>, %arg10: memref<!tpu.dma_semaphore, #tpu.memory_space<semaphore_mem>>, %arg11: memref<!tpu.dma_semaphore, #tpu.memory_space<semaphore_mem>>, %arg12: memref<!tpu.dma_semaphore, #tpu.memory_space<semaphore_mem>>, %arg13: memref<!tpu.dma_semaphore, #tpu.memory_space<semaphore_mem>>, %arg14: memref<!tpu.dma_semaphore, #tpu.memory_space<semaphore_mem>>, %arg15: memref<!tpu.dma_semaphore, #tpu.memory_space<semaphore_mem>>, %arg16: memref<!tpu.dma_semaphore, #tpu.memory_space<semaphore_mem>>, %arg17: memref<!tpu.dma_semaphore, #tpu.memory_space<semaphore_mem>>) attributes {dimension_semantics = [#tpu.dimension_semantics<core_parallel>, #tpu.dimension_semantics<subcore_parallel>], iteration_bounds = array<i64: 2, 16>, scalar_prefetch = 0 : i64, scratch_operands = 12 : i64, tpu.core_type = #tpu.core_type<sc_vector_subcore>, window_params = [{transform_indices = #map}, {transform_indices = #map}, {transform_indices = #map}, {transform_indices = #map}]} {
    %mul3A = arith.constant 2 : i32
    %mul3A_0 = arith.muli %arg1, %mul3A : i32
    %add3A = arith.addi %mul3A_0, %arg0 : i32
    %scan3A = arith.constant 0 : i32
    %scan3A_1 = arith.constant 0 : i32
    %scan3A_2 = arith.constant 62 : i32
    %scan3A_3 = arith.addi %scan3A_1, %scan3A_2 : i32
    %scan3A_4 = arith.constant 1 : i32
    %scan3A_5 = scf.for %scan3A_7 = %scan3A_1 to %scan3A_3 step %scan3A_4 iter_args(%scan3A_8 = %scan3A) -> (i32)  : i32 {
      %mul3A_9 = arith.constant 64 : i32
      %mul3A_10 = arith.muli %mul3A_9, %scan3A_7 : i32
      %add3A_11 = arith.addi %add3A, %mul3A_10 : i32
      %mul3A_12 = arith.constant 2 : i32
      %mul3A_13 = arith.muli %mul3A_12, %scan3A_7 : i32
      %add3A_14 = arith.constant 1 : i32
      %add3A_15 = arith.addi %mul3A_13, %add3A_14 : i32
      %mul3A_16 = arith.constant 32 : i32
      %mul3A_17 = arith.muli %mul3A_16, %add3A_15 : i32
      %add3A_18 = arith.addi %add3A, %mul3A_17 : i32
      %lt3A = arith.constant 3906 : i32
      %lt3A_19 = arith.cmpi slt, %add3A_11, %lt3A : i32
      %convert_element_type3A = arith.extui %lt3A_19 : i1 to i32
      %cond3A = arith.constant 0 : i32
      %cond3A_20 = arith.cmpi ne, %convert_element_type3A, %cond3A : i32
      scf.if %cond3A_20 {
        %mul3A_47 = arith.constant 2 : i32
        %mul3A_48 = arith.muli %mul3A_47, %add3A_11 : i32
        %add3A_49 = arith.constant 0 : i32
        %add3A_50 = arith.addi %mul3A_48, %add3A_49 : i32
        %mul3A_51 = arith.constant 128 : i32
        %mul3A_52 = arith.muli %add3A_50, %mul3A_51 : i32
        %multiple_of3A = tpu.assume_multiple %mul3A_52, 128 : i32
        %dma_start3A = arith.constant 0 : i32
        %dma_start3A_53 = arith.constant 0 : i32
        %dma_start3A_54 = tpu.memref_slice %arg6[%dma_start3A, %dma_start3A_53] : memref<64x128xf32, #tpu.memory_space<vmem>> -> memref<8x128xf32, #tpu.memory_space<vmem>>
        %dma_start3A_55 = arith.constant 0 : i32
        %dma_start3A_56 = tpu.memref_slice %arg2[%dma_start3A_55, %multiple_of3A] : memref<32x1000000xf32, #tpu.memory_space<hbm>> -> memref<8x128xf32, #tpu.memory_space<hbm>>
        %dma_start3A_57 = arith.constant 0 : i32
        %dma_start3A_58 = arith.constant 0 : i32
        %dma_start3A_59 = tpu.memref_slice %arg6[%dma_start3A_57, %dma_start3A_58] : memref<64x128xf32, #tpu.memory_space<vmem>> -> memref<8x128xf32, #tpu.memory_space<vmem>>
        %dma_start3A_60 = arith.constant 0 : i32
        %dma_start3A_61 = tpu.memref_slice %arg2[%dma_start3A_60, %multiple_of3A] : memref<32x1000000xf32, #tpu.memory_space<hbm>> -> memref<8x128xf32, #tpu.memory_space<hbm>>
        tpu.enqueue_dma source(%dma_start3A_61 : memref<8x128xf32, #tpu.memory_space<hbm>>) target(%dma_start3A_59 : memref<8x128xf32, #tpu.memory_space<vmem>>) target_semaphore(%arg10 : memref<!tpu.dma_semaphore, #tpu.memory_space<semaphore_mem>>)
        %dma_start3A_62 = arith.constant 0 : i32
        %dma_start3A_63 = arith.constant 0 : i32
        %dma_start3A_64 = tpu.memref_slice %arg7[%dma_start3A_62, %dma_start3A_63] : memref<64x128xf32, #tpu.memory_space<vmem>> -> memref<8x128xf32, #tpu.memory_space<vmem>>
        %dma_start3A_65 = arith.constant 0 : i32
        %dma_start3A_66 = tpu.memref_slice %arg3[%dma_start3A_65, %multiple_of3A] : memref<32x1000000xf32, #tpu.memory_space<hbm>> -> memref<8x128xf32, #tpu.memory_space<hbm>>
        %dma_start3A_67 = arith.constant 0 : i32
        %dma_start3A_68 = arith.constant 0 : i32
        %dma_start3A_69 = tpu.memref_slice %arg7[%dma_start3A_67, %dma_start3A_68] : memref<64x128xf32, #tpu.memory_space<vmem>> -> memref<8x128xf32, #tpu.memory_space<vmem>>
        %dma_start3A_70 = arith.constant 0 : i32
        %dma_start3A_71 = tpu.memref_slice %arg3[%dma_start3A_70, %multiple_of3A] : memref<32x1000000xf32, #tpu.memory_space<hbm>> -> memref<8x128xf32, #tpu.memory_space<hbm>>
        tpu.enqueue_dma source(%dma_start3A_71 : memref<8x128xf32, #tpu.memory_space<hbm>>) target(%dma_start3A_69 : memref<8x128xf32, #tpu.memory_space<vmem>>) target_semaphore(%arg11 : memref<!tpu.dma_semaphore, #tpu.memory_space<semaphore_mem>>)
        %mul3A_72 = arith.constant 2 : i32
        %mul3A_73 = arith.muli %mul3A_72, %add3A_11 : i32
        %add3A_74 = arith.constant 0 : i32
        %add3A_75 = arith.addi %mul3A_73, %add3A_74 : i32
        %mul3A_76 = arith.constant 128 : i32
        %mul3A_77 = arith.muli %add3A_75, %mul3A_76 : i32
        %multiple_of3A_78 = tpu.assume_multiple %mul3A_77, 128 : i32
        %dma_start3A_79 = arith.constant 8 : i32
        %dma_start3A_80 = arith.constant 0 : i32
        %dma_start3A_81 = tpu.memref_slice %arg6[%dma_start3A_79, %dma_start3A_80] : memref<64x128xf32, #tpu.memory_space<vmem>> -> memref<8x128xf32, #tpu.memory_space<vmem>>
        %dma_start3A_82 = arith.constant 8 : i32
        %dma_start3A_83 = tpu.memref_slice %arg2[%dma_start3A_82, %multiple_of3A_78] : memref<32x1000000xf32, #tpu.memory_space<hbm>> -> memref<8x128xf32, #tpu.memory_space<hbm>>
        %dma_start3A_84 = arith.constant 8 : i32
        %dma_start3A_85 = arith.constant 0 : i32
        %dma_start3A_86 = tpu.memref_slice %arg6[%dma_start3A_84, %dma_start3A_85] : memref<64x128xf32, #tpu.memory_space<vmem>> -> memref<8x128xf32, #tpu.memory_space<vmem>>
        %dma_start3A_87 = arith.constant 8 : i32
        %dma_start3A_88 = tpu.memref_slice %arg2[%dma_start3A_87, %multiple_of3A_78] : memref<32x1000000xf32, #tpu.memory_space<hbm>> -> memref<8x128xf32, #tpu.memory_space<hbm>>
        tpu.enqueue_dma source(%dma_start3A_88 : memref<8x128xf32, #tpu.memory_space<hbm>>) target(%dma_start3A_86 : memref<8x128xf32, #tpu.memory_space<vmem>>) target_semaphore(%arg10 : memref<!tpu.dma_semaphore, #tpu.memory_space<semaphore_mem>>)
        %dma_start3A_89 = arith.constant 8 : i32
        %dma_start3A_90 = arith.constant 0 : i32
        %dma_start3A_91 = tpu.memref_slice %arg7[%dma_start3A_89, %dma_start3A_90] : memref<64x128xf32, #tpu.memory_space<vmem>> -> memref<8x128xf32, #tpu.memory_space<vmem>>
        %dma_start3A_92 = arith.constant 8 : i32
        %dma_start3A_93 = tpu.memref_slice %arg3[%dma_start3A_92, %multiple_of3A_78] : memref<32x1000000xf32, #tpu.memory_space<hbm>> -> memref<8x128xf32, #tpu.memory_space<hbm>>
        %dma_start3A_94 = arith.constant 8 : i32
        %dma_start3A_95 = arith.constant 0 : i32
        %dma_start3A_96 = tpu.memref_slice %arg7[%dma_start3A_94, %dma_start3A_95] : memref<64x128xf32, #tpu.memory_space<vmem>> -> memref<8x128xf32, #tpu.memory_space<vmem>>
        %dma_start3A_97 = arith.constant 8 : i32
        %dma_start3A_98 = tpu.memref_slice %arg3[%dma_start3A_97, %multiple_of3A_78] : memref<32x1000000xf32, #tpu.memory_space<hbm>> -> memref<8x128xf32, #tpu.memory_space<hbm>>
        tpu.enqueue_dma source(%dma_start3A_98 : memref<8x128xf32, #tpu.memory_space<hbm>>) target(%dma_start3A_96 : memref<8x128xf32, #tpu.memory_space<vmem>>) target_semaphore(%arg11 : memref<!tpu.dma_semaphore, #tpu.memory_space<semaphore_mem>>)
        %mul3A_99 = arith.constant 2 : i32
        %mul3A_100 = arith.muli %mul3A_99, %add3A_11 : i32
        %add3A_101 = arith.constant 0 : i32
        %add3A_102 = arith.addi %mul3A_100, %add3A_101 : i32
        %mul3A_103 = arith.constant 128 : i32
        %mul3A_104 = arith.muli %add3A_102, %mul3A_103 : i32
        %multiple_of3A_105 = tpu.assume_multiple %mul3A_104, 128 : i32
        %dma_start3A_106 = arith.constant 16 : i32
        %dma_start3A_107 = arith.constant 0 : i32
        %dma_start3A_108 = tpu.memref_slice %arg6[%dma_start3A_106, %dma_start3A_107] : memref<64x128xf32, #tpu.memory_space<vmem>> -> memref<8x128xf32, #tpu.memory_space<vmem>>
        %dma_start3A_109 = arith.constant 16 : i32
        %dma_start3A_110 = tpu.memref_slice %arg2[%dma_start3A_109, %multiple_of3A_105] : memref<32x1000000xf32, #tpu.memory_space<hbm>> -> memref<8x128xf32, #tpu.memory_space<hbm>>
        %dma_start3A_111 = arith.constant 16 : i32
        %dma_start3A_112 = arith.constant 0 : i32
        %dma_start3A_113 = tpu.memref_slice %arg6[%dma_start3A_111, %dma_start3A_112] : memref<64x128xf32, #tpu.memory_space<vmem>> -> memref<8x128xf32, #tpu.memory_space<vmem>>
        %dma_start3A_114 = arith.constant 16 : i32
        %dma_start3A_115 = tpu.memref_slice %arg2[%dma_start3A_114, %multiple_of3A_105] : memref<32x1000000xf32, #tpu.memory_space<hbm>> -> memref<8x128xf32, #tpu.memory_space<hbm>>
        tpu.enqueue_dma source(%dma_start3A_115 : memref<8x128xf32, #tpu.memory_space<hbm>>) target(%dma_start3A_113 : memref<8x128xf32, #tpu.memory_space<vmem>>) target_semaphore(%arg10 : memref<!tpu.dma_semaphore, #tpu.memory_space<semaphore_mem>>)
        %dma_start3A_116 = arith.constant 16 : i32
        %dma_start3A_117 = arith.constant 0 : i32
        %dma_start3A_118 = tpu.memref_slice %arg7[%dma_start3A_116, %dma_start3A_117] : memref<64x128xf32, #tpu.memory_space<vmem>> -> memref<8x128xf32, #tpu.memory_space<vmem>>
        %dma_start3A_119 = arith.constant 16 : i32
        %dma_start3A_120 = tpu.memref_slice %arg3[%dma_start3A_119, %multiple_of3A_105] : memref<32x1000000xf32, #tpu.memory_space<hbm>> -> memref<8x128xf32, #tpu.memory_space<hbm>>
        %dma_start3A_121 = arith.constant 16 : i32
        %dma_start3A_122 = arith.constant 0 : i32
        %dma_start3A_123 = tpu.memref_slice %arg7[%dma_start3A_121, %dma_start3A_122] : memref<64x128xf32, #tpu.memory_space<vmem>> -> memref<8x128xf32, #tpu.memory_space<vmem>>
        %dma_start3A_124 = arith.constant 16 : i32
        %dma_start3A_125 = tpu.memref_slice %arg3[%dma_start3A_124, %multiple_of3A_105] : memref<32x1000000xf32, #tpu.memory_space<hbm>> -> memref<8x128xf32, #tpu.memory_space<hbm>>
        tpu.enqueue_dma source(%dma_start3A_125 : memref<8x128xf32, #tpu.memory_space<hbm>>) target(%dma_start3A_123 : memref<8x128xf32, #tpu.memory_space<vmem>>) target_semaphore(%arg11 : memref<!tpu.dma_semaphore, #tpu.memory_space<semaphore_mem>>)
        %mul3A_126 = arith.constant 2 : i32
        %mul3A_127 = arith.muli %mul3A_126, %add3A_11 : i32
        %add3A_128 = arith.constant 0 : i32
        %add3A_129 = arith.addi %mul3A_127, %add3A_128 : i32
        %mul3A_130 = arith.constant 128 : i32
        %mul3A_131 = arith.muli %add3A_129, %mul3A_130 : i32
        %multiple_of3A_132 = tpu.assume_multiple %mul3A_131, 128 : i32
        %dma_start3A_133 = arith.constant 24 : i32
        %dma_start3A_134 = arith.constant 0 : i32
        %dma_start3A_135 = tpu.memref_slice %arg6[%dma_start3A_133, %dma_start3A_134] : memref<64x128xf32, #tpu.memory_space<vmem>> -> memref<8x128xf32, #tpu.memory_space<vmem>>
        %dma_start3A_136 = arith.constant 24 : i32
        %dma_start3A_137 = tpu.memref_slice %arg2[%dma_start3A_136, %multiple_of3A_132] : memref<32x1000000xf32, #tpu.memory_space<hbm>> -> memref<8x128xf32, #tpu.memory_space<hbm>>
        %dma_start3A_138 = arith.constant 24 : i32
        %dma_start3A_139 = arith.constant 0 : i32
        %dma_start3A_140 = tpu.memref_slice %arg6[%dma_start3A_138, %dma_start3A_139] : memref<64x128xf32, #tpu.memory_space<vmem>> -> memref<8x128xf32, #tpu.memory_space<vmem>>
        %dma_start3A_141 = arith.constant 24 : i32
        %dma_start3A_142 = tpu.memref_slice %arg2[%dma_start3A_141, %multiple_of3A_132] : memref<32x1000000xf32, #tpu.memory_space<hbm>> -> memref<8x128xf32, #tpu.memory_space<hbm>>
        tpu.enqueue_dma source(%dma_start3A_142 : memref<8x128xf32, #tpu.memory_space<hbm>>) target(%dma_start3A_140 : memref<8x128xf32, #tpu.memory_space<vmem>>) target_semaphore(%arg10 : memref<!tpu.dma_semaphore, #tpu.memory_space<semaphore_mem>>)
        %dma_start3A_143 = arith.constant 24 : i32
        %dma_start3A_144 = arith.constant 0 : i32
        %dma_start3A_145 = tpu.memref_slice %arg7[%dma_start3A_143, %dma_start3A_144] : memref<64x128xf32, #tpu.memory_space<vmem>> -> memref<8x128xf32, #tpu.memory_space<vmem>>
        %dma_start3A_146 = arith.constant 24 : i32
        %dma_start3A_147 = tpu.memref_slice %arg3[%dma_start3A_146, %multiple_of3A_132] : memref<32x1000000xf32, #tpu.memory_space<hbm>> -> memref<8x128xf32, #tpu.memory_space<hbm>>
        %dma_start3A_148 = arith.constant 24 : i32
        %dma_start3A_149 = arith.constant 0 : i32
        %dma_start3A_150 = tpu.memref_slice %arg7[%dma_start3A_148, %dma_start3A_149] : memref<64x128xf32, #tpu.memory_space<vmem>> -> memref<8x128xf32, #tpu.memory_space<vmem>>
        %dma_start3A_151 = arith.constant 24 : i32
        %dma_start3A_152 = tpu.memref_slice %arg3[%dma_start3A_151, %multiple_of3A_132] : memref<32x1000000xf32, #tpu.memory_space<hbm>> -> memref<8x128xf32, #tpu.memory_space<hbm>>
        tpu.enqueue_dma source(%dma_start3A_152 : memref<8x128xf32, #tpu.memory_space<hbm>>) target(%dma_start3A_150 : memref<8x128xf32, #tpu.memory_space<vmem>>) target_semaphore(%arg11 : memref<!tpu.dma_semaphore, #tpu.memory_space<semaphore_mem>>)
        %mul3A_153 = arith.constant 2 : i32
        %mul3A_154 = arith.muli %mul3A_153, %add3A_11 : i32
        %add3A_155 = arith.constant 1 : i32
        %add3A_156 = arith.addi %mul3A_154, %add3A_155 : i32
        %mul3A_157 = arith.constant 128 : i32
        %mul3A_158 = arith.muli %add3A_156, %mul3A_157 : i32
        %multiple_of3A_159 = tpu.assume_multiple %mul3A_158, 128 : i32
        %dma_start3A_160 = arith.constant 32 : i32
        %dma_start3A_161 = arith.constant 0 : i32
        %dma_start3A_162 = tpu.memref_slice %arg6[%dma_start3A_160, %dma_start3A_161] : memref<64x128xf32, #tpu.memory_space<vmem>> -> memref<8x128xf32, #tpu.memory_space<vmem>>
        %dma_start3A_163 = arith.constant 0 : i32
        %dma_start3A_164 = tpu.memref_slice %arg2[%dma_start3A_163, %multiple_of3A_159] : memref<32x1000000xf32, #tpu.memory_space<hbm>> -> memref<8x128xf32, #tpu.memory_space<hbm>>
        %dma_start3A_165 = arith.constant 32 : i32
        %dma_start3A_166 = arith.constant 0 : i32
        %dma_start3A_167 = tpu.memref_slice %arg6[%dma_start3A_165, %dma_start3A_166] : memref<64x128xf32, #tpu.memory_space<vmem>> -> memref<8x128xf32, #tpu.memory_space<vmem>>
        %dma_start3A_168 = arith.constant 0 : i32
        %dma_start3A_169 = tpu.memref_slice %arg2[%dma_start3A_168, %multiple_of3A_159] : memref<32x1000000xf32, #tpu.memory_space<hbm>> -> memref<8x128xf32, #tpu.memory_space<hbm>>
        tpu.enqueue_dma source(%dma_start3A_169 : memref<8x128xf32, #tpu.memory_space<hbm>>) target(%dma_start3A_167 : memref<8x128xf32, #tpu.memory_space<vmem>>) target_semaphore(%arg10 : memref<!tpu.dma_semaphore, #tpu.memory_space<semaphore_mem>>)
        %dma_start3A_170 = arith.constant 32 : i32
        %dma_start3A_171 = arith.constant 0 : i32
        %dma_start3A_172 = tpu.memref_slice %arg7[%dma_start3A_170, %dma_start3A_171] : memref<64x128xf32, #tpu.memory_space<vmem>> -> memref<8x128xf32, #tpu.memory_space<vmem>>
        %dma_start3A_173 = arith.constant 0 : i32
        %dma_start3A_174 = tpu.memref_slice %arg3[%dma_start3A_173, %multiple_of3A_159] : memref<32x1000000xf32, #tpu.memory_space<hbm>> -> memref<8x128xf32, #tpu.memory_space<hbm>>
        %dma_start3A_175 = arith.constant 32 : i32
        %dma_start3A_176 = arith.constant 0 : i32
        %dma_start3A_177 = tpu.memref_slice %arg7[%dma_start3A_175, %dma_start3A_176] : memref<64x128xf32, #tpu.memory_space<vmem>> -> memref<8x128xf32, #tpu.memory_space<vmem>>
        %dma_start3A_178 = arith.constant 0 : i32
        %dma_start3A_179 = tpu.memref_slice %arg3[%dma_start3A_178, %multiple_of3A_159] : memref<32x1000000xf32, #tpu.memory_space<hbm>> -> memref<8x128xf32, #tpu.memory_space<hbm>>
        tpu.enqueue_dma source(%dma_start3A_179 : memref<8x128xf32, #tpu.memory_space<hbm>>) target(%dma_start3A_177 : memref<8x128xf32, #tpu.memory_space<vmem>>) target_semaphore(%arg11 : memref<!tpu.dma_semaphore, #tpu.memory_space<semaphore_mem>>)
        %mul3A_180 = arith.constant 2 : i32
        %mul3A_181 = arith.muli %mul3A_180, %add3A_11 : i32
        %add3A_182 = arith.constant 1 : i32
        %add3A_183 = arith.addi %mul3A_181, %add3A_182 : i32
        %mul3A_184 = arith.constant 128 : i32
        %mul3A_185 = arith.muli %add3A_183, %mul3A_184 : i32
        %multiple_of3A_186 = tpu.assume_multiple %mul3A_185, 128 : i32
        %dma_start3A_187 = arith.constant 40 : i32
        %dma_start3A_188 = arith.constant 0 : i32
        %dma_start3A_189 = tpu.memref_slice %arg6[%dma_start3A_187, %dma_start3A_188] : memref<64x128xf32, #tpu.memory_space<vmem>> -> memref<8x128xf32, #tpu.memory_space<vmem>>
        %dma_start3A_190 = arith.constant 8 : i32
        %dma_start3A_191 = tpu.memref_slice %arg2[%dma_start3A_190, %multiple_of3A_186] : memref<32x1000000xf32, #tpu.memory_space<hbm>> -> memref<8x128xf32, #tpu.memory_space<hbm>>
        %dma_start3A_192 = arith.constant 40 : i32
        %dma_start3A_193 = arith.constant 0 : i32
        %dma_start3A_194 = tpu.memref_slice %arg6[%dma_start3A_192, %dma_start3A_193] : memref<64x128xf32, #tpu.memory_space<vmem>> -> memref<8x128xf32, #tpu.memory_space<vmem>>
        %dma_start3A_195 = arith.constant 8 : i32
        %dma_start3A_196 = tpu.memref_slice %arg2[%dma_start3A_195, %multiple_of3A_186] : memref<32x1000000xf32, #tpu.memory_space<hbm>> -> memref<8x128xf32, #tpu.memory_space<hbm>>
        tpu.enqueue_dma source(%dma_start3A_196 : memref<8x128xf32, #tpu.memory_space<hbm>>) target(%dma_start3A_194 : memref<8x128xf32, #tpu.memory_space<vmem>>) target_semaphore(%arg10 : memref<!tpu.dma_semaphore, #tpu.memory_space<semaphore_mem>>)
        %dma_start3A_197 = arith.constant 40 : i32
        %dma_start3A_198 = arith.constant 0 : i32
        %dma_start3A_199 = tpu.memref_slice %arg7[%dma_start3A_197, %dma_start3A_198] : memref<64x128xf32, #tpu.memory_space<vmem>> -> memref<8x128xf32, #tpu.memory_space<vmem>>
        %dma_start3A_200 = arith.constant 8 : i32
        %dma_start3A_201 = tpu.memref_slice %arg3[%dma_start3A_200, %multiple_of3A_186] : memref<32x1000000xf32, #tpu.memory_space<hbm>> -> memref<8x128xf32, #tpu.memory_space<hbm>>
        %dma_start3A_202 = arith.constant 40 : i32
        %dma_start3A_203 = arith.constant 0 : i32
        %dma_start3A_204 = tpu.memref_slice %arg7[%dma_start3A_202, %dma_start3A_203] : memref<64x128xf32, #tpu.memory_space<vmem>> -> memref<8x128xf32, #tpu.memory_space<vmem>>
        %dma_start3A_205 = arith.constant 8 : i32
        %dma_start3A_206 = tpu.memref_slice %arg3[%dma_start3A_205, %multiple_of3A_186] : memref<32x1000000xf32, #tpu.memory_space<hbm>> -> memref<8x128xf32, #tpu.memory_space<hbm>>
        tpu.enqueue_dma source(%dma_start3A_206 : memref<8x128xf32, #tpu.memory_space<hbm>>) target(%dma_start3A_204 : memref<8x128xf32, #tpu.memory_space<vmem>>) target_semaphore(%arg11 : memref<!tpu.dma_semaphore, #tpu.memory_space<semaphore_mem>>)
        %mul3A_207 = arith.constant 2 : i32
        %mul3A_208 = arith.muli %mul3A_207, %add3A_11 : i32
        %add3A_209 = arith.constant 1 : i32
        %add3A_210 = arith.addi %mul3A_208, %add3A_209 : i32
        %mul3A_211 = arith.constant 128 : i32
        %mul3A_212 = arith.muli %add3A_210, %mul3A_211 : i32
        %multiple_of3A_213 = tpu.assume_multiple %mul3A_212, 128 : i32
        %dma_start3A_214 = arith.constant 48 : i32
        %dma_start3A_215 = arith.constant 0 : i32
        %dma_start3A_216 = tpu.memref_slice %arg6[%dma_start3A_214, %dma_start3A_215] : memref<64x128xf32, #tpu.memory_space<vmem>> -> memref<8x128xf32, #tpu.memory_space<vmem>>
        %dma_start3A_217 = arith.constant 16 : i32
        %dma_start3A_218 = tpu.memref_slice %arg2[%dma_start3A_217, %multiple_of3A_213] : memref<32x1000000xf32, #tpu.memory_space<hbm>> -> memref<8x128xf32, #tpu.memory_space<hbm>>
        %dma_start3A_219 = arith.constant 48 : i32
        %dma_start3A_220 = arith.constant 0 : i32
        %dma_start3A_221 = tpu.memref_slice %arg6[%dma_start3A_219, %dma_start3A_220] : memref<64x128xf32, #tpu.memory_space<vmem>> -> memref<8x128xf32, #tpu.memory_space<vmem>>
        %dma_start3A_222 = arith.constant 16 : i32
        %dma_start3A_223 = tpu.memref_slice %arg2[%dma_start3A_222, %multiple_of3A_213] : memref<32x1000000xf32, #tpu.memory_space<hbm>> -> memref<8x128xf32, #tpu.memory_space<hbm>>
        tpu.enqueue_dma source(%dma_start3A_223 : memref<8x128xf32, #tpu.memory_space<hbm>>) target(%dma_start3A_221 : memref<8x128xf32, #tpu.memory_space<vmem>>) target_semaphore(%arg10 : memref<!tpu.dma_semaphore, #tpu.memory_space<semaphore_mem>>)
        %dma_start3A_224 = arith.constant 48 : i32
        %dma_start3A_225 = arith.constant 0 : i32
        %dma_start3A_226 = tpu.memref_slice %arg7[%dma_start3A_224, %dma_start3A_225] : memref<64x128xf32, #tpu.memory_space<vmem>> -> memref<8x128xf32, #tpu.memory_space<vmem>>
        %dma_start3A_227 = arith.constant 16 : i32
        %dma_start3A_228 = tpu.memref_slice %arg3[%dma_start3A_227, %multiple_of3A_213] : memref<32x1000000xf32, #tpu.memory_space<hbm>> -> memref<8x128xf32, #tpu.memory_space<hbm>>
        %dma_start3A_229 = arith.constant 48 : i32
        %dma_start3A_230 = arith.constant 0 : i32
        %dma_start3A_231 = tpu.memref_slice %arg7[%dma_start3A_229, %dma_start3A_230] : memref<64x128xf32, #tpu.memory_space<vmem>> -> memref<8x128xf32, #tpu.memory_space<vmem>>
        %dma_start3A_232 = arith.constant 16 : i32
        %dma_start3A_233 = tpu.memref_slice %arg3[%dma_start3A_232, %multiple_of3A_213] : memref<32x1000000xf32, #tpu.memory_space<hbm>> -> memref<8x128xf32, #tpu.memory_space<hbm>>
        tpu.enqueue_dma source(%dma_start3A_233 : memref<8x128xf32, #tpu.memory_space<hbm>>) target(%dma_start3A_231 : memref<8x128xf32, #tpu.memory_space<vmem>>) target_semaphore(%arg11 : memref<!tpu.dma_semaphore, #tpu.memory_space<semaphore_mem>>)
        %mul3A_234 = arith.constant 2 : i32
        %mul3A_235 = arith.muli %mul3A_234, %add3A_11 : i32
        %add3A_236 = arith.constant 1 : i32
        %add3A_237 = arith.addi %mul3A_235, %add3A_236 : i32
        %mul3A_238 = arith.constant 128 : i32
        %mul3A_239 = arith.muli %add3A_237, %mul3A_238 : i32
        %multiple_of3A_240 = tpu.assume_multiple %mul3A_239, 128 : i32
        %dma_start3A_241 = arith.constant 56 : i32
        %dma_start3A_242 = arith.constant 0 : i32
        %dma_start3A_243 = tpu.memref_slice %arg6[%dma_start3A_241, %dma_start3A_242] : memref<64x128xf32, #tpu.memory_space<vmem>> -> memref<8x128xf32, #tpu.memory_space<vmem>>
        %dma_start3A_244 = arith.constant 24 : i32
        %dma_start3A_245 = tpu.memref_slice %arg2[%dma_start3A_244, %multiple_of3A_240] : memref<32x1000000xf32, #tpu.memory_space<hbm>> -> memref<8x128xf32, #tpu.memory_space<hbm>>
        %dma_start3A_246 = arith.constant 56 : i32
        %dma_start3A_247 = arith.constant 0 : i32
        %dma_start3A_248 = tpu.memref_slice %arg6[%dma_start3A_246, %dma_start3A_247] : memref<64x128xf32, #tpu.memory_space<vmem>> -> memref<8x128xf32, #tpu.memory_space<vmem>>
        %dma_start3A_249 = arith.constant 24 : i32
        %dma_start3A_250 = tpu.memref_slice %arg2[%dma_start3A_249, %multiple_of3A_240] : memref<32x1000000xf32, #tpu.memory_space<hbm>> -> memref<8x128xf32, #tpu.memory_space<hbm>>
        tpu.enqueue_dma source(%dma_start3A_250 : memref<8x128xf32, #tpu.memory_space<hbm>>) target(%dma_start3A_248 : memref<8x128xf32, #tpu.memory_space<vmem>>) target_semaphore(%arg10 : memref<!tpu.dma_semaphore, #tpu.memory_space<semaphore_mem>>)
        %dma_start3A_251 = arith.constant 56 : i32
        %dma_start3A_252 = arith.constant 0 : i32
        %dma_start3A_253 = tpu.memref_slice %arg7[%dma_start3A_251, %dma_start3A_252] : memref<64x128xf32, #tpu.memory_space<vmem>> -> memref<8x128xf32, #tpu.memory_space<vmem>>
        %dma_start3A_254 = arith.constant 24 : i32
        %dma_start3A_255 = tpu.memref_slice %arg3[%dma_start3A_254, %multiple_of3A_240] : memref<32x1000000xf32, #tpu.memory_space<hbm>> -> memref<8x128xf32, #tpu.memory_space<hbm>>
        %dma_start3A_256 = arith.constant 56 : i32
        %dma_start3A_257 = arith.constant 0 : i32
        %dma_start3A_258 = tpu.memref_slice %arg7[%dma_start3A_256, %dma_start3A_257] : memref<64x128xf32, #tpu.memory_space<vmem>> -> memref<8x128xf32, #tpu.memory_space<vmem>>
        %dma_start3A_259 = arith.constant 24 : i32
        %dma_start3A_260 = tpu.memref_slice %arg3[%dma_start3A_259, %multiple_of3A_240] : memref<32x1000000xf32, #tpu.memory_space<hbm>> -> memref<8x128xf32, #tpu.memory_space<hbm>>
        tpu.enqueue_dma source(%dma_start3A_260 : memref<8x128xf32, #tpu.memory_space<hbm>>) target(%dma_start3A_258 : memref<8x128xf32, #tpu.memory_space<vmem>>) target_semaphore(%arg11 : memref<!tpu.dma_semaphore, #tpu.memory_space<semaphore_mem>>)
      } else {
      }
      %lt3A_21 = arith.constant 3906 : i32
      %lt3A_22 = arith.cmpi slt, %add3A_18, %lt3A_21 : i32
      %convert_element_type3A_23 = arith.extui %lt3A_22 : i1 to i32
      %cond3A_24 = arith.constant 0 : i32
      %cond3A_25 = arith.cmpi ne, %convert_element_type3A_23, %cond3A_24 : i32
      scf.if %cond3A_25 {
        %mul3A_47 = arith.constant 2 : i32
        %mul3A_48 = arith.muli %mul3A_47, %add3A_18 : i32
        %add3A_49 = arith.constant 0 : i32
        %add3A_50 = arith.addi %mul3A_48, %add3A_49 : i32
        %mul3A_51 = arith.constant 128 : i32
        %mul3A_52 = arith.muli %add3A_50, %mul3A_51 : i32
        %multiple_of3A = tpu.assume_multiple %mul3A_52, 128 : i32
        %dma_start3A = arith.constant 0 : i32
        %dma_start3A_53 = arith.constant 0 : i32
        %dma_start3A_54 = tpu.memref_slice %arg8[%dma_start3A, %dma_start3A_53] : memref<64x128xf32, #tpu.memory_space<vmem>> -> memref<8x128xf32, #tpu.memory_space<vmem>>
        %dma_start3A_55 = arith.constant 0 : i32
        %dma_start3A_56 = tpu.memref_slice %arg2[%dma_start3A_55, %multiple_of3A] : memref<32x1000000xf32, #tpu.memory_space<hbm>> -> memref<8x128xf32, #tpu.memory_space<hbm>>
        %dma_start3A_57 = arith.constant 0 : i32
        %dma_start3A_58 = arith.constant 0 : i32
        %dma_start3A_59 = tpu.memref_slice %arg8[%dma_start3A_57, %dma_start3A_58] : memref<64x128xf32, #tpu.memory_space<vmem>> -> memref<8x128xf32, #tpu.memory_space<vmem>>
        %dma_start3A_60 = arith.constant 0 : i32
        %dma_start3A_61 = tpu.memref_slice %arg2[%dma_start3A_60, %multiple_of3A] : memref<32x1000000xf32, #tpu.memory_space<hbm>> -> memref<8x128xf32, #tpu.memory_space<hbm>>
        tpu.enqueue_dma source(%dma_start3A_61 : memref<8x128xf32, #tpu.memory_space<hbm>>) target(%dma_start3A_59 : memref<8x128xf32, #tpu.memory_space<vmem>>) target_semaphore(%arg12 : memref<!tpu.dma_semaphore, #tpu.memory_space<semaphore_mem>>)
        %dma_start3A_62 = arith.constant 0 : i32
        %dma_start3A_63 = arith.constant 0 : i32
        %dma_start3A_64 = tpu.memref_slice %arg9[%dma_start3A_62, %dma_start3A_63] : memref<64x128xf32, #tpu.memory_space<vmem>> -> memref<8x128xf32, #tpu.memory_space<vmem>>
        %dma_start3A_65 = arith.constant 0 : i32
        %dma_start3A_66 = tpu.memref_slice %arg3[%dma_start3A_65, %multiple_of3A] : memref<32x1000000xf32, #tpu.memory_space<hbm>> -> memref<8x128xf32, #tpu.memory_space<hbm>>
        %dma_start3A_67 = arith.constant 0 : i32
        %dma_start3A_68 = arith.constant 0 : i32
        %dma_start3A_69 = tpu.memref_slice %arg9[%dma_start3A_67, %dma_start3A_68] : memref<64x128xf32, #tpu.memory_space<vmem>> -> memref<8x128xf32, #tpu.memory_space<vmem>>
        %dma_start3A_70 = arith.constant 0 : i32
        %dma_start3A_71 = tpu.memref_slice %arg3[%dma_start3A_70, %multiple_of3A] : memref<32x1000000xf32, #tpu.memory_space<hbm>> -> memref<8x128xf32, #tpu.memory_space<hbm>>
        tpu.enqueue_dma source(%dma_start3A_71 : memref<8x128xf32, #tpu.memory_space<hbm>>) target(%dma_start3A_69 : memref<8x128xf32, #tpu.memory_space<vmem>>) target_semaphore(%arg13 : memref<!tpu.dma_semaphore, #tpu.memory_space<semaphore_mem>>)
        %mul3A_72 = arith.constant 2 : i32
        %mul3A_73 = arith.muli %mul3A_72, %add3A_18 : i32
        %add3A_74 = arith.constant 0 : i32
        %add3A_75 = arith.addi %mul3A_73, %add3A_74 : i32
        %mul3A_76 = arith.constant 128 : i32
        %mul3A_77 = arith.muli %add3A_75, %mul3A_76 : i32
        %multiple_of3A_78 = tpu.assume_multiple %mul3A_77, 128 : i32
        %dma_start3A_79 = arith.constant 8 : i32
        %dma_start3A_80 = arith.constant 0 : i32
        %dma_start3A_81 = tpu.memref_slice %arg8[%dma_start3A_79, %dma_start3A_80] : memref<64x128xf32, #tpu.memory_space<vmem>> -> memref<8x128xf32, #tpu.memory_space<vmem>>
        %dma_start3A_82 = arith.constant 8 : i32
        %dma_start3A_83 = tpu.memref_slice %arg2[%dma_start3A_82, %multiple_of3A_78] : memref<32x1000000xf32, #tpu.memory_space<hbm>> -> memref<8x128xf32, #tpu.memory_space<hbm>>
        %dma_start3A_84 = arith.constant 8 : i32
        %dma_start3A_85 = arith.constant 0 : i32
        %dma_start3A_86 = tpu.memref_slice %arg8[%dma_start3A_84, %dma_start3A_85] : memref<64x128xf32, #tpu.memory_space<vmem>> -> memref<8x128xf32, #tpu.memory_space<vmem>>
        %dma_start3A_87 = arith.constant 8 : i32
        %dma_start3A_88 = tpu.memref_slice %arg2[%dma_start3A_87, %multiple_of3A_78] : memref<32x1000000xf32, #tpu.memory_space<hbm>> -> memref<8x128xf32, #tpu.memory_space<hbm>>
        tpu.enqueue_dma source(%dma_start3A_88 : memref<8x128xf32, #tpu.memory_space<hbm>>) target(%dma_start3A_86 : memref<8x128xf32, #tpu.memory_space<vmem>>) target_semaphore(%arg12 : memref<!tpu.dma_semaphore, #tpu.memory_space<semaphore_mem>>)
        %dma_start3A_89 = arith.constant 8 : i32
        %dma_start3A_90 = arith.constant 0 : i32
        %dma_start3A_91 = tpu.memref_slice %arg9[%dma_start3A_89, %dma_start3A_90] : memref<64x128xf32, #tpu.memory_space<vmem>> -> memref<8x128xf32, #tpu.memory_space<vmem>>
        %dma_start3A_92 = arith.constant 8 : i32
        %dma_start3A_93 = tpu.memref_slice %arg3[%dma_start3A_92, %multiple_of3A_78] : memref<32x1000000xf32, #tpu.memory_space<hbm>> -> memref<8x128xf32, #tpu.memory_space<hbm>>
        %dma_start3A_94 = arith.constant 8 : i32
        %dma_start3A_95 = arith.constant 0 : i32
        %dma_start3A_96 = tpu.memref_slice %arg9[%dma_start3A_94, %dma_start3A_95] : memref<64x128xf32, #tpu.memory_space<vmem>> -> memref<8x128xf32, #tpu.memory_space<vmem>>
        %dma_start3A_97 = arith.constant 8 : i32
        %dma_start3A_98 = tpu.memref_slice %arg3[%dma_start3A_97, %multiple_of3A_78] : memref<32x1000000xf32, #tpu.memory_space<hbm>> -> memref<8x128xf32, #tpu.memory_space<hbm>>
        tpu.enqueue_dma source(%dma_start3A_98 : memref<8x128xf32, #tpu.memory_space<hbm>>) target(%dma_start3A_96 : memref<8x128xf32, #tpu.memory_space<vmem>>) target_semaphore(%arg13 : memref<!tpu.dma_semaphore, #tpu.memory_space<semaphore_mem>>)
        %mul3A_99 = arith.constant 2 : i32
        %mul3A_100 = arith.muli %mul3A_99, %add3A_18 : i32
        %add3A_101 = arith.constant 0 : i32
        %add3A_102 = arith.addi %mul3A_100, %add3A_101 : i32
        %mul3A_103 = arith.constant 128 : i32
        %mul3A_104 = arith.muli %add3A_102, %mul3A_103 : i32
        %multiple_of3A_105 = tpu.assume_multiple %mul3A_104, 128 : i32
        %dma_start3A_106 = arith.constant 16 : i32
        %dma_start3A_107 = arith.constant 0 : i32
        %dma_start3A_108 = tpu.memref_slice %arg8[%dma_start3A_106, %dma_start3A_107] : memref<64x128xf32, #tpu.memory_space<vmem>> -> memref<8x128xf32, #tpu.memory_space<vmem>>
        %dma_start3A_109 = arith.constant 16 : i32
        %dma_start3A_110 = tpu.memref_slice %arg2[%dma_start3A_109, %multiple_of3A_105] : memref<32x1000000xf32, #tpu.memory_space<hbm>> -> memref<8x128xf32, #tpu.memory_space<hbm>>
        %dma_start3A_111 = arith.constant 16 : i32
        %dma_start3A_112 = arith.constant 0 : i32
        %dma_start3A_113 = tpu.memref_slice %arg8[%dma_start3A_111, %dma_start3A_112] : memref<64x128xf32, #tpu.memory_space<vmem>> -> memref<8x128xf32, #tpu.memory_space<vmem>>
        %dma_start3A_114 = arith.constant 16 : i32
        %dma_start3A_115 = tpu.memref_slice %arg2[%dma_start3A_114, %multiple_of3A_105] : memref<32x1000000xf32, #tpu.memory_space<hbm>> -> memref<8x128xf32, #tpu.memory_space<hbm>>
        tpu.enqueue_dma source(%dma_start3A_115 : memref<8x128xf32, #tpu.memory_space<hbm>>) target(%dma_start3A_113 : memref<8x128xf32, #tpu.memory_space<vmem>>) target_semaphore(%arg12 : memref<!tpu.dma_semaphore, #tpu.memory_space<semaphore_mem>>)
        %dma_start3A_116 = arith.constant 16 : i32
        %dma_start3A_117 = arith.constant 0 : i32
        %dma_start3A_118 = tpu.memref_slice %arg9[%dma_start3A_116, %dma_start3A_117] : memref<64x128xf32, #tpu.memory_space<vmem>> -> memref<8x128xf32, #tpu.memory_space<vmem>>
        %dma_start3A_119 = arith.constant 16 : i32
        %dma_start3A_120 = tpu.memref_slice %arg3[%dma_start3A_119, %multiple_of3A_105] : memref<32x1000000xf32, #tpu.memory_space<hbm>> -> memref<8x128xf32, #tpu.memory_space<hbm>>
        %dma_start3A_121 = arith.constant 16 : i32
        %dma_start3A_122 = arith.constant 0 : i32
        %dma_start3A_123 = tpu.memref_slice %arg9[%dma_start3A_121, %dma_start3A_122] : memref<64x128xf32, #tpu.memory_space<vmem>> -> memref<8x128xf32, #tpu.memory_space<vmem>>
        %dma_start3A_124 = arith.constant 16 : i32
        %dma_start3A_125 = tpu.memref_slice %arg3[%dma_start3A_124, %multiple_of3A_105] : memref<32x1000000xf32, #tpu.memory_space<hbm>> -> memref<8x128xf32, #tpu.memory_space<hbm>>
        tpu.enqueue_dma source(%dma_start3A_125 : memref<8x128xf32, #tpu.memory_space<hbm>>) target(%dma_start3A_123 : memref<8x128xf32, #tpu.memory_space<vmem>>) target_semaphore(%arg13 : memref<!tpu.dma_semaphore, #tpu.memory_space<semaphore_mem>>)
        %mul3A_126 = arith.constant 2 : i32
        %mul3A_127 = arith.muli %mul3A_126, %add3A_18 : i32
        %add3A_128 = arith.constant 0 : i32
        %add3A_129 = arith.addi %mul3A_127, %add3A_128 : i32
        %mul3A_130 = arith.constant 128 : i32
        %mul3A_131 = arith.muli %add3A_129, %mul3A_130 : i32
        %multiple_of3A_132 = tpu.assume_multiple %mul3A_131, 128 : i32
        %dma_start3A_133 = arith.constant 24 : i32
        %dma_start3A_134 = arith.constant 0 : i32
        %dma_start3A_135 = tpu.memref_slice %arg8[%dma_start3A_133, %dma_start3A_134] : memref<64x128xf32, #tpu.memory_space<vmem>> -> memref<8x128xf32, #tpu.memory_space<vmem>>
        %dma_start3A_136 = arith.constant 24 : i32
        %dma_start3A_137 = tpu.memref_slice %arg2[%dma_start3A_136, %multiple_of3A_132] : memref<32x1000000xf32, #tpu.memory_space<hbm>> -> memref<8x128xf32, #tpu.memory_space<hbm>>
        %dma_start3A_138 = arith.constant 24 : i32
        %dma_start3A_139 = arith.constant 0 : i32
        %dma_start3A_140 = tpu.memref_slice %arg8[%dma_start3A_138, %dma_start3A_139] : memref<64x128xf32, #tpu.memory_space<vmem>> -> memref<8x128xf32, #tpu.memory_space<vmem>>
        %dma_start3A_141 = arith.constant 24 : i32
        %dma_start3A_142 = tpu.memref_slice %arg2[%dma_start3A_141, %multiple_of3A_132] : memref<32x1000000xf32, #tpu.memory_space<hbm>> -> memref<8x128xf32, #tpu.memory_space<hbm>>
        tpu.enqueue_dma source(%dma_start3A_142 : memref<8x128xf32, #tpu.memory_space<hbm>>) target(%dma_start3A_140 : memref<8x128xf32, #tpu.memory_space<vmem>>) target_semaphore(%arg12 : memref<!tpu.dma_semaphore, #tpu.memory_space<semaphore_mem>>)
        %dma_start3A_143 = arith.constant 24 : i32
        %dma_start3A_144 = arith.constant 0 : i32
        %dma_start3A_145 = tpu.memref_slice %arg9[%dma_start3A_143, %dma_start3A_144] : memref<64x128xf32, #tpu.memory_space<vmem>> -> memref<8x128xf32, #tpu.memory_space<vmem>>
        %dma_start3A_146 = arith.constant 24 : i32
        %dma_start3A_147 = tpu.memref_slice %arg3[%dma_start3A_146, %multiple_of3A_132] : memref<32x1000000xf32, #tpu.memory_space<hbm>> -> memref<8x128xf32, #tpu.memory_space<hbm>>
        %dma_start3A_148 = arith.constant 24 : i32
        %dma_start3A_149 = arith.constant 0 : i32
        %dma_start3A_150 = tpu.memref_slice %arg9[%dma_start3A_148, %dma_start3A_149] : memref<64x128xf32, #tpu.memory_space<vmem>> -> memref<8x128xf32, #tpu.memory_space<vmem>>
        %dma_start3A_151 = arith.constant 24 : i32
        %dma_start3A_152 = tpu.memref_slice %arg3[%dma_start3A_151, %multiple_of3A_132] : memref<32x1000000xf32, #tpu.memory_space<hbm>> -> memref<8x128xf32, #tpu.memory_space<hbm>>
        tpu.enqueue_dma source(%dma_start3A_152 : memref<8x128xf32, #tpu.memory_space<hbm>>) target(%dma_start3A_150 : memref<8x128xf32, #tpu.memory_space<vmem>>) target_semaphore(%arg13 : memref<!tpu.dma_semaphore, #tpu.memory_space<semaphore_mem>>)
        %mul3A_153 = arith.constant 2 : i32
        %mul3A_154 = arith.muli %mul3A_153, %add3A_18 : i32
        %add3A_155 = arith.constant 1 : i32
        %add3A_156 = arith.addi %mul3A_154, %add3A_155 : i32
        %mul3A_157 = arith.constant 128 : i32
        %mul3A_158 = arith.muli %add3A_156, %mul3A_157 : i32
        %multiple_of3A_159 = tpu.assume_multiple %mul3A_158, 128 : i32
        %dma_start3A_160 = arith.constant 32 : i32
        %dma_start3A_161 = arith.constant 0 : i32
        %dma_start3A_162 = tpu.memref_slice %arg8[%dma_start3A_160, %dma_start3A_161] : memref<64x128xf32, #tpu.memory_space<vmem>> -> memref<8x128xf32, #tpu.memory_space<vmem>>
        %dma_start3A_163 = arith.constant 0 : i32
        %dma_start3A_164 = tpu.memref_slice %arg2[%dma_start3A_163, %multiple_of3A_159] : memref<32x1000000xf32, #tpu.memory_space<hbm>> -> memref<8x128xf32, #tpu.memory_space<hbm>>
        %dma_start3A_165 = arith.constant 32 : i32
        %dma_start3A_166 = arith.constant 0 : i32
        %dma_start3A_167 = tpu.memref_slice %arg8[%dma_start3A_165, %dma_start3A_166] : memref<64x128xf32, #tpu.memory_space<vmem>> -> memref<8x128xf32, #tpu.memory_space<vmem>>
        %dma_start3A_168 = arith.constant 0 : i32
        %dma_start3A_169 = tpu.memref_slice %arg2[%dma_start3A_168, %multiple_of3A_159] : memref<32x1000000xf32, #tpu.memory_space<hbm>> -> memref<8x128xf32, #tpu.memory_space<hbm>>
        tpu.enqueue_dma source(%dma_start3A_169 : memref<8x128xf32, #tpu.memory_space<hbm>>) target(%dma_start3A_167 : memref<8x128xf32, #tpu.memory_space<vmem>>) target_semaphore(%arg12 : memref<!tpu.dma_semaphore, #tpu.memory_space<semaphore_mem>>)
        %dma_start3A_170 = arith.constant 32 : i32
        %dma_start3A_171 = arith.constant 0 : i32
        %dma_start3A_172 = tpu.memref_slice %arg9[%dma_start3A_170, %dma_start3A_171] : memref<64x128xf32, #tpu.memory_space<vmem>> -> memref<8x128xf32, #tpu.memory_space<vmem>>
        %dma_start3A_173 = arith.constant 0 : i32
        %dma_start3A_174 = tpu.memref_slice %arg3[%dma_start3A_173, %multiple_of3A_159] : memref<32x1000000xf32, #tpu.memory_space<hbm>> -> memref<8x128xf32, #tpu.memory_space<hbm>>
        %dma_start3A_175 = arith.constant 32 : i32
        %dma_start3A_176 = arith.constant 0 : i32
        %dma_start3A_177 = tpu.memref_slice %arg9[%dma_start3A_175, %dma_start3A_176] : memref<64x128xf32, #tpu.memory_space<vmem>> -> memref<8x128xf32, #tpu.memory_space<vmem>>
        %dma_start3A_178 = arith.constant 0 : i32
        %dma_start3A_179 = tpu.memref_slice %arg3[%dma_start3A_178, %multiple_of3A_159] : memref<32x1000000xf32, #tpu.memory_space<hbm>> -> memref<8x128xf32, #tpu.memory_space<hbm>>
        tpu.enqueue_dma source(%dma_start3A_179 : memref<8x128xf32, #tpu.memory_space<hbm>>) target(%dma_start3A_177 : memref<8x128xf32, #tpu.memory_space<vmem>>) target_semaphore(%arg13 : memref<!tpu.dma_semaphore, #tpu.memory_space<semaphore_mem>>)
        %mul3A_180 = arith.constant 2 : i32
        %mul3A_181 = arith.muli %mul3A_180, %add3A_18 : i32
        %add3A_182 = arith.constant 1 : i32
        %add3A_183 = arith.addi %mul3A_181, %add3A_182 : i32
        %mul3A_184 = arith.constant 128 : i32
        %mul3A_185 = arith.muli %add3A_183, %mul3A_184 : i32
        %multiple_of3A_186 = tpu.assume_multiple %mul3A_185, 128 : i32
        %dma_start3A_187 = arith.constant 40 : i32
        %dma_start3A_188 = arith.constant 0 : i32
        %dma_start3A_189 = tpu.memref_slice %arg8[%dma_start3A_187, %dma_start3A_188] : memref<64x128xf32, #tpu.memory_space<vmem>> -> memref<8x128xf32, #tpu.memory_space<vmem>>
        %dma_start3A_190 = arith.constant 8 : i32
        %dma_start3A_191 = tpu.memref_slice %arg2[%dma_start3A_190, %multiple_of3A_186] : memref<32x1000000xf32, #tpu.memory_space<hbm>> -> memref<8x128xf32, #tpu.memory_space<hbm>>
        %dma_start3A_192 = arith.constant 40 : i32
        %dma_start3A_193 = arith.constant 0 : i32
        %dma_start3A_194 = tpu.memref_slice %arg8[%dma_start3A_192, %dma_start3A_193] : memref<64x128xf32, #tpu.memory_space<vmem>> -> memref<8x128xf32, #tpu.memory_space<vmem>>
        %dma_start3A_195 = arith.constant 8 : i32
        %dma_start3A_196 = tpu.memref_slice %arg2[%dma_start3A_195, %multiple_of3A_186] : memref<32x1000000xf32, #tpu.memory_space<hbm>> -> memref<8x128xf32, #tpu.memory_space<hbm>>
        tpu.enqueue_dma source(%dma_start3A_196 : memref<8x128xf32, #tpu.memory_space<hbm>>) target(%dma_start3A_194 : memref<8x128xf32, #tpu.memory_space<vmem>>) target_semaphore(%arg12 : memref<!tpu.dma_semaphore, #tpu.memory_space<semaphore_mem>>)
        %dma_start3A_197 = arith.constant 40 : i32
        %dma_start3A_198 = arith.constant 0 : i32
        %dma_start3A_199 = tpu.memref_slice %arg9[%dma_start3A_197, %dma_start3A_198] : memref<64x128xf32, #tpu.memory_space<vmem>> -> memref<8x128xf32, #tpu.memory_space<vmem>>
        %dma_start3A_200 = arith.constant 8 : i32
        %dma_start3A_201 = tpu.memref_slice %arg3[%dma_start3A_200, %multiple_of3A_186] : memref<32x1000000xf32, #tpu.memory_space<hbm>> -> memref<8x128xf32, #tpu.memory_space<hbm>>
        %dma_start3A_202 = arith.constant 40 : i32
        %dma_start3A_203 = arith.constant 0 : i32
        %dma_start3A_204 = tpu.memref_slice %arg9[%dma_start3A_202, %dma_start3A_203] : memref<64x128xf32, #tpu.memory_space<vmem>> -> memref<8x128xf32, #tpu.memory_space<vmem>>
        %dma_start3A_205 = arith.constant 8 : i32
        %dma_start3A_206 = tpu.memref_slice %arg3[%dma_start3A_205, %multiple_of3A_186] : memref<32x1000000xf32, #tpu.memory_space<hbm>> -> memref<8x128xf32, #tpu.memory_space<hbm>>
        tpu.enqueue_dma source(%dma_start3A_206 : memref<8x128xf32, #tpu.memory_space<hbm>>) target(%dma_start3A_204 : memref<8x128xf32, #tpu.memory_space<vmem>>) target_semaphore(%arg13 : memref<!tpu.dma_semaphore, #tpu.memory_space<semaphore_mem>>)
        %mul3A_207 = arith.constant 2 : i32
        %mul3A_208 = arith.muli %mul3A_207, %add3A_18 : i32
        %add3A_209 = arith.constant 1 : i32
        %add3A_210 = arith.addi %mul3A_208, %add3A_209 : i32
        %mul3A_211 = arith.constant 128 : i32
        %mul3A_212 = arith.muli %add3A_210, %mul3A_211 : i32
        %multiple_of3A_213 = tpu.assume_multiple %mul3A_212, 128 : i32
        %dma_start3A_214 = arith.constant 48 : i32
        %dma_start3A_215 = arith.constant 0 : i32
        %dma_start3A_216 = tpu.memref_slice %arg8[%dma_start3A_214, %dma_start3A_215] : memref<64x128xf32, #tpu.memory_space<vmem>> -> memref<8x128xf32, #tpu.memory_space<vmem>>
        %dma_start3A_217 = arith.constant 16 : i32
        %dma_start3A_218 = tpu.memref_slice %arg2[%dma_start3A_217, %multiple_of3A_213] : memref<32x1000000xf32, #tpu.memory_space<hbm>> -> memref<8x128xf32, #tpu.memory_space<hbm>>
        %dma_start3A_219 = arith.constant 48 : i32
        %dma_start3A_220 = arith.constant 0 : i32
        %dma_start3A_221 = tpu.memref_slice %arg8[%dma_start3A_219, %dma_start3A_220] : memref<64x128xf32, #tpu.memory_space<vmem>> -> memref<8x128xf32, #tpu.memory_space<vmem>>
        %dma_start3A_222 = arith.constant 16 : i32
        %dma_start3A_223 = tpu.memref_slice %arg2[%dma_start3A_222, %multiple_of3A_213] : memref<32x1000000xf32, #tpu.memory_space<hbm>> -> memref<8x128xf32, #tpu.memory_space<hbm>>
        tpu.enqueue_dma source(%dma_start3A_223 : memref<8x128xf32, #tpu.memory_space<hbm>>) target(%dma_start3A_221 : memref<8x128xf32, #tpu.memory_space<vmem>>) target_semaphore(%arg12 : memref<!tpu.dma_semaphore, #tpu.memory_space<semaphore_mem>>)
        %dma_start3A_224 = arith.constant 48 : i32
        %dma_start3A_225 = arith.constant 0 : i32
        %dma_start3A_226 = tpu.memref_slice %arg9[%dma_start3A_224, %dma_start3A_225] : memref<64x128xf32, #tpu.memory_space<vmem>> -> memref<8x128xf32, #tpu.memory_space<vmem>>
        %dma_start3A_227 = arith.constant 16 : i32
        %dma_start3A_228 = tpu.memref_slice %arg3[%dma_start3A_227, %multiple_of3A_213] : memref<32x1000000xf32, #tpu.memory_space<hbm>> -> memref<8x128xf32, #tpu.memory_space<hbm>>
        %dma_start3A_229 = arith.constant 48 : i32
        %dma_start3A_230 = arith.constant 0 : i32
        %dma_start3A_231 = tpu.memref_slice %arg9[%dma_start3A_229, %dma_start3A_230] : memref<64x128xf32, #tpu.memory_space<vmem>> -> memref<8x128xf32, #tpu.memory_space<vmem>>
        %dma_start3A_232 = arith.constant 16 : i32
        %dma_start3A_233 = tpu.memref_slice %arg3[%dma_start3A_232, %multiple_of3A_213] : memref<32x1000000xf32, #tpu.memory_space<hbm>> -> memref<8x128xf32, #tpu.memory_space<hbm>>
        tpu.enqueue_dma source(%dma_start3A_233 : memref<8x128xf32, #tpu.memory_space<hbm>>) target(%dma_start3A_231 : memref<8x128xf32, #tpu.memory_space<vmem>>) target_semaphore(%arg13 : memref<!tpu.dma_semaphore, #tpu.memory_space<semaphore_mem>>)
        %mul3A_234 = arith.constant 2 : i32
        %mul3A_235 = arith.muli %mul3A_234, %add3A_18 : i32
        %add3A_236 = arith.constant 1 : i32
        %add3A_237 = arith.addi %mul3A_235, %add3A_236 : i32
        %mul3A_238 = arith.constant 128 : i32
        %mul3A_239 = arith.muli %add3A_237, %mul3A_238 : i32
        %multiple_of3A_240 = tpu.assume_multiple %mul3A_239, 128 : i32
        %dma_start3A_241 = arith.constant 56 : i32
        %dma_start3A_242 = arith.constant 0 : i32
        %dma_start3A_243 = tpu.memref_slice %arg8[%dma_start3A_241, %dma_start3A_242] : memref<64x128xf32, #tpu.memory_space<vmem>> -> memref<8x128xf32, #tpu.memory_space<vmem>>
        %dma_start3A_244 = arith.constant 24 : i32
        %dma_start3A_245 = tpu.memref_slice %arg2[%dma_start3A_244, %multiple_of3A_240] : memref<32x1000000xf32, #tpu.memory_space<hbm>> -> memref<8x128xf32, #tpu.memory_space<hbm>>
        %dma_start3A_246 = arith.constant 56 : i32
        %dma_start3A_247 = arith.constant 0 : i32
        %dma_start3A_248 = tpu.memref_slice %arg8[%dma_start3A_246, %dma_start3A_247] : memref<64x128xf32, #tpu.memory_space<vmem>> -> memref<8x128xf32, #tpu.memory_space<vmem>>
        %dma_start3A_249 = arith.constant 24 : i32
        %dma_start3A_250 = tpu.memref_slice %arg2[%dma_start3A_249, %multiple_of3A_240] : memref<32x1000000xf32, #tpu.memory_space<hbm>> -> memref<8x128xf32, #tpu.memory_space<hbm>>
        tpu.enqueue_dma source(%dma_start3A_250 : memref<8x128xf32, #tpu.memory_space<hbm>>) target(%dma_start3A_248 : memref<8x128xf32, #tpu.memory_space<vmem>>) target_semaphore(%arg12 : memref<!tpu.dma_semaphore, #tpu.memory_space<semaphore_mem>>)
        %dma_start3A_251 = arith.constant 56 : i32
        %dma_start3A_252 = arith.constant 0 : i32
        %dma_start3A_253 = tpu.memref_slice %arg9[%dma_start3A_251, %dma_start3A_252] : memref<64x128xf32, #tpu.memory_space<vmem>> -> memref<8x128xf32, #tpu.memory_space<vmem>>
        %dma_start3A_254 = arith.constant 24 : i32
        %dma_start3A_255 = tpu.memref_slice %arg3[%dma_start3A_254, %multiple_of3A_240] : memref<32x1000000xf32, #tpu.memory_space<hbm>> -> memref<8x128xf32, #tpu.memory_space<hbm>>
        %dma_start3A_256 = arith.constant 56 : i32
        %dma_start3A_257 = arith.constant 0 : i32
        %dma_start3A_258 = tpu.memref_slice %arg9[%dma_start3A_256, %dma_start3A_257] : memref<64x128xf32, #tpu.memory_space<vmem>> -> memref<8x128xf32, #tpu.memory_space<vmem>>
        %dma_start3A_259 = arith.constant 24 : i32
        %dma_start3A_260 = tpu.memref_slice %arg3[%dma_start3A_259, %multiple_of3A_240] : memref<32x1000000xf32, #tpu.memory_space<hbm>> -> memref<8x128xf32, #tpu.memory_space<hbm>>
        tpu.enqueue_dma source(%dma_start3A_260 : memref<8x128xf32, #tpu.memory_space<hbm>>) target(%dma_start3A_258 : memref<8x128xf32, #tpu.memory_space<vmem>>) target_semaphore(%arg13 : memref<!tpu.dma_semaphore, #tpu.memory_space<semaphore_mem>>)
      } else {
      }
      %lt3A_26 = arith.constant 3906 : i32
      %lt3A_27 = arith.cmpi slt, %add3A_11, %lt3A_26 : i32
      %convert_element_type3A_28 = arith.extui %lt3A_27 : i1 to i32
      %cond3A_29 = arith.constant 0 : i32
      %cond3A_30 = arith.cmpi ne, %convert_element_type3A_28, %cond3A_29 : i32
      scf.if %cond3A_30 {
        %dma_wait3A = arith.constant 0 : i32
        %dma_wait3A_47 = arith.constant 0 : i32
        %dma_wait3A_48 = tpu.memref_slice %arg4[%dma_wait3A, %dma_wait3A_47] : memref<250048x128xf32, #tpu.memory_space<hbm>> -> memref<64x128xf32, #tpu.memory_space<hbm>>
        %dma_wait3A_49 = arith.constant 0 : i32
        %dma_wait3A_50 = arith.constant 0 : i32
        %dma_wait3A_51 = tpu.memref_slice %arg4[%dma_wait3A_49, %dma_wait3A_50] : memref<250048x128xf32, #tpu.memory_space<hbm>> -> memref<64x128xf32, #tpu.memory_space<hbm>>
        tpu.wait_dma2 semaphore(%arg10 : memref<!tpu.dma_semaphore, #tpu.memory_space<semaphore_mem>>) src(%dma_wait3A_51 : memref<64x128xf32, #tpu.memory_space<hbm>>) dst(%arg6 : memref<64x128xf32, #tpu.memory_space<vmem>>)
        %dma_wait3A_52 = arith.constant 0 : i32
        %dma_wait3A_53 = arith.constant 0 : i32
        %dma_wait3A_54 = tpu.memref_slice %arg5[%dma_wait3A_52, %dma_wait3A_53] : memref<250048x128xf32, #tpu.memory_space<hbm>> -> memref<64x128xf32, #tpu.memory_space<hbm>>
        %dma_wait3A_55 = arith.constant 0 : i32
        %dma_wait3A_56 = arith.constant 0 : i32
        %dma_wait3A_57 = tpu.memref_slice %arg5[%dma_wait3A_55, %dma_wait3A_56] : memref<250048x128xf32, #tpu.memory_space<hbm>> -> memref<64x128xf32, #tpu.memory_space<hbm>>
        tpu.wait_dma2 semaphore(%arg11 : memref<!tpu.dma_semaphore, #tpu.memory_space<semaphore_mem>>) src(%dma_wait3A_57 : memref<64x128xf32, #tpu.memory_space<hbm>>) dst(%arg7 : memref<64x128xf32, #tpu.memory_space<vmem>>)
        %mul3A_58 = arith.constant 64 : i32
        %mul3A_59 = arith.muli %mul3A_58, %add3A_11 : i32
        %multiple_of3A = tpu.assume_multiple %mul3A_59, 8 : i32
        %dma_start3A = arith.constant 0 : i32
        %dma_start3A_60 = tpu.memref_slice %arg4[%multiple_of3A, %dma_start3A] : memref<250048x128xf32, #tpu.memory_space<hbm>> -> memref<64x128xf32, #tpu.memory_space<hbm>>
        %dma_start3A_61 = arith.constant 0 : i32
        %dma_start3A_62 = tpu.memref_slice %arg4[%multiple_of3A, %dma_start3A_61] : memref<250048x128xf32, #tpu.memory_space<hbm>> -> memref<64x128xf32, #tpu.memory_space<hbm>>
        tpu.enqueue_dma source(%arg6 : memref<64x128xf32, #tpu.memory_space<vmem>>) target(%dma_start3A_62 : memref<64x128xf32, #tpu.memory_space<hbm>>) target_semaphore(%arg14 : memref<!tpu.dma_semaphore, #tpu.memory_space<semaphore_mem>>)
        %dma_start3A_63 = arith.constant 0 : i32
        %dma_start3A_64 = tpu.memref_slice %arg5[%multiple_of3A, %dma_start3A_63] : memref<250048x128xf32, #tpu.memory_space<hbm>> -> memref<64x128xf32, #tpu.memory_space<hbm>>
        %dma_start3A_65 = arith.constant 0 : i32
        %dma_start3A_66 = tpu.memref_slice %arg5[%multiple_of3A, %dma_start3A_65] : memref<250048x128xf32, #tpu.memory_space<hbm>> -> memref<64x128xf32, #tpu.memory_space<hbm>>
        tpu.enqueue_dma source(%arg7 : memref<64x128xf32, #tpu.memory_space<vmem>>) target(%dma_start3A_66 : memref<64x128xf32, #tpu.memory_space<hbm>>) target_semaphore(%arg15 : memref<!tpu.dma_semaphore, #tpu.memory_space<semaphore_mem>>)
      } else {
      }
      %lt3A_31 = arith.constant 3906 : i32
      %lt3A_32 = arith.cmpi slt, %add3A_18, %lt3A_31 : i32
      %convert_element_type3A_33 = arith.extui %lt3A_32 : i1 to i32
      %cond3A_34 = arith.constant 0 : i32
      %cond3A_35 = arith.cmpi ne, %convert_element_type3A_33, %cond3A_34 : i32
      scf.if %cond3A_35 {
        %dma_wait3A = arith.constant 0 : i32
        %dma_wait3A_47 = arith.constant 0 : i32
        %dma_wait3A_48 = tpu.memref_slice %arg4[%dma_wait3A, %dma_wait3A_47] : memref<250048x128xf32, #tpu.memory_space<hbm>> -> memref<64x128xf32, #tpu.memory_space<hbm>>
        %dma_wait3A_49 = arith.constant 0 : i32
        %dma_wait3A_50 = arith.constant 0 : i32
        %dma_wait3A_51 = tpu.memref_slice %arg4[%dma_wait3A_49, %dma_wait3A_50] : memref<250048x128xf32, #tpu.memory_space<hbm>> -> memref<64x128xf32, #tpu.memory_space<hbm>>
        tpu.wait_dma2 semaphore(%arg12 : memref<!tpu.dma_semaphore, #tpu.memory_space<semaphore_mem>>) src(%dma_wait3A_51 : memref<64x128xf32, #tpu.memory_space<hbm>>) dst(%arg8 : memref<64x128xf32, #tpu.memory_space<vmem>>)
        %dma_wait3A_52 = arith.constant 0 : i32
        %dma_wait3A_53 = arith.constant 0 : i32
        %dma_wait3A_54 = tpu.memref_slice %arg5[%dma_wait3A_52, %dma_wait3A_53] : memref<250048x128xf32, #tpu.memory_space<hbm>> -> memref<64x128xf32, #tpu.memory_space<hbm>>
        %dma_wait3A_55 = arith.constant 0 : i32
        %dma_wait3A_56 = arith.constant 0 : i32
        %dma_wait3A_57 = tpu.memref_slice %arg5[%dma_wait3A_55, %dma_wait3A_56] : memref<250048x128xf32, #tpu.memory_space<hbm>> -> memref<64x128xf32, #tpu.memory_space<hbm>>
        tpu.wait_dma2 semaphore(%arg13 : memref<!tpu.dma_semaphore, #tpu.memory_space<semaphore_mem>>) src(%dma_wait3A_57 : memref<64x128xf32, #tpu.memory_space<hbm>>) dst(%arg9 : memref<64x128xf32, #tpu.memory_space<vmem>>)
        %mul3A_58 = arith.constant 64 : i32
        %mul3A_59 = arith.muli %mul3A_58, %add3A_18 : i32
        %multiple_of3A = tpu.assume_multiple %mul3A_59, 8 : i32
        %dma_start3A = arith.constant 0 : i32
        %dma_start3A_60 = tpu.memref_slice %arg4[%multiple_of3A, %dma_start3A] : memref<250048x128xf32, #tpu.memory_space<hbm>> -> memref<64x128xf32, #tpu.memory_space<hbm>>
        %dma_start3A_61 = arith.constant 0 : i32
        %dma_start3A_62 = tpu.memref_slice %arg4[%multiple_of3A, %dma_start3A_61] : memref<250048x128xf32, #tpu.memory_space<hbm>> -> memref<64x128xf32, #tpu.memory_space<hbm>>
        tpu.enqueue_dma source(%arg8 : memref<64x128xf32, #tpu.memory_space<vmem>>) target(%dma_start3A_62 : memref<64x128xf32, #tpu.memory_space<hbm>>) target_semaphore(%arg16 : memref<!tpu.dma_semaphore, #tpu.memory_space<semaphore_mem>>)
        %dma_start3A_63 = arith.constant 0 : i32
        %dma_start3A_64 = tpu.memref_slice %arg5[%multiple_of3A, %dma_start3A_63] : memref<250048x128xf32, #tpu.memory_space<hbm>> -> memref<64x128xf32, #tpu.memory_space<hbm>>
        %dma_start3A_65 = arith.constant 0 : i32
        %dma_start3A_66 = tpu.memref_slice %arg5[%multiple_of3A, %dma_start3A_65] : memref<250048x128xf32, #tpu.memory_space<hbm>> -> memref<64x128xf32, #tpu.memory_space<hbm>>
        tpu.enqueue_dma source(%arg9 : memref<64x128xf32, #tpu.memory_space<vmem>>) target(%dma_start3A_66 : memref<64x128xf32, #tpu.memory_space<hbm>>) target_semaphore(%arg17 : memref<!tpu.dma_semaphore, #tpu.memory_space<semaphore_mem>>)
      } else {
      }
      %lt3A_36 = arith.constant 3906 : i32
      %lt3A_37 = arith.cmpi slt, %add3A_11, %lt3A_36 : i32
      %convert_element_type3A_38 = arith.extui %lt3A_37 : i1 to i32
      %cond3A_39 = arith.constant 0 : i32
      %cond3A_40 = arith.cmpi ne, %convert_element_type3A_38, %cond3A_39 : i32
      scf.if %cond3A_40 {
        %dma_wait3A = arith.constant 0 : i32
        %dma_wait3A_47 = arith.constant 0 : i32
        %dma_wait3A_48 = tpu.memref_slice %arg4[%dma_wait3A, %dma_wait3A_47] : memref<250048x128xf32, #tpu.memory_space<hbm>> -> memref<64x128xf32, #tpu.memory_space<hbm>>
        %dma_wait3A_49 = arith.constant 0 : i32
        %dma_wait3A_50 = arith.constant 0 : i32
        %dma_wait3A_51 = tpu.memref_slice %arg4[%dma_wait3A_49, %dma_wait3A_50] : memref<250048x128xf32, #tpu.memory_space<hbm>> -> memref<64x128xf32, #tpu.memory_space<hbm>>
        tpu.wait_dma2 semaphore(%arg14 : memref<!tpu.dma_semaphore, #tpu.memory_space<semaphore_mem>>) src(%dma_wait3A_51 : memref<64x128xf32, #tpu.memory_space<hbm>>) dst(%arg6 : memref<64x128xf32, #tpu.memory_space<vmem>>)
        %dma_wait3A_52 = arith.constant 0 : i32
        %dma_wait3A_53 = arith.constant 0 : i32
        %dma_wait3A_54 = tpu.memref_slice %arg5[%dma_wait3A_52, %dma_wait3A_53] : memref<250048x128xf32, #tpu.memory_space<hbm>> -> memref<64x128xf32, #tpu.memory_space<hbm>>
        %dma_wait3A_55 = arith.constant 0 : i32
        %dma_wait3A_56 = arith.constant 0 : i32
        %dma_wait3A_57 = tpu.memref_slice %arg5[%dma_wait3A_55, %dma_wait3A_56] : memref<250048x128xf32, #tpu.memory_space<hbm>> -> memref<64x128xf32, #tpu.memory_space<hbm>>
        tpu.wait_dma2 semaphore(%arg15 : memref<!tpu.dma_semaphore, #tpu.memory_space<semaphore_mem>>) src(%dma_wait3A_57 : memref<64x128xf32, #tpu.memory_space<hbm>>) dst(%arg7 : memref<64x128xf32, #tpu.memory_space<vmem>>)
      } else {
      }
      %lt3A_41 = arith.constant 3906 : i32
      %lt3A_42 = arith.cmpi slt, %add3A_18, %lt3A_41 : i32
      %convert_element_type3A_43 = arith.extui %lt3A_42 : i1 to i32
      %cond3A_44 = arith.constant 0 : i32
      %cond3A_45 = arith.cmpi ne, %convert_element_type3A_43, %cond3A_44 : i32
      scf.if %cond3A_45 {
        %dma_wait3A = arith.constant 0 : i32
        %dma_wait3A_47 = arith.constant 0 : i32
        %dma_wait3A_48 = tpu.memref_slice %arg4[%dma_wait3A, %dma_wait3A_47] : memref<250048x128xf32, #tpu.memory_space<hbm>> -> memref<64x128xf32, #tpu.memory_space<hbm>>
        %dma_wait3A_49 = arith.constant 0 : i32
        %dma_wait3A_50 = arith.constant 0 : i32
        %dma_wait3A_51 = tpu.memref_slice %arg4[%dma_wait3A_49, %dma_wait3A_50] : memref<250048x128xf32, #tpu.memory_space<hbm>> -> memref<64x128xf32, #tpu.memory_space<hbm>>
        tpu.wait_dma2 semaphore(%arg16 : memref<!tpu.dma_semaphore, #tpu.memory_space<semaphore_mem>>) src(%dma_wait3A_51 : memref<64x128xf32, #tpu.memory_space<hbm>>) dst(%arg8 : memref<64x128xf32, #tpu.memory_space<vmem>>)
        %dma_wait3A_52 = arith.constant 0 : i32
        %dma_wait3A_53 = arith.constant 0 : i32
        %dma_wait3A_54 = tpu.memref_slice %arg5[%dma_wait3A_52, %dma_wait3A_53] : memref<250048x128xf32, #tpu.memory_space<hbm>> -> memref<64x128xf32, #tpu.memory_space<hbm>>
        %dma_wait3A_55 = arith.constant 0 : i32
        %dma_wait3A_56 = arith.constant 0 : i32
        %dma_wait3A_57 = tpu.memref_slice %arg5[%dma_wait3A_55, %dma_wait3A_56] : memref<250048x128xf32, #tpu.memory_space<hbm>> -> memref<64x128xf32, #tpu.memory_space<hbm>>
        tpu.wait_dma2 semaphore(%arg17 : memref<!tpu.dma_semaphore, #tpu.memory_space<semaphore_mem>>) src(%dma_wait3A_57 : memref<64x128xf32, #tpu.memory_space<hbm>>) dst(%arg9 : memref<64x128xf32, #tpu.memory_space<vmem>>)
      } else {
      }
      %scan3A_46 = arith.constant 0 : i32
      scf.yield %scan3A_46 : i32
    }
    %scan3A_6 = arith.constant 62 : i32
    return
  }
}

#map = affine_map<(d0, d1) -> (0)>
module attributes {stable_mosaic.version = 14 : i64} {
  func.func @_gather_body(%arg0: i32, %arg1: i32, %arg2: memref<32006144xf32, #tpu.memory_space<hbm>>, %arg3: memref<32006144xf32, #tpu.memory_space<hbm>>, %arg4: memref<1000000xf32, #tpu.memory_space<hbm>>, %arg5: memref<1000000xf32, #tpu.memory_space<hbm>>, %arg6: memref<16384xi32, #tpu.memory_space<hbm>>, %arg7: memref<16384xi32, #tpu.memory_space<hbm>>, %arg8: memref<2048xf32, #tpu.memory_space<hbm>>, %arg9: memref<2048xf32, #tpu.memory_space<hbm>>, %arg10: memref<16384xf32, #tpu.memory_space<hbm>>, %arg11: memref<512xi32, #tpu.memory_space<vmem>>, %arg12: memref<512xi32, #tpu.memory_space<vmem>>, %arg13: memref<32x512xi32, #tpu.memory_space<vmem>>, %arg14: memref<32x512xi32, #tpu.memory_space<vmem>>, %arg15: memref<32x512xf32, #tpu.memory_space<vmem>>, %arg16: memref<32x512xf32, #tpu.memory_space<vmem>>, %arg17: memref<512xf32, #tpu.memory_space<vmem>>, %arg18: memref<512xf32, #tpu.memory_space<vmem>>, %arg19: memref<2048xf32, #tpu.memory_space<vmem>>, %arg20: memref<2048xf32, #tpu.memory_space<vmem>>, %arg21: memref<512xf32, #tpu.memory_space<vmem>>, %arg22: memref<!tpu.dma_semaphore, #tpu.memory_space<semaphore_mem>>, %arg23: memref<!tpu.dma_semaphore, #tpu.memory_space<semaphore_mem>>, %arg24: memref<!tpu.dma_semaphore, #tpu.memory_space<semaphore_mem>>, %arg25: memref<!tpu.dma_semaphore, #tpu.memory_space<semaphore_mem>>) attributes {dimension_semantics = [#tpu.dimension_semantics<core_parallel>, #tpu.dimension_semantics<subcore_parallel>], iteration_bounds = array<i64: 2, 16>, scalar_prefetch = 0 : i64, scratch_operands = 15 : i64, tpu.core_type = #tpu.core_type<sc_vector_subcore>, window_params = [{transform_indices = #map}, {transform_indices = #map}, {transform_indices = #map}, {transform_indices = #map}, {transform_indices = #map}, {transform_indices = #map}, {transform_indices = #map}, {transform_indices = #map}, {transform_indices = #map}]} {
    %mul3A = arith.constant 2 : i32
    %mul3A_0 = arith.muli %arg1, %mul3A : i32
    %add3A = arith.addi %mul3A_0, %arg0 : i32
    %mul3A_1 = arith.constant 512 : i32
    %mul3A_2 = arith.muli %add3A, %mul3A_1 : i32
    %dma_start3A = tpu.memref_slice %arg6[%mul3A_2] : memref<16384xi32, #tpu.memory_space<hbm>> -> memref<512xi32, #tpu.memory_space<hbm>>
    %dma_start3A_3 = tpu.memref_slice %arg6[%mul3A_2] : memref<16384xi32, #tpu.memory_space<hbm>> -> memref<512xi32, #tpu.memory_space<hbm>>
    tpu.enqueue_dma source(%dma_start3A_3 : memref<512xi32, #tpu.memory_space<hbm>>) target(%arg11 : memref<512xi32, #tpu.memory_space<vmem>>) target_semaphore(%arg25 : memref<!tpu.dma_semaphore, #tpu.memory_space<semaphore_mem>>)
    %dma_wait3A = tpu.memref_slice %arg6[%mul3A_2] : memref<16384xi32, #tpu.memory_space<hbm>> -> memref<512xi32, #tpu.memory_space<hbm>>
    %dma_wait3A_4 = tpu.memref_slice %arg6[%mul3A_2] : memref<16384xi32, #tpu.memory_space<hbm>> -> memref<512xi32, #tpu.memory_space<hbm>>
    tpu.wait_dma2 semaphore(%arg25 : memref<!tpu.dma_semaphore, #tpu.memory_space<semaphore_mem>>) src(%dma_wait3A_4 : memref<512xi32, #tpu.memory_space<hbm>>) dst(%arg11 : memref<512xi32, #tpu.memory_space<vmem>>)
    %dma_start3A_5 = tpu.memref_slice %arg7[%mul3A_2] : memref<16384xi32, #tpu.memory_space<hbm>> -> memref<512xi32, #tpu.memory_space<hbm>>
    %dma_start3A_6 = tpu.memref_slice %arg7[%mul3A_2] : memref<16384xi32, #tpu.memory_space<hbm>> -> memref<512xi32, #tpu.memory_space<hbm>>
    tpu.enqueue_dma source(%dma_start3A_6 : memref<512xi32, #tpu.memory_space<hbm>>) target(%arg12 : memref<512xi32, #tpu.memory_space<vmem>>) target_semaphore(%arg25 : memref<!tpu.dma_semaphore, #tpu.memory_space<semaphore_mem>>)
    %dma_wait3A_7 = tpu.memref_slice %arg7[%mul3A_2] : memref<16384xi32, #tpu.memory_space<hbm>> -> memref<512xi32, #tpu.memory_space<hbm>>
    %dma_wait3A_8 = tpu.memref_slice %arg7[%mul3A_2] : memref<16384xi32, #tpu.memory_space<hbm>> -> memref<512xi32, #tpu.memory_space<hbm>>
    tpu.wait_dma2 semaphore(%arg25 : memref<!tpu.dma_semaphore, #tpu.memory_space<semaphore_mem>>) src(%dma_wait3A_8 : memref<512xi32, #tpu.memory_space<hbm>>) dst(%arg12 : memref<512xi32, #tpu.memory_space<vmem>>)
    tpu.enqueue_dma source(%arg8 : memref<2048xf32, #tpu.memory_space<hbm>>) target(%arg19 : memref<2048xf32, #tpu.memory_space<vmem>>) target_semaphore(%arg25 : memref<!tpu.dma_semaphore, #tpu.memory_space<semaphore_mem>>)
    tpu.wait_dma2 semaphore(%arg25 : memref<!tpu.dma_semaphore, #tpu.memory_space<semaphore_mem>>) src(%arg8 : memref<2048xf32, #tpu.memory_space<hbm>>) dst(%arg19 : memref<2048xf32, #tpu.memory_space<vmem>>)
    tpu.enqueue_dma source(%arg9 : memref<2048xf32, #tpu.memory_space<hbm>>) target(%arg20 : memref<2048xf32, #tpu.memory_space<vmem>>) target_semaphore(%arg25 : memref<!tpu.dma_semaphore, #tpu.memory_space<semaphore_mem>>)
    tpu.wait_dma2 semaphore(%arg25 : memref<!tpu.dma_semaphore, #tpu.memory_space<semaphore_mem>>) src(%arg9 : memref<2048xf32, #tpu.memory_space<hbm>>) dst(%arg20 : memref<2048xf32, #tpu.memory_space<vmem>>)
    %dma_start3A_9 = arith.constant 0 : i32
    %dma_start3A_10 = tpu.memref_slice %arg4[%dma_start3A_9] : memref<1000000xf32, #tpu.memory_space<hbm>> -> memref<1000000xf32, #tpu.memory_space<hbm>>
    tpu.enqueue_indirect_dma source(%dma_start3A_10 : memref<1000000xf32, #tpu.memory_space<hbm>>) target(%arg17 : memref<512xf32, #tpu.memory_space<vmem>>) offsets(%arg11 : memref<512xi32, #tpu.memory_space<vmem>>) semaphore(%arg24 : memref<!tpu.dma_semaphore, #tpu.memory_space<semaphore_mem>>)
    %dma_start3A_11 = arith.constant 0 : i32
    %dma_start3A_12 = tpu.memref_slice %arg5[%dma_start3A_11] : memref<1000000xf32, #tpu.memory_space<hbm>> -> memref<1000000xf32, #tpu.memory_space<hbm>>
    tpu.enqueue_indirect_dma source(%dma_start3A_12 : memref<1000000xf32, #tpu.memory_space<hbm>>) target(%arg18 : memref<512xf32, #tpu.memory_space<vmem>>) offsets(%arg12 : memref<512xi32, #tpu.memory_space<vmem>>) semaphore(%arg24 : memref<!tpu.dma_semaphore, #tpu.memory_space<semaphore_mem>>)
    %scan3A = arith.constant 0 : i32
    %scan3A_13 = arith.constant 0 : i32
    %scan3A_14 = arith.constant 32 : i32
    %scan3A_15 = arith.addi %scan3A_13, %scan3A_14 : i32
    %scan3A_16 = arith.constant 1 : i32
    %scan3A_17 = scf.for %scan3A_1310 = %scan3A_13 to %scan3A_15 step %scan3A_16 iter_args(%scan3A_1311 = %scan3A) -> (i32)  : i32 {
      %mul3A_1312 = arith.constant 16 : i32
      %mul3A_1313 = arith.muli %scan3A_1310, %mul3A_1312 : i32
      %get3A = arith.index_cast %mul3A_1313 : i32 to index
      %get3A_1314 = tpu.vector_load %arg11[%get3A] {strides = array<i32>} : memref<512xi32, #tpu.memory_space<vmem>>, vector<16xi32>,
      %min3A = arith.constant 999935 : i32
      %min3A_1315 = vector.broadcast %min3A : i32 to vector<16xi32>
      %min3A_1316 = arith.minsi %get3A_1314, %min3A_1315 : vector<16xi32>
      %shift_right_arithmetic3A = arith.constant 8 : i32
      %shift_right_arithmetic3A_1317 = vector.broadcast %shift_right_arithmetic3A : i32 to vector<16xi32>
      %shift_right_arithmetic3A_1318 = arith.shrsi %min3A_1316, %shift_right_arithmetic3A_1317 : vector<16xi32>
      %mul3A_1319 = arith.constant 8192 : i32
      %mul3A_1320 = vector.broadcast %mul3A_1319 : i32 to vector<16xi32>
      %mul3A_1321 = arith.muli %shift_right_arithmetic3A_1318, %mul3A_1320 : vector<16xi32>
      %shift_right_arithmetic3A_1322 = arith.constant 7 : i32
      %shift_right_arithmetic3A_1323 = vector.broadcast %shift_right_arithmetic3A_1322 : i32 to vector<16xi32>
      %shift_right_arithmetic3A_1324 = arith.shrsi %min3A_1316, %shift_right_arithmetic3A_1323 : vector<16xi32>
      %and3A = arith.constant 1 : i32
      %and3A_1325 = vector.broadcast %and3A : i32 to vector<16xi32>
      %and3A_1326 = arith.andi %shift_right_arithmetic3A_1324, %and3A_1325 : vector<16xi32>
      %mul3A_1327 = arith.constant 4096 : i32
      %mul3A_1328 = vector.broadcast %mul3A_1327 : i32 to vector<16xi32>
      %mul3A_1329 = arith.muli %and3A_1326, %mul3A_1328 : vector<16xi32>
      %add3A_1330 = arith.addi %mul3A_1321, %mul3A_1329 : vector<16xi32>
      %and3A_1331 = arith.constant 127 : i32
      %and3A_1332 = vector.broadcast %and3A_1331 : i32 to vector<16xi32>
      %and3A_1333 = arith.andi %min3A_1316, %and3A_1332 : vector<16xi32>
      %add3A_1334 = arith.addi %add3A_1330, %and3A_1333 : vector<16xi32>
      %get3A_1335 = arith.index_cast %mul3A_1313 : i32 to index
      %get3A_1336 = tpu.vector_load %arg12[%get3A_1335] {strides = array<i32>} : memref<512xi32, #tpu.memory_space<vmem>>, vector<16xi32>,
      %min3A_1337 = arith.constant 999935 : i32
      %min3A_1338 = vector.broadcast %min3A_1337 : i32 to vector<16xi32>
      %min3A_1339 = arith.minsi %get3A_1336, %min3A_1338 : vector<16xi32>
      %shift_right_arithmetic3A_1340 = arith.constant 8 : i32
      %shift_right_arithmetic3A_1341 = vector.broadcast %shift_right_arithmetic3A_1340 : i32 to vector<16xi32>
      %shift_right_arithmetic3A_1342 = arith.shrsi %min3A_1339, %shift_right_arithmetic3A_1341 : vector<16xi32>
      %mul3A_1343 = arith.constant 8192 : i32
      %mul3A_1344 = vector.broadcast %mul3A_1343 : i32 to vector<16xi32>
      %mul3A_1345 = arith.muli %shift_right_arithmetic3A_1342, %mul3A_1344 : vector<16xi32>
      %shift_right_arithmetic3A_1346 = arith.constant 7 : i32
      %shift_right_arithmetic3A_1347 = vector.broadcast %shift_right_arithmetic3A_1346 : i32 to vector<16xi32>
      %shift_right_arithmetic3A_1348 = arith.shrsi %min3A_1339, %shift_right_arithmetic3A_1347 : vector<16xi32>
      %and3A_1349 = arith.constant 1 : i32
      %and3A_1350 = vector.broadcast %and3A_1349 : i32 to vector<16xi32>
      %and3A_1351 = arith.andi %shift_right_arithmetic3A_1348, %and3A_1350 : vector<16xi32>
      %mul3A_1352 = arith.constant 4096 : i32
      %mul3A_1353 = vector.broadcast %mul3A_1352 : i32 to vector<16xi32>
      %mul3A_1354 = arith.muli %and3A_1351, %mul3A_1353 : vector<16xi32>
      %add3A_1355 = arith.addi %mul3A_1345, %mul3A_1354 : vector<16xi32>
      %and3A_1356 = arith.constant 127 : i32
      %and3A_1357 = vector.broadcast %and3A_1356 : i32 to vector<16xi32>
      %and3A_1358 = arith.andi %min3A_1339, %and3A_1357 : vector<16xi32>
      %add3A_1359 = arith.addi %add3A_1355, %and3A_1358 : vector<16xi32>
      %add3A_1360 = arith.constant 0 : i32
      %add3A_1361 = vector.broadcast %add3A_1360 : i32 to vector<16xi32>
      %add3A_1362 = arith.addi %add3A_1334, %add3A_1361 : vector<16xi32>
      %swap3A = arith.constant 0 : i32
      %swap3A_1363 = arith.index_cast %swap3A : i32 to index
      %swap3A_1364 = arith.index_cast %mul3A_1313 : i32 to index
      %swap3A_1365 = tpu.vector_load %arg13[%swap3A_1363, %swap3A_1364] {strides = array<i32>} : memref<32x512xi32, #tpu.memory_space<vmem>>, vector<16xi32>,
      tpu.vector_store %arg13[%swap3A_1363, %swap3A_1364], %add3A_1362 {strides = array<i32>} : memref<32x512xi32, #tpu.memory_space<vmem>>, vector<16xi32>,
      %add3A_1366 = arith.constant 0 : i32
      %add3A_1367 = vector.broadcast %add3A_1366 : i32 to vector<16xi32>
      %add3A_1368 = arith.addi %add3A_1359, %add3A_1367 : vector<16xi32>
      %swap3A_1369 = arith.constant 0 : i32
      %swap3A_1370 = arith.index_cast %swap3A_1369 : i32 to index
      %swap3A_1371 = arith.index_cast %mul3A_1313 : i32 to index
      %swap3A_1372 = tpu.vector_load %arg14[%swap3A_1370, %swap3A_1371] {strides = array<i32>} : memref<32x512xi32, #tpu.memory_space<vmem>>, vector<16xi32>,
      tpu.vector_store %arg14[%swap3A_1370, %swap3A_1371], %add3A_1368 {strides = array<i32>} : memref<32x512xi32, #tpu.memory_space<vmem>>, vector<16xi32>,
      %add3A_1373 = arith.constant 128 : i32
      %add3A_1374 = vector.broadcast %add3A_1373 : i32 to vector<16xi32>
      %add3A_1375 = arith.addi %add3A_1334, %add3A_1374 : vector<16xi32>
      %swap3A_1376 = arith.constant 1 : i32
      %swap3A_1377 = arith.index_cast %swap3A_1376 : i32 to index
      %swap3A_1378 = arith.index_cast %mul3A_1313 : i32 to index
      %swap3A_1379 = tpu.vector_load %arg13[%swap3A_1377, %swap3A_1378] {strides = array<i32>} : memref<32x512xi32, #tpu.memory_space<vmem>>, vector<16xi32>,
      tpu.vector_store %arg13[%swap3A_1377, %swap3A_1378], %add3A_1375 {strides = array<i32>} : memref<32x512xi32, #tpu.memory_space<vmem>>, vector<16xi32>,
      %add3A_1380 = arith.constant 128 : i32
      %add3A_1381 = vector.broadcast %add3A_1380 : i32 to vector<16xi32>
      %add3A_1382 = arith.addi %add3A_1359, %add3A_1381 : vector<16xi32>
      %swap3A_1383 = arith.constant 1 : i32
      %swap3A_1384 = arith.index_cast %swap3A_1383 : i32 to index
      %swap3A_1385 = arith.index_cast %mul3A_1313 : i32 to index
      %swap3A_1386 = tpu.vector_load %arg14[%swap3A_1384, %swap3A_1385] {strides = array<i32>} : memref<32x512xi32, #tpu.memory_space<vmem>>, vector<16xi32>,
      tpu.vector_store %arg14[%swap3A_1384, %swap3A_1385], %add3A_1382 {strides = array<i32>} : memref<32x512xi32, #tpu.memory_space<vmem>>, vector<16xi32>,
      %add3A_1387 = arith.constant 256 : i32
      %add3A_1388 = vector.broadcast %add3A_1387 : i32 to vector<16xi32>
      %add3A_1389 = arith.addi %add3A_1334, %add3A_1388 : vector<16xi32>
      %swap3A_1390 = arith.constant 2 : i32
      %swap3A_1391 = arith.index_cast %swap3A_1390 : i32 to index
      %swap3A_1392 = arith.index_cast %mul3A_1313 : i32 to index
      %swap3A_1393 = tpu.vector_load %arg13[%swap3A_1391, %swap3A_1392] {strides = array<i32>} : memref<32x512xi32, #tpu.memory_space<vmem>>, vector<16xi32>,
      tpu.vector_store %arg13[%swap3A_1391, %swap3A_1392], %add3A_1389 {strides = array<i32>} : memref<32x512xi32, #tpu.memory_space<vmem>>, vector<16xi32>,
      %add3A_1394 = arith.constant 256 : i32
      %add3A_1395 = vector.broadcast %add3A_1394 : i32 to vector<16xi32>
      %add3A_1396 = arith.addi %add3A_1359, %add3A_1395 : vector<16xi32>
      %swap3A_1397 = arith.constant 2 : i32
      %swap3A_1398 = arith.index_cast %swap3A_1397 : i32 to index
      %swap3A_1399 = arith.index_cast %mul3A_1313 : i32 to index
      %swap3A_1400 = tpu.vector_load %arg14[%swap3A_1398, %swap3A_1399] {strides = array<i32>} : memref<32x512xi32, #tpu.memory_space<vmem>>, vector<16xi32>,
      tpu.vector_store %arg14[%swap3A_1398, %swap3A_1399], %add3A_1396 {strides = array<i32>} : memref<32x512xi32, #tpu.memory_space<vmem>>, vector<16xi32>,
      %add3A_1401 = arith.constant 384 : i32
      %add3A_1402 = vector.broadcast %add3A_1401 : i32 to vector<16xi32>
      %add3A_1403 = arith.addi %add3A_1334, %add3A_1402 : vector<16xi32>
      %swap3A_1404 = arith.constant 3 : i32
      %swap3A_1405 = arith.index_cast %swap3A_1404 : i32 to index
      %swap3A_1406 = arith.index_cast %mul3A_1313 : i32 to index
      %swap3A_1407 = tpu.vector_load %arg13[%swap3A_1405, %swap3A_1406] {strides = array<i32>} : memref<32x512xi32, #tpu.memory_space<vmem>>, vector<16xi32>,
      tpu.vector_store %arg13[%swap3A_1405, %swap3A_1406], %add3A_1403 {strides = array<i32>} : memref<32x512xi32, #tpu.memory_space<vmem>>, vector<16xi32>,
      %add3A_1408 = arith.constant 384 : i32
      %add3A_1409 = vector.broadcast %add3A_1408 : i32 to vector<16xi32>
      %add3A_1410 = arith.addi %add3A_1359, %add3A_1409 : vector<16xi32>
      %swap3A_1411 = arith.constant 3 : i32
      %swap3A_1412 = arith.index_cast %swap3A_1411 : i32 to index
      %swap3A_1413 = arith.index_cast %mul3A_1313 : i32 to index
      %swap3A_1414 = tpu.vector_load %arg14[%swap3A_1412, %swap3A_1413] {strides = array<i32>} : memref<32x512xi32, #tpu.memory_space<vmem>>, vector<16xi32>,
      tpu.vector_store %arg14[%swap3A_1412, %swap3A_1413], %add3A_1410 {strides = array<i32>} : memref<32x512xi32, #tpu.memory_space<vmem>>, vector<16xi32>,
      %add3A_1415 = arith.constant 512 : i32
      %add3A_1416 = vector.broadcast %add3A_1415 : i32 to vector<16xi32>
      %add3A_1417 = arith.addi %add3A_1334, %add3A_1416 : vector<16xi32>
      %swap3A_1418 = arith.constant 4 : i32
      %swap3A_1419 = arith.index_cast %swap3A_1418 : i32 to index
      %swap3A_1420 = arith.index_cast %mul3A_1313 : i32 to index
      %swap3A_1421 = tpu.vector_load %arg13[%swap3A_1419, %swap3A_1420] {strides = array<i32>} : memref<32x512xi32, #tpu.memory_space<vmem>>, vector<16xi32>,
      tpu.vector_store %arg13[%swap3A_1419, %swap3A_1420], %add3A_1417 {strides = array<i32>} : memref<32x512xi32, #tpu.memory_space<vmem>>, vector<16xi32>,
      %add3A_1422 = arith.constant 512 : i32
      %add3A_1423 = vector.broadcast %add3A_1422 : i32 to vector<16xi32>
      %add3A_1424 = arith.addi %add3A_1359, %add3A_1423 : vector<16xi32>
      %swap3A_1425 = arith.constant 4 : i32
      %swap3A_1426 = arith.index_cast %swap3A_1425 : i32 to index
      %swap3A_1427 = arith.index_cast %mul3A_1313 : i32 to index
      %swap3A_1428 = tpu.vector_load %arg14[%swap3A_1426, %swap3A_1427] {strides = array<i32>} : memref<32x512xi32, #tpu.memory_space<vmem>>, vector<16xi32>,
      tpu.vector_store %arg14[%swap3A_1426, %swap3A_1427], %add3A_1424 {strides = array<i32>} : memref<32x512xi32, #tpu.memory_space<vmem>>, vector<16xi32>,
      %add3A_1429 = arith.constant 640 : i32
      %add3A_1430 = vector.broadcast %add3A_1429 : i32 to vector<16xi32>
      %add3A_1431 = arith.addi %add3A_1334, %add3A_1430 : vector<16xi32>
      %swap3A_1432 = arith.constant 5 : i32
      %swap3A_1433 = arith.index_cast %swap3A_1432 : i32 to index
      %swap3A_1434 = arith.index_cast %mul3A_1313 : i32 to index
      %swap3A_1435 = tpu.vector_load %arg13[%swap3A_1433, %swap3A_1434] {strides = array<i32>} : memref<32x512xi32, #tpu.memory_space<vmem>>, vector<16xi32>,
      tpu.vector_store %arg13[%swap3A_1433, %swap3A_1434], %add3A_1431 {strides = array<i32>} : memref<32x512xi32, #tpu.memory_space<vmem>>, vector<16xi32>,
      %add3A_1436 = arith.constant 640 : i32
      %add3A_1437 = vector.broadcast %add3A_1436 : i32 to vector<16xi32>
      %add3A_1438 = arith.addi %add3A_1359, %add3A_1437 : vector<16xi32>
      %swap3A_1439 = arith.constant 5 : i32
      %swap3A_1440 = arith.index_cast %swap3A_1439 : i32 to index
      %swap3A_1441 = arith.index_cast %mul3A_1313 : i32 to index
      %swap3A_1442 = tpu.vector_load %arg14[%swap3A_1440, %swap3A_1441] {strides = array<i32>} : memref<32x512xi32, #tpu.memory_space<vmem>>, vector<16xi32>,
      tpu.vector_store %arg14[%swap3A_1440, %swap3A_1441], %add3A_1438 {strides = array<i32>} : memref<32x512xi32, #tpu.memory_space<vmem>>, vector<16xi32>,
      %add3A_1443 = arith.constant 768 : i32
      %add3A_1444 = vector.broadcast %add3A_1443 : i32 to vector<16xi32>
      %add3A_1445 = arith.addi %add3A_1334, %add3A_1444 : vector<16xi32>
      %swap3A_1446 = arith.constant 6 : i32
      %swap3A_1447 = arith.index_cast %swap3A_1446 : i32 to index
      %swap3A_1448 = arith.index_cast %mul3A_1313 : i32 to index
      %swap3A_1449 = tpu.vector_load %arg13[%swap3A_1447, %swap3A_1448] {strides = array<i32>} : memref<32x512xi32, #tpu.memory_space<vmem>>, vector<16xi32>,
      tpu.vector_store %arg13[%swap3A_1447, %swap3A_1448], %add3A_1445 {strides = array<i32>} : memref<32x512xi32, #tpu.memory_space<vmem>>, vector<16xi32>,
      %add3A_1450 = arith.constant 768 : i32
      %add3A_1451 = vector.broadcast %add3A_1450 : i32 to vector<16xi32>
      %add3A_1452 = arith.addi %add3A_1359, %add3A_1451 : vector<16xi32>
      %swap3A_1453 = arith.constant 6 : i32
      %swap3A_1454 = arith.index_cast %swap3A_1453 : i32 to index
      %swap3A_1455 = arith.index_cast %mul3A_1313 : i32 to index
      %swap3A_1456 = tpu.vector_load %arg14[%swap3A_1454, %swap3A_1455] {strides = array<i32>} : memref<32x512xi32, #tpu.memory_space<vmem>>, vector<16xi32>,
      tpu.vector_store %arg14[%swap3A_1454, %swap3A_1455], %add3A_1452 {strides = array<i32>} : memref<32x512xi32, #tpu.memory_space<vmem>>, vector<16xi32>,
      %add3A_1457 = arith.constant 896 : i32
      %add3A_1458 = vector.broadcast %add3A_1457 : i32 to vector<16xi32>
      %add3A_1459 = arith.addi %add3A_1334, %add3A_1458 : vector<16xi32>
      %swap3A_1460 = arith.constant 7 : i32
      %swap3A_1461 = arith.index_cast %swap3A_1460 : i32 to index
      %swap3A_1462 = arith.index_cast %mul3A_1313 : i32 to index
      %swap3A_1463 = tpu.vector_load %arg13[%swap3A_1461, %swap3A_1462] {strides = array<i32>} : memref<32x512xi32, #tpu.memory_space<vmem>>, vector<16xi32>,
      tpu.vector_store %arg13[%swap3A_1461, %swap3A_1462], %add3A_1459 {strides = array<i32>} : memref<32x512xi32, #tpu.memory_space<vmem>>, vector<16xi32>,
      %add3A_1464 = arith.constant 896 : i32
      %add3A_1465 = vector.broadcast %add3A_1464 : i32 to vector<16xi32>
      %add3A_1466 = arith.addi %add3A_1359, %add3A_1465 : vector<16xi32>
      %swap3A_1467 = arith.constant 7 : i32
      %swap3A_1468 = arith.index_cast %swap3A_1467 : i32 to index
      %swap3A_1469 = arith.index_cast %mul3A_1313 : i32 to index
      %swap3A_1470 = tpu.vector_load %arg14[%swap3A_1468, %swap3A_1469] {strides = array<i32>} : memref<32x512xi32, #tpu.memory_space<vmem>>, vector<16xi32>,
      tpu.vector_store %arg14[%swap3A_1468, %swap3A_1469], %add3A_1466 {strides = array<i32>} : memref<32x512xi32, #tpu.memory_space<vmem>>, vector<16xi32>,
      %add3A_1471 = arith.constant 1024 : i32
      %add3A_1472 = vector.broadcast %add3A_1471 : i32 to vector<16xi32>
      %add3A_1473 = arith.addi %add3A_1334, %add3A_1472 : vector<16xi32>
      %swap3A_1474 = arith.constant 8 : i32
      %swap3A_1475 = arith.index_cast %swap3A_1474 : i32 to index
      %swap3A_1476 = arith.index_cast %mul3A_1313 : i32 to index
      %swap3A_1477 = tpu.vector_load %arg13[%swap3A_1475, %swap3A_1476] {strides = array<i32>} : memref<32x512xi32, #tpu.memory_space<vmem>>, vector<16xi32>,
      tpu.vector_store %arg13[%swap3A_1475, %swap3A_1476], %add3A_1473 {strides = array<i32>} : memref<32x512xi32, #tpu.memory_space<vmem>>, vector<16xi32>,
      %add3A_1478 = arith.constant 1024 : i32
      %add3A_1479 = vector.broadcast %add3A_1478 : i32 to vector<16xi32>
      %add3A_1480 = arith.addi %add3A_1359, %add3A_1479 : vector<16xi32>
      %swap3A_1481 = arith.constant 8 : i32
      %swap3A_1482 = arith.index_cast %swap3A_1481 : i32 to index
      %swap3A_1483 = arith.index_cast %mul3A_1313 : i32 to index
      %swap3A_1484 = tpu.vector_load %arg14[%swap3A_1482, %swap3A_1483] {strides = array<i32>} : memref<32x512xi32, #tpu.memory_space<vmem>>, vector<16xi32>,
      tpu.vector_store %arg14[%swap3A_1482, %swap3A_1483], %add3A_1480 {strides = array<i32>} : memref<32x512xi32, #tpu.memory_space<vmem>>, vector<16xi32>,
      %add3A_1485 = arith.constant 1152 : i32
      %add3A_1486 = vector.broadcast %add3A_1485 : i32 to vector<16xi32>
      %add3A_1487 = arith.addi %add3A_1334, %add3A_1486 : vector<16xi32>
      %swap3A_1488 = arith.constant 9 : i32
      %swap3A_1489 = arith.index_cast %swap3A_1488 : i32 to index
      %swap3A_1490 = arith.index_cast %mul3A_1313 : i32 to index
      %swap3A_1491 = tpu.vector_load %arg13[%swap3A_1489, %swap3A_1490] {strides = array<i32>} : memref<32x512xi32, #tpu.memory_space<vmem>>, vector<16xi32>,
      tpu.vector_store %arg13[%swap3A_1489, %swap3A_1490], %add3A_1487 {strides = array<i32>} : memref<32x512xi32, #tpu.memory_space<vmem>>, vector<16xi32>,
      %add3A_1492 = arith.constant 1152 : i32
      %add3A_1493 = vector.broadcast %add3A_1492 : i32 to vector<16xi32>
      %add3A_1494 = arith.addi %add3A_1359, %add3A_1493 : vector<16xi32>
      %swap3A_1495 = arith.constant 9 : i32
      %swap3A_1496 = arith.index_cast %swap3A_1495 : i32 to index
      %swap3A_1497 = arith.index_cast %mul3A_1313 : i32 to index
      %swap3A_1498 = tpu.vector_load %arg14[%swap3A_1496, %swap3A_1497] {strides = array<i32>} : memref<32x512xi32, #tpu.memory_space<vmem>>, vector<16xi32>,
      tpu.vector_store %arg14[%swap3A_1496, %swap3A_1497], %add3A_1494 {strides = array<i32>} : memref<32x512xi32, #tpu.memory_space<vmem>>, vector<16xi32>,
      %add3A_1499 = arith.constant 1280 : i32
      %add3A_1500 = vector.broadcast %add3A_1499 : i32 to vector<16xi32>
      %add3A_1501 = arith.addi %add3A_1334, %add3A_1500 : vector<16xi32>
      %swap3A_1502 = arith.constant 10 : i32
      %swap3A_1503 = arith.index_cast %swap3A_1502 : i32 to index
      %swap3A_1504 = arith.index_cast %mul3A_1313 : i32 to index
      %swap3A_1505 = tpu.vector_load %arg13[%swap3A_1503, %swap3A_1504] {strides = array<i32>} : memref<32x512xi32, #tpu.memory_space<vmem>>, vector<16xi32>,
      tpu.vector_store %arg13[%swap3A_1503, %swap3A_1504], %add3A_1501 {strides = array<i32>} : memref<32x512xi32, #tpu.memory_space<vmem>>, vector<16xi32>,
      %add3A_1506 = arith.constant 1280 : i32
      %add3A_1507 = vector.broadcast %add3A_1506 : i32 to vector<16xi32>
      %add3A_1508 = arith.addi %add3A_1359, %add3A_1507 : vector<16xi32>
      %swap3A_1509 = arith.constant 10 : i32
      %swap3A_1510 = arith.index_cast %swap3A_1509 : i32 to index
      %swap3A_1511 = arith.index_cast %mul3A_1313 : i32 to index
      %swap3A_1512 = tpu.vector_load %arg14[%swap3A_1510, %swap3A_1511] {strides = array<i32>} : memref<32x512xi32, #tpu.memory_space<vmem>>, vector<16xi32>,
      tpu.vector_store %arg14[%swap3A_1510, %swap3A_1511], %add3A_1508 {strides = array<i32>} : memref<32x512xi32, #tpu.memory_space<vmem>>, vector<16xi32>,
      %add3A_1513 = arith.constant 1408 : i32
      %add3A_1514 = vector.broadcast %add3A_1513 : i32 to vector<16xi32>
      %add3A_1515 = arith.addi %add3A_1334, %add3A_1514 : vector<16xi32>
      %swap3A_1516 = arith.constant 11 : i32
      %swap3A_1517 = arith.index_cast %swap3A_1516 : i32 to index
      %swap3A_1518 = arith.index_cast %mul3A_1313 : i32 to index
      %swap3A_1519 = tpu.vector_load %arg13[%swap3A_1517, %swap3A_1518] {strides = array<i32>} : memref<32x512xi32, #tpu.memory_space<vmem>>, vector<16xi32>,
      tpu.vector_store %arg13[%swap3A_1517, %swap3A_1518], %add3A_1515 {strides = array<i32>} : memref<32x512xi32, #tpu.memory_space<vmem>>, vector<16xi32>,
      %add3A_1520 = arith.constant 1408 : i32
      %add3A_1521 = vector.broadcast %add3A_1520 : i32 to vector<16xi32>
      %add3A_1522 = arith.addi %add3A_1359, %add3A_1521 : vector<16xi32>
      %swap3A_1523 = arith.constant 11 : i32
      %swap3A_1524 = arith.index_cast %swap3A_1523 : i32 to index
      %swap3A_1525 = arith.index_cast %mul3A_1313 : i32 to index
      %swap3A_1526 = tpu.vector_load %arg14[%swap3A_1524, %swap3A_1525] {strides = array<i32>} : memref<32x512xi32, #tpu.memory_space<vmem>>, vector<16xi32>,
      tpu.vector_store %arg14[%swap3A_1524, %swap3A_1525], %add3A_1522 {strides = array<i32>} : memref<32x512xi32, #tpu.memory_space<vmem>>, vector<16xi32>,
      %add3A_1527 = arith.constant 1536 : i32
      %add3A_1528 = vector.broadcast %add3A_1527 : i32 to vector<16xi32>
      %add3A_1529 = arith.addi %add3A_1334, %add3A_1528 : vector<16xi32>
      %swap3A_1530 = arith.constant 12 : i32
      %swap3A_1531 = arith.index_cast %swap3A_1530 : i32 to index
      %swap3A_1532 = arith.index_cast %mul3A_1313 : i32 to index
      %swap3A_1533 = tpu.vector_load %arg13[%swap3A_1531, %swap3A_1532] {strides = array<i32>} : memref<32x512xi32, #tpu.memory_space<vmem>>, vector<16xi32>,
      tpu.vector_store %arg13[%swap3A_1531, %swap3A_1532], %add3A_1529 {strides = array<i32>} : memref<32x512xi32, #tpu.memory_space<vmem>>, vector<16xi32>,
      %add3A_1534 = arith.constant 1536 : i32
      %add3A_1535 = vector.broadcast %add3A_1534 : i32 to vector<16xi32>
      %add3A_1536 = arith.addi %add3A_1359, %add3A_1535 : vector<16xi32>
      %swap3A_1537 = arith.constant 12 : i32
      %swap3A_1538 = arith.index_cast %swap3A_1537 : i32 to index
      %swap3A_1539 = arith.index_cast %mul3A_1313 : i32 to index
      %swap3A_1540 = tpu.vector_load %arg14[%swap3A_1538, %swap3A_1539] {strides = array<i32>} : memref<32x512xi32, #tpu.memory_space<vmem>>, vector<16xi32>,
      tpu.vector_store %arg14[%swap3A_1538, %swap3A_1539], %add3A_1536 {strides = array<i32>} : memref<32x512xi32, #tpu.memory_space<vmem>>, vector<16xi32>,
      %add3A_1541 = arith.constant 1664 : i32
      %add3A_1542 = vector.broadcast %add3A_1541 : i32 to vector<16xi32>
      %add3A_1543 = arith.addi %add3A_1334, %add3A_1542 : vector<16xi32>
      %swap3A_1544 = arith.constant 13 : i32
      %swap3A_1545 = arith.index_cast %swap3A_1544 : i32 to index
      %swap3A_1546 = arith.index_cast %mul3A_1313 : i32 to index
      %swap3A_1547 = tpu.vector_load %arg13[%swap3A_1545, %swap3A_1546] {strides = array<i32>} : memref<32x512xi32, #tpu.memory_space<vmem>>, vector<16xi32>,
      tpu.vector_store %arg13[%swap3A_1545, %swap3A_1546], %add3A_1543 {strides = array<i32>} : memref<32x512xi32, #tpu.memory_space<vmem>>, vector<16xi32>,
      %add3A_1548 = arith.constant 1664 : i32
      %add3A_1549 = vector.broadcast %add3A_1548 : i32 to vector<16xi32>
      %add3A_1550 = arith.addi %add3A_1359, %add3A_1549 : vector<16xi32>
      %swap3A_1551 = arith.constant 13 : i32
      %swap3A_1552 = arith.index_cast %swap3A_1551 : i32 to index
      %swap3A_1553 = arith.index_cast %mul3A_1313 : i32 to index
      %swap3A_1554 = tpu.vector_load %arg14[%swap3A_1552, %swap3A_1553] {strides = array<i32>} : memref<32x512xi32, #tpu.memory_space<vmem>>, vector<16xi32>,
      tpu.vector_store %arg14[%swap3A_1552, %swap3A_1553], %add3A_1550 {strides = array<i32>} : memref<32x512xi32, #tpu.memory_space<vmem>>, vector<16xi32>,
      %add3A_1555 = arith.constant 1792 : i32
      %add3A_1556 = vector.broadcast %add3A_1555 : i32 to vector<16xi32>
      %add3A_1557 = arith.addi %add3A_1334, %add3A_1556 : vector<16xi32>
      %swap3A_1558 = arith.constant 14 : i32
      %swap3A_1559 = arith.index_cast %swap3A_1558 : i32 to index
      %swap3A_1560 = arith.index_cast %mul3A_1313 : i32 to index
      %swap3A_1561 = tpu.vector_load %arg13[%swap3A_1559, %swap3A_1560] {strides = array<i32>} : memref<32x512xi32, #tpu.memory_space<vmem>>, vector<16xi32>,
      tpu.vector_store %arg13[%swap3A_1559, %swap3A_1560], %add3A_1557 {strides = array<i32>} : memref<32x512xi32, #tpu.memory_space<vmem>>, vector<16xi32>,
      %add3A_1562 = arith.constant 1792 : i32
      %add3A_1563 = vector.broadcast %add3A_1562 : i32 to vector<16xi32>
      %add3A_1564 = arith.addi %add3A_1359, %add3A_1563 : vector<16xi32>
      %swap3A_1565 = arith.constant 14 : i32
      %swap3A_1566 = arith.index_cast %swap3A_1565 : i32 to index
      %swap3A_1567 = arith.index_cast %mul3A_1313 : i32 to index
      %swap3A_1568 = tpu.vector_load %arg14[%swap3A_1566, %swap3A_1567] {strides = array<i32>} : memref<32x512xi32, #tpu.memory_space<vmem>>, vector<16xi32>,
      tpu.vector_store %arg14[%swap3A_1566, %swap3A_1567], %add3A_1564 {strides = array<i32>} : memref<32x512xi32, #tpu.memory_space<vmem>>, vector<16xi32>,
      %add3A_1569 = arith.constant 1920 : i32
      %add3A_1570 = vector.broadcast %add3A_1569 : i32 to vector<16xi32>
      %add3A_1571 = arith.addi %add3A_1334, %add3A_1570 : vector<16xi32>
      %swap3A_1572 = arith.constant 15 : i32
      %swap3A_1573 = arith.index_cast %swap3A_1572 : i32 to index
      %swap3A_1574 = arith.index_cast %mul3A_1313 : i32 to index
      %swap3A_1575 = tpu.vector_load %arg13[%swap3A_1573, %swap3A_1574] {strides = array<i32>} : memref<32x512xi32, #tpu.memory_space<vmem>>, vector<16xi32>,
      tpu.vector_store %arg13[%swap3A_1573, %swap3A_1574], %add3A_1571 {strides = array<i32>} : memref<32x512xi32, #tpu.memory_space<vmem>>, vector<16xi32>,
      %add3A_1576 = arith.constant 1920 : i32
      %add3A_1577 = vector.broadcast %add3A_1576 : i32 to vector<16xi32>
      %add3A_1578 = arith.addi %add3A_1359, %add3A_1577 : vector<16xi32>
      %swap3A_1579 = arith.constant 15 : i32
      %swap3A_1580 = arith.index_cast %swap3A_1579 : i32 to index
      %swap3A_1581 = arith.index_cast %mul3A_1313 : i32 to index
      %swap3A_1582 = tpu.vector_load %arg14[%swap3A_1580, %swap3A_1581] {strides = array<i32>} : memref<32x512xi32, #tpu.memory_space<vmem>>, vector<16xi32>,
      tpu.vector_store %arg14[%swap3A_1580, %swap3A_1581], %add3A_1578 {strides = array<i32>} : memref<32x512xi32, #tpu.memory_space<vmem>>, vector<16xi32>,
      %add3A_1583 = arith.constant 2048 : i32
      %add3A_1584 = vector.broadcast %add3A_1583 : i32 to vector<16xi32>
      %add3A_1585 = arith.addi %add3A_1334, %add3A_1584 : vector<16xi32>
      %swap3A_1586 = arith.constant 16 : i32
      %swap3A_1587 = arith.index_cast %swap3A_1586 : i32 to index
      %swap3A_1588 = arith.index_cast %mul3A_1313 : i32 to index
      %swap3A_1589 = tpu.vector_load %arg13[%swap3A_1587, %swap3A_1588] {strides = array<i32>} : memref<32x512xi32, #tpu.memory_space<vmem>>, vector<16xi32>,
      tpu.vector_store %arg13[%swap3A_1587, %swap3A_1588], %add3A_1585 {strides = array<i32>} : memref<32x512xi32, #tpu.memory_space<vmem>>, vector<16xi32>,
      %add3A_1590 = arith.constant 2048 : i32
      %add3A_1591 = vector.broadcast %add3A_1590 : i32 to vector<16xi32>
      %add3A_1592 = arith.addi %add3A_1359, %add3A_1591 : vector<16xi32>
      %swap3A_1593 = arith.constant 16 : i32
      %swap3A_1594 = arith.index_cast %swap3A_1593 : i32 to index
      %swap3A_1595 = arith.index_cast %mul3A_1313 : i32 to index
      %swap3A_1596 = tpu.vector_load %arg14[%swap3A_1594, %swap3A_1595] {strides = array<i32>} : memref<32x512xi32, #tpu.memory_space<vmem>>, vector<16xi32>,
      tpu.vector_store %arg14[%swap3A_1594, %swap3A_1595], %add3A_1592 {strides = array<i32>} : memref<32x512xi32, #tpu.memory_space<vmem>>, vector<16xi32>,
      %add3A_1597 = arith.constant 2176 : i32
      %add3A_1598 = vector.broadcast %add3A_1597 : i32 to vector<16xi32>
      %add3A_1599 = arith.addi %add3A_1334, %add3A_1598 : vector<16xi32>
      %swap3A_1600 = arith.constant 17 : i32
      %swap3A_1601 = arith.index_cast %swap3A_1600 : i32 to index
      %swap3A_1602 = arith.index_cast %mul3A_1313 : i32 to index
      %swap3A_1603 = tpu.vector_load %arg13[%swap3A_1601, %swap3A_1602] {strides = array<i32>} : memref<32x512xi32, #tpu.memory_space<vmem>>, vector<16xi32>,
      tpu.vector_store %arg13[%swap3A_1601, %swap3A_1602], %add3A_1599 {strides = array<i32>} : memref<32x512xi32, #tpu.memory_space<vmem>>, vector<16xi32>,
      %add3A_1604 = arith.constant 2176 : i32
      %add3A_1605 = vector.broadcast %add3A_1604 : i32 to vector<16xi32>
      %add3A_1606 = arith.addi %add3A_1359, %add3A_1605 : vector<16xi32>
      %swap3A_1607 = arith.constant 17 : i32
      %swap3A_1608 = arith.index_cast %swap3A_1607 : i32 to index
      %swap3A_1609 = arith.index_cast %mul3A_1313 : i32 to index
      %swap3A_1610 = tpu.vector_load %arg14[%swap3A_1608, %swap3A_1609] {strides = array<i32>} : memref<32x512xi32, #tpu.memory_space<vmem>>, vector<16xi32>,
      tpu.vector_store %arg14[%swap3A_1608, %swap3A_1609], %add3A_1606 {strides = array<i32>} : memref<32x512xi32, #tpu.memory_space<vmem>>, vector<16xi32>,
      %add3A_1611 = arith.constant 2304 : i32
      %add3A_1612 = vector.broadcast %add3A_1611 : i32 to vector<16xi32>
      %add3A_1613 = arith.addi %add3A_1334, %add3A_1612 : vector<16xi32>
      %swap3A_1614 = arith.constant 18 : i32
      %swap3A_1615 = arith.index_cast %swap3A_1614 : i32 to index
      %swap3A_1616 = arith.index_cast %mul3A_1313 : i32 to index
      %swap3A_1617 = tpu.vector_load %arg13[%swap3A_1615, %swap3A_1616] {strides = array<i32>} : memref<32x512xi32, #tpu.memory_space<vmem>>, vector<16xi32>,
      tpu.vector_store %arg13[%swap3A_1615, %swap3A_1616], %add3A_1613 {strides = array<i32>} : memref<32x512xi32, #tpu.memory_space<vmem>>, vector<16xi32>,
      %add3A_1618 = arith.constant 2304 : i32
      %add3A_1619 = vector.broadcast %add3A_1618 : i32 to vector<16xi32>
      %add3A_1620 = arith.addi %add3A_1359, %add3A_1619 : vector<16xi32>
      %swap3A_1621 = arith.constant 18 : i32
      %swap3A_1622 = arith.index_cast %swap3A_1621 : i32 to index
      %swap3A_1623 = arith.index_cast %mul3A_1313 : i32 to index
      %swap3A_1624 = tpu.vector_load %arg14[%swap3A_1622, %swap3A_1623] {strides = array<i32>} : memref<32x512xi32, #tpu.memory_space<vmem>>, vector<16xi32>,
      tpu.vector_store %arg14[%swap3A_1622, %swap3A_1623], %add3A_1620 {strides = array<i32>} : memref<32x512xi32, #tpu.memory_space<vmem>>, vector<16xi32>,
      %add3A_1625 = arith.constant 2432 : i32
      %add3A_1626 = vector.broadcast %add3A_1625 : i32 to vector<16xi32>
      %add3A_1627 = arith.addi %add3A_1334, %add3A_1626 : vector<16xi32>
      %swap3A_1628 = arith.constant 19 : i32
      %swap3A_1629 = arith.index_cast %swap3A_1628 : i32 to index
      %swap3A_1630 = arith.index_cast %mul3A_1313 : i32 to index
      %swap3A_1631 = tpu.vector_load %arg13[%swap3A_1629, %swap3A_1630] {strides = array<i32>} : memref<32x512xi32, #tpu.memory_space<vmem>>, vector<16xi32>,
      tpu.vector_store %arg13[%swap3A_1629, %swap3A_1630], %add3A_1627 {strides = array<i32>} : memref<32x512xi32, #tpu.memory_space<vmem>>, vector<16xi32>,
      %add3A_1632 = arith.constant 2432 : i32
      %add3A_1633 = vector.broadcast %add3A_1632 : i32 to vector<16xi32>
      %add3A_1634 = arith.addi %add3A_1359, %add3A_1633 : vector<16xi32>
      %swap3A_1635 = arith.constant 19 : i32
      %swap3A_1636 = arith.index_cast %swap3A_1635 : i32 to index
      %swap3A_1637 = arith.index_cast %mul3A_1313 : i32 to index
      %swap3A_1638 = tpu.vector_load %arg14[%swap3A_1636, %swap3A_1637] {strides = array<i32>} : memref<32x512xi32, #tpu.memory_space<vmem>>, vector<16xi32>,
      tpu.vector_store %arg14[%swap3A_1636, %swap3A_1637], %add3A_1634 {strides = array<i32>} : memref<32x512xi32, #tpu.memory_space<vmem>>, vector<16xi32>,
      %add3A_1639 = arith.constant 2560 : i32
      %add3A_1640 = vector.broadcast %add3A_1639 : i32 to vector<16xi32>
      %add3A_1641 = arith.addi %add3A_1334, %add3A_1640 : vector<16xi32>
      %swap3A_1642 = arith.constant 20 : i32
      %swap3A_1643 = arith.index_cast %swap3A_1642 : i32 to index
      %swap3A_1644 = arith.index_cast %mul3A_1313 : i32 to index
      %swap3A_1645 = tpu.vector_load %arg13[%swap3A_1643, %swap3A_1644] {strides = array<i32>} : memref<32x512xi32, #tpu.memory_space<vmem>>, vector<16xi32>,
      tpu.vector_store %arg13[%swap3A_1643, %swap3A_1644], %add3A_1641 {strides = array<i32>} : memref<32x512xi32, #tpu.memory_space<vmem>>, vector<16xi32>,
      %add3A_1646 = arith.constant 2560 : i32
      %add3A_1647 = vector.broadcast %add3A_1646 : i32 to vector<16xi32>
      %add3A_1648 = arith.addi %add3A_1359, %add3A_1647 : vector<16xi32>
      %swap3A_1649 = arith.constant 20 : i32
      %swap3A_1650 = arith.index_cast %swap3A_1649 : i32 to index
      %swap3A_1651 = arith.index_cast %mul3A_1313 : i32 to index
      %swap3A_1652 = tpu.vector_load %arg14[%swap3A_1650, %swap3A_1651] {strides = array<i32>} : memref<32x512xi32, #tpu.memory_space<vmem>>, vector<16xi32>,
      tpu.vector_store %arg14[%swap3A_1650, %swap3A_1651], %add3A_1648 {strides = array<i32>} : memref<32x512xi32, #tpu.memory_space<vmem>>, vector<16xi32>,
      %add3A_1653 = arith.constant 2688 : i32
      %add3A_1654 = vector.broadcast %add3A_1653 : i32 to vector<16xi32>
      %add3A_1655 = arith.addi %add3A_1334, %add3A_1654 : vector<16xi32>
      %swap3A_1656 = arith.constant 21 : i32
      %swap3A_1657 = arith.index_cast %swap3A_1656 : i32 to index
      %swap3A_1658 = arith.index_cast %mul3A_1313 : i32 to index
      %swap3A_1659 = tpu.vector_load %arg13[%swap3A_1657, %swap3A_1658] {strides = array<i32>} : memref<32x512xi32, #tpu.memory_space<vmem>>, vector<16xi32>,
      tpu.vector_store %arg13[%swap3A_1657, %swap3A_1658], %add3A_1655 {strides = array<i32>} : memref<32x512xi32, #tpu.memory_space<vmem>>, vector<16xi32>,
      %add3A_1660 = arith.constant 2688 : i32
      %add3A_1661 = vector.broadcast %add3A_1660 : i32 to vector<16xi32>
      %add3A_1662 = arith.addi %add3A_1359, %add3A_1661 : vector<16xi32>
      %swap3A_1663 = arith.constant 21 : i32
      %swap3A_1664 = arith.index_cast %swap3A_1663 : i32 to index
      %swap3A_1665 = arith.index_cast %mul3A_1313 : i32 to index
      %swap3A_1666 = tpu.vector_load %arg14[%swap3A_1664, %swap3A_1665] {strides = array<i32>} : memref<32x512xi32, #tpu.memory_space<vmem>>, vector<16xi32>,
      tpu.vector_store %arg14[%swap3A_1664, %swap3A_1665], %add3A_1662 {strides = array<i32>} : memref<32x512xi32, #tpu.memory_space<vmem>>, vector<16xi32>,
      %add3A_1667 = arith.constant 2816 : i32
      %add3A_1668 = vector.broadcast %add3A_1667 : i32 to vector<16xi32>
      %add3A_1669 = arith.addi %add3A_1334, %add3A_1668 : vector<16xi32>
      %swap3A_1670 = arith.constant 22 : i32
      %swap3A_1671 = arith.index_cast %swap3A_1670 : i32 to index
      %swap3A_1672 = arith.index_cast %mul3A_1313 : i32 to index
      %swap3A_1673 = tpu.vector_load %arg13[%swap3A_1671, %swap3A_1672] {strides = array<i32>} : memref<32x512xi32, #tpu.memory_space<vmem>>, vector<16xi32>,
      tpu.vector_store %arg13[%swap3A_1671, %swap3A_1672], %add3A_1669 {strides = array<i32>} : memref<32x512xi32, #tpu.memory_space<vmem>>, vector<16xi32>,
      %add3A_1674 = arith.constant 2816 : i32
      %add3A_1675 = vector.broadcast %add3A_1674 : i32 to vector<16xi32>
      %add3A_1676 = arith.addi %add3A_1359, %add3A_1675 : vector<16xi32>
      %swap3A_1677 = arith.constant 22 : i32
      %swap3A_1678 = arith.index_cast %swap3A_1677 : i32 to index
      %swap3A_1679 = arith.index_cast %mul3A_1313 : i32 to index
      %swap3A_1680 = tpu.vector_load %arg14[%swap3A_1678, %swap3A_1679] {strides = array<i32>} : memref<32x512xi32, #tpu.memory_space<vmem>>, vector<16xi32>,
      tpu.vector_store %arg14[%swap3A_1678, %swap3A_1679], %add3A_1676 {strides = array<i32>} : memref<32x512xi32, #tpu.memory_space<vmem>>, vector<16xi32>,
      %add3A_1681 = arith.constant 2944 : i32
      %add3A_1682 = vector.broadcast %add3A_1681 : i32 to vector<16xi32>
      %add3A_1683 = arith.addi %add3A_1334, %add3A_1682 : vector<16xi32>
      %swap3A_1684 = arith.constant 23 : i32
      %swap3A_1685 = arith.index_cast %swap3A_1684 : i32 to index
      %swap3A_1686 = arith.index_cast %mul3A_1313 : i32 to index
      %swap3A_1687 = tpu.vector_load %arg13[%swap3A_1685, %swap3A_1686] {strides = array<i32>} : memref<32x512xi32, #tpu.memory_space<vmem>>, vector<16xi32>,
      tpu.vector_store %arg13[%swap3A_1685, %swap3A_1686], %add3A_1683 {strides = array<i32>} : memref<32x512xi32, #tpu.memory_space<vmem>>, vector<16xi32>,
      %add3A_1688 = arith.constant 2944 : i32
      %add3A_1689 = vector.broadcast %add3A_1688 : i32 to vector<16xi32>
      %add3A_1690 = arith.addi %add3A_1359, %add3A_1689 : vector<16xi32>
      %swap3A_1691 = arith.constant 23 : i32
      %swap3A_1692 = arith.index_cast %swap3A_1691 : i32 to index
      %swap3A_1693 = arith.index_cast %mul3A_1313 : i32 to index
      %swap3A_1694 = tpu.vector_load %arg14[%swap3A_1692, %swap3A_1693] {strides = array<i32>} : memref<32x512xi32, #tpu.memory_space<vmem>>, vector<16xi32>,
      tpu.vector_store %arg14[%swap3A_1692, %swap3A_1693], %add3A_1690 {strides = array<i32>} : memref<32x512xi32, #tpu.memory_space<vmem>>, vector<16xi32>,
      %add3A_1695 = arith.constant 3072 : i32
      %add3A_1696 = vector.broadcast %add3A_1695 : i32 to vector<16xi32>
      %add3A_1697 = arith.addi %add3A_1334, %add3A_1696 : vector<16xi32>
      %swap3A_1698 = arith.constant 24 : i32
      %swap3A_1699 = arith.index_cast %swap3A_1698 : i32 to index
      %swap3A_1700 = arith.index_cast %mul3A_1313 : i32 to index
      %swap3A_1701 = tpu.vector_load %arg13[%swap3A_1699, %swap3A_1700] {strides = array<i32>} : memref<32x512xi32, #tpu.memory_space<vmem>>, vector<16xi32>,
      tpu.vector_store %arg13[%swap3A_1699, %swap3A_1700], %add3A_1697 {strides = array<i32>} : memref<32x512xi32, #tpu.memory_space<vmem>>, vector<16xi32>,
      %add3A_1702 = arith.constant 3072 : i32
      %add3A_1703 = vector.broadcast %add3A_1702 : i32 to vector<16xi32>
      %add3A_1704 = arith.addi %add3A_1359, %add3A_1703 : vector<16xi32>
      %swap3A_1705 = arith.constant 24 : i32
      %swap3A_1706 = arith.index_cast %swap3A_1705 : i32 to index
      %swap3A_1707 = arith.index_cast %mul3A_1313 : i32 to index
      %swap3A_1708 = tpu.vector_load %arg14[%swap3A_1706, %swap3A_1707] {strides = array<i32>} : memref<32x512xi32, #tpu.memory_space<vmem>>, vector<16xi32>,
      tpu.vector_store %arg14[%swap3A_1706, %swap3A_1707], %add3A_1704 {strides = array<i32>} : memref<32x512xi32, #tpu.memory_space<vmem>>, vector<16xi32>,
      %add3A_1709 = arith.constant 3200 : i32
      %add3A_1710 = vector.broadcast %add3A_1709 : i32 to vector<16xi32>
      %add3A_1711 = arith.addi %add3A_1334, %add3A_1710 : vector<16xi32>
      %swap3A_1712 = arith.constant 25 : i32
      %swap3A_1713 = arith.index_cast %swap3A_1712 : i32 to index
      %swap3A_1714 = arith.index_cast %mul3A_1313 : i32 to index
      %swap3A_1715 = tpu.vector_load %arg13[%swap3A_1713, %swap3A_1714] {strides = array<i32>} : memref<32x512xi32, #tpu.memory_space<vmem>>, vector<16xi32>,
      tpu.vector_store %arg13[%swap3A_1713, %swap3A_1714], %add3A_1711 {strides = array<i32>} : memref<32x512xi32, #tpu.memory_space<vmem>>, vector<16xi32>,
      %add3A_1716 = arith.constant 3200 : i32
      %add3A_1717 = vector.broadcast %add3A_1716 : i32 to vector<16xi32>
      %add3A_1718 = arith.addi %add3A_1359, %add3A_1717 : vector<16xi32>
      %swap3A_1719 = arith.constant 25 : i32
      %swap3A_1720 = arith.index_cast %swap3A_1719 : i32 to index
      %swap3A_1721 = arith.index_cast %mul3A_1313 : i32 to index
      %swap3A_1722 = tpu.vector_load %arg14[%swap3A_1720, %swap3A_1721] {strides = array<i32>} : memref<32x512xi32, #tpu.memory_space<vmem>>, vector<16xi32>,
      tpu.vector_store %arg14[%swap3A_1720, %swap3A_1721], %add3A_1718 {strides = array<i32>} : memref<32x512xi32, #tpu.memory_space<vmem>>, vector<16xi32>,
      %add3A_1723 = arith.constant 3328 : i32
      %add3A_1724 = vector.broadcast %add3A_1723 : i32 to vector<16xi32>
      %add3A_1725 = arith.addi %add3A_1334, %add3A_1724 : vector<16xi32>
      %swap3A_1726 = arith.constant 26 : i32
      %swap3A_1727 = arith.index_cast %swap3A_1726 : i32 to index
      %swap3A_1728 = arith.index_cast %mul3A_1313 : i32 to index
      %swap3A_1729 = tpu.vector_load %arg13[%swap3A_1727, %swap3A_1728] {strides = array<i32>} : memref<32x512xi32, #tpu.memory_space<vmem>>, vector<16xi32>,
      tpu.vector_store %arg13[%swap3A_1727, %swap3A_1728], %add3A_1725 {strides = array<i32>} : memref<32x512xi32, #tpu.memory_space<vmem>>, vector<16xi32>,
      %add3A_1730 = arith.constant 3328 : i32
      %add3A_1731 = vector.broadcast %add3A_1730 : i32 to vector<16xi32>
      %add3A_1732 = arith.addi %add3A_1359, %add3A_1731 : vector<16xi32>
      %swap3A_1733 = arith.constant 26 : i32
      %swap3A_1734 = arith.index_cast %swap3A_1733 : i32 to index
      %swap3A_1735 = arith.index_cast %mul3A_1313 : i32 to index
      %swap3A_1736 = tpu.vector_load %arg14[%swap3A_1734, %swap3A_1735] {strides = array<i32>} : memref<32x512xi32, #tpu.memory_space<vmem>>, vector<16xi32>,
      tpu.vector_store %arg14[%swap3A_1734, %swap3A_1735], %add3A_1732 {strides = array<i32>} : memref<32x512xi32, #tpu.memory_space<vmem>>, vector<16xi32>,
      %add3A_1737 = arith.constant 3456 : i32
      %add3A_1738 = vector.broadcast %add3A_1737 : i32 to vector<16xi32>
      %add3A_1739 = arith.addi %add3A_1334, %add3A_1738 : vector<16xi32>
      %swap3A_1740 = arith.constant 27 : i32
      %swap3A_1741 = arith.index_cast %swap3A_1740 : i32 to index
      %swap3A_1742 = arith.index_cast %mul3A_1313 : i32 to index
      %swap3A_1743 = tpu.vector_load %arg13[%swap3A_1741, %swap3A_1742] {strides = array<i32>} : memref<32x512xi32, #tpu.memory_space<vmem>>, vector<16xi32>,
      tpu.vector_store %arg13[%swap3A_1741, %swap3A_1742], %add3A_1739 {strides = array<i32>} : memref<32x512xi32, #tpu.memory_space<vmem>>, vector<16xi32>,
      %add3A_1744 = arith.constant 3456 : i32
      %add3A_1745 = vector.broadcast %add3A_1744 : i32 to vector<16xi32>
      %add3A_1746 = arith.addi %add3A_1359, %add3A_1745 : vector<16xi32>
      %swap3A_1747 = arith.constant 27 : i32
      %swap3A_1748 = arith.index_cast %swap3A_1747 : i32 to index
      %swap3A_1749 = arith.index_cast %mul3A_1313 : i32 to index
      %swap3A_1750 = tpu.vector_load %arg14[%swap3A_1748, %swap3A_1749] {strides = array<i32>} : memref<32x512xi32, #tpu.memory_space<vmem>>, vector<16xi32>,
      tpu.vector_store %arg14[%swap3A_1748, %swap3A_1749], %add3A_1746 {strides = array<i32>} : memref<32x512xi32, #tpu.memory_space<vmem>>, vector<16xi32>,
      %add3A_1751 = arith.constant 3584 : i32
      %add3A_1752 = vector.broadcast %add3A_1751 : i32 to vector<16xi32>
      %add3A_1753 = arith.addi %add3A_1334, %add3A_1752 : vector<16xi32>
      %swap3A_1754 = arith.constant 28 : i32
      %swap3A_1755 = arith.index_cast %swap3A_1754 : i32 to index
      %swap3A_1756 = arith.index_cast %mul3A_1313 : i32 to index
      %swap3A_1757 = tpu.vector_load %arg13[%swap3A_1755, %swap3A_1756] {strides = array<i32>} : memref<32x512xi32, #tpu.memory_space<vmem>>, vector<16xi32>,
      tpu.vector_store %arg13[%swap3A_1755, %swap3A_1756], %add3A_1753 {strides = array<i32>} : memref<32x512xi32, #tpu.memory_space<vmem>>, vector<16xi32>,
      %add3A_1758 = arith.constant 3584 : i32
      %add3A_1759 = vector.broadcast %add3A_1758 : i32 to vector<16xi32>
      %add3A_1760 = arith.addi %add3A_1359, %add3A_1759 : vector<16xi32>
      %swap3A_1761 = arith.constant 28 : i32
      %swap3A_1762 = arith.index_cast %swap3A_1761 : i32 to index
      %swap3A_1763 = arith.index_cast %mul3A_1313 : i32 to index
      %swap3A_1764 = tpu.vector_load %arg14[%swap3A_1762, %swap3A_1763] {strides = array<i32>} : memref<32x512xi32, #tpu.memory_space<vmem>>, vector<16xi32>,
      tpu.vector_store %arg14[%swap3A_1762, %swap3A_1763], %add3A_1760 {strides = array<i32>} : memref<32x512xi32, #tpu.memory_space<vmem>>, vector<16xi32>,
      %add3A_1765 = arith.constant 3712 : i32
      %add3A_1766 = vector.broadcast %add3A_1765 : i32 to vector<16xi32>
      %add3A_1767 = arith.addi %add3A_1334, %add3A_1766 : vector<16xi32>
      %swap3A_1768 = arith.constant 29 : i32
      %swap3A_1769 = arith.index_cast %swap3A_1768 : i32 to index
      %swap3A_1770 = arith.index_cast %mul3A_1313 : i32 to index
      %swap3A_1771 = tpu.vector_load %arg13[%swap3A_1769, %swap3A_1770] {strides = array<i32>} : memref<32x512xi32, #tpu.memory_space<vmem>>, vector<16xi32>,
      tpu.vector_store %arg13[%swap3A_1769, %swap3A_1770], %add3A_1767 {strides = array<i32>} : memref<32x512xi32, #tpu.memory_space<vmem>>, vector<16xi32>,
      %add3A_1772 = arith.constant 3712 : i32
      %add3A_1773 = vector.broadcast %add3A_1772 : i32 to vector<16xi32>
      %add3A_1774 = arith.addi %add3A_1359, %add3A_1773 : vector<16xi32>
      %swap3A_1775 = arith.constant 29 : i32
      %swap3A_1776 = arith.index_cast %swap3A_1775 : i32 to index
      %swap3A_1777 = arith.index_cast %mul3A_1313 : i32 to index
      %swap3A_1778 = tpu.vector_load %arg14[%swap3A_1776, %swap3A_1777] {strides = array<i32>} : memref<32x512xi32, #tpu.memory_space<vmem>>, vector<16xi32>,
      tpu.vector_store %arg14[%swap3A_1776, %swap3A_1777], %add3A_1774 {strides = array<i32>} : memref<32x512xi32, #tpu.memory_space<vmem>>, vector<16xi32>,
      %add3A_1779 = arith.constant 3840 : i32
      %add3A_1780 = vector.broadcast %add3A_1779 : i32 to vector<16xi32>
      %add3A_1781 = arith.addi %add3A_1334, %add3A_1780 : vector<16xi32>
      %swap3A_1782 = arith.constant 30 : i32
      %swap3A_1783 = arith.index_cast %swap3A_1782 : i32 to index
      %swap3A_1784 = arith.index_cast %mul3A_1313 : i32 to index
      %swap3A_1785 = tpu.vector_load %arg13[%swap3A_1783, %swap3A_1784] {strides = array<i32>} : memref<32x512xi32, #tpu.memory_space<vmem>>, vector<16xi32>,
      tpu.vector_store %arg13[%swap3A_1783, %swap3A_1784], %add3A_1781 {strides = array<i32>} : memref<32x512xi32, #tpu.memory_space<vmem>>, vector<16xi32>,
      %add3A_1786 = arith.constant 3840 : i32
      %add3A_1787 = vector.broadcast %add3A_1786 : i32 to vector<16xi32>
      %add3A_1788 = arith.addi %add3A_1359, %add3A_1787 : vector<16xi32>
      %swap3A_1789 = arith.constant 30 : i32
      %swap3A_1790 = arith.index_cast %swap3A_1789 : i32 to index
      %swap3A_1791 = arith.index_cast %mul3A_1313 : i32 to index
      %swap3A_1792 = tpu.vector_load %arg14[%swap3A_1790, %swap3A_1791] {strides = array<i32>} : memref<32x512xi32, #tpu.memory_space<vmem>>, vector<16xi32>,
      tpu.vector_store %arg14[%swap3A_1790, %swap3A_1791], %add3A_1788 {strides = array<i32>} : memref<32x512xi32, #tpu.memory_space<vmem>>, vector<16xi32>,
      %add3A_1793 = arith.constant 3968 : i32
      %add3A_1794 = vector.broadcast %add3A_1793 : i32 to vector<16xi32>
      %add3A_1795 = arith.addi %add3A_1334, %add3A_1794 : vector<16xi32>
      %swap3A_1796 = arith.constant 31 : i32
      %swap3A_1797 = arith.index_cast %swap3A_1796 : i32 to index
      %swap3A_1798 = arith.index_cast %mul3A_1313 : i32 to index
      %swap3A_1799 = tpu.vector_load %arg13[%swap3A_1797, %swap3A_1798] {strides = array<i32>} : memref<32x512xi32, #tpu.memory_space<vmem>>, vector<16xi32>,
      tpu.vector_store %arg13[%swap3A_1797, %swap3A_1798], %add3A_1795 {strides = array<i32>} : memref<32x512xi32, #tpu.memory_space<vmem>>, vector<16xi32>,
      %add3A_1800 = arith.constant 3968 : i32
      %add3A_1801 = vector.broadcast %add3A_1800 : i32 to vector<16xi32>
      %add3A_1802 = arith.addi %add3A_1359, %add3A_1801 : vector<16xi32>
      %swap3A_1803 = arith.constant 31 : i32
      %swap3A_1804 = arith.index_cast %swap3A_1803 : i32 to index
      %swap3A_1805 = arith.index_cast %mul3A_1313 : i32 to index
      %swap3A_1806 = tpu.vector_load %arg14[%swap3A_1804, %swap3A_1805] {strides = array<i32>} : memref<32x512xi32, #tpu.memory_space<vmem>>, vector<16xi32>,
      tpu.vector_store %arg14[%swap3A_1804, %swap3A_1805], %add3A_1802 {strides = array<i32>} : memref<32x512xi32, #tpu.memory_space<vmem>>, vector<16xi32>,
      %scan3A_1807 = arith.constant 0 : i32
      scf.yield %scan3A_1807 : i32
    }
    %scan3A_18 = arith.constant 32 : i32
    %dma_start3A_19 = arith.constant 0 : i32
    %dma_start3A_20 = arith.constant 0 : i32
    %dma_start3A_21 = arith.constant 0 : i32
    %dma_start3A_22 = tpu.memref_slice %arg15[%dma_start3A_20, %dma_start3A_21] : memref<32x512xf32, #tpu.memory_space<vmem>> -> memref<1x512xf32, #tpu.memory_space<vmem>>
    %dma_start3A_23 = tpu.memref_squeeze %dma_start3A_22 : memref<1x512xf32, #tpu.memory_space<vmem>> -> memref<512xf32, #tpu.memory_space<vmem>>
    %dma_start3A_24 = arith.constant 0 : i32
    %dma_start3A_25 = tpu.memref_slice %arg13[%dma_start3A_19, %dma_start3A_24] : memref<32x512xi32, #tpu.memory_space<vmem>> -> memref<1x512xi32, #tpu.memory_space<vmem>>
    %dma_start3A_26 = tpu.memref_squeeze %dma_start3A_25 : memref<1x512xi32, #tpu.memory_space<vmem>> -> memref<512xi32, #tpu.memory_space<vmem>>
    %dma_start3A_27 = arith.constant 0 : i32
    %dma_start3A_28 = tpu.memref_slice %arg2[%dma_start3A_27] : memref<32006144xf32, #tpu.memory_space<hbm>> -> memref<32006144xf32, #tpu.memory_space<hbm>>
    tpu.enqueue_indirect_dma source(%dma_start3A_28 : memref<32006144xf32, #tpu.memory_space<hbm>>) target(%dma_start3A_23 : memref<512xf32, #tpu.memory_space<vmem>>) offsets(%dma_start3A_26 : memref<512xi32, #tpu.memory_space<vmem>>) semaphore(%arg22 : memref<!tpu.dma_semaphore, #tpu.memory_space<semaphore_mem>>)
    %dma_start3A_29 = arith.constant 0 : i32
    %dma_start3A_30 = arith.constant 0 : i32
    %dma_start3A_31 = arith.constant 0 : i32
    %dma_start3A_32 = tpu.memref_slice %arg16[%dma_start3A_30, %dma_start3A_31] : memref<32x512xf32, #tpu.memory_space<vmem>> -> memref<1x512xf32, #tpu.memory_space<vmem>>
    %dma_start3A_33 = tpu.memref_squeeze %dma_start3A_32 : memref<1x512xf32, #tpu.memory_space<vmem>> -> memref<512xf32, #tpu.memory_space<vmem>>
    %dma_start3A_34 = arith.constant 0 : i32
    %dma_start3A_35 = tpu.memref_slice %arg14[%dma_start3A_29, %dma_start3A_34] : memref<32x512xi32, #tpu.memory_space<vmem>> -> memref<1x512xi32, #tpu.memory_space<vmem>>
    %dma_start3A_36 = tpu.memref_squeeze %dma_start3A_35 : memref<1x512xi32, #tpu.memory_space<vmem>> -> memref<512xi32, #tpu.memory_space<vmem>>
    %dma_start3A_37 = arith.constant 0 : i32
    %dma_start3A_38 = tpu.memref_slice %arg3[%dma_start3A_37] : memref<32006144xf32, #tpu.memory_space<hbm>> -> memref<32006144xf32, #tpu.memory_space<hbm>>
    tpu.enqueue_indirect_dma source(%dma_start3A_38 : memref<32006144xf32, #tpu.memory_space<hbm>>) target(%dma_start3A_33 : memref<512xf32, #tpu.memory_space<vmem>>) offsets(%dma_start3A_36 : memref<512xi32, #tpu.memory_space<vmem>>) semaphore(%arg23 : memref<!tpu.dma_semaphore, #tpu.memory_space<semaphore_mem>>)
    %dma_start3A_39 = arith.constant 1 : i32
    %dma_start3A_40 = arith.constant 1 : i32
    %dma_start3A_41 = arith.constant 0 : i32
    %dma_start3A_42 = tpu.memref_slice %arg15[%dma_start3A_40, %dma_start3A_41] : memref<32x512xf32, #tpu.memory_space<vmem>> -> memref<1x512xf32, #tpu.memory_space<vmem>>
    %dma_start3A_43 = tpu.memref_squeeze %dma_start3A_42 : memref<1x512xf32, #tpu.memory_space<vmem>> -> memref<512xf32, #tpu.memory_space<vmem>>
    %dma_start3A_44 = arith.constant 0 : i32
    %dma_start3A_45 = tpu.memref_slice %arg13[%dma_start3A_39, %dma_start3A_44] : memref<32x512xi32, #tpu.memory_space<vmem>> -> memref<1x512xi32, #tpu.memory_space<vmem>>
    %dma_start3A_46 = tpu.memref_squeeze %dma_start3A_45 : memref<1x512xi32, #tpu.memory_space<vmem>> -> memref<512xi32, #tpu.memory_space<vmem>>
    %dma_start3A_47 = arith.constant 0 : i32
    %dma_start3A_48 = tpu.memref_slice %arg2[%dma_start3A_47] : memref<32006144xf32, #tpu.memory_space<hbm>> -> memref<32006144xf32, #tpu.memory_space<hbm>>
    tpu.enqueue_indirect_dma source(%dma_start3A_48 : memref<32006144xf32, #tpu.memory_space<hbm>>) target(%dma_start3A_43 : memref<512xf32, #tpu.memory_space<vmem>>) offsets(%dma_start3A_46 : memref<512xi32, #tpu.memory_space<vmem>>) semaphore(%arg22 : memref<!tpu.dma_semaphore, #tpu.memory_space<semaphore_mem>>)
    %dma_start3A_49 = arith.constant 1 : i32
    %dma_start3A_50 = arith.constant 1 : i32
    %dma_start3A_51 = arith.constant 0 : i32
    %dma_start3A_52 = tpu.memref_slice %arg16[%dma_start3A_50, %dma_start3A_51] : memref<32x512xf32, #tpu.memory_space<vmem>> -> memref<1x512xf32, #tpu.memory_space<vmem>>
    %dma_start3A_53 = tpu.memref_squeeze %dma_start3A_52 : memref<1x512xf32, #tpu.memory_space<vmem>> -> memref<512xf32, #tpu.memory_space<vmem>>
    %dma_start3A_54 = arith.constant 0 : i32
    %dma_start3A_55 = tpu.memref_slice %arg14[%dma_start3A_49, %dma_start3A_54] : memref<32x512xi32, #tpu.memory_space<vmem>> -> memref<1x512xi32, #tpu.memory_space<vmem>>
    %dma_start3A_56 = tpu.memref_squeeze %dma_start3A_55 : memref<1x512xi32, #tpu.memory_space<vmem>> -> memref<512xi32, #tpu.memory_space<vmem>>
    %dma_start3A_57 = arith.constant 0 : i32
    %dma_start3A_58 = tpu.memref_slice %arg3[%dma_start3A_57] : memref<32006144xf32, #tpu.memory_space<hbm>> -> memref<32006144xf32, #tpu.memory_space<hbm>>
    tpu.enqueue_indirect_dma source(%dma_start3A_58 : memref<32006144xf32, #tpu.memory_space<hbm>>) target(%dma_start3A_53 : memref<512xf32, #tpu.memory_space<vmem>>) offsets(%dma_start3A_56 : memref<512xi32, #tpu.memory_space<vmem>>) semaphore(%arg23 : memref<!tpu.dma_semaphore, #tpu.memory_space<semaphore_mem>>)
    %dma_start3A_59 = arith.constant 2 : i32
    %dma_start3A_60 = arith.constant 2 : i32
    %dma_start3A_61 = arith.constant 0 : i32
    %dma_start3A_62 = tpu.memref_slice %arg15[%dma_start3A_60, %dma_start3A_61] : memref<32x512xf32, #tpu.memory_space<vmem>> -> memref<1x512xf32, #tpu.memory_space<vmem>>
    %dma_start3A_63 = tpu.memref_squeeze %dma_start3A_62 : memref<1x512xf32, #tpu.memory_space<vmem>> -> memref<512xf32, #tpu.memory_space<vmem>>
    %dma_start3A_64 = arith.constant 0 : i32
    %dma_start3A_65 = tpu.memref_slice %arg13[%dma_start3A_59, %dma_start3A_64] : memref<32x512xi32, #tpu.memory_space<vmem>> -> memref<1x512xi32, #tpu.memory_space<vmem>>
    %dma_start3A_66 = tpu.memref_squeeze %dma_start3A_65 : memref<1x512xi32, #tpu.memory_space<vmem>> -> memref<512xi32, #tpu.memory_space<vmem>>
    %dma_start3A_67 = arith.constant 0 : i32
    %dma_start3A_68 = tpu.memref_slice %arg2[%dma_start3A_67] : memref<32006144xf32, #tpu.memory_space<hbm>> -> memref<32006144xf32, #tpu.memory_space<hbm>>
    tpu.enqueue_indirect_dma source(%dma_start3A_68 : memref<32006144xf32, #tpu.memory_space<hbm>>) target(%dma_start3A_63 : memref<512xf32, #tpu.memory_space<vmem>>) offsets(%dma_start3A_66 : memref<512xi32, #tpu.memory_space<vmem>>) semaphore(%arg22 : memref<!tpu.dma_semaphore, #tpu.memory_space<semaphore_mem>>)
    %dma_start3A_69 = arith.constant 2 : i32
    %dma_start3A_70 = arith.constant 2 : i32
    %dma_start3A_71 = arith.constant 0 : i32
    %dma_start3A_72 = tpu.memref_slice %arg16[%dma_start3A_70, %dma_start3A_71] : memref<32x512xf32, #tpu.memory_space<vmem>> -> memref<1x512xf32, #tpu.memory_space<vmem>>
    %dma_start3A_73 = tpu.memref_squeeze %dma_start3A_72 : memref<1x512xf32, #tpu.memory_space<vmem>> -> memref<512xf32, #tpu.memory_space<vmem>>
    %dma_start3A_74 = arith.constant 0 : i32
    %dma_start3A_75 = tpu.memref_slice %arg14[%dma_start3A_69, %dma_start3A_74] : memref<32x512xi32, #tpu.memory_space<vmem>> -> memref<1x512xi32, #tpu.memory_space<vmem>>
    %dma_start3A_76 = tpu.memref_squeeze %dma_start3A_75 : memref<1x512xi32, #tpu.memory_space<vmem>> -> memref<512xi32, #tpu.memory_space<vmem>>
    %dma_start3A_77 = arith.constant 0 : i32
    %dma_start3A_78 = tpu.memref_slice %arg3[%dma_start3A_77] : memref<32006144xf32, #tpu.memory_space<hbm>> -> memref<32006144xf32, #tpu.memory_space<hbm>>
    tpu.enqueue_indirect_dma source(%dma_start3A_78 : memref<32006144xf32, #tpu.memory_space<hbm>>) target(%dma_start3A_73 : memref<512xf32, #tpu.memory_space<vmem>>) offsets(%dma_start3A_76 : memref<512xi32, #tpu.memory_space<vmem>>) semaphore(%arg23 : memref<!tpu.dma_semaphore, #tpu.memory_space<semaphore_mem>>)
    %dma_start3A_79 = arith.constant 3 : i32
    %dma_start3A_80 = arith.constant 3 : i32
    %dma_start3A_81 = arith.constant 0 : i32
    %dma_start3A_82 = tpu.memref_slice %arg15[%dma_start3A_80, %dma_start3A_81] : memref<32x512xf32, #tpu.memory_space<vmem>> -> memref<1x512xf32, #tpu.memory_space<vmem>>
    %dma_start3A_83 = tpu.memref_squeeze %dma_start3A_82 : memref<1x512xf32, #tpu.memory_space<vmem>> -> memref<512xf32, #tpu.memory_space<vmem>>
    %dma_start3A_84 = arith.constant 0 : i32
    %dma_start3A_85 = tpu.memref_slice %arg13[%dma_start3A_79, %dma_start3A_84] : memref<32x512xi32, #tpu.memory_space<vmem>> -> memref<1x512xi32, #tpu.memory_space<vmem>>
    %dma_start3A_86 = tpu.memref_squeeze %dma_start3A_85 : memref<1x512xi32, #tpu.memory_space<vmem>> -> memref<512xi32, #tpu.memory_space<vmem>>
    %dma_start3A_87 = arith.constant 0 : i32
    %dma_start3A_88 = tpu.memref_slice %arg2[%dma_start3A_87] : memref<32006144xf32, #tpu.memory_space<hbm>> -> memref<32006144xf32, #tpu.memory_space<hbm>>
    tpu.enqueue_indirect_dma source(%dma_start3A_88 : memref<32006144xf32, #tpu.memory_space<hbm>>) target(%dma_start3A_83 : memref<512xf32, #tpu.memory_space<vmem>>) offsets(%dma_start3A_86 : memref<512xi32, #tpu.memory_space<vmem>>) semaphore(%arg22 : memref<!tpu.dma_semaphore, #tpu.memory_space<semaphore_mem>>)
    %dma_start3A_89 = arith.constant 3 : i32
    %dma_start3A_90 = arith.constant 3 : i32
    %dma_start3A_91 = arith.constant 0 : i32
    %dma_start3A_92 = tpu.memref_slice %arg16[%dma_start3A_90, %dma_start3A_91] : memref<32x512xf32, #tpu.memory_space<vmem>> -> memref<1x512xf32, #tpu.memory_space<vmem>>
    %dma_start3A_93 = tpu.memref_squeeze %dma_start3A_92 : memref<1x512xf32, #tpu.memory_space<vmem>> -> memref<512xf32, #tpu.memory_space<vmem>>
    %dma_start3A_94 = arith.constant 0 : i32
    %dma_start3A_95 = tpu.memref_slice %arg14[%dma_start3A_89, %dma_start3A_94] : memref<32x512xi32, #tpu.memory_space<vmem>> -> memref<1x512xi32, #tpu.memory_space<vmem>>
    %dma_start3A_96 = tpu.memref_squeeze %dma_start3A_95 : memref<1x512xi32, #tpu.memory_space<vmem>> -> memref<512xi32, #tpu.memory_space<vmem>>
    %dma_start3A_97 = arith.constant 0 : i32
    %dma_start3A_98 = tpu.memref_slice %arg3[%dma_start3A_97] : memref<32006144xf32, #tpu.memory_space<hbm>> -> memref<32006144xf32, #tpu.memory_space<hbm>>
    tpu.enqueue_indirect_dma source(%dma_start3A_98 : memref<32006144xf32, #tpu.memory_space<hbm>>) target(%dma_start3A_93 : memref<512xf32, #tpu.memory_space<vmem>>) offsets(%dma_start3A_96 : memref<512xi32, #tpu.memory_space<vmem>>) semaphore(%arg23 : memref<!tpu.dma_semaphore, #tpu.memory_space<semaphore_mem>>)
    %dma_start3A_99 = arith.constant 4 : i32
    %dma_start3A_100 = arith.constant 4 : i32
    %dma_start3A_101 = arith.constant 0 : i32
    %dma_start3A_102 = tpu.memref_slice %arg15[%dma_start3A_100, %dma_start3A_101] : memref<32x512xf32, #tpu.memory_space<vmem>> -> memref<1x512xf32, #tpu.memory_space<vmem>>
    %dma_start3A_103 = tpu.memref_squeeze %dma_start3A_102 : memref<1x512xf32, #tpu.memory_space<vmem>> -> memref<512xf32, #tpu.memory_space<vmem>>
    %dma_start3A_104 = arith.constant 0 : i32
    %dma_start3A_105 = tpu.memref_slice %arg13[%dma_start3A_99, %dma_start3A_104] : memref<32x512xi32, #tpu.memory_space<vmem>> -> memref<1x512xi32, #tpu.memory_space<vmem>>
    %dma_start3A_106 = tpu.memref_squeeze %dma_start3A_105 : memref<1x512xi32, #tpu.memory_space<vmem>> -> memref<512xi32, #tpu.memory_space<vmem>>
    %dma_start3A_107 = arith.constant 0 : i32
    %dma_start3A_108 = tpu.memref_slice %arg2[%dma_start3A_107] : memref<32006144xf32, #tpu.memory_space<hbm>> -> memref<32006144xf32, #tpu.memory_space<hbm>>
    tpu.enqueue_indirect_dma source(%dma_start3A_108 : memref<32006144xf32, #tpu.memory_space<hbm>>) target(%dma_start3A_103 : memref<512xf32, #tpu.memory_space<vmem>>) offsets(%dma_start3A_106 : memref<512xi32, #tpu.memory_space<vmem>>) semaphore(%arg22 : memref<!tpu.dma_semaphore, #tpu.memory_space<semaphore_mem>>)
    %dma_start3A_109 = arith.constant 4 : i32
    %dma_start3A_110 = arith.constant 4 : i32
    %dma_start3A_111 = arith.constant 0 : i32
    %dma_start3A_112 = tpu.memref_slice %arg16[%dma_start3A_110, %dma_start3A_111] : memref<32x512xf32, #tpu.memory_space<vmem>> -> memref<1x512xf32, #tpu.memory_space<vmem>>
    %dma_start3A_113 = tpu.memref_squeeze %dma_start3A_112 : memref<1x512xf32, #tpu.memory_space<vmem>> -> memref<512xf32, #tpu.memory_space<vmem>>
    %dma_start3A_114 = arith.constant 0 : i32
    %dma_start3A_115 = tpu.memref_slice %arg14[%dma_start3A_109, %dma_start3A_114] : memref<32x512xi32, #tpu.memory_space<vmem>> -> memref<1x512xi32, #tpu.memory_space<vmem>>
    %dma_start3A_116 = tpu.memref_squeeze %dma_start3A_115 : memref<1x512xi32, #tpu.memory_space<vmem>> -> memref<512xi32, #tpu.memory_space<vmem>>
    %dma_start3A_117 = arith.constant 0 : i32
    %dma_start3A_118 = tpu.memref_slice %arg3[%dma_start3A_117] : memref<32006144xf32, #tpu.memory_space<hbm>> -> memref<32006144xf32, #tpu.memory_space<hbm>>
    tpu.enqueue_indirect_dma source(%dma_start3A_118 : memref<32006144xf32, #tpu.memory_space<hbm>>) target(%dma_start3A_113 : memref<512xf32, #tpu.memory_space<vmem>>) offsets(%dma_start3A_116 : memref<512xi32, #tpu.memory_space<vmem>>) semaphore(%arg23 : memref<!tpu.dma_semaphore, #tpu.memory_space<semaphore_mem>>)
    %dma_start3A_119 = arith.constant 5 : i32
    %dma_start3A_120 = arith.constant 5 : i32
    %dma_start3A_121 = arith.constant 0 : i32
    %dma_start3A_122 = tpu.memref_slice %arg15[%dma_start3A_120, %dma_start3A_121] : memref<32x512xf32, #tpu.memory_space<vmem>> -> memref<1x512xf32, #tpu.memory_space<vmem>>
    %dma_start3A_123 = tpu.memref_squeeze %dma_start3A_122 : memref<1x512xf32, #tpu.memory_space<vmem>> -> memref<512xf32, #tpu.memory_space<vmem>>
    %dma_start3A_124 = arith.constant 0 : i32
    %dma_start3A_125 = tpu.memref_slice %arg13[%dma_start3A_119, %dma_start3A_124] : memref<32x512xi32, #tpu.memory_space<vmem>> -> memref<1x512xi32, #tpu.memory_space<vmem>>
    %dma_start3A_126 = tpu.memref_squeeze %dma_start3A_125 : memref<1x512xi32, #tpu.memory_space<vmem>> -> memref<512xi32, #tpu.memory_space<vmem>>
    %dma_start3A_127 = arith.constant 0 : i32
    %dma_start3A_128 = tpu.memref_slice %arg2[%dma_start3A_127] : memref<32006144xf32, #tpu.memory_space<hbm>> -> memref<32006144xf32, #tpu.memory_space<hbm>>
    tpu.enqueue_indirect_dma source(%dma_start3A_128 : memref<32006144xf32, #tpu.memory_space<hbm>>) target(%dma_start3A_123 : memref<512xf32, #tpu.memory_space<vmem>>) offsets(%dma_start3A_126 : memref<512xi32, #tpu.memory_space<vmem>>) semaphore(%arg22 : memref<!tpu.dma_semaphore, #tpu.memory_space<semaphore_mem>>)
    %dma_start3A_129 = arith.constant 5 : i32
    %dma_start3A_130 = arith.constant 5 : i32
    %dma_start3A_131 = arith.constant 0 : i32
    %dma_start3A_132 = tpu.memref_slice %arg16[%dma_start3A_130, %dma_start3A_131] : memref<32x512xf32, #tpu.memory_space<vmem>> -> memref<1x512xf32, #tpu.memory_space<vmem>>
    %dma_start3A_133 = tpu.memref_squeeze %dma_start3A_132 : memref<1x512xf32, #tpu.memory_space<vmem>> -> memref<512xf32, #tpu.memory_space<vmem>>
    %dma_start3A_134 = arith.constant 0 : i32
    %dma_start3A_135 = tpu.memref_slice %arg14[%dma_start3A_129, %dma_start3A_134] : memref<32x512xi32, #tpu.memory_space<vmem>> -> memref<1x512xi32, #tpu.memory_space<vmem>>
    %dma_start3A_136 = tpu.memref_squeeze %dma_start3A_135 : memref<1x512xi32, #tpu.memory_space<vmem>> -> memref<512xi32, #tpu.memory_space<vmem>>
    %dma_start3A_137 = arith.constant 0 : i32
    %dma_start3A_138 = tpu.memref_slice %arg3[%dma_start3A_137] : memref<32006144xf32, #tpu.memory_space<hbm>> -> memref<32006144xf32, #tpu.memory_space<hbm>>
    tpu.enqueue_indirect_dma source(%dma_start3A_138 : memref<32006144xf32, #tpu.memory_space<hbm>>) target(%dma_start3A_133 : memref<512xf32, #tpu.memory_space<vmem>>) offsets(%dma_start3A_136 : memref<512xi32, #tpu.memory_space<vmem>>) semaphore(%arg23 : memref<!tpu.dma_semaphore, #tpu.memory_space<semaphore_mem>>)
    %dma_start3A_139 = arith.constant 6 : i32
    %dma_start3A_140 = arith.constant 6 : i32
    %dma_start3A_141 = arith.constant 0 : i32
    %dma_start3A_142 = tpu.memref_slice %arg15[%dma_start3A_140, %dma_start3A_141] : memref<32x512xf32, #tpu.memory_space<vmem>> -> memref<1x512xf32, #tpu.memory_space<vmem>>
    %dma_start3A_143 = tpu.memref_squeeze %dma_start3A_142 : memref<1x512xf32, #tpu.memory_space<vmem>> -> memref<512xf32, #tpu.memory_space<vmem>>
    %dma_start3A_144 = arith.constant 0 : i32
    %dma_start3A_145 = tpu.memref_slice %arg13[%dma_start3A_139, %dma_start3A_144] : memref<32x512xi32, #tpu.memory_space<vmem>> -> memref<1x512xi32, #tpu.memory_space<vmem>>
    %dma_start3A_146 = tpu.memref_squeeze %dma_start3A_145 : memref<1x512xi32, #tpu.memory_space<vmem>> -> memref<512xi32, #tpu.memory_space<vmem>>
    %dma_start3A_147 = arith.constant 0 : i32
    %dma_start3A_148 = tpu.memref_slice %arg2[%dma_start3A_147] : memref<32006144xf32, #tpu.memory_space<hbm>> -> memref<32006144xf32, #tpu.memory_space<hbm>>
    tpu.enqueue_indirect_dma source(%dma_start3A_148 : memref<32006144xf32, #tpu.memory_space<hbm>>) target(%dma_start3A_143 : memref<512xf32, #tpu.memory_space<vmem>>) offsets(%dma_start3A_146 : memref<512xi32, #tpu.memory_space<vmem>>) semaphore(%arg22 : memref<!tpu.dma_semaphore, #tpu.memory_space<semaphore_mem>>)
    %dma_start3A_149 = arith.constant 6 : i32
    %dma_start3A_150 = arith.constant 6 : i32
    %dma_start3A_151 = arith.constant 0 : i32
    %dma_start3A_152 = tpu.memref_slice %arg16[%dma_start3A_150, %dma_start3A_151] : memref<32x512xf32, #tpu.memory_space<vmem>> -> memref<1x512xf32, #tpu.memory_space<vmem>>
    %dma_start3A_153 = tpu.memref_squeeze %dma_start3A_152 : memref<1x512xf32, #tpu.memory_space<vmem>> -> memref<512xf32, #tpu.memory_space<vmem>>
    %dma_start3A_154 = arith.constant 0 : i32
    %dma_start3A_155 = tpu.memref_slice %arg14[%dma_start3A_149, %dma_start3A_154] : memref<32x512xi32, #tpu.memory_space<vmem>> -> memref<1x512xi32, #tpu.memory_space<vmem>>
    %dma_start3A_156 = tpu.memref_squeeze %dma_start3A_155 : memref<1x512xi32, #tpu.memory_space<vmem>> -> memref<512xi32, #tpu.memory_space<vmem>>
    %dma_start3A_157 = arith.constant 0 : i32
    %dma_start3A_158 = tpu.memref_slice %arg3[%dma_start3A_157] : memref<32006144xf32, #tpu.memory_space<hbm>> -> memref<32006144xf32, #tpu.memory_space<hbm>>
    tpu.enqueue_indirect_dma source(%dma_start3A_158 : memref<32006144xf32, #tpu.memory_space<hbm>>) target(%dma_start3A_153 : memref<512xf32, #tpu.memory_space<vmem>>) offsets(%dma_start3A_156 : memref<512xi32, #tpu.memory_space<vmem>>) semaphore(%arg23 : memref<!tpu.dma_semaphore, #tpu.memory_space<semaphore_mem>>)
    %dma_start3A_159 = arith.constant 7 : i32
    %dma_start3A_160 = arith.constant 7 : i32
    %dma_start3A_161 = arith.constant 0 : i32
    %dma_start3A_162 = tpu.memref_slice %arg15[%dma_start3A_160, %dma_start3A_161] : memref<32x512xf32, #tpu.memory_space<vmem>> -> memref<1x512xf32, #tpu.memory_space<vmem>>
    %dma_start3A_163 = tpu.memref_squeeze %dma_start3A_162 : memref<1x512xf32, #tpu.memory_space<vmem>> -> memref<512xf32, #tpu.memory_space<vmem>>
    %dma_start3A_164 = arith.constant 0 : i32
    %dma_start3A_165 = tpu.memref_slice %arg13[%dma_start3A_159, %dma_start3A_164] : memref<32x512xi32, #tpu.memory_space<vmem>> -> memref<1x512xi32, #tpu.memory_space<vmem>>
    %dma_start3A_166 = tpu.memref_squeeze %dma_start3A_165 : memref<1x512xi32, #tpu.memory_space<vmem>> -> memref<512xi32, #tpu.memory_space<vmem>>
    %dma_start3A_167 = arith.constant 0 : i32
    %dma_start3A_168 = tpu.memref_slice %arg2[%dma_start3A_167] : memref<32006144xf32, #tpu.memory_space<hbm>> -> memref<32006144xf32, #tpu.memory_space<hbm>>
    tpu.enqueue_indirect_dma source(%dma_start3A_168 : memref<32006144xf32, #tpu.memory_space<hbm>>) target(%dma_start3A_163 : memref<512xf32, #tpu.memory_space<vmem>>) offsets(%dma_start3A_166 : memref<512xi32, #tpu.memory_space<vmem>>) semaphore(%arg22 : memref<!tpu.dma_semaphore, #tpu.memory_space<semaphore_mem>>)
    %dma_start3A_169 = arith.constant 7 : i32
    %dma_start3A_170 = arith.constant 7 : i32
    %dma_start3A_171 = arith.constant 0 : i32
    %dma_start3A_172 = tpu.memref_slice %arg16[%dma_start3A_170, %dma_start3A_171] : memref<32x512xf32, #tpu.memory_space<vmem>> -> memref<1x512xf32, #tpu.memory_space<vmem>>
    %dma_start3A_173 = tpu.memref_squeeze %dma_start3A_172 : memref<1x512xf32, #tpu.memory_space<vmem>> -> memref<512xf32, #tpu.memory_space<vmem>>
    %dma_start3A_174 = arith.constant 0 : i32
    %dma_start3A_175 = tpu.memref_slice %arg14[%dma_start3A_169, %dma_start3A_174] : memref<32x512xi32, #tpu.memory_space<vmem>> -> memref<1x512xi32, #tpu.memory_space<vmem>>
    %dma_start3A_176 = tpu.memref_squeeze %dma_start3A_175 : memref<1x512xi32, #tpu.memory_space<vmem>> -> memref<512xi32, #tpu.memory_space<vmem>>
    %dma_start3A_177 = arith.constant 0 : i32
    %dma_start3A_178 = tpu.memref_slice %arg3[%dma_start3A_177] : memref<32006144xf32, #tpu.memory_space<hbm>> -> memref<32006144xf32, #tpu.memory_space<hbm>>
    tpu.enqueue_indirect_dma source(%dma_start3A_178 : memref<32006144xf32, #tpu.memory_space<hbm>>) target(%dma_start3A_173 : memref<512xf32, #tpu.memory_space<vmem>>) offsets(%dma_start3A_176 : memref<512xi32, #tpu.memory_space<vmem>>) semaphore(%arg23 : memref<!tpu.dma_semaphore, #tpu.memory_space<semaphore_mem>>)
    %dma_start3A_179 = arith.constant 8 : i32
    %dma_start3A_180 = arith.constant 8 : i32
    %dma_start3A_181 = arith.constant 0 : i32
    %dma_start3A_182 = tpu.memref_slice %arg15[%dma_start3A_180, %dma_start3A_181] : memref<32x512xf32, #tpu.memory_space<vmem>> -> memref<1x512xf32, #tpu.memory_space<vmem>>
    %dma_start3A_183 = tpu.memref_squeeze %dma_start3A_182 : memref<1x512xf32, #tpu.memory_space<vmem>> -> memref<512xf32, #tpu.memory_space<vmem>>
    %dma_start3A_184 = arith.constant 0 : i32
    %dma_start3A_185 = tpu.memref_slice %arg13[%dma_start3A_179, %dma_start3A_184] : memref<32x512xi32, #tpu.memory_space<vmem>> -> memref<1x512xi32, #tpu.memory_space<vmem>>
    %dma_start3A_186 = tpu.memref_squeeze %dma_start3A_185 : memref<1x512xi32, #tpu.memory_space<vmem>> -> memref<512xi32, #tpu.memory_space<vmem>>
    %dma_start3A_187 = arith.constant 0 : i32
    %dma_start3A_188 = tpu.memref_slice %arg2[%dma_start3A_187] : memref<32006144xf32, #tpu.memory_space<hbm>> -> memref<32006144xf32, #tpu.memory_space<hbm>>
    tpu.enqueue_indirect_dma source(%dma_start3A_188 : memref<32006144xf32, #tpu.memory_space<hbm>>) target(%dma_start3A_183 : memref<512xf32, #tpu.memory_space<vmem>>) offsets(%dma_start3A_186 : memref<512xi32, #tpu.memory_space<vmem>>) semaphore(%arg22 : memref<!tpu.dma_semaphore, #tpu.memory_space<semaphore_mem>>)
    %dma_start3A_189 = arith.constant 8 : i32
    %dma_start3A_190 = arith.constant 8 : i32
    %dma_start3A_191 = arith.constant 0 : i32
    %dma_start3A_192 = tpu.memref_slice %arg16[%dma_start3A_190, %dma_start3A_191] : memref<32x512xf32, #tpu.memory_space<vmem>> -> memref<1x512xf32, #tpu.memory_space<vmem>>
    %dma_start3A_193 = tpu.memref_squeeze %dma_start3A_192 : memref<1x512xf32, #tpu.memory_space<vmem>> -> memref<512xf32, #tpu.memory_space<vmem>>
    %dma_start3A_194 = arith.constant 0 : i32
    %dma_start3A_195 = tpu.memref_slice %arg14[%dma_start3A_189, %dma_start3A_194] : memref<32x512xi32, #tpu.memory_space<vmem>> -> memref<1x512xi32, #tpu.memory_space<vmem>>
    %dma_start3A_196 = tpu.memref_squeeze %dma_start3A_195 : memref<1x512xi32, #tpu.memory_space<vmem>> -> memref<512xi32, #tpu.memory_space<vmem>>
    %dma_start3A_197 = arith.constant 0 : i32
    %dma_start3A_198 = tpu.memref_slice %arg3[%dma_start3A_197] : memref<32006144xf32, #tpu.memory_space<hbm>> -> memref<32006144xf32, #tpu.memory_space<hbm>>
    tpu.enqueue_indirect_dma source(%dma_start3A_198 : memref<32006144xf32, #tpu.memory_space<hbm>>) target(%dma_start3A_193 : memref<512xf32, #tpu.memory_space<vmem>>) offsets(%dma_start3A_196 : memref<512xi32, #tpu.memory_space<vmem>>) semaphore(%arg23 : memref<!tpu.dma_semaphore, #tpu.memory_space<semaphore_mem>>)
    %dma_start3A_199 = arith.constant 9 : i32
    %dma_start3A_200 = arith.constant 9 : i32
    %dma_start3A_201 = arith.constant 0 : i32
    %dma_start3A_202 = tpu.memref_slice %arg15[%dma_start3A_200, %dma_start3A_201] : memref<32x512xf32, #tpu.memory_space<vmem>> -> memref<1x512xf32, #tpu.memory_space<vmem>>
    %dma_start3A_203 = tpu.memref_squeeze %dma_start3A_202 : memref<1x512xf32, #tpu.memory_space<vmem>> -> memref<512xf32, #tpu.memory_space<vmem>>
    %dma_start3A_204 = arith.constant 0 : i32
    %dma_start3A_205 = tpu.memref_slice %arg13[%dma_start3A_199, %dma_start3A_204] : memref<32x512xi32, #tpu.memory_space<vmem>> -> memref<1x512xi32, #tpu.memory_space<vmem>>
    %dma_start3A_206 = tpu.memref_squeeze %dma_start3A_205 : memref<1x512xi32, #tpu.memory_space<vmem>> -> memref<512xi32, #tpu.memory_space<vmem>>
    %dma_start3A_207 = arith.constant 0 : i32
    %dma_start3A_208 = tpu.memref_slice %arg2[%dma_start3A_207] : memref<32006144xf32, #tpu.memory_space<hbm>> -> memref<32006144xf32, #tpu.memory_space<hbm>>
    tpu.enqueue_indirect_dma source(%dma_start3A_208 : memref<32006144xf32, #tpu.memory_space<hbm>>) target(%dma_start3A_203 : memref<512xf32, #tpu.memory_space<vmem>>) offsets(%dma_start3A_206 : memref<512xi32, #tpu.memory_space<vmem>>) semaphore(%arg22 : memref<!tpu.dma_semaphore, #tpu.memory_space<semaphore_mem>>)
    %dma_start3A_209 = arith.constant 9 : i32
    %dma_start3A_210 = arith.constant 9 : i32
    %dma_start3A_211 = arith.constant 0 : i32
    %dma_start3A_212 = tpu.memref_slice %arg16[%dma_start3A_210, %dma_start3A_211] : memref<32x512xf32, #tpu.memory_space<vmem>> -> memref<1x512xf32, #tpu.memory_space<vmem>>
    %dma_start3A_213 = tpu.memref_squeeze %dma_start3A_212 : memref<1x512xf32, #tpu.memory_space<vmem>> -> memref<512xf32, #tpu.memory_space<vmem>>
    %dma_start3A_214 = arith.constant 0 : i32
    %dma_start3A_215 = tpu.memref_slice %arg14[%dma_start3A_209, %dma_start3A_214] : memref<32x512xi32, #tpu.memory_space<vmem>> -> memref<1x512xi32, #tpu.memory_space<vmem>>
    %dma_start3A_216 = tpu.memref_squeeze %dma_start3A_215 : memref<1x512xi32, #tpu.memory_space<vmem>> -> memref<512xi32, #tpu.memory_space<vmem>>
    %dma_start3A_217 = arith.constant 0 : i32
    %dma_start3A_218 = tpu.memref_slice %arg3[%dma_start3A_217] : memref<32006144xf32, #tpu.memory_space<hbm>> -> memref<32006144xf32, #tpu.memory_space<hbm>>
    tpu.enqueue_indirect_dma source(%dma_start3A_218 : memref<32006144xf32, #tpu.memory_space<hbm>>) target(%dma_start3A_213 : memref<512xf32, #tpu.memory_space<vmem>>) offsets(%dma_start3A_216 : memref<512xi32, #tpu.memory_space<vmem>>) semaphore(%arg23 : memref<!tpu.dma_semaphore, #tpu.memory_space<semaphore_mem>>)
    %dma_start3A_219 = arith.constant 10 : i32
    %dma_start3A_220 = arith.constant 10 : i32
    %dma_start3A_221 = arith.constant 0 : i32
    %dma_start3A_222 = tpu.memref_slice %arg15[%dma_start3A_220, %dma_start3A_221] : memref<32x512xf32, #tpu.memory_space<vmem>> -> memref<1x512xf32, #tpu.memory_space<vmem>>
    %dma_start3A_223 = tpu.memref_squeeze %dma_start3A_222 : memref<1x512xf32, #tpu.memory_space<vmem>> -> memref<512xf32, #tpu.memory_space<vmem>>
    %dma_start3A_224 = arith.constant 0 : i32
    %dma_start3A_225 = tpu.memref_slice %arg13[%dma_start3A_219, %dma_start3A_224] : memref<32x512xi32, #tpu.memory_space<vmem>> -> memref<1x512xi32, #tpu.memory_space<vmem>>
    %dma_start3A_226 = tpu.memref_squeeze %dma_start3A_225 : memref<1x512xi32, #tpu.memory_space<vmem>> -> memref<512xi32, #tpu.memory_space<vmem>>
    %dma_start3A_227 = arith.constant 0 : i32
    %dma_start3A_228 = tpu.memref_slice %arg2[%dma_start3A_227] : memref<32006144xf32, #tpu.memory_space<hbm>> -> memref<32006144xf32, #tpu.memory_space<hbm>>
    tpu.enqueue_indirect_dma source(%dma_start3A_228 : memref<32006144xf32, #tpu.memory_space<hbm>>) target(%dma_start3A_223 : memref<512xf32, #tpu.memory_space<vmem>>) offsets(%dma_start3A_226 : memref<512xi32, #tpu.memory_space<vmem>>) semaphore(%arg22 : memref<!tpu.dma_semaphore, #tpu.memory_space<semaphore_mem>>)
    %dma_start3A_229 = arith.constant 10 : i32
    %dma_start3A_230 = arith.constant 10 : i32
    %dma_start3A_231 = arith.constant 0 : i32
    %dma_start3A_232 = tpu.memref_slice %arg16[%dma_start3A_230, %dma_start3A_231] : memref<32x512xf32, #tpu.memory_space<vmem>> -> memref<1x512xf32, #tpu.memory_space<vmem>>
    %dma_start3A_233 = tpu.memref_squeeze %dma_start3A_232 : memref<1x512xf32, #tpu.memory_space<vmem>> -> memref<512xf32, #tpu.memory_space<vmem>>
    %dma_start3A_234 = arith.constant 0 : i32
    %dma_start3A_235 = tpu.memref_slice %arg14[%dma_start3A_229, %dma_start3A_234] : memref<32x512xi32, #tpu.memory_space<vmem>> -> memref<1x512xi32, #tpu.memory_space<vmem>>
    %dma_start3A_236 = tpu.memref_squeeze %dma_start3A_235 : memref<1x512xi32, #tpu.memory_space<vmem>> -> memref<512xi32, #tpu.memory_space<vmem>>
    %dma_start3A_237 = arith.constant 0 : i32
    %dma_start3A_238 = tpu.memref_slice %arg3[%dma_start3A_237] : memref<32006144xf32, #tpu.memory_space<hbm>> -> memref<32006144xf32, #tpu.memory_space<hbm>>
    tpu.enqueue_indirect_dma source(%dma_start3A_238 : memref<32006144xf32, #tpu.memory_space<hbm>>) target(%dma_start3A_233 : memref<512xf32, #tpu.memory_space<vmem>>) offsets(%dma_start3A_236 : memref<512xi32, #tpu.memory_space<vmem>>) semaphore(%arg23 : memref<!tpu.dma_semaphore, #tpu.memory_space<semaphore_mem>>)
    %dma_start3A_239 = arith.constant 11 : i32
    %dma_start3A_240 = arith.constant 11 : i32
    %dma_start3A_241 = arith.constant 0 : i32
    %dma_start3A_242 = tpu.memref_slice %arg15[%dma_start3A_240, %dma_start3A_241] : memref<32x512xf32, #tpu.memory_space<vmem>> -> memref<1x512xf32, #tpu.memory_space<vmem>>
    %dma_start3A_243 = tpu.memref_squeeze %dma_start3A_242 : memref<1x512xf32, #tpu.memory_space<vmem>> -> memref<512xf32, #tpu.memory_space<vmem>>
    %dma_start3A_244 = arith.constant 0 : i32
    %dma_start3A_245 = tpu.memref_slice %arg13[%dma_start3A_239, %dma_start3A_244] : memref<32x512xi32, #tpu.memory_space<vmem>> -> memref<1x512xi32, #tpu.memory_space<vmem>>
    %dma_start3A_246 = tpu.memref_squeeze %dma_start3A_245 : memref<1x512xi32, #tpu.memory_space<vmem>> -> memref<512xi32, #tpu.memory_space<vmem>>
    %dma_start3A_247 = arith.constant 0 : i32
    %dma_start3A_248 = tpu.memref_slice %arg2[%dma_start3A_247] : memref<32006144xf32, #tpu.memory_space<hbm>> -> memref<32006144xf32, #tpu.memory_space<hbm>>
    tpu.enqueue_indirect_dma source(%dma_start3A_248 : memref<32006144xf32, #tpu.memory_space<hbm>>) target(%dma_start3A_243 : memref<512xf32, #tpu.memory_space<vmem>>) offsets(%dma_start3A_246 : memref<512xi32, #tpu.memory_space<vmem>>) semaphore(%arg22 : memref<!tpu.dma_semaphore, #tpu.memory_space<semaphore_mem>>)
    %dma_start3A_249 = arith.constant 11 : i32
    %dma_start3A_250 = arith.constant 11 : i32
    %dma_start3A_251 = arith.constant 0 : i32
    %dma_start3A_252 = tpu.memref_slice %arg16[%dma_start3A_250, %dma_start3A_251] : memref<32x512xf32, #tpu.memory_space<vmem>> -> memref<1x512xf32, #tpu.memory_space<vmem>>
    %dma_start3A_253 = tpu.memref_squeeze %dma_start3A_252 : memref<1x512xf32, #tpu.memory_space<vmem>> -> memref<512xf32, #tpu.memory_space<vmem>>
    %dma_start3A_254 = arith.constant 0 : i32
    %dma_start3A_255 = tpu.memref_slice %arg14[%dma_start3A_249, %dma_start3A_254] : memref<32x512xi32, #tpu.memory_space<vmem>> -> memref<1x512xi32, #tpu.memory_space<vmem>>
    %dma_start3A_256 = tpu.memref_squeeze %dma_start3A_255 : memref<1x512xi32, #tpu.memory_space<vmem>> -> memref<512xi32, #tpu.memory_space<vmem>>
    %dma_start3A_257 = arith.constant 0 : i32
    %dma_start3A_258 = tpu.memref_slice %arg3[%dma_start3A_257] : memref<32006144xf32, #tpu.memory_space<hbm>> -> memref<32006144xf32, #tpu.memory_space<hbm>>
    tpu.enqueue_indirect_dma source(%dma_start3A_258 : memref<32006144xf32, #tpu.memory_space<hbm>>) target(%dma_start3A_253 : memref<512xf32, #tpu.memory_space<vmem>>) offsets(%dma_start3A_256 : memref<512xi32, #tpu.memory_space<vmem>>) semaphore(%arg23 : memref<!tpu.dma_semaphore, #tpu.memory_space<semaphore_mem>>)
    %dma_start3A_259 = arith.constant 12 : i32
    %dma_start3A_260 = arith.constant 12 : i32
    %dma_start3A_261 = arith.constant 0 : i32
    %dma_start3A_262 = tpu.memref_slice %arg15[%dma_start3A_260, %dma_start3A_261] : memref<32x512xf32, #tpu.memory_space<vmem>> -> memref<1x512xf32, #tpu.memory_space<vmem>>
    %dma_start3A_263 = tpu.memref_squeeze %dma_start3A_262 : memref<1x512xf32, #tpu.memory_space<vmem>> -> memref<512xf32, #tpu.memory_space<vmem>>
    %dma_start3A_264 = arith.constant 0 : i32
    %dma_start3A_265 = tpu.memref_slice %arg13[%dma_start3A_259, %dma_start3A_264] : memref<32x512xi32, #tpu.memory_space<vmem>> -> memref<1x512xi32, #tpu.memory_space<vmem>>
    %dma_start3A_266 = tpu.memref_squeeze %dma_start3A_265 : memref<1x512xi32, #tpu.memory_space<vmem>> -> memref<512xi32, #tpu.memory_space<vmem>>
    %dma_start3A_267 = arith.constant 0 : i32
    %dma_start3A_268 = tpu.memref_slice %arg2[%dma_start3A_267] : memref<32006144xf32, #tpu.memory_space<hbm>> -> memref<32006144xf32, #tpu.memory_space<hbm>>
    tpu.enqueue_indirect_dma source(%dma_start3A_268 : memref<32006144xf32, #tpu.memory_space<hbm>>) target(%dma_start3A_263 : memref<512xf32, #tpu.memory_space<vmem>>) offsets(%dma_start3A_266 : memref<512xi32, #tpu.memory_space<vmem>>) semaphore(%arg22 : memref<!tpu.dma_semaphore, #tpu.memory_space<semaphore_mem>>)
    %dma_start3A_269 = arith.constant 12 : i32
    %dma_start3A_270 = arith.constant 12 : i32
    %dma_start3A_271 = arith.constant 0 : i32
    %dma_start3A_272 = tpu.memref_slice %arg16[%dma_start3A_270, %dma_start3A_271] : memref<32x512xf32, #tpu.memory_space<vmem>> -> memref<1x512xf32, #tpu.memory_space<vmem>>
    %dma_start3A_273 = tpu.memref_squeeze %dma_start3A_272 : memref<1x512xf32, #tpu.memory_space<vmem>> -> memref<512xf32, #tpu.memory_space<vmem>>
    %dma_start3A_274 = arith.constant 0 : i32
    %dma_start3A_275 = tpu.memref_slice %arg14[%dma_start3A_269, %dma_start3A_274] : memref<32x512xi32, #tpu.memory_space<vmem>> -> memref<1x512xi32, #tpu.memory_space<vmem>>
    %dma_start3A_276 = tpu.memref_squeeze %dma_start3A_275 : memref<1x512xi32, #tpu.memory_space<vmem>> -> memref<512xi32, #tpu.memory_space<vmem>>
    %dma_start3A_277 = arith.constant 0 : i32
    %dma_start3A_278 = tpu.memref_slice %arg3[%dma_start3A_277] : memref<32006144xf32, #tpu.memory_space<hbm>> -> memref<32006144xf32, #tpu.memory_space<hbm>>
    tpu.enqueue_indirect_dma source(%dma_start3A_278 : memref<32006144xf32, #tpu.memory_space<hbm>>) target(%dma_start3A_273 : memref<512xf32, #tpu.memory_space<vmem>>) offsets(%dma_start3A_276 : memref<512xi32, #tpu.memory_space<vmem>>) semaphore(%arg23 : memref<!tpu.dma_semaphore, #tpu.memory_space<semaphore_mem>>)
    %dma_start3A_279 = arith.constant 13 : i32
    %dma_start3A_280 = arith.constant 13 : i32
    %dma_start3A_281 = arith.constant 0 : i32
    %dma_start3A_282 = tpu.memref_slice %arg15[%dma_start3A_280, %dma_start3A_281] : memref<32x512xf32, #tpu.memory_space<vmem>> -> memref<1x512xf32, #tpu.memory_space<vmem>>
    %dma_start3A_283 = tpu.memref_squeeze %dma_start3A_282 : memref<1x512xf32, #tpu.memory_space<vmem>> -> memref<512xf32, #tpu.memory_space<vmem>>
    %dma_start3A_284 = arith.constant 0 : i32
    %dma_start3A_285 = tpu.memref_slice %arg13[%dma_start3A_279, %dma_start3A_284] : memref<32x512xi32, #tpu.memory_space<vmem>> -> memref<1x512xi32, #tpu.memory_space<vmem>>
    %dma_start3A_286 = tpu.memref_squeeze %dma_start3A_285 : memref<1x512xi32, #tpu.memory_space<vmem>> -> memref<512xi32, #tpu.memory_space<vmem>>
    %dma_start3A_287 = arith.constant 0 : i32
    %dma_start3A_288 = tpu.memref_slice %arg2[%dma_start3A_287] : memref<32006144xf32, #tpu.memory_space<hbm>> -> memref<32006144xf32, #tpu.memory_space<hbm>>
    tpu.enqueue_indirect_dma source(%dma_start3A_288 : memref<32006144xf32, #tpu.memory_space<hbm>>) target(%dma_start3A_283 : memref<512xf32, #tpu.memory_space<vmem>>) offsets(%dma_start3A_286 : memref<512xi32, #tpu.memory_space<vmem>>) semaphore(%arg22 : memref<!tpu.dma_semaphore, #tpu.memory_space<semaphore_mem>>)
    %dma_start3A_289 = arith.constant 13 : i32
    %dma_start3A_290 = arith.constant 13 : i32
    %dma_start3A_291 = arith.constant 0 : i32
    %dma_start3A_292 = tpu.memref_slice %arg16[%dma_start3A_290, %dma_start3A_291] : memref<32x512xf32, #tpu.memory_space<vmem>> -> memref<1x512xf32, #tpu.memory_space<vmem>>
    %dma_start3A_293 = tpu.memref_squeeze %dma_start3A_292 : memref<1x512xf32, #tpu.memory_space<vmem>> -> memref<512xf32, #tpu.memory_space<vmem>>
    %dma_start3A_294 = arith.constant 0 : i32
    %dma_start3A_295 = tpu.memref_slice %arg14[%dma_start3A_289, %dma_start3A_294] : memref<32x512xi32, #tpu.memory_space<vmem>> -> memref<1x512xi32, #tpu.memory_space<vmem>>
    %dma_start3A_296 = tpu.memref_squeeze %dma_start3A_295 : memref<1x512xi32, #tpu.memory_space<vmem>> -> memref<512xi32, #tpu.memory_space<vmem>>
    %dma_start3A_297 = arith.constant 0 : i32
    %dma_start3A_298 = tpu.memref_slice %arg3[%dma_start3A_297] : memref<32006144xf32, #tpu.memory_space<hbm>> -> memref<32006144xf32, #tpu.memory_space<hbm>>
    tpu.enqueue_indirect_dma source(%dma_start3A_298 : memref<32006144xf32, #tpu.memory_space<hbm>>) target(%dma_start3A_293 : memref<512xf32, #tpu.memory_space<vmem>>) offsets(%dma_start3A_296 : memref<512xi32, #tpu.memory_space<vmem>>) semaphore(%arg23 : memref<!tpu.dma_semaphore, #tpu.memory_space<semaphore_mem>>)
    %dma_start3A_299 = arith.constant 14 : i32
    %dma_start3A_300 = arith.constant 14 : i32
    %dma_start3A_301 = arith.constant 0 : i32
    %dma_start3A_302 = tpu.memref_slice %arg15[%dma_start3A_300, %dma_start3A_301] : memref<32x512xf32, #tpu.memory_space<vmem>> -> memref<1x512xf32, #tpu.memory_space<vmem>>
    %dma_start3A_303 = tpu.memref_squeeze %dma_start3A_302 : memref<1x512xf32, #tpu.memory_space<vmem>> -> memref<512xf32, #tpu.memory_space<vmem>>
    %dma_start3A_304 = arith.constant 0 : i32
    %dma_start3A_305 = tpu.memref_slice %arg13[%dma_start3A_299, %dma_start3A_304] : memref<32x512xi32, #tpu.memory_space<vmem>> -> memref<1x512xi32, #tpu.memory_space<vmem>>
    %dma_start3A_306 = tpu.memref_squeeze %dma_start3A_305 : memref<1x512xi32, #tpu.memory_space<vmem>> -> memref<512xi32, #tpu.memory_space<vmem>>
    %dma_start3A_307 = arith.constant 0 : i32
    %dma_start3A_308 = tpu.memref_slice %arg2[%dma_start3A_307] : memref<32006144xf32, #tpu.memory_space<hbm>> -> memref<32006144xf32, #tpu.memory_space<hbm>>
    tpu.enqueue_indirect_dma source(%dma_start3A_308 : memref<32006144xf32, #tpu.memory_space<hbm>>) target(%dma_start3A_303 : memref<512xf32, #tpu.memory_space<vmem>>) offsets(%dma_start3A_306 : memref<512xi32, #tpu.memory_space<vmem>>) semaphore(%arg22 : memref<!tpu.dma_semaphore, #tpu.memory_space<semaphore_mem>>)
    %dma_start3A_309 = arith.constant 14 : i32
    %dma_start3A_310 = arith.constant 14 : i32
    %dma_start3A_311 = arith.constant 0 : i32
    %dma_start3A_312 = tpu.memref_slice %arg16[%dma_start3A_310, %dma_start3A_311] : memref<32x512xf32, #tpu.memory_space<vmem>> -> memref<1x512xf32, #tpu.memory_space<vmem>>
    %dma_start3A_313 = tpu.memref_squeeze %dma_start3A_312 : memref<1x512xf32, #tpu.memory_space<vmem>> -> memref<512xf32, #tpu.memory_space<vmem>>
    %dma_start3A_314 = arith.constant 0 : i32
    %dma_start3A_315 = tpu.memref_slice %arg14[%dma_start3A_309, %dma_start3A_314] : memref<32x512xi32, #tpu.memory_space<vmem>> -> memref<1x512xi32, #tpu.memory_space<vmem>>
    %dma_start3A_316 = tpu.memref_squeeze %dma_start3A_315 : memref<1x512xi32, #tpu.memory_space<vmem>> -> memref<512xi32, #tpu.memory_space<vmem>>
    %dma_start3A_317 = arith.constant 0 : i32
    %dma_start3A_318 = tpu.memref_slice %arg3[%dma_start3A_317] : memref<32006144xf32, #tpu.memory_space<hbm>> -> memref<32006144xf32, #tpu.memory_space<hbm>>
    tpu.enqueue_indirect_dma source(%dma_start3A_318 : memref<32006144xf32, #tpu.memory_space<hbm>>) target(%dma_start3A_313 : memref<512xf32, #tpu.memory_space<vmem>>) offsets(%dma_start3A_316 : memref<512xi32, #tpu.memory_space<vmem>>) semaphore(%arg23 : memref<!tpu.dma_semaphore, #tpu.memory_space<semaphore_mem>>)
    %dma_start3A_319 = arith.constant 15 : i32
    %dma_start3A_320 = arith.constant 15 : i32
    %dma_start3A_321 = arith.constant 0 : i32
    %dma_start3A_322 = tpu.memref_slice %arg15[%dma_start3A_320, %dma_start3A_321] : memref<32x512xf32, #tpu.memory_space<vmem>> -> memref<1x512xf32, #tpu.memory_space<vmem>>
    %dma_start3A_323 = tpu.memref_squeeze %dma_start3A_322 : memref<1x512xf32, #tpu.memory_space<vmem>> -> memref<512xf32, #tpu.memory_space<vmem>>
    %dma_start3A_324 = arith.constant 0 : i32
    %dma_start3A_325 = tpu.memref_slice %arg13[%dma_start3A_319, %dma_start3A_324] : memref<32x512xi32, #tpu.memory_space<vmem>> -> memref<1x512xi32, #tpu.memory_space<vmem>>
    %dma_start3A_326 = tpu.memref_squeeze %dma_start3A_325 : memref<1x512xi32, #tpu.memory_space<vmem>> -> memref<512xi32, #tpu.memory_space<vmem>>
    %dma_start3A_327 = arith.constant 0 : i32
    %dma_start3A_328 = tpu.memref_slice %arg2[%dma_start3A_327] : memref<32006144xf32, #tpu.memory_space<hbm>> -> memref<32006144xf32, #tpu.memory_space<hbm>>
    tpu.enqueue_indirect_dma source(%dma_start3A_328 : memref<32006144xf32, #tpu.memory_space<hbm>>) target(%dma_start3A_323 : memref<512xf32, #tpu.memory_space<vmem>>) offsets(%dma_start3A_326 : memref<512xi32, #tpu.memory_space<vmem>>) semaphore(%arg22 : memref<!tpu.dma_semaphore, #tpu.memory_space<semaphore_mem>>)
    %dma_start3A_329 = arith.constant 15 : i32
    %dma_start3A_330 = arith.constant 15 : i32
    %dma_start3A_331 = arith.constant 0 : i32
    %dma_start3A_332 = tpu.memref_slice %arg16[%dma_start3A_330, %dma_start3A_331] : memref<32x512xf32, #tpu.memory_space<vmem>> -> memref<1x512xf32, #tpu.memory_space<vmem>>
    %dma_start3A_333 = tpu.memref_squeeze %dma_start3A_332 : memref<1x512xf32, #tpu.memory_space<vmem>> -> memref<512xf32, #tpu.memory_space<vmem>>
    %dma_start3A_334 = arith.constant 0 : i32
    %dma_start3A_335 = tpu.memref_slice %arg14[%dma_start3A_329, %dma_start3A_334] : memref<32x512xi32, #tpu.memory_space<vmem>> -> memref<1x512xi32, #tpu.memory_space<vmem>>
    %dma_start3A_336 = tpu.memref_squeeze %dma_start3A_335 : memref<1x512xi32, #tpu.memory_space<vmem>> -> memref<512xi32, #tpu.memory_space<vmem>>
    %dma_start3A_337 = arith.constant 0 : i32
    %dma_start3A_338 = tpu.memref_slice %arg3[%dma_start3A_337] : memref<32006144xf32, #tpu.memory_space<hbm>> -> memref<32006144xf32, #tpu.memory_space<hbm>>
    tpu.enqueue_indirect_dma source(%dma_start3A_338 : memref<32006144xf32, #tpu.memory_space<hbm>>) target(%dma_start3A_333 : memref<512xf32, #tpu.memory_space<vmem>>) offsets(%dma_start3A_336 : memref<512xi32, #tpu.memory_space<vmem>>) semaphore(%arg23 : memref<!tpu.dma_semaphore, #tpu.memory_space<semaphore_mem>>)
    %dma_start3A_339 = arith.constant 16 : i32
    %dma_start3A_340 = arith.constant 16 : i32
    %dma_start3A_341 = arith.constant 0 : i32
    %dma_start3A_342 = tpu.memref_slice %arg15[%dma_start3A_340, %dma_start3A_341] : memref<32x512xf32, #tpu.memory_space<vmem>> -> memref<1x512xf32, #tpu.memory_space<vmem>>
    %dma_start3A_343 = tpu.memref_squeeze %dma_start3A_342 : memref<1x512xf32, #tpu.memory_space<vmem>> -> memref<512xf32, #tpu.memory_space<vmem>>
    %dma_start3A_344 = arith.constant 0 : i32
    %dma_start3A_345 = tpu.memref_slice %arg13[%dma_start3A_339, %dma_start3A_344] : memref<32x512xi32, #tpu.memory_space<vmem>> -> memref<1x512xi32, #tpu.memory_space<vmem>>
    %dma_start3A_346 = tpu.memref_squeeze %dma_start3A_345 : memref<1x512xi32, #tpu.memory_space<vmem>> -> memref<512xi32, #tpu.memory_space<vmem>>
    %dma_start3A_347 = arith.constant 0 : i32
    %dma_start3A_348 = tpu.memref_slice %arg2[%dma_start3A_347] : memref<32006144xf32, #tpu.memory_space<hbm>> -> memref<32006144xf32, #tpu.memory_space<hbm>>
    tpu.enqueue_indirect_dma source(%dma_start3A_348 : memref<32006144xf32, #tpu.memory_space<hbm>>) target(%dma_start3A_343 : memref<512xf32, #tpu.memory_space<vmem>>) offsets(%dma_start3A_346 : memref<512xi32, #tpu.memory_space<vmem>>) semaphore(%arg22 : memref<!tpu.dma_semaphore, #tpu.memory_space<semaphore_mem>>)
    %dma_start3A_349 = arith.constant 16 : i32
    %dma_start3A_350 = arith.constant 16 : i32
    %dma_start3A_351 = arith.constant 0 : i32
    %dma_start3A_352 = tpu.memref_slice %arg16[%dma_start3A_350, %dma_start3A_351] : memref<32x512xf32, #tpu.memory_space<vmem>> -> memref<1x512xf32, #tpu.memory_space<vmem>>
    %dma_start3A_353 = tpu.memref_squeeze %dma_start3A_352 : memref<1x512xf32, #tpu.memory_space<vmem>> -> memref<512xf32, #tpu.memory_space<vmem>>
    %dma_start3A_354 = arith.constant 0 : i32
    %dma_start3A_355 = tpu.memref_slice %arg14[%dma_start3A_349, %dma_start3A_354] : memref<32x512xi32, #tpu.memory_space<vmem>> -> memref<1x512xi32, #tpu.memory_space<vmem>>
    %dma_start3A_356 = tpu.memref_squeeze %dma_start3A_355 : memref<1x512xi32, #tpu.memory_space<vmem>> -> memref<512xi32, #tpu.memory_space<vmem>>
    %dma_start3A_357 = arith.constant 0 : i32
    %dma_start3A_358 = tpu.memref_slice %arg3[%dma_start3A_357] : memref<32006144xf32, #tpu.memory_space<hbm>> -> memref<32006144xf32, #tpu.memory_space<hbm>>
    tpu.enqueue_indirect_dma source(%dma_start3A_358 : memref<32006144xf32, #tpu.memory_space<hbm>>) target(%dma_start3A_353 : memref<512xf32, #tpu.memory_space<vmem>>) offsets(%dma_start3A_356 : memref<512xi32, #tpu.memory_space<vmem>>) semaphore(%arg23 : memref<!tpu.dma_semaphore, #tpu.memory_space<semaphore_mem>>)
    %dma_start3A_359 = arith.constant 17 : i32
    %dma_start3A_360 = arith.constant 17 : i32
    %dma_start3A_361 = arith.constant 0 : i32
    %dma_start3A_362 = tpu.memref_slice %arg15[%dma_start3A_360, %dma_start3A_361] : memref<32x512xf32, #tpu.memory_space<vmem>> -> memref<1x512xf32, #tpu.memory_space<vmem>>
    %dma_start3A_363 = tpu.memref_squeeze %dma_start3A_362 : memref<1x512xf32, #tpu.memory_space<vmem>> -> memref<512xf32, #tpu.memory_space<vmem>>
    %dma_start3A_364 = arith.constant 0 : i32
    %dma_start3A_365 = tpu.memref_slice %arg13[%dma_start3A_359, %dma_start3A_364] : memref<32x512xi32, #tpu.memory_space<vmem>> -> memref<1x512xi32, #tpu.memory_space<vmem>>
    %dma_start3A_366 = tpu.memref_squeeze %dma_start3A_365 : memref<1x512xi32, #tpu.memory_space<vmem>> -> memref<512xi32, #tpu.memory_space<vmem>>
    %dma_start3A_367 = arith.constant 0 : i32
    %dma_start3A_368 = tpu.memref_slice %arg2[%dma_start3A_367] : memref<32006144xf32, #tpu.memory_space<hbm>> -> memref<32006144xf32, #tpu.memory_space<hbm>>
    tpu.enqueue_indirect_dma source(%dma_start3A_368 : memref<32006144xf32, #tpu.memory_space<hbm>>) target(%dma_start3A_363 : memref<512xf32, #tpu.memory_space<vmem>>) offsets(%dma_start3A_366 : memref<512xi32, #tpu.memory_space<vmem>>) semaphore(%arg22 : memref<!tpu.dma_semaphore, #tpu.memory_space<semaphore_mem>>)
    %dma_start3A_369 = arith.constant 17 : i32
    %dma_start3A_370 = arith.constant 17 : i32
    %dma_start3A_371 = arith.constant 0 : i32
    %dma_start3A_372 = tpu.memref_slice %arg16[%dma_start3A_370, %dma_start3A_371] : memref<32x512xf32, #tpu.memory_space<vmem>> -> memref<1x512xf32, #tpu.memory_space<vmem>>
    %dma_start3A_373 = tpu.memref_squeeze %dma_start3A_372 : memref<1x512xf32, #tpu.memory_space<vmem>> -> memref<512xf32, #tpu.memory_space<vmem>>
    %dma_start3A_374 = arith.constant 0 : i32
    %dma_start3A_375 = tpu.memref_slice %arg14[%dma_start3A_369, %dma_start3A_374] : memref<32x512xi32, #tpu.memory_space<vmem>> -> memref<1x512xi32, #tpu.memory_space<vmem>>
    %dma_start3A_376 = tpu.memref_squeeze %dma_start3A_375 : memref<1x512xi32, #tpu.memory_space<vmem>> -> memref<512xi32, #tpu.memory_space<vmem>>
    %dma_start3A_377 = arith.constant 0 : i32
    %dma_start3A_378 = tpu.memref_slice %arg3[%dma_start3A_377] : memref<32006144xf32, #tpu.memory_space<hbm>> -> memref<32006144xf32, #tpu.memory_space<hbm>>
    tpu.enqueue_indirect_dma source(%dma_start3A_378 : memref<32006144xf32, #tpu.memory_space<hbm>>) target(%dma_start3A_373 : memref<512xf32, #tpu.memory_space<vmem>>) offsets(%dma_start3A_376 : memref<512xi32, #tpu.memory_space<vmem>>) semaphore(%arg23 : memref<!tpu.dma_semaphore, #tpu.memory_space<semaphore_mem>>)
    %dma_start3A_379 = arith.constant 18 : i32
    %dma_start3A_380 = arith.constant 18 : i32
    %dma_start3A_381 = arith.constant 0 : i32
    %dma_start3A_382 = tpu.memref_slice %arg15[%dma_start3A_380, %dma_start3A_381] : memref<32x512xf32, #tpu.memory_space<vmem>> -> memref<1x512xf32, #tpu.memory_space<vmem>>
    %dma_start3A_383 = tpu.memref_squeeze %dma_start3A_382 : memref<1x512xf32, #tpu.memory_space<vmem>> -> memref<512xf32, #tpu.memory_space<vmem>>
    %dma_start3A_384 = arith.constant 0 : i32
    %dma_start3A_385 = tpu.memref_slice %arg13[%dma_start3A_379, %dma_start3A_384] : memref<32x512xi32, #tpu.memory_space<vmem>> -> memref<1x512xi32, #tpu.memory_space<vmem>>
    %dma_start3A_386 = tpu.memref_squeeze %dma_start3A_385 : memref<1x512xi32, #tpu.memory_space<vmem>> -> memref<512xi32, #tpu.memory_space<vmem>>
    %dma_start3A_387 = arith.constant 0 : i32
    %dma_start3A_388 = tpu.memref_slice %arg2[%dma_start3A_387] : memref<32006144xf32, #tpu.memory_space<hbm>> -> memref<32006144xf32, #tpu.memory_space<hbm>>
    tpu.enqueue_indirect_dma source(%dma_start3A_388 : memref<32006144xf32, #tpu.memory_space<hbm>>) target(%dma_start3A_383 : memref<512xf32, #tpu.memory_space<vmem>>) offsets(%dma_start3A_386 : memref<512xi32, #tpu.memory_space<vmem>>) semaphore(%arg22 : memref<!tpu.dma_semaphore, #tpu.memory_space<semaphore_mem>>)
    %dma_start3A_389 = arith.constant 18 : i32
    %dma_start3A_390 = arith.constant 18 : i32
    %dma_start3A_391 = arith.constant 0 : i32
    %dma_start3A_392 = tpu.memref_slice %arg16[%dma_start3A_390, %dma_start3A_391] : memref<32x512xf32, #tpu.memory_space<vmem>> -> memref<1x512xf32, #tpu.memory_space<vmem>>
    %dma_start3A_393 = tpu.memref_squeeze %dma_start3A_392 : memref<1x512xf32, #tpu.memory_space<vmem>> -> memref<512xf32, #tpu.memory_space<vmem>>
    %dma_start3A_394 = arith.constant 0 : i32
    %dma_start3A_395 = tpu.memref_slice %arg14[%dma_start3A_389, %dma_start3A_394] : memref<32x512xi32, #tpu.memory_space<vmem>> -> memref<1x512xi32, #tpu.memory_space<vmem>>
    %dma_start3A_396 = tpu.memref_squeeze %dma_start3A_395 : memref<1x512xi32, #tpu.memory_space<vmem>> -> memref<512xi32, #tpu.memory_space<vmem>>
    %dma_start3A_397 = arith.constant 0 : i32
    %dma_start3A_398 = tpu.memref_slice %arg3[%dma_start3A_397] : memref<32006144xf32, #tpu.memory_space<hbm>> -> memref<32006144xf32, #tpu.memory_space<hbm>>
    tpu.enqueue_indirect_dma source(%dma_start3A_398 : memref<32006144xf32, #tpu.memory_space<hbm>>) target(%dma_start3A_393 : memref<512xf32, #tpu.memory_space<vmem>>) offsets(%dma_start3A_396 : memref<512xi32, #tpu.memory_space<vmem>>) semaphore(%arg23 : memref<!tpu.dma_semaphore, #tpu.memory_space<semaphore_mem>>)
    %dma_start3A_399 = arith.constant 19 : i32
    %dma_start3A_400 = arith.constant 19 : i32
    %dma_start3A_401 = arith.constant 0 : i32
    %dma_start3A_402 = tpu.memref_slice %arg15[%dma_start3A_400, %dma_start3A_401] : memref<32x512xf32, #tpu.memory_space<vmem>> -> memref<1x512xf32, #tpu.memory_space<vmem>>
    %dma_start3A_403 = tpu.memref_squeeze %dma_start3A_402 : memref<1x512xf32, #tpu.memory_space<vmem>> -> memref<512xf32, #tpu.memory_space<vmem>>
    %dma_start3A_404 = arith.constant 0 : i32
    %dma_start3A_405 = tpu.memref_slice %arg13[%dma_start3A_399, %dma_start3A_404] : memref<32x512xi32, #tpu.memory_space<vmem>> -> memref<1x512xi32, #tpu.memory_space<vmem>>
    %dma_start3A_406 = tpu.memref_squeeze %dma_start3A_405 : memref<1x512xi32, #tpu.memory_space<vmem>> -> memref<512xi32, #tpu.memory_space<vmem>>
    %dma_start3A_407 = arith.constant 0 : i32
    %dma_start3A_408 = tpu.memref_slice %arg2[%dma_start3A_407] : memref<32006144xf32, #tpu.memory_space<hbm>> -> memref<32006144xf32, #tpu.memory_space<hbm>>
    tpu.enqueue_indirect_dma source(%dma_start3A_408 : memref<32006144xf32, #tpu.memory_space<hbm>>) target(%dma_start3A_403 : memref<512xf32, #tpu.memory_space<vmem>>) offsets(%dma_start3A_406 : memref<512xi32, #tpu.memory_space<vmem>>) semaphore(%arg22 : memref<!tpu.dma_semaphore, #tpu.memory_space<semaphore_mem>>)
    %dma_start3A_409 = arith.constant 19 : i32
    %dma_start3A_410 = arith.constant 19 : i32
    %dma_start3A_411 = arith.constant 0 : i32
    %dma_start3A_412 = tpu.memref_slice %arg16[%dma_start3A_410, %dma_start3A_411] : memref<32x512xf32, #tpu.memory_space<vmem>> -> memref<1x512xf32, #tpu.memory_space<vmem>>
    %dma_start3A_413 = tpu.memref_squeeze %dma_start3A_412 : memref<1x512xf32, #tpu.memory_space<vmem>> -> memref<512xf32, #tpu.memory_space<vmem>>
    %dma_start3A_414 = arith.constant 0 : i32
    %dma_start3A_415 = tpu.memref_slice %arg14[%dma_start3A_409, %dma_start3A_414] : memref<32x512xi32, #tpu.memory_space<vmem>> -> memref<1x512xi32, #tpu.memory_space<vmem>>
    %dma_start3A_416 = tpu.memref_squeeze %dma_start3A_415 : memref<1x512xi32, #tpu.memory_space<vmem>> -> memref<512xi32, #tpu.memory_space<vmem>>
    %dma_start3A_417 = arith.constant 0 : i32
    %dma_start3A_418 = tpu.memref_slice %arg3[%dma_start3A_417] : memref<32006144xf32, #tpu.memory_space<hbm>> -> memref<32006144xf32, #tpu.memory_space<hbm>>
    tpu.enqueue_indirect_dma source(%dma_start3A_418 : memref<32006144xf32, #tpu.memory_space<hbm>>) target(%dma_start3A_413 : memref<512xf32, #tpu.memory_space<vmem>>) offsets(%dma_start3A_416 : memref<512xi32, #tpu.memory_space<vmem>>) semaphore(%arg23 : memref<!tpu.dma_semaphore, #tpu.memory_space<semaphore_mem>>)
    %dma_start3A_419 = arith.constant 20 : i32
    %dma_start3A_420 = arith.constant 20 : i32
    %dma_start3A_421 = arith.constant 0 : i32
    %dma_start3A_422 = tpu.memref_slice %arg15[%dma_start3A_420, %dma_start3A_421] : memref<32x512xf32, #tpu.memory_space<vmem>> -> memref<1x512xf32, #tpu.memory_space<vmem>>
    %dma_start3A_423 = tpu.memref_squeeze %dma_start3A_422 : memref<1x512xf32, #tpu.memory_space<vmem>> -> memref<512xf32, #tpu.memory_space<vmem>>
    %dma_start3A_424 = arith.constant 0 : i32
    %dma_start3A_425 = tpu.memref_slice %arg13[%dma_start3A_419, %dma_start3A_424] : memref<32x512xi32, #tpu.memory_space<vmem>> -> memref<1x512xi32, #tpu.memory_space<vmem>>
    %dma_start3A_426 = tpu.memref_squeeze %dma_start3A_425 : memref<1x512xi32, #tpu.memory_space<vmem>> -> memref<512xi32, #tpu.memory_space<vmem>>
    %dma_start3A_427 = arith.constant 0 : i32
    %dma_start3A_428 = tpu.memref_slice %arg2[%dma_start3A_427] : memref<32006144xf32, #tpu.memory_space<hbm>> -> memref<32006144xf32, #tpu.memory_space<hbm>>
    tpu.enqueue_indirect_dma source(%dma_start3A_428 : memref<32006144xf32, #tpu.memory_space<hbm>>) target(%dma_start3A_423 : memref<512xf32, #tpu.memory_space<vmem>>) offsets(%dma_start3A_426 : memref<512xi32, #tpu.memory_space<vmem>>) semaphore(%arg22 : memref<!tpu.dma_semaphore, #tpu.memory_space<semaphore_mem>>)
    %dma_start3A_429 = arith.constant 20 : i32
    %dma_start3A_430 = arith.constant 20 : i32
    %dma_start3A_431 = arith.constant 0 : i32
    %dma_start3A_432 = tpu.memref_slice %arg16[%dma_start3A_430, %dma_start3A_431] : memref<32x512xf32, #tpu.memory_space<vmem>> -> memref<1x512xf32, #tpu.memory_space<vmem>>
    %dma_start3A_433 = tpu.memref_squeeze %dma_start3A_432 : memref<1x512xf32, #tpu.memory_space<vmem>> -> memref<512xf32, #tpu.memory_space<vmem>>
    %dma_start3A_434 = arith.constant 0 : i32
    %dma_start3A_435 = tpu.memref_slice %arg14[%dma_start3A_429, %dma_start3A_434] : memref<32x512xi32, #tpu.memory_space<vmem>> -> memref<1x512xi32, #tpu.memory_space<vmem>>
    %dma_start3A_436 = tpu.memref_squeeze %dma_start3A_435 : memref<1x512xi32, #tpu.memory_space<vmem>> -> memref<512xi32, #tpu.memory_space<vmem>>
    %dma_start3A_437 = arith.constant 0 : i32
    %dma_start3A_438 = tpu.memref_slice %arg3[%dma_start3A_437] : memref<32006144xf32, #tpu.memory_space<hbm>> -> memref<32006144xf32, #tpu.memory_space<hbm>>
    tpu.enqueue_indirect_dma source(%dma_start3A_438 : memref<32006144xf32, #tpu.memory_space<hbm>>) target(%dma_start3A_433 : memref<512xf32, #tpu.memory_space<vmem>>) offsets(%dma_start3A_436 : memref<512xi32, #tpu.memory_space<vmem>>) semaphore(%arg23 : memref<!tpu.dma_semaphore, #tpu.memory_space<semaphore_mem>>)
    %dma_start3A_439 = arith.constant 21 : i32
    %dma_start3A_440 = arith.constant 21 : i32
    %dma_start3A_441 = arith.constant 0 : i32
    %dma_start3A_442 = tpu.memref_slice %arg15[%dma_start3A_440, %dma_start3A_441] : memref<32x512xf32, #tpu.memory_space<vmem>> -> memref<1x512xf32, #tpu.memory_space<vmem>>
    %dma_start3A_443 = tpu.memref_squeeze %dma_start3A_442 : memref<1x512xf32, #tpu.memory_space<vmem>> -> memref<512xf32, #tpu.memory_space<vmem>>
    %dma_start3A_444 = arith.constant 0 : i32
    %dma_start3A_445 = tpu.memref_slice %arg13[%dma_start3A_439, %dma_start3A_444] : memref<32x512xi32, #tpu.memory_space<vmem>> -> memref<1x512xi32, #tpu.memory_space<vmem>>
    %dma_start3A_446 = tpu.memref_squeeze %dma_start3A_445 : memref<1x512xi32, #tpu.memory_space<vmem>> -> memref<512xi32, #tpu.memory_space<vmem>>
    %dma_start3A_447 = arith.constant 0 : i32
    %dma_start3A_448 = tpu.memref_slice %arg2[%dma_start3A_447] : memref<32006144xf32, #tpu.memory_space<hbm>> -> memref<32006144xf32, #tpu.memory_space<hbm>>
    tpu.enqueue_indirect_dma source(%dma_start3A_448 : memref<32006144xf32, #tpu.memory_space<hbm>>) target(%dma_start3A_443 : memref<512xf32, #tpu.memory_space<vmem>>) offsets(%dma_start3A_446 : memref<512xi32, #tpu.memory_space<vmem>>) semaphore(%arg22 : memref<!tpu.dma_semaphore, #tpu.memory_space<semaphore_mem>>)
    %dma_start3A_449 = arith.constant 21 : i32
    %dma_start3A_450 = arith.constant 21 : i32
    %dma_start3A_451 = arith.constant 0 : i32
    %dma_start3A_452 = tpu.memref_slice %arg16[%dma_start3A_450, %dma_start3A_451] : memref<32x512xf32, #tpu.memory_space<vmem>> -> memref<1x512xf32, #tpu.memory_space<vmem>>
    %dma_start3A_453 = tpu.memref_squeeze %dma_start3A_452 : memref<1x512xf32, #tpu.memory_space<vmem>> -> memref<512xf32, #tpu.memory_space<vmem>>
    %dma_start3A_454 = arith.constant 0 : i32
    %dma_start3A_455 = tpu.memref_slice %arg14[%dma_start3A_449, %dma_start3A_454] : memref<32x512xi32, #tpu.memory_space<vmem>> -> memref<1x512xi32, #tpu.memory_space<vmem>>
    %dma_start3A_456 = tpu.memref_squeeze %dma_start3A_455 : memref<1x512xi32, #tpu.memory_space<vmem>> -> memref<512xi32, #tpu.memory_space<vmem>>
    %dma_start3A_457 = arith.constant 0 : i32
    %dma_start3A_458 = tpu.memref_slice %arg3[%dma_start3A_457] : memref<32006144xf32, #tpu.memory_space<hbm>> -> memref<32006144xf32, #tpu.memory_space<hbm>>
    tpu.enqueue_indirect_dma source(%dma_start3A_458 : memref<32006144xf32, #tpu.memory_space<hbm>>) target(%dma_start3A_453 : memref<512xf32, #tpu.memory_space<vmem>>) offsets(%dma_start3A_456 : memref<512xi32, #tpu.memory_space<vmem>>) semaphore(%arg23 : memref<!tpu.dma_semaphore, #tpu.memory_space<semaphore_mem>>)
    %dma_start3A_459 = arith.constant 22 : i32
    %dma_start3A_460 = arith.constant 22 : i32
    %dma_start3A_461 = arith.constant 0 : i32
    %dma_start3A_462 = tpu.memref_slice %arg15[%dma_start3A_460, %dma_start3A_461] : memref<32x512xf32, #tpu.memory_space<vmem>> -> memref<1x512xf32, #tpu.memory_space<vmem>>
    %dma_start3A_463 = tpu.memref_squeeze %dma_start3A_462 : memref<1x512xf32, #tpu.memory_space<vmem>> -> memref<512xf32, #tpu.memory_space<vmem>>
    %dma_start3A_464 = arith.constant 0 : i32
    %dma_start3A_465 = tpu.memref_slice %arg13[%dma_start3A_459, %dma_start3A_464] : memref<32x512xi32, #tpu.memory_space<vmem>> -> memref<1x512xi32, #tpu.memory_space<vmem>>
    %dma_start3A_466 = tpu.memref_squeeze %dma_start3A_465 : memref<1x512xi32, #tpu.memory_space<vmem>> -> memref<512xi32, #tpu.memory_space<vmem>>
    %dma_start3A_467 = arith.constant 0 : i32
    %dma_start3A_468 = tpu.memref_slice %arg2[%dma_start3A_467] : memref<32006144xf32, #tpu.memory_space<hbm>> -> memref<32006144xf32, #tpu.memory_space<hbm>>
    tpu.enqueue_indirect_dma source(%dma_start3A_468 : memref<32006144xf32, #tpu.memory_space<hbm>>) target(%dma_start3A_463 : memref<512xf32, #tpu.memory_space<vmem>>) offsets(%dma_start3A_466 : memref<512xi32, #tpu.memory_space<vmem>>) semaphore(%arg22 : memref<!tpu.dma_semaphore, #tpu.memory_space<semaphore_mem>>)
    %dma_start3A_469 = arith.constant 22 : i32
    %dma_start3A_470 = arith.constant 22 : i32
    %dma_start3A_471 = arith.constant 0 : i32
    %dma_start3A_472 = tpu.memref_slice %arg16[%dma_start3A_470, %dma_start3A_471] : memref<32x512xf32, #tpu.memory_space<vmem>> -> memref<1x512xf32, #tpu.memory_space<vmem>>
    %dma_start3A_473 = tpu.memref_squeeze %dma_start3A_472 : memref<1x512xf32, #tpu.memory_space<vmem>> -> memref<512xf32, #tpu.memory_space<vmem>>
    %dma_start3A_474 = arith.constant 0 : i32
    %dma_start3A_475 = tpu.memref_slice %arg14[%dma_start3A_469, %dma_start3A_474] : memref<32x512xi32, #tpu.memory_space<vmem>> -> memref<1x512xi32, #tpu.memory_space<vmem>>
    %dma_start3A_476 = tpu.memref_squeeze %dma_start3A_475 : memref<1x512xi32, #tpu.memory_space<vmem>> -> memref<512xi32, #tpu.memory_space<vmem>>
    %dma_start3A_477 = arith.constant 0 : i32
    %dma_start3A_478 = tpu.memref_slice %arg3[%dma_start3A_477] : memref<32006144xf32, #tpu.memory_space<hbm>> -> memref<32006144xf32, #tpu.memory_space<hbm>>
    tpu.enqueue_indirect_dma source(%dma_start3A_478 : memref<32006144xf32, #tpu.memory_space<hbm>>) target(%dma_start3A_473 : memref<512xf32, #tpu.memory_space<vmem>>) offsets(%dma_start3A_476 : memref<512xi32, #tpu.memory_space<vmem>>) semaphore(%arg23 : memref<!tpu.dma_semaphore, #tpu.memory_space<semaphore_mem>>)
    %dma_start3A_479 = arith.constant 23 : i32
    %dma_start3A_480 = arith.constant 23 : i32
    %dma_start3A_481 = arith.constant 0 : i32
    %dma_start3A_482 = tpu.memref_slice %arg15[%dma_start3A_480, %dma_start3A_481] : memref<32x512xf32, #tpu.memory_space<vmem>> -> memref<1x512xf32, #tpu.memory_space<vmem>>
    %dma_start3A_483 = tpu.memref_squeeze %dma_start3A_482 : memref<1x512xf32, #tpu.memory_space<vmem>> -> memref<512xf32, #tpu.memory_space<vmem>>
    %dma_start3A_484 = arith.constant 0 : i32
    %dma_start3A_485 = tpu.memref_slice %arg13[%dma_start3A_479, %dma_start3A_484] : memref<32x512xi32, #tpu.memory_space<vmem>> -> memref<1x512xi32, #tpu.memory_space<vmem>>
    %dma_start3A_486 = tpu.memref_squeeze %dma_start3A_485 : memref<1x512xi32, #tpu.memory_space<vmem>> -> memref<512xi32, #tpu.memory_space<vmem>>
    %dma_start3A_487 = arith.constant 0 : i32
    %dma_start3A_488 = tpu.memref_slice %arg2[%dma_start3A_487] : memref<32006144xf32, #tpu.memory_space<hbm>> -> memref<32006144xf32, #tpu.memory_space<hbm>>
    tpu.enqueue_indirect_dma source(%dma_start3A_488 : memref<32006144xf32, #tpu.memory_space<hbm>>) target(%dma_start3A_483 : memref<512xf32, #tpu.memory_space<vmem>>) offsets(%dma_start3A_486 : memref<512xi32, #tpu.memory_space<vmem>>) semaphore(%arg22 : memref<!tpu.dma_semaphore, #tpu.memory_space<semaphore_mem>>)
    %dma_start3A_489 = arith.constant 23 : i32
    %dma_start3A_490 = arith.constant 23 : i32
    %dma_start3A_491 = arith.constant 0 : i32
    %dma_start3A_492 = tpu.memref_slice %arg16[%dma_start3A_490, %dma_start3A_491] : memref<32x512xf32, #tpu.memory_space<vmem>> -> memref<1x512xf32, #tpu.memory_space<vmem>>
    %dma_start3A_493 = tpu.memref_squeeze %dma_start3A_492 : memref<1x512xf32, #tpu.memory_space<vmem>> -> memref<512xf32, #tpu.memory_space<vmem>>
    %dma_start3A_494 = arith.constant 0 : i32
    %dma_start3A_495 = tpu.memref_slice %arg14[%dma_start3A_489, %dma_start3A_494] : memref<32x512xi32, #tpu.memory_space<vmem>> -> memref<1x512xi32, #tpu.memory_space<vmem>>
    %dma_start3A_496 = tpu.memref_squeeze %dma_start3A_495 : memref<1x512xi32, #tpu.memory_space<vmem>> -> memref<512xi32, #tpu.memory_space<vmem>>
    %dma_start3A_497 = arith.constant 0 : i32
    %dma_start3A_498 = tpu.memref_slice %arg3[%dma_start3A_497] : memref<32006144xf32, #tpu.memory_space<hbm>> -> memref<32006144xf32, #tpu.memory_space<hbm>>
    tpu.enqueue_indirect_dma source(%dma_start3A_498 : memref<32006144xf32, #tpu.memory_space<hbm>>) target(%dma_start3A_493 : memref<512xf32, #tpu.memory_space<vmem>>) offsets(%dma_start3A_496 : memref<512xi32, #tpu.memory_space<vmem>>) semaphore(%arg23 : memref<!tpu.dma_semaphore, #tpu.memory_space<semaphore_mem>>)
    %dma_start3A_499 = arith.constant 24 : i32
    %dma_start3A_500 = arith.constant 24 : i32
    %dma_start3A_501 = arith.constant 0 : i32
    %dma_start3A_502 = tpu.memref_slice %arg15[%dma_start3A_500, %dma_start3A_501] : memref<32x512xf32, #tpu.memory_space<vmem>> -> memref<1x512xf32, #tpu.memory_space<vmem>>
    %dma_start3A_503 = tpu.memref_squeeze %dma_start3A_502 : memref<1x512xf32, #tpu.memory_space<vmem>> -> memref<512xf32, #tpu.memory_space<vmem>>
    %dma_start3A_504 = arith.constant 0 : i32
    %dma_start3A_505 = tpu.memref_slice %arg13[%dma_start3A_499, %dma_start3A_504] : memref<32x512xi32, #tpu.memory_space<vmem>> -> memref<1x512xi32, #tpu.memory_space<vmem>>
    %dma_start3A_506 = tpu.memref_squeeze %dma_start3A_505 : memref<1x512xi32, #tpu.memory_space<vmem>> -> memref<512xi32, #tpu.memory_space<vmem>>
    %dma_start3A_507 = arith.constant 0 : i32
    %dma_start3A_508 = tpu.memref_slice %arg2[%dma_start3A_507] : memref<32006144xf32, #tpu.memory_space<hbm>> -> memref<32006144xf32, #tpu.memory_space<hbm>>
    tpu.enqueue_indirect_dma source(%dma_start3A_508 : memref<32006144xf32, #tpu.memory_space<hbm>>) target(%dma_start3A_503 : memref<512xf32, #tpu.memory_space<vmem>>) offsets(%dma_start3A_506 : memref<512xi32, #tpu.memory_space<vmem>>) semaphore(%arg22 : memref<!tpu.dma_semaphore, #tpu.memory_space<semaphore_mem>>)
    %dma_start3A_509 = arith.constant 24 : i32
    %dma_start3A_510 = arith.constant 24 : i32
    %dma_start3A_511 = arith.constant 0 : i32
    %dma_start3A_512 = tpu.memref_slice %arg16[%dma_start3A_510, %dma_start3A_511] : memref<32x512xf32, #tpu.memory_space<vmem>> -> memref<1x512xf32, #tpu.memory_space<vmem>>
    %dma_start3A_513 = tpu.memref_squeeze %dma_start3A_512 : memref<1x512xf32, #tpu.memory_space<vmem>> -> memref<512xf32, #tpu.memory_space<vmem>>
    %dma_start3A_514 = arith.constant 0 : i32
    %dma_start3A_515 = tpu.memref_slice %arg14[%dma_start3A_509, %dma_start3A_514] : memref<32x512xi32, #tpu.memory_space<vmem>> -> memref<1x512xi32, #tpu.memory_space<vmem>>
    %dma_start3A_516 = tpu.memref_squeeze %dma_start3A_515 : memref<1x512xi32, #tpu.memory_space<vmem>> -> memref<512xi32, #tpu.memory_space<vmem>>
    %dma_start3A_517 = arith.constant 0 : i32
    %dma_start3A_518 = tpu.memref_slice %arg3[%dma_start3A_517] : memref<32006144xf32, #tpu.memory_space<hbm>> -> memref<32006144xf32, #tpu.memory_space<hbm>>
    tpu.enqueue_indirect_dma source(%dma_start3A_518 : memref<32006144xf32, #tpu.memory_space<hbm>>) target(%dma_start3A_513 : memref<512xf32, #tpu.memory_space<vmem>>) offsets(%dma_start3A_516 : memref<512xi32, #tpu.memory_space<vmem>>) semaphore(%arg23 : memref<!tpu.dma_semaphore, #tpu.memory_space<semaphore_mem>>)
    %dma_start3A_519 = arith.constant 25 : i32
    %dma_start3A_520 = arith.constant 25 : i32
    %dma_start3A_521 = arith.constant 0 : i32
    %dma_start3A_522 = tpu.memref_slice %arg15[%dma_start3A_520, %dma_start3A_521] : memref<32x512xf32, #tpu.memory_space<vmem>> -> memref<1x512xf32, #tpu.memory_space<vmem>>
    %dma_start3A_523 = tpu.memref_squeeze %dma_start3A_522 : memref<1x512xf32, #tpu.memory_space<vmem>> -> memref<512xf32, #tpu.memory_space<vmem>>
    %dma_start3A_524 = arith.constant 0 : i32
    %dma_start3A_525 = tpu.memref_slice %arg13[%dma_start3A_519, %dma_start3A_524] : memref<32x512xi32, #tpu.memory_space<vmem>> -> memref<1x512xi32, #tpu.memory_space<vmem>>
    %dma_start3A_526 = tpu.memref_squeeze %dma_start3A_525 : memref<1x512xi32, #tpu.memory_space<vmem>> -> memref<512xi32, #tpu.memory_space<vmem>>
    %dma_start3A_527 = arith.constant 0 : i32
    %dma_start3A_528 = tpu.memref_slice %arg2[%dma_start3A_527] : memref<32006144xf32, #tpu.memory_space<hbm>> -> memref<32006144xf32, #tpu.memory_space<hbm>>
    tpu.enqueue_indirect_dma source(%dma_start3A_528 : memref<32006144xf32, #tpu.memory_space<hbm>>) target(%dma_start3A_523 : memref<512xf32, #tpu.memory_space<vmem>>) offsets(%dma_start3A_526 : memref<512xi32, #tpu.memory_space<vmem>>) semaphore(%arg22 : memref<!tpu.dma_semaphore, #tpu.memory_space<semaphore_mem>>)
    %dma_start3A_529 = arith.constant 25 : i32
    %dma_start3A_530 = arith.constant 25 : i32
    %dma_start3A_531 = arith.constant 0 : i32
    %dma_start3A_532 = tpu.memref_slice %arg16[%dma_start3A_530, %dma_start3A_531] : memref<32x512xf32, #tpu.memory_space<vmem>> -> memref<1x512xf32, #tpu.memory_space<vmem>>
    %dma_start3A_533 = tpu.memref_squeeze %dma_start3A_532 : memref<1x512xf32, #tpu.memory_space<vmem>> -> memref<512xf32, #tpu.memory_space<vmem>>
    %dma_start3A_534 = arith.constant 0 : i32
    %dma_start3A_535 = tpu.memref_slice %arg14[%dma_start3A_529, %dma_start3A_534] : memref<32x512xi32, #tpu.memory_space<vmem>> -> memref<1x512xi32, #tpu.memory_space<vmem>>
    %dma_start3A_536 = tpu.memref_squeeze %dma_start3A_535 : memref<1x512xi32, #tpu.memory_space<vmem>> -> memref<512xi32, #tpu.memory_space<vmem>>
    %dma_start3A_537 = arith.constant 0 : i32
    %dma_start3A_538 = tpu.memref_slice %arg3[%dma_start3A_537] : memref<32006144xf32, #tpu.memory_space<hbm>> -> memref<32006144xf32, #tpu.memory_space<hbm>>
    tpu.enqueue_indirect_dma source(%dma_start3A_538 : memref<32006144xf32, #tpu.memory_space<hbm>>) target(%dma_start3A_533 : memref<512xf32, #tpu.memory_space<vmem>>) offsets(%dma_start3A_536 : memref<512xi32, #tpu.memory_space<vmem>>) semaphore(%arg23 : memref<!tpu.dma_semaphore, #tpu.memory_space<semaphore_mem>>)
    %dma_start3A_539 = arith.constant 26 : i32
    %dma_start3A_540 = arith.constant 26 : i32
    %dma_start3A_541 = arith.constant 0 : i32
    %dma_start3A_542 = tpu.memref_slice %arg15[%dma_start3A_540, %dma_start3A_541] : memref<32x512xf32, #tpu.memory_space<vmem>> -> memref<1x512xf32, #tpu.memory_space<vmem>>
    %dma_start3A_543 = tpu.memref_squeeze %dma_start3A_542 : memref<1x512xf32, #tpu.memory_space<vmem>> -> memref<512xf32, #tpu.memory_space<vmem>>
    %dma_start3A_544 = arith.constant 0 : i32
    %dma_start3A_545 = tpu.memref_slice %arg13[%dma_start3A_539, %dma_start3A_544] : memref<32x512xi32, #tpu.memory_space<vmem>> -> memref<1x512xi32, #tpu.memory_space<vmem>>
    %dma_start3A_546 = tpu.memref_squeeze %dma_start3A_545 : memref<1x512xi32, #tpu.memory_space<vmem>> -> memref<512xi32, #tpu.memory_space<vmem>>
    %dma_start3A_547 = arith.constant 0 : i32
    %dma_start3A_548 = tpu.memref_slice %arg2[%dma_start3A_547] : memref<32006144xf32, #tpu.memory_space<hbm>> -> memref<32006144xf32, #tpu.memory_space<hbm>>
    tpu.enqueue_indirect_dma source(%dma_start3A_548 : memref<32006144xf32, #tpu.memory_space<hbm>>) target(%dma_start3A_543 : memref<512xf32, #tpu.memory_space<vmem>>) offsets(%dma_start3A_546 : memref<512xi32, #tpu.memory_space<vmem>>) semaphore(%arg22 : memref<!tpu.dma_semaphore, #tpu.memory_space<semaphore_mem>>)
    %dma_start3A_549 = arith.constant 26 : i32
    %dma_start3A_550 = arith.constant 26 : i32
    %dma_start3A_551 = arith.constant 0 : i32
    %dma_start3A_552 = tpu.memref_slice %arg16[%dma_start3A_550, %dma_start3A_551] : memref<32x512xf32, #tpu.memory_space<vmem>> -> memref<1x512xf32, #tpu.memory_space<vmem>>
    %dma_start3A_553 = tpu.memref_squeeze %dma_start3A_552 : memref<1x512xf32, #tpu.memory_space<vmem>> -> memref<512xf32, #tpu.memory_space<vmem>>
    %dma_start3A_554 = arith.constant 0 : i32
    %dma_start3A_555 = tpu.memref_slice %arg14[%dma_start3A_549, %dma_start3A_554] : memref<32x512xi32, #tpu.memory_space<vmem>> -> memref<1x512xi32, #tpu.memory_space<vmem>>
    %dma_start3A_556 = tpu.memref_squeeze %dma_start3A_555 : memref<1x512xi32, #tpu.memory_space<vmem>> -> memref<512xi32, #tpu.memory_space<vmem>>
    %dma_start3A_557 = arith.constant 0 : i32
    %dma_start3A_558 = tpu.memref_slice %arg3[%dma_start3A_557] : memref<32006144xf32, #tpu.memory_space<hbm>> -> memref<32006144xf32, #tpu.memory_space<hbm>>
    tpu.enqueue_indirect_dma source(%dma_start3A_558 : memref<32006144xf32, #tpu.memory_space<hbm>>) target(%dma_start3A_553 : memref<512xf32, #tpu.memory_space<vmem>>) offsets(%dma_start3A_556 : memref<512xi32, #tpu.memory_space<vmem>>) semaphore(%arg23 : memref<!tpu.dma_semaphore, #tpu.memory_space<semaphore_mem>>)
    %dma_start3A_559 = arith.constant 27 : i32
    %dma_start3A_560 = arith.constant 27 : i32
    %dma_start3A_561 = arith.constant 0 : i32
    %dma_start3A_562 = tpu.memref_slice %arg15[%dma_start3A_560, %dma_start3A_561] : memref<32x512xf32, #tpu.memory_space<vmem>> -> memref<1x512xf32, #tpu.memory_space<vmem>>
    %dma_start3A_563 = tpu.memref_squeeze %dma_start3A_562 : memref<1x512xf32, #tpu.memory_space<vmem>> -> memref<512xf32, #tpu.memory_space<vmem>>
    %dma_start3A_564 = arith.constant 0 : i32
    %dma_start3A_565 = tpu.memref_slice %arg13[%dma_start3A_559, %dma_start3A_564] : memref<32x512xi32, #tpu.memory_space<vmem>> -> memref<1x512xi32, #tpu.memory_space<vmem>>
    %dma_start3A_566 = tpu.memref_squeeze %dma_start3A_565 : memref<1x512xi32, #tpu.memory_space<vmem>> -> memref<512xi32, #tpu.memory_space<vmem>>
    %dma_start3A_567 = arith.constant 0 : i32
    %dma_start3A_568 = tpu.memref_slice %arg2[%dma_start3A_567] : memref<32006144xf32, #tpu.memory_space<hbm>> -> memref<32006144xf32, #tpu.memory_space<hbm>>
    tpu.enqueue_indirect_dma source(%dma_start3A_568 : memref<32006144xf32, #tpu.memory_space<hbm>>) target(%dma_start3A_563 : memref<512xf32, #tpu.memory_space<vmem>>) offsets(%dma_start3A_566 : memref<512xi32, #tpu.memory_space<vmem>>) semaphore(%arg22 : memref<!tpu.dma_semaphore, #tpu.memory_space<semaphore_mem>>)
    %dma_start3A_569 = arith.constant 27 : i32
    %dma_start3A_570 = arith.constant 27 : i32
    %dma_start3A_571 = arith.constant 0 : i32
    %dma_start3A_572 = tpu.memref_slice %arg16[%dma_start3A_570, %dma_start3A_571] : memref<32x512xf32, #tpu.memory_space<vmem>> -> memref<1x512xf32, #tpu.memory_space<vmem>>
    %dma_start3A_573 = tpu.memref_squeeze %dma_start3A_572 : memref<1x512xf32, #tpu.memory_space<vmem>> -> memref<512xf32, #tpu.memory_space<vmem>>
    %dma_start3A_574 = arith.constant 0 : i32
    %dma_start3A_575 = tpu.memref_slice %arg14[%dma_start3A_569, %dma_start3A_574] : memref<32x512xi32, #tpu.memory_space<vmem>> -> memref<1x512xi32, #tpu.memory_space<vmem>>
    %dma_start3A_576 = tpu.memref_squeeze %dma_start3A_575 : memref<1x512xi32, #tpu.memory_space<vmem>> -> memref<512xi32, #tpu.memory_space<vmem>>
    %dma_start3A_577 = arith.constant 0 : i32
    %dma_start3A_578 = tpu.memref_slice %arg3[%dma_start3A_577] : memref<32006144xf32, #tpu.memory_space<hbm>> -> memref<32006144xf32, #tpu.memory_space<hbm>>
    tpu.enqueue_indirect_dma source(%dma_start3A_578 : memref<32006144xf32, #tpu.memory_space<hbm>>) target(%dma_start3A_573 : memref<512xf32, #tpu.memory_space<vmem>>) offsets(%dma_start3A_576 : memref<512xi32, #tpu.memory_space<vmem>>) semaphore(%arg23 : memref<!tpu.dma_semaphore, #tpu.memory_space<semaphore_mem>>)
    %dma_start3A_579 = arith.constant 28 : i32
    %dma_start3A_580 = arith.constant 28 : i32
    %dma_start3A_581 = arith.constant 0 : i32
    %dma_start3A_582 = tpu.memref_slice %arg15[%dma_start3A_580, %dma_start3A_581] : memref<32x512xf32, #tpu.memory_space<vmem>> -> memref<1x512xf32, #tpu.memory_space<vmem>>
    %dma_start3A_583 = tpu.memref_squeeze %dma_start3A_582 : memref<1x512xf32, #tpu.memory_space<vmem>> -> memref<512xf32, #tpu.memory_space<vmem>>
    %dma_start3A_584 = arith.constant 0 : i32
    %dma_start3A_585 = tpu.memref_slice %arg13[%dma_start3A_579, %dma_start3A_584] : memref<32x512xi32, #tpu.memory_space<vmem>> -> memref<1x512xi32, #tpu.memory_space<vmem>>
    %dma_start3A_586 = tpu.memref_squeeze %dma_start3A_585 : memref<1x512xi32, #tpu.memory_space<vmem>> -> memref<512xi32, #tpu.memory_space<vmem>>
    %dma_start3A_587 = arith.constant 0 : i32
    %dma_start3A_588 = tpu.memref_slice %arg2[%dma_start3A_587] : memref<32006144xf32, #tpu.memory_space<hbm>> -> memref<32006144xf32, #tpu.memory_space<hbm>>
    tpu.enqueue_indirect_dma source(%dma_start3A_588 : memref<32006144xf32, #tpu.memory_space<hbm>>) target(%dma_start3A_583 : memref<512xf32, #tpu.memory_space<vmem>>) offsets(%dma_start3A_586 : memref<512xi32, #tpu.memory_space<vmem>>) semaphore(%arg22 : memref<!tpu.dma_semaphore, #tpu.memory_space<semaphore_mem>>)
    %dma_start3A_589 = arith.constant 28 : i32
    %dma_start3A_590 = arith.constant 28 : i32
    %dma_start3A_591 = arith.constant 0 : i32
    %dma_start3A_592 = tpu.memref_slice %arg16[%dma_start3A_590, %dma_start3A_591] : memref<32x512xf32, #tpu.memory_space<vmem>> -> memref<1x512xf32, #tpu.memory_space<vmem>>
    %dma_start3A_593 = tpu.memref_squeeze %dma_start3A_592 : memref<1x512xf32, #tpu.memory_space<vmem>> -> memref<512xf32, #tpu.memory_space<vmem>>
    %dma_start3A_594 = arith.constant 0 : i32
    %dma_start3A_595 = tpu.memref_slice %arg14[%dma_start3A_589, %dma_start3A_594] : memref<32x512xi32, #tpu.memory_space<vmem>> -> memref<1x512xi32, #tpu.memory_space<vmem>>
    %dma_start3A_596 = tpu.memref_squeeze %dma_start3A_595 : memref<1x512xi32, #tpu.memory_space<vmem>> -> memref<512xi32, #tpu.memory_space<vmem>>
    %dma_start3A_597 = arith.constant 0 : i32
    %dma_start3A_598 = tpu.memref_slice %arg3[%dma_start3A_597] : memref<32006144xf32, #tpu.memory_space<hbm>> -> memref<32006144xf32, #tpu.memory_space<hbm>>
    tpu.enqueue_indirect_dma source(%dma_start3A_598 : memref<32006144xf32, #tpu.memory_space<hbm>>) target(%dma_start3A_593 : memref<512xf32, #tpu.memory_space<vmem>>) offsets(%dma_start3A_596 : memref<512xi32, #tpu.memory_space<vmem>>) semaphore(%arg23 : memref<!tpu.dma_semaphore, #tpu.memory_space<semaphore_mem>>)
    %dma_start3A_599 = arith.constant 29 : i32
    %dma_start3A_600 = arith.constant 29 : i32
    %dma_start3A_601 = arith.constant 0 : i32
    %dma_start3A_602 = tpu.memref_slice %arg15[%dma_start3A_600, %dma_start3A_601] : memref<32x512xf32, #tpu.memory_space<vmem>> -> memref<1x512xf32, #tpu.memory_space<vmem>>
    %dma_start3A_603 = tpu.memref_squeeze %dma_start3A_602 : memref<1x512xf32, #tpu.memory_space<vmem>> -> memref<512xf32, #tpu.memory_space<vmem>>
    %dma_start3A_604 = arith.constant 0 : i32
    %dma_start3A_605 = tpu.memref_slice %arg13[%dma_start3A_599, %dma_start3A_604] : memref<32x512xi32, #tpu.memory_space<vmem>> -> memref<1x512xi32, #tpu.memory_space<vmem>>
    %dma_start3A_606 = tpu.memref_squeeze %dma_start3A_605 : memref<1x512xi32, #tpu.memory_space<vmem>> -> memref<512xi32, #tpu.memory_space<vmem>>
    %dma_start3A_607 = arith.constant 0 : i32
    %dma_start3A_608 = tpu.memref_slice %arg2[%dma_start3A_607] : memref<32006144xf32, #tpu.memory_space<hbm>> -> memref<32006144xf32, #tpu.memory_space<hbm>>
    tpu.enqueue_indirect_dma source(%dma_start3A_608 : memref<32006144xf32, #tpu.memory_space<hbm>>) target(%dma_start3A_603 : memref<512xf32, #tpu.memory_space<vmem>>) offsets(%dma_start3A_606 : memref<512xi32, #tpu.memory_space<vmem>>) semaphore(%arg22 : memref<!tpu.dma_semaphore, #tpu.memory_space<semaphore_mem>>)
    %dma_start3A_609 = arith.constant 29 : i32
    %dma_start3A_610 = arith.constant 29 : i32
    %dma_start3A_611 = arith.constant 0 : i32
    %dma_start3A_612 = tpu.memref_slice %arg16[%dma_start3A_610, %dma_start3A_611] : memref<32x512xf32, #tpu.memory_space<vmem>> -> memref<1x512xf32, #tpu.memory_space<vmem>>
    %dma_start3A_613 = tpu.memref_squeeze %dma_start3A_612 : memref<1x512xf32, #tpu.memory_space<vmem>> -> memref<512xf32, #tpu.memory_space<vmem>>
    %dma_start3A_614 = arith.constant 0 : i32
    %dma_start3A_615 = tpu.memref_slice %arg14[%dma_start3A_609, %dma_start3A_614] : memref<32x512xi32, #tpu.memory_space<vmem>> -> memref<1x512xi32, #tpu.memory_space<vmem>>
    %dma_start3A_616 = tpu.memref_squeeze %dma_start3A_615 : memref<1x512xi32, #tpu.memory_space<vmem>> -> memref<512xi32, #tpu.memory_space<vmem>>
    %dma_start3A_617 = arith.constant 0 : i32
    %dma_start3A_618 = tpu.memref_slice %arg3[%dma_start3A_617] : memref<32006144xf32, #tpu.memory_space<hbm>> -> memref<32006144xf32, #tpu.memory_space<hbm>>
    tpu.enqueue_indirect_dma source(%dma_start3A_618 : memref<32006144xf32, #tpu.memory_space<hbm>>) target(%dma_start3A_613 : memref<512xf32, #tpu.memory_space<vmem>>) offsets(%dma_start3A_616 : memref<512xi32, #tpu.memory_space<vmem>>) semaphore(%arg23 : memref<!tpu.dma_semaphore, #tpu.memory_space<semaphore_mem>>)
    %dma_start3A_619 = arith.constant 30 : i32
    %dma_start3A_620 = arith.constant 30 : i32
    %dma_start3A_621 = arith.constant 0 : i32
    %dma_start3A_622 = tpu.memref_slice %arg15[%dma_start3A_620, %dma_start3A_621] : memref<32x512xf32, #tpu.memory_space<vmem>> -> memref<1x512xf32, #tpu.memory_space<vmem>>
    %dma_start3A_623 = tpu.memref_squeeze %dma_start3A_622 : memref<1x512xf32, #tpu.memory_space<vmem>> -> memref<512xf32, #tpu.memory_space<vmem>>
    %dma_start3A_624 = arith.constant 0 : i32
    %dma_start3A_625 = tpu.memref_slice %arg13[%dma_start3A_619, %dma_start3A_624] : memref<32x512xi32, #tpu.memory_space<vmem>> -> memref<1x512xi32, #tpu.memory_space<vmem>>
    %dma_start3A_626 = tpu.memref_squeeze %dma_start3A_625 : memref<1x512xi32, #tpu.memory_space<vmem>> -> memref<512xi32, #tpu.memory_space<vmem>>
    %dma_start3A_627 = arith.constant 0 : i32
    %dma_start3A_628 = tpu.memref_slice %arg2[%dma_start3A_627] : memref<32006144xf32, #tpu.memory_space<hbm>> -> memref<32006144xf32, #tpu.memory_space<hbm>>
    tpu.enqueue_indirect_dma source(%dma_start3A_628 : memref<32006144xf32, #tpu.memory_space<hbm>>) target(%dma_start3A_623 : memref<512xf32, #tpu.memory_space<vmem>>) offsets(%dma_start3A_626 : memref<512xi32, #tpu.memory_space<vmem>>) semaphore(%arg22 : memref<!tpu.dma_semaphore, #tpu.memory_space<semaphore_mem>>)
    %dma_start3A_629 = arith.constant 30 : i32
    %dma_start3A_630 = arith.constant 30 : i32
    %dma_start3A_631 = arith.constant 0 : i32
    %dma_start3A_632 = tpu.memref_slice %arg16[%dma_start3A_630, %dma_start3A_631] : memref<32x512xf32, #tpu.memory_space<vmem>> -> memref<1x512xf32, #tpu.memory_space<vmem>>
    %dma_start3A_633 = tpu.memref_squeeze %dma_start3A_632 : memref<1x512xf32, #tpu.memory_space<vmem>> -> memref<512xf32, #tpu.memory_space<vmem>>
    %dma_start3A_634 = arith.constant 0 : i32
    %dma_start3A_635 = tpu.memref_slice %arg14[%dma_start3A_629, %dma_start3A_634] : memref<32x512xi32, #tpu.memory_space<vmem>> -> memref<1x512xi32, #tpu.memory_space<vmem>>
    %dma_start3A_636 = tpu.memref_squeeze %dma_start3A_635 : memref<1x512xi32, #tpu.memory_space<vmem>> -> memref<512xi32, #tpu.memory_space<vmem>>
    %dma_start3A_637 = arith.constant 0 : i32
    %dma_start3A_638 = tpu.memref_slice %arg3[%dma_start3A_637] : memref<32006144xf32, #tpu.memory_space<hbm>> -> memref<32006144xf32, #tpu.memory_space<hbm>>
    tpu.enqueue_indirect_dma source(%dma_start3A_638 : memref<32006144xf32, #tpu.memory_space<hbm>>) target(%dma_start3A_633 : memref<512xf32, #tpu.memory_space<vmem>>) offsets(%dma_start3A_636 : memref<512xi32, #tpu.memory_space<vmem>>) semaphore(%arg23 : memref<!tpu.dma_semaphore, #tpu.memory_space<semaphore_mem>>)
    %dma_start3A_639 = arith.constant 31 : i32
    %dma_start3A_640 = arith.constant 31 : i32
    %dma_start3A_641 = arith.constant 0 : i32
    %dma_start3A_642 = tpu.memref_slice %arg15[%dma_start3A_640, %dma_start3A_641] : memref<32x512xf32, #tpu.memory_space<vmem>> -> memref<1x512xf32, #tpu.memory_space<vmem>>
    %dma_start3A_643 = tpu.memref_squeeze %dma_start3A_642 : memref<1x512xf32, #tpu.memory_space<vmem>> -> memref<512xf32, #tpu.memory_space<vmem>>
    %dma_start3A_644 = arith.constant 0 : i32
    %dma_start3A_645 = tpu.memref_slice %arg13[%dma_start3A_639, %dma_start3A_644] : memref<32x512xi32, #tpu.memory_space<vmem>> -> memref<1x512xi32, #tpu.memory_space<vmem>>
    %dma_start3A_646 = tpu.memref_squeeze %dma_start3A_645 : memref<1x512xi32, #tpu.memory_space<vmem>> -> memref<512xi32, #tpu.memory_space<vmem>>
    %dma_start3A_647 = arith.constant 0 : i32
    %dma_start3A_648 = tpu.memref_slice %arg2[%dma_start3A_647] : memref<32006144xf32, #tpu.memory_space<hbm>> -> memref<32006144xf32, #tpu.memory_space<hbm>>
    tpu.enqueue_indirect_dma source(%dma_start3A_648 : memref<32006144xf32, #tpu.memory_space<hbm>>) target(%dma_start3A_643 : memref<512xf32, #tpu.memory_space<vmem>>) offsets(%dma_start3A_646 : memref<512xi32, #tpu.memory_space<vmem>>) semaphore(%arg22 : memref<!tpu.dma_semaphore, #tpu.memory_space<semaphore_mem>>)
    %dma_start3A_649 = arith.constant 31 : i32
    %dma_start3A_650 = arith.constant 31 : i32
    %dma_start3A_651 = arith.constant 0 : i32
    %dma_start3A_652 = tpu.memref_slice %arg16[%dma_start3A_650, %dma_start3A_651] : memref<32x512xf32, #tpu.memory_space<vmem>> -> memref<1x512xf32, #tpu.memory_space<vmem>>
    %dma_start3A_653 = tpu.memref_squeeze %dma_start3A_652 : memref<1x512xf32, #tpu.memory_space<vmem>> -> memref<512xf32, #tpu.memory_space<vmem>>
    %dma_start3A_654 = arith.constant 0 : i32
    %dma_start3A_655 = tpu.memref_slice %arg14[%dma_start3A_649, %dma_start3A_654] : memref<32x512xi32, #tpu.memory_space<vmem>> -> memref<1x512xi32, #tpu.memory_space<vmem>>
    %dma_start3A_656 = tpu.memref_squeeze %dma_start3A_655 : memref<1x512xi32, #tpu.memory_space<vmem>> -> memref<512xi32, #tpu.memory_space<vmem>>
    %dma_start3A_657 = arith.constant 0 : i32
    %dma_start3A_658 = tpu.memref_slice %arg3[%dma_start3A_657] : memref<32006144xf32, #tpu.memory_space<hbm>> -> memref<32006144xf32, #tpu.memory_space<hbm>>
    tpu.enqueue_indirect_dma source(%dma_start3A_658 : memref<32006144xf32, #tpu.memory_space<hbm>>) target(%dma_start3A_653 : memref<512xf32, #tpu.memory_space<vmem>>) offsets(%dma_start3A_656 : memref<512xi32, #tpu.memory_space<vmem>>) semaphore(%arg23 : memref<!tpu.dma_semaphore, #tpu.memory_space<semaphore_mem>>)
    %dma_wait3A_659 = arith.constant 0 : i32
    %dma_wait3A_660 = arith.constant 0 : i32
    %dma_wait3A_661 = arith.constant 0 : i32
    %dma_wait3A_662 = tpu.memref_slice %arg15[%dma_wait3A_660, %dma_wait3A_661] : memref<32x512xf32, #tpu.memory_space<vmem>> -> memref<1x512xf32, #tpu.memory_space<vmem>>
    %dma_wait3A_663 = tpu.memref_squeeze %dma_wait3A_662 : memref<1x512xf32, #tpu.memory_space<vmem>> -> memref<512xf32, #tpu.memory_space<vmem>>
    %dma_wait3A_664 = arith.constant 0 : i32
    %dma_wait3A_665 = tpu.memref_slice %arg13[%dma_wait3A_659, %dma_wait3A_664] : memref<32x512xi32, #tpu.memory_space<vmem>> -> memref<1x512xi32, #tpu.memory_space<vmem>>
    %dma_wait3A_666 = tpu.memref_squeeze %dma_wait3A_665 : memref<1x512xi32, #tpu.memory_space<vmem>> -> memref<512xi32, #tpu.memory_space<vmem>>
    %dma_wait3A_667 = arith.constant 0 : i32
    %dma_wait3A_668 = tpu.memref_slice %arg2[%dma_wait3A_667] : memref<32006144xf32, #tpu.memory_space<hbm>> -> memref<32006144xf32, #tpu.memory_space<hbm>>
    tpu.wait_indirect_dma semaphore(%arg22 : memref<!tpu.dma_semaphore, #tpu.memory_space<semaphore_mem>>) src(%dma_wait3A_668 : memref<32006144xf32, #tpu.memory_space<hbm>>) dst(%dma_wait3A_663 : memref<512xf32, #tpu.memory_space<vmem>>)
    %dma_wait3A_669 = arith.constant 0 : i32
    %dma_wait3A_670 = arith.constant 0 : i32
    %dma_wait3A_671 = arith.constant 0 : i32
    %dma_wait3A_672 = tpu.memref_slice %arg16[%dma_wait3A_670, %dma_wait3A_671] : memref<32x512xf32, #tpu.memory_space<vmem>> -> memref<1x512xf32, #tpu.memory_space<vmem>>
    %dma_wait3A_673 = tpu.memref_squeeze %dma_wait3A_672 : memref<1x512xf32, #tpu.memory_space<vmem>> -> memref<512xf32, #tpu.memory_space<vmem>>
    %dma_wait3A_674 = arith.constant 0 : i32
    %dma_wait3A_675 = tpu.memref_slice %arg14[%dma_wait3A_669, %dma_wait3A_674] : memref<32x512xi32, #tpu.memory_space<vmem>> -> memref<1x512xi32, #tpu.memory_space<vmem>>
    %dma_wait3A_676 = tpu.memref_squeeze %dma_wait3A_675 : memref<1x512xi32, #tpu.memory_space<vmem>> -> memref<512xi32, #tpu.memory_space<vmem>>
    %dma_wait3A_677 = arith.constant 0 : i32
    %dma_wait3A_678 = tpu.memref_slice %arg3[%dma_wait3A_677] : memref<32006144xf32, #tpu.memory_space<hbm>> -> memref<32006144xf32, #tpu.memory_space<hbm>>
    tpu.wait_indirect_dma semaphore(%arg23 : memref<!tpu.dma_semaphore, #tpu.memory_space<semaphore_mem>>) src(%dma_wait3A_678 : memref<32006144xf32, #tpu.memory_space<hbm>>) dst(%dma_wait3A_673 : memref<512xf32, #tpu.memory_space<vmem>>)
    %dma_wait3A_679 = arith.constant 1 : i32
    %dma_wait3A_680 = arith.constant 1 : i32
    %dma_wait3A_681 = arith.constant 0 : i32
    %dma_wait3A_682 = tpu.memref_slice %arg15[%dma_wait3A_680, %dma_wait3A_681] : memref<32x512xf32, #tpu.memory_space<vmem>> -> memref<1x512xf32, #tpu.memory_space<vmem>>
    %dma_wait3A_683 = tpu.memref_squeeze %dma_wait3A_682 : memref<1x512xf32, #tpu.memory_space<vmem>> -> memref<512xf32, #tpu.memory_space<vmem>>
    %dma_wait3A_684 = arith.constant 0 : i32
    %dma_wait3A_685 = tpu.memref_slice %arg13[%dma_wait3A_679, %dma_wait3A_684] : memref<32x512xi32, #tpu.memory_space<vmem>> -> memref<1x512xi32, #tpu.memory_space<vmem>>
    %dma_wait3A_686 = tpu.memref_squeeze %dma_wait3A_685 : memref<1x512xi32, #tpu.memory_space<vmem>> -> memref<512xi32, #tpu.memory_space<vmem>>
    %dma_wait3A_687 = arith.constant 0 : i32
    %dma_wait3A_688 = tpu.memref_slice %arg2[%dma_wait3A_687] : memref<32006144xf32, #tpu.memory_space<hbm>> -> memref<32006144xf32, #tpu.memory_space<hbm>>
    tpu.wait_indirect_dma semaphore(%arg22 : memref<!tpu.dma_semaphore, #tpu.memory_space<semaphore_mem>>) src(%dma_wait3A_688 : memref<32006144xf32, #tpu.memory_space<hbm>>) dst(%dma_wait3A_683 : memref<512xf32, #tpu.memory_space<vmem>>)
    %dma_wait3A_689 = arith.constant 1 : i32
    %dma_wait3A_690 = arith.constant 1 : i32
    %dma_wait3A_691 = arith.constant 0 : i32
    %dma_wait3A_692 = tpu.memref_slice %arg16[%dma_wait3A_690, %dma_wait3A_691] : memref<32x512xf32, #tpu.memory_space<vmem>> -> memref<1x512xf32, #tpu.memory_space<vmem>>
    %dma_wait3A_693 = tpu.memref_squeeze %dma_wait3A_692 : memref<1x512xf32, #tpu.memory_space<vmem>> -> memref<512xf32, #tpu.memory_space<vmem>>
    %dma_wait3A_694 = arith.constant 0 : i32
    %dma_wait3A_695 = tpu.memref_slice %arg14[%dma_wait3A_689, %dma_wait3A_694] : memref<32x512xi32, #tpu.memory_space<vmem>> -> memref<1x512xi32, #tpu.memory_space<vmem>>
    %dma_wait3A_696 = tpu.memref_squeeze %dma_wait3A_695 : memref<1x512xi32, #tpu.memory_space<vmem>> -> memref<512xi32, #tpu.memory_space<vmem>>
    %dma_wait3A_697 = arith.constant 0 : i32
    %dma_wait3A_698 = tpu.memref_slice %arg3[%dma_wait3A_697] : memref<32006144xf32, #tpu.memory_space<hbm>> -> memref<32006144xf32, #tpu.memory_space<hbm>>
    tpu.wait_indirect_dma semaphore(%arg23 : memref<!tpu.dma_semaphore, #tpu.memory_space<semaphore_mem>>) src(%dma_wait3A_698 : memref<32006144xf32, #tpu.memory_space<hbm>>) dst(%dma_wait3A_693 : memref<512xf32, #tpu.memory_space<vmem>>)
    %dma_wait3A_699 = arith.constant 2 : i32
    %dma_wait3A_700 = arith.constant 2 : i32
    %dma_wait3A_701 = arith.constant 0 : i32
    %dma_wait3A_702 = tpu.memref_slice %arg15[%dma_wait3A_700, %dma_wait3A_701] : memref<32x512xf32, #tpu.memory_space<vmem>> -> memref<1x512xf32, #tpu.memory_space<vmem>>
    %dma_wait3A_703 = tpu.memref_squeeze %dma_wait3A_702 : memref<1x512xf32, #tpu.memory_space<vmem>> -> memref<512xf32, #tpu.memory_space<vmem>>
    %dma_wait3A_704 = arith.constant 0 : i32
    %dma_wait3A_705 = tpu.memref_slice %arg13[%dma_wait3A_699, %dma_wait3A_704] : memref<32x512xi32, #tpu.memory_space<vmem>> -> memref<1x512xi32, #tpu.memory_space<vmem>>
    %dma_wait3A_706 = tpu.memref_squeeze %dma_wait3A_705 : memref<1x512xi32, #tpu.memory_space<vmem>> -> memref<512xi32, #tpu.memory_space<vmem>>
    %dma_wait3A_707 = arith.constant 0 : i32
    %dma_wait3A_708 = tpu.memref_slice %arg2[%dma_wait3A_707] : memref<32006144xf32, #tpu.memory_space<hbm>> -> memref<32006144xf32, #tpu.memory_space<hbm>>
    tpu.wait_indirect_dma semaphore(%arg22 : memref<!tpu.dma_semaphore, #tpu.memory_space<semaphore_mem>>) src(%dma_wait3A_708 : memref<32006144xf32, #tpu.memory_space<hbm>>) dst(%dma_wait3A_703 : memref<512xf32, #tpu.memory_space<vmem>>)
    %dma_wait3A_709 = arith.constant 2 : i32
    %dma_wait3A_710 = arith.constant 2 : i32
    %dma_wait3A_711 = arith.constant 0 : i32
    %dma_wait3A_712 = tpu.memref_slice %arg16[%dma_wait3A_710, %dma_wait3A_711] : memref<32x512xf32, #tpu.memory_space<vmem>> -> memref<1x512xf32, #tpu.memory_space<vmem>>
    %dma_wait3A_713 = tpu.memref_squeeze %dma_wait3A_712 : memref<1x512xf32, #tpu.memory_space<vmem>> -> memref<512xf32, #tpu.memory_space<vmem>>
    %dma_wait3A_714 = arith.constant 0 : i32
    %dma_wait3A_715 = tpu.memref_slice %arg14[%dma_wait3A_709, %dma_wait3A_714] : memref<32x512xi32, #tpu.memory_space<vmem>> -> memref<1x512xi32, #tpu.memory_space<vmem>>
    %dma_wait3A_716 = tpu.memref_squeeze %dma_wait3A_715 : memref<1x512xi32, #tpu.memory_space<vmem>> -> memref<512xi32, #tpu.memory_space<vmem>>
    %dma_wait3A_717 = arith.constant 0 : i32
    %dma_wait3A_718 = tpu.memref_slice %arg3[%dma_wait3A_717] : memref<32006144xf32, #tpu.memory_space<hbm>> -> memref<32006144xf32, #tpu.memory_space<hbm>>
    tpu.wait_indirect_dma semaphore(%arg23 : memref<!tpu.dma_semaphore, #tpu.memory_space<semaphore_mem>>) src(%dma_wait3A_718 : memref<32006144xf32, #tpu.memory_space<hbm>>) dst(%dma_wait3A_713 : memref<512xf32, #tpu.memory_space<vmem>>)
    %dma_wait3A_719 = arith.constant 3 : i32
    %dma_wait3A_720 = arith.constant 3 : i32
    %dma_wait3A_721 = arith.constant 0 : i32
    %dma_wait3A_722 = tpu.memref_slice %arg15[%dma_wait3A_720, %dma_wait3A_721] : memref<32x512xf32, #tpu.memory_space<vmem>> -> memref<1x512xf32, #tpu.memory_space<vmem>>
    %dma_wait3A_723 = tpu.memref_squeeze %dma_wait3A_722 : memref<1x512xf32, #tpu.memory_space<vmem>> -> memref<512xf32, #tpu.memory_space<vmem>>
    %dma_wait3A_724 = arith.constant 0 : i32
    %dma_wait3A_725 = tpu.memref_slice %arg13[%dma_wait3A_719, %dma_wait3A_724] : memref<32x512xi32, #tpu.memory_space<vmem>> -> memref<1x512xi32, #tpu.memory_space<vmem>>
    %dma_wait3A_726 = tpu.memref_squeeze %dma_wait3A_725 : memref<1x512xi32, #tpu.memory_space<vmem>> -> memref<512xi32, #tpu.memory_space<vmem>>
    %dma_wait3A_727 = arith.constant 0 : i32
    %dma_wait3A_728 = tpu.memref_slice %arg2[%dma_wait3A_727] : memref<32006144xf32, #tpu.memory_space<hbm>> -> memref<32006144xf32, #tpu.memory_space<hbm>>
    tpu.wait_indirect_dma semaphore(%arg22 : memref<!tpu.dma_semaphore, #tpu.memory_space<semaphore_mem>>) src(%dma_wait3A_728 : memref<32006144xf32, #tpu.memory_space<hbm>>) dst(%dma_wait3A_723 : memref<512xf32, #tpu.memory_space<vmem>>)
    %dma_wait3A_729 = arith.constant 3 : i32
    %dma_wait3A_730 = arith.constant 3 : i32
    %dma_wait3A_731 = arith.constant 0 : i32
    %dma_wait3A_732 = tpu.memref_slice %arg16[%dma_wait3A_730, %dma_wait3A_731] : memref<32x512xf32, #tpu.memory_space<vmem>> -> memref<1x512xf32, #tpu.memory_space<vmem>>
    %dma_wait3A_733 = tpu.memref_squeeze %dma_wait3A_732 : memref<1x512xf32, #tpu.memory_space<vmem>> -> memref<512xf32, #tpu.memory_space<vmem>>
    %dma_wait3A_734 = arith.constant 0 : i32
    %dma_wait3A_735 = tpu.memref_slice %arg14[%dma_wait3A_729, %dma_wait3A_734] : memref<32x512xi32, #tpu.memory_space<vmem>> -> memref<1x512xi32, #tpu.memory_space<vmem>>
    %dma_wait3A_736 = tpu.memref_squeeze %dma_wait3A_735 : memref<1x512xi32, #tpu.memory_space<vmem>> -> memref<512xi32, #tpu.memory_space<vmem>>
    %dma_wait3A_737 = arith.constant 0 : i32
    %dma_wait3A_738 = tpu.memref_slice %arg3[%dma_wait3A_737] : memref<32006144xf32, #tpu.memory_space<hbm>> -> memref<32006144xf32, #tpu.memory_space<hbm>>
    tpu.wait_indirect_dma semaphore(%arg23 : memref<!tpu.dma_semaphore, #tpu.memory_space<semaphore_mem>>) src(%dma_wait3A_738 : memref<32006144xf32, #tpu.memory_space<hbm>>) dst(%dma_wait3A_733 : memref<512xf32, #tpu.memory_space<vmem>>)
    %dma_wait3A_739 = arith.constant 4 : i32
    %dma_wait3A_740 = arith.constant 4 : i32
    %dma_wait3A_741 = arith.constant 0 : i32
    %dma_wait3A_742 = tpu.memref_slice %arg15[%dma_wait3A_740, %dma_wait3A_741] : memref<32x512xf32, #tpu.memory_space<vmem>> -> memref<1x512xf32, #tpu.memory_space<vmem>>
    %dma_wait3A_743 = tpu.memref_squeeze %dma_wait3A_742 : memref<1x512xf32, #tpu.memory_space<vmem>> -> memref<512xf32, #tpu.memory_space<vmem>>
    %dma_wait3A_744 = arith.constant 0 : i32
    %dma_wait3A_745 = tpu.memref_slice %arg13[%dma_wait3A_739, %dma_wait3A_744] : memref<32x512xi32, #tpu.memory_space<vmem>> -> memref<1x512xi32, #tpu.memory_space<vmem>>
    %dma_wait3A_746 = tpu.memref_squeeze %dma_wait3A_745 : memref<1x512xi32, #tpu.memory_space<vmem>> -> memref<512xi32, #tpu.memory_space<vmem>>
    %dma_wait3A_747 = arith.constant 0 : i32
    %dma_wait3A_748 = tpu.memref_slice %arg2[%dma_wait3A_747] : memref<32006144xf32, #tpu.memory_space<hbm>> -> memref<32006144xf32, #tpu.memory_space<hbm>>
    tpu.wait_indirect_dma semaphore(%arg22 : memref<!tpu.dma_semaphore, #tpu.memory_space<semaphore_mem>>) src(%dma_wait3A_748 : memref<32006144xf32, #tpu.memory_space<hbm>>) dst(%dma_wait3A_743 : memref<512xf32, #tpu.memory_space<vmem>>)
    %dma_wait3A_749 = arith.constant 4 : i32
    %dma_wait3A_750 = arith.constant 4 : i32
    %dma_wait3A_751 = arith.constant 0 : i32
    %dma_wait3A_752 = tpu.memref_slice %arg16[%dma_wait3A_750, %dma_wait3A_751] : memref<32x512xf32, #tpu.memory_space<vmem>> -> memref<1x512xf32, #tpu.memory_space<vmem>>
    %dma_wait3A_753 = tpu.memref_squeeze %dma_wait3A_752 : memref<1x512xf32, #tpu.memory_space<vmem>> -> memref<512xf32, #tpu.memory_space<vmem>>
    %dma_wait3A_754 = arith.constant 0 : i32
    %dma_wait3A_755 = tpu.memref_slice %arg14[%dma_wait3A_749, %dma_wait3A_754] : memref<32x512xi32, #tpu.memory_space<vmem>> -> memref<1x512xi32, #tpu.memory_space<vmem>>
    %dma_wait3A_756 = tpu.memref_squeeze %dma_wait3A_755 : memref<1x512xi32, #tpu.memory_space<vmem>> -> memref<512xi32, #tpu.memory_space<vmem>>
    %dma_wait3A_757 = arith.constant 0 : i32
    %dma_wait3A_758 = tpu.memref_slice %arg3[%dma_wait3A_757] : memref<32006144xf32, #tpu.memory_space<hbm>> -> memref<32006144xf32, #tpu.memory_space<hbm>>
    tpu.wait_indirect_dma semaphore(%arg23 : memref<!tpu.dma_semaphore, #tpu.memory_space<semaphore_mem>>) src(%dma_wait3A_758 : memref<32006144xf32, #tpu.memory_space<hbm>>) dst(%dma_wait3A_753 : memref<512xf32, #tpu.memory_space<vmem>>)
    %dma_wait3A_759 = arith.constant 5 : i32
    %dma_wait3A_760 = arith.constant 5 : i32
    %dma_wait3A_761 = arith.constant 0 : i32
    %dma_wait3A_762 = tpu.memref_slice %arg15[%dma_wait3A_760, %dma_wait3A_761] : memref<32x512xf32, #tpu.memory_space<vmem>> -> memref<1x512xf32, #tpu.memory_space<vmem>>
    %dma_wait3A_763 = tpu.memref_squeeze %dma_wait3A_762 : memref<1x512xf32, #tpu.memory_space<vmem>> -> memref<512xf32, #tpu.memory_space<vmem>>
    %dma_wait3A_764 = arith.constant 0 : i32
    %dma_wait3A_765 = tpu.memref_slice %arg13[%dma_wait3A_759, %dma_wait3A_764] : memref<32x512xi32, #tpu.memory_space<vmem>> -> memref<1x512xi32, #tpu.memory_space<vmem>>
    %dma_wait3A_766 = tpu.memref_squeeze %dma_wait3A_765 : memref<1x512xi32, #tpu.memory_space<vmem>> -> memref<512xi32, #tpu.memory_space<vmem>>
    %dma_wait3A_767 = arith.constant 0 : i32
    %dma_wait3A_768 = tpu.memref_slice %arg2[%dma_wait3A_767] : memref<32006144xf32, #tpu.memory_space<hbm>> -> memref<32006144xf32, #tpu.memory_space<hbm>>
    tpu.wait_indirect_dma semaphore(%arg22 : memref<!tpu.dma_semaphore, #tpu.memory_space<semaphore_mem>>) src(%dma_wait3A_768 : memref<32006144xf32, #tpu.memory_space<hbm>>) dst(%dma_wait3A_763 : memref<512xf32, #tpu.memory_space<vmem>>)
    %dma_wait3A_769 = arith.constant 5 : i32
    %dma_wait3A_770 = arith.constant 5 : i32
    %dma_wait3A_771 = arith.constant 0 : i32
    %dma_wait3A_772 = tpu.memref_slice %arg16[%dma_wait3A_770, %dma_wait3A_771] : memref<32x512xf32, #tpu.memory_space<vmem>> -> memref<1x512xf32, #tpu.memory_space<vmem>>
    %dma_wait3A_773 = tpu.memref_squeeze %dma_wait3A_772 : memref<1x512xf32, #tpu.memory_space<vmem>> -> memref<512xf32, #tpu.memory_space<vmem>>
    %dma_wait3A_774 = arith.constant 0 : i32
    %dma_wait3A_775 = tpu.memref_slice %arg14[%dma_wait3A_769, %dma_wait3A_774] : memref<32x512xi32, #tpu.memory_space<vmem>> -> memref<1x512xi32, #tpu.memory_space<vmem>>
    %dma_wait3A_776 = tpu.memref_squeeze %dma_wait3A_775 : memref<1x512xi32, #tpu.memory_space<vmem>> -> memref<512xi32, #tpu.memory_space<vmem>>
    %dma_wait3A_777 = arith.constant 0 : i32
    %dma_wait3A_778 = tpu.memref_slice %arg3[%dma_wait3A_777] : memref<32006144xf32, #tpu.memory_space<hbm>> -> memref<32006144xf32, #tpu.memory_space<hbm>>
    tpu.wait_indirect_dma semaphore(%arg23 : memref<!tpu.dma_semaphore, #tpu.memory_space<semaphore_mem>>) src(%dma_wait3A_778 : memref<32006144xf32, #tpu.memory_space<hbm>>) dst(%dma_wait3A_773 : memref<512xf32, #tpu.memory_space<vmem>>)
    %dma_wait3A_779 = arith.constant 6 : i32
    %dma_wait3A_780 = arith.constant 6 : i32
    %dma_wait3A_781 = arith.constant 0 : i32
    %dma_wait3A_782 = tpu.memref_slice %arg15[%dma_wait3A_780, %dma_wait3A_781] : memref<32x512xf32, #tpu.memory_space<vmem>> -> memref<1x512xf32, #tpu.memory_space<vmem>>
    %dma_wait3A_783 = tpu.memref_squeeze %dma_wait3A_782 : memref<1x512xf32, #tpu.memory_space<vmem>> -> memref<512xf32, #tpu.memory_space<vmem>>
    %dma_wait3A_784 = arith.constant 0 : i32
    %dma_wait3A_785 = tpu.memref_slice %arg13[%dma_wait3A_779, %dma_wait3A_784] : memref<32x512xi32, #tpu.memory_space<vmem>> -> memref<1x512xi32, #tpu.memory_space<vmem>>
    %dma_wait3A_786 = tpu.memref_squeeze %dma_wait3A_785 : memref<1x512xi32, #tpu.memory_space<vmem>> -> memref<512xi32, #tpu.memory_space<vmem>>
    %dma_wait3A_787 = arith.constant 0 : i32
    %dma_wait3A_788 = tpu.memref_slice %arg2[%dma_wait3A_787] : memref<32006144xf32, #tpu.memory_space<hbm>> -> memref<32006144xf32, #tpu.memory_space<hbm>>
    tpu.wait_indirect_dma semaphore(%arg22 : memref<!tpu.dma_semaphore, #tpu.memory_space<semaphore_mem>>) src(%dma_wait3A_788 : memref<32006144xf32, #tpu.memory_space<hbm>>) dst(%dma_wait3A_783 : memref<512xf32, #tpu.memory_space<vmem>>)
    %dma_wait3A_789 = arith.constant 6 : i32
    %dma_wait3A_790 = arith.constant 6 : i32
    %dma_wait3A_791 = arith.constant 0 : i32
    %dma_wait3A_792 = tpu.memref_slice %arg16[%dma_wait3A_790, %dma_wait3A_791] : memref<32x512xf32, #tpu.memory_space<vmem>> -> memref<1x512xf32, #tpu.memory_space<vmem>>
    %dma_wait3A_793 = tpu.memref_squeeze %dma_wait3A_792 : memref<1x512xf32, #tpu.memory_space<vmem>> -> memref<512xf32, #tpu.memory_space<vmem>>
    %dma_wait3A_794 = arith.constant 0 : i32
    %dma_wait3A_795 = tpu.memref_slice %arg14[%dma_wait3A_789, %dma_wait3A_794] : memref<32x512xi32, #tpu.memory_space<vmem>> -> memref<1x512xi32, #tpu.memory_space<vmem>>
    %dma_wait3A_796 = tpu.memref_squeeze %dma_wait3A_795 : memref<1x512xi32, #tpu.memory_space<vmem>> -> memref<512xi32, #tpu.memory_space<vmem>>
    %dma_wait3A_797 = arith.constant 0 : i32
    %dma_wait3A_798 = tpu.memref_slice %arg3[%dma_wait3A_797] : memref<32006144xf32, #tpu.memory_space<hbm>> -> memref<32006144xf32, #tpu.memory_space<hbm>>
    tpu.wait_indirect_dma semaphore(%arg23 : memref<!tpu.dma_semaphore, #tpu.memory_space<semaphore_mem>>) src(%dma_wait3A_798 : memref<32006144xf32, #tpu.memory_space<hbm>>) dst(%dma_wait3A_793 : memref<512xf32, #tpu.memory_space<vmem>>)
    %dma_wait3A_799 = arith.constant 7 : i32
    %dma_wait3A_800 = arith.constant 7 : i32
    %dma_wait3A_801 = arith.constant 0 : i32
    %dma_wait3A_802 = tpu.memref_slice %arg15[%dma_wait3A_800, %dma_wait3A_801] : memref<32x512xf32, #tpu.memory_space<vmem>> -> memref<1x512xf32, #tpu.memory_space<vmem>>
    %dma_wait3A_803 = tpu.memref_squeeze %dma_wait3A_802 : memref<1x512xf32, #tpu.memory_space<vmem>> -> memref<512xf32, #tpu.memory_space<vmem>>
    %dma_wait3A_804 = arith.constant 0 : i32
    %dma_wait3A_805 = tpu.memref_slice %arg13[%dma_wait3A_799, %dma_wait3A_804] : memref<32x512xi32, #tpu.memory_space<vmem>> -> memref<1x512xi32, #tpu.memory_space<vmem>>
    %dma_wait3A_806 = tpu.memref_squeeze %dma_wait3A_805 : memref<1x512xi32, #tpu.memory_space<vmem>> -> memref<512xi32, #tpu.memory_space<vmem>>
    %dma_wait3A_807 = arith.constant 0 : i32
    %dma_wait3A_808 = tpu.memref_slice %arg2[%dma_wait3A_807] : memref<32006144xf32, #tpu.memory_space<hbm>> -> memref<32006144xf32, #tpu.memory_space<hbm>>
    tpu.wait_indirect_dma semaphore(%arg22 : memref<!tpu.dma_semaphore, #tpu.memory_space<semaphore_mem>>) src(%dma_wait3A_808 : memref<32006144xf32, #tpu.memory_space<hbm>>) dst(%dma_wait3A_803 : memref<512xf32, #tpu.memory_space<vmem>>)
    %dma_wait3A_809 = arith.constant 7 : i32
    %dma_wait3A_810 = arith.constant 7 : i32
    %dma_wait3A_811 = arith.constant 0 : i32
    %dma_wait3A_812 = tpu.memref_slice %arg16[%dma_wait3A_810, %dma_wait3A_811] : memref<32x512xf32, #tpu.memory_space<vmem>> -> memref<1x512xf32, #tpu.memory_space<vmem>>
    %dma_wait3A_813 = tpu.memref_squeeze %dma_wait3A_812 : memref<1x512xf32, #tpu.memory_space<vmem>> -> memref<512xf32, #tpu.memory_space<vmem>>
    %dma_wait3A_814 = arith.constant 0 : i32
    %dma_wait3A_815 = tpu.memref_slice %arg14[%dma_wait3A_809, %dma_wait3A_814] : memref<32x512xi32, #tpu.memory_space<vmem>> -> memref<1x512xi32, #tpu.memory_space<vmem>>
    %dma_wait3A_816 = tpu.memref_squeeze %dma_wait3A_815 : memref<1x512xi32, #tpu.memory_space<vmem>> -> memref<512xi32, #tpu.memory_space<vmem>>
    %dma_wait3A_817 = arith.constant 0 : i32
    %dma_wait3A_818 = tpu.memref_slice %arg3[%dma_wait3A_817] : memref<32006144xf32, #tpu.memory_space<hbm>> -> memref<32006144xf32, #tpu.memory_space<hbm>>
    tpu.wait_indirect_dma semaphore(%arg23 : memref<!tpu.dma_semaphore, #tpu.memory_space<semaphore_mem>>) src(%dma_wait3A_818 : memref<32006144xf32, #tpu.memory_space<hbm>>) dst(%dma_wait3A_813 : memref<512xf32, #tpu.memory_space<vmem>>)
    %dma_wait3A_819 = arith.constant 8 : i32
    %dma_wait3A_820 = arith.constant 8 : i32
    %dma_wait3A_821 = arith.constant 0 : i32
    %dma_wait3A_822 = tpu.memref_slice %arg15[%dma_wait3A_820, %dma_wait3A_821] : memref<32x512xf32, #tpu.memory_space<vmem>> -> memref<1x512xf32, #tpu.memory_space<vmem>>
    %dma_wait3A_823 = tpu.memref_squeeze %dma_wait3A_822 : memref<1x512xf32, #tpu.memory_space<vmem>> -> memref<512xf32, #tpu.memory_space<vmem>>
    %dma_wait3A_824 = arith.constant 0 : i32
    %dma_wait3A_825 = tpu.memref_slice %arg13[%dma_wait3A_819, %dma_wait3A_824] : memref<32x512xi32, #tpu.memory_space<vmem>> -> memref<1x512xi32, #tpu.memory_space<vmem>>
    %dma_wait3A_826 = tpu.memref_squeeze %dma_wait3A_825 : memref<1x512xi32, #tpu.memory_space<vmem>> -> memref<512xi32, #tpu.memory_space<vmem>>
    %dma_wait3A_827 = arith.constant 0 : i32
    %dma_wait3A_828 = tpu.memref_slice %arg2[%dma_wait3A_827] : memref<32006144xf32, #tpu.memory_space<hbm>> -> memref<32006144xf32, #tpu.memory_space<hbm>>
    tpu.wait_indirect_dma semaphore(%arg22 : memref<!tpu.dma_semaphore, #tpu.memory_space<semaphore_mem>>) src(%dma_wait3A_828 : memref<32006144xf32, #tpu.memory_space<hbm>>) dst(%dma_wait3A_823 : memref<512xf32, #tpu.memory_space<vmem>>)
    %dma_wait3A_829 = arith.constant 8 : i32
    %dma_wait3A_830 = arith.constant 8 : i32
    %dma_wait3A_831 = arith.constant 0 : i32
    %dma_wait3A_832 = tpu.memref_slice %arg16[%dma_wait3A_830, %dma_wait3A_831] : memref<32x512xf32, #tpu.memory_space<vmem>> -> memref<1x512xf32, #tpu.memory_space<vmem>>
    %dma_wait3A_833 = tpu.memref_squeeze %dma_wait3A_832 : memref<1x512xf32, #tpu.memory_space<vmem>> -> memref<512xf32, #tpu.memory_space<vmem>>
    %dma_wait3A_834 = arith.constant 0 : i32
    %dma_wait3A_835 = tpu.memref_slice %arg14[%dma_wait3A_829, %dma_wait3A_834] : memref<32x512xi32, #tpu.memory_space<vmem>> -> memref<1x512xi32, #tpu.memory_space<vmem>>
    %dma_wait3A_836 = tpu.memref_squeeze %dma_wait3A_835 : memref<1x512xi32, #tpu.memory_space<vmem>> -> memref<512xi32, #tpu.memory_space<vmem>>
    %dma_wait3A_837 = arith.constant 0 : i32
    %dma_wait3A_838 = tpu.memref_slice %arg3[%dma_wait3A_837] : memref<32006144xf32, #tpu.memory_space<hbm>> -> memref<32006144xf32, #tpu.memory_space<hbm>>
    tpu.wait_indirect_dma semaphore(%arg23 : memref<!tpu.dma_semaphore, #tpu.memory_space<semaphore_mem>>) src(%dma_wait3A_838 : memref<32006144xf32, #tpu.memory_space<hbm>>) dst(%dma_wait3A_833 : memref<512xf32, #tpu.memory_space<vmem>>)
    %dma_wait3A_839 = arith.constant 9 : i32
    %dma_wait3A_840 = arith.constant 9 : i32
    %dma_wait3A_841 = arith.constant 0 : i32
    %dma_wait3A_842 = tpu.memref_slice %arg15[%dma_wait3A_840, %dma_wait3A_841] : memref<32x512xf32, #tpu.memory_space<vmem>> -> memref<1x512xf32, #tpu.memory_space<vmem>>
    %dma_wait3A_843 = tpu.memref_squeeze %dma_wait3A_842 : memref<1x512xf32, #tpu.memory_space<vmem>> -> memref<512xf32, #tpu.memory_space<vmem>>
    %dma_wait3A_844 = arith.constant 0 : i32
    %dma_wait3A_845 = tpu.memref_slice %arg13[%dma_wait3A_839, %dma_wait3A_844] : memref<32x512xi32, #tpu.memory_space<vmem>> -> memref<1x512xi32, #tpu.memory_space<vmem>>
    %dma_wait3A_846 = tpu.memref_squeeze %dma_wait3A_845 : memref<1x512xi32, #tpu.memory_space<vmem>> -> memref<512xi32, #tpu.memory_space<vmem>>
    %dma_wait3A_847 = arith.constant 0 : i32
    %dma_wait3A_848 = tpu.memref_slice %arg2[%dma_wait3A_847] : memref<32006144xf32, #tpu.memory_space<hbm>> -> memref<32006144xf32, #tpu.memory_space<hbm>>
    tpu.wait_indirect_dma semaphore(%arg22 : memref<!tpu.dma_semaphore, #tpu.memory_space<semaphore_mem>>) src(%dma_wait3A_848 : memref<32006144xf32, #tpu.memory_space<hbm>>) dst(%dma_wait3A_843 : memref<512xf32, #tpu.memory_space<vmem>>)
    %dma_wait3A_849 = arith.constant 9 : i32
    %dma_wait3A_850 = arith.constant 9 : i32
    %dma_wait3A_851 = arith.constant 0 : i32
    %dma_wait3A_852 = tpu.memref_slice %arg16[%dma_wait3A_850, %dma_wait3A_851] : memref<32x512xf32, #tpu.memory_space<vmem>> -> memref<1x512xf32, #tpu.memory_space<vmem>>
    %dma_wait3A_853 = tpu.memref_squeeze %dma_wait3A_852 : memref<1x512xf32, #tpu.memory_space<vmem>> -> memref<512xf32, #tpu.memory_space<vmem>>
    %dma_wait3A_854 = arith.constant 0 : i32
    %dma_wait3A_855 = tpu.memref_slice %arg14[%dma_wait3A_849, %dma_wait3A_854] : memref<32x512xi32, #tpu.memory_space<vmem>> -> memref<1x512xi32, #tpu.memory_space<vmem>>
    %dma_wait3A_856 = tpu.memref_squeeze %dma_wait3A_855 : memref<1x512xi32, #tpu.memory_space<vmem>> -> memref<512xi32, #tpu.memory_space<vmem>>
    %dma_wait3A_857 = arith.constant 0 : i32
    %dma_wait3A_858 = tpu.memref_slice %arg3[%dma_wait3A_857] : memref<32006144xf32, #tpu.memory_space<hbm>> -> memref<32006144xf32, #tpu.memory_space<hbm>>
    tpu.wait_indirect_dma semaphore(%arg23 : memref<!tpu.dma_semaphore, #tpu.memory_space<semaphore_mem>>) src(%dma_wait3A_858 : memref<32006144xf32, #tpu.memory_space<hbm>>) dst(%dma_wait3A_853 : memref<512xf32, #tpu.memory_space<vmem>>)
    %dma_wait3A_859 = arith.constant 10 : i32
    %dma_wait3A_860 = arith.constant 10 : i32
    %dma_wait3A_861 = arith.constant 0 : i32
    %dma_wait3A_862 = tpu.memref_slice %arg15[%dma_wait3A_860, %dma_wait3A_861] : memref<32x512xf32, #tpu.memory_space<vmem>> -> memref<1x512xf32, #tpu.memory_space<vmem>>
    %dma_wait3A_863 = tpu.memref_squeeze %dma_wait3A_862 : memref<1x512xf32, #tpu.memory_space<vmem>> -> memref<512xf32, #tpu.memory_space<vmem>>
    %dma_wait3A_864 = arith.constant 0 : i32
    %dma_wait3A_865 = tpu.memref_slice %arg13[%dma_wait3A_859, %dma_wait3A_864] : memref<32x512xi32, #tpu.memory_space<vmem>> -> memref<1x512xi32, #tpu.memory_space<vmem>>
    %dma_wait3A_866 = tpu.memref_squeeze %dma_wait3A_865 : memref<1x512xi32, #tpu.memory_space<vmem>> -> memref<512xi32, #tpu.memory_space<vmem>>
    %dma_wait3A_867 = arith.constant 0 : i32
    %dma_wait3A_868 = tpu.memref_slice %arg2[%dma_wait3A_867] : memref<32006144xf32, #tpu.memory_space<hbm>> -> memref<32006144xf32, #tpu.memory_space<hbm>>
    tpu.wait_indirect_dma semaphore(%arg22 : memref<!tpu.dma_semaphore, #tpu.memory_space<semaphore_mem>>) src(%dma_wait3A_868 : memref<32006144xf32, #tpu.memory_space<hbm>>) dst(%dma_wait3A_863 : memref<512xf32, #tpu.memory_space<vmem>>)
    %dma_wait3A_869 = arith.constant 10 : i32
    %dma_wait3A_870 = arith.constant 10 : i32
    %dma_wait3A_871 = arith.constant 0 : i32
    %dma_wait3A_872 = tpu.memref_slice %arg16[%dma_wait3A_870, %dma_wait3A_871] : memref<32x512xf32, #tpu.memory_space<vmem>> -> memref<1x512xf32, #tpu.memory_space<vmem>>
    %dma_wait3A_873 = tpu.memref_squeeze %dma_wait3A_872 : memref<1x512xf32, #tpu.memory_space<vmem>> -> memref<512xf32, #tpu.memory_space<vmem>>
    %dma_wait3A_874 = arith.constant 0 : i32
    %dma_wait3A_875 = tpu.memref_slice %arg14[%dma_wait3A_869, %dma_wait3A_874] : memref<32x512xi32, #tpu.memory_space<vmem>> -> memref<1x512xi32, #tpu.memory_space<vmem>>
    %dma_wait3A_876 = tpu.memref_squeeze %dma_wait3A_875 : memref<1x512xi32, #tpu.memory_space<vmem>> -> memref<512xi32, #tpu.memory_space<vmem>>
    %dma_wait3A_877 = arith.constant 0 : i32
    %dma_wait3A_878 = tpu.memref_slice %arg3[%dma_wait3A_877] : memref<32006144xf32, #tpu.memory_space<hbm>> -> memref<32006144xf32, #tpu.memory_space<hbm>>
    tpu.wait_indirect_dma semaphore(%arg23 : memref<!tpu.dma_semaphore, #tpu.memory_space<semaphore_mem>>) src(%dma_wait3A_878 : memref<32006144xf32, #tpu.memory_space<hbm>>) dst(%dma_wait3A_873 : memref<512xf32, #tpu.memory_space<vmem>>)
    %dma_wait3A_879 = arith.constant 11 : i32
    %dma_wait3A_880 = arith.constant 11 : i32
    %dma_wait3A_881 = arith.constant 0 : i32
    %dma_wait3A_882 = tpu.memref_slice %arg15[%dma_wait3A_880, %dma_wait3A_881] : memref<32x512xf32, #tpu.memory_space<vmem>> -> memref<1x512xf32, #tpu.memory_space<vmem>>
    %dma_wait3A_883 = tpu.memref_squeeze %dma_wait3A_882 : memref<1x512xf32, #tpu.memory_space<vmem>> -> memref<512xf32, #tpu.memory_space<vmem>>
    %dma_wait3A_884 = arith.constant 0 : i32
    %dma_wait3A_885 = tpu.memref_slice %arg13[%dma_wait3A_879, %dma_wait3A_884] : memref<32x512xi32, #tpu.memory_space<vmem>> -> memref<1x512xi32, #tpu.memory_space<vmem>>
    %dma_wait3A_886 = tpu.memref_squeeze %dma_wait3A_885 : memref<1x512xi32, #tpu.memory_space<vmem>> -> memref<512xi32, #tpu.memory_space<vmem>>
    %dma_wait3A_887 = arith.constant 0 : i32
    %dma_wait3A_888 = tpu.memref_slice %arg2[%dma_wait3A_887] : memref<32006144xf32, #tpu.memory_space<hbm>> -> memref<32006144xf32, #tpu.memory_space<hbm>>
    tpu.wait_indirect_dma semaphore(%arg22 : memref<!tpu.dma_semaphore, #tpu.memory_space<semaphore_mem>>) src(%dma_wait3A_888 : memref<32006144xf32, #tpu.memory_space<hbm>>) dst(%dma_wait3A_883 : memref<512xf32, #tpu.memory_space<vmem>>)
    %dma_wait3A_889 = arith.constant 11 : i32
    %dma_wait3A_890 = arith.constant 11 : i32
    %dma_wait3A_891 = arith.constant 0 : i32
    %dma_wait3A_892 = tpu.memref_slice %arg16[%dma_wait3A_890, %dma_wait3A_891] : memref<32x512xf32, #tpu.memory_space<vmem>> -> memref<1x512xf32, #tpu.memory_space<vmem>>
    %dma_wait3A_893 = tpu.memref_squeeze %dma_wait3A_892 : memref<1x512xf32, #tpu.memory_space<vmem>> -> memref<512xf32, #tpu.memory_space<vmem>>
    %dma_wait3A_894 = arith.constant 0 : i32
    %dma_wait3A_895 = tpu.memref_slice %arg14[%dma_wait3A_889, %dma_wait3A_894] : memref<32x512xi32, #tpu.memory_space<vmem>> -> memref<1x512xi32, #tpu.memory_space<vmem>>
    %dma_wait3A_896 = tpu.memref_squeeze %dma_wait3A_895 : memref<1x512xi32, #tpu.memory_space<vmem>> -> memref<512xi32, #tpu.memory_space<vmem>>
    %dma_wait3A_897 = arith.constant 0 : i32
    %dma_wait3A_898 = tpu.memref_slice %arg3[%dma_wait3A_897] : memref<32006144xf32, #tpu.memory_space<hbm>> -> memref<32006144xf32, #tpu.memory_space<hbm>>
    tpu.wait_indirect_dma semaphore(%arg23 : memref<!tpu.dma_semaphore, #tpu.memory_space<semaphore_mem>>) src(%dma_wait3A_898 : memref<32006144xf32, #tpu.memory_space<hbm>>) dst(%dma_wait3A_893 : memref<512xf32, #tpu.memory_space<vmem>>)
    %dma_wait3A_899 = arith.constant 12 : i32
    %dma_wait3A_900 = arith.constant 12 : i32
    %dma_wait3A_901 = arith.constant 0 : i32
    %dma_wait3A_902 = tpu.memref_slice %arg15[%dma_wait3A_900, %dma_wait3A_901] : memref<32x512xf32, #tpu.memory_space<vmem>> -> memref<1x512xf32, #tpu.memory_space<vmem>>
    %dma_wait3A_903 = tpu.memref_squeeze %dma_wait3A_902 : memref<1x512xf32, #tpu.memory_space<vmem>> -> memref<512xf32, #tpu.memory_space<vmem>>
    %dma_wait3A_904 = arith.constant 0 : i32
    %dma_wait3A_905 = tpu.memref_slice %arg13[%dma_wait3A_899, %dma_wait3A_904] : memref<32x512xi32, #tpu.memory_space<vmem>> -> memref<1x512xi32, #tpu.memory_space<vmem>>
    %dma_wait3A_906 = tpu.memref_squeeze %dma_wait3A_905 : memref<1x512xi32, #tpu.memory_space<vmem>> -> memref<512xi32, #tpu.memory_space<vmem>>
    %dma_wait3A_907 = arith.constant 0 : i32
    %dma_wait3A_908 = tpu.memref_slice %arg2[%dma_wait3A_907] : memref<32006144xf32, #tpu.memory_space<hbm>> -> memref<32006144xf32, #tpu.memory_space<hbm>>
    tpu.wait_indirect_dma semaphore(%arg22 : memref<!tpu.dma_semaphore, #tpu.memory_space<semaphore_mem>>) src(%dma_wait3A_908 : memref<32006144xf32, #tpu.memory_space<hbm>>) dst(%dma_wait3A_903 : memref<512xf32, #tpu.memory_space<vmem>>)
    %dma_wait3A_909 = arith.constant 12 : i32
    %dma_wait3A_910 = arith.constant 12 : i32
    %dma_wait3A_911 = arith.constant 0 : i32
    %dma_wait3A_912 = tpu.memref_slice %arg16[%dma_wait3A_910, %dma_wait3A_911] : memref<32x512xf32, #tpu.memory_space<vmem>> -> memref<1x512xf32, #tpu.memory_space<vmem>>
    %dma_wait3A_913 = tpu.memref_squeeze %dma_wait3A_912 : memref<1x512xf32, #tpu.memory_space<vmem>> -> memref<512xf32, #tpu.memory_space<vmem>>
    %dma_wait3A_914 = arith.constant 0 : i32
    %dma_wait3A_915 = tpu.memref_slice %arg14[%dma_wait3A_909, %dma_wait3A_914] : memref<32x512xi32, #tpu.memory_space<vmem>> -> memref<1x512xi32, #tpu.memory_space<vmem>>
    %dma_wait3A_916 = tpu.memref_squeeze %dma_wait3A_915 : memref<1x512xi32, #tpu.memory_space<vmem>> -> memref<512xi32, #tpu.memory_space<vmem>>
    %dma_wait3A_917 = arith.constant 0 : i32
    %dma_wait3A_918 = tpu.memref_slice %arg3[%dma_wait3A_917] : memref<32006144xf32, #tpu.memory_space<hbm>> -> memref<32006144xf32, #tpu.memory_space<hbm>>
    tpu.wait_indirect_dma semaphore(%arg23 : memref<!tpu.dma_semaphore, #tpu.memory_space<semaphore_mem>>) src(%dma_wait3A_918 : memref<32006144xf32, #tpu.memory_space<hbm>>) dst(%dma_wait3A_913 : memref<512xf32, #tpu.memory_space<vmem>>)
    %dma_wait3A_919 = arith.constant 13 : i32
    %dma_wait3A_920 = arith.constant 13 : i32
    %dma_wait3A_921 = arith.constant 0 : i32
    %dma_wait3A_922 = tpu.memref_slice %arg15[%dma_wait3A_920, %dma_wait3A_921] : memref<32x512xf32, #tpu.memory_space<vmem>> -> memref<1x512xf32, #tpu.memory_space<vmem>>
    %dma_wait3A_923 = tpu.memref_squeeze %dma_wait3A_922 : memref<1x512xf32, #tpu.memory_space<vmem>> -> memref<512xf32, #tpu.memory_space<vmem>>
    %dma_wait3A_924 = arith.constant 0 : i32
    %dma_wait3A_925 = tpu.memref_slice %arg13[%dma_wait3A_919, %dma_wait3A_924] : memref<32x512xi32, #tpu.memory_space<vmem>> -> memref<1x512xi32, #tpu.memory_space<vmem>>
    %dma_wait3A_926 = tpu.memref_squeeze %dma_wait3A_925 : memref<1x512xi32, #tpu.memory_space<vmem>> -> memref<512xi32, #tpu.memory_space<vmem>>
    %dma_wait3A_927 = arith.constant 0 : i32
    %dma_wait3A_928 = tpu.memref_slice %arg2[%dma_wait3A_927] : memref<32006144xf32, #tpu.memory_space<hbm>> -> memref<32006144xf32, #tpu.memory_space<hbm>>
    tpu.wait_indirect_dma semaphore(%arg22 : memref<!tpu.dma_semaphore, #tpu.memory_space<semaphore_mem>>) src(%dma_wait3A_928 : memref<32006144xf32, #tpu.memory_space<hbm>>) dst(%dma_wait3A_923 : memref<512xf32, #tpu.memory_space<vmem>>)
    %dma_wait3A_929 = arith.constant 13 : i32
    %dma_wait3A_930 = arith.constant 13 : i32
    %dma_wait3A_931 = arith.constant 0 : i32
    %dma_wait3A_932 = tpu.memref_slice %arg16[%dma_wait3A_930, %dma_wait3A_931] : memref<32x512xf32, #tpu.memory_space<vmem>> -> memref<1x512xf32, #tpu.memory_space<vmem>>
    %dma_wait3A_933 = tpu.memref_squeeze %dma_wait3A_932 : memref<1x512xf32, #tpu.memory_space<vmem>> -> memref<512xf32, #tpu.memory_space<vmem>>
    %dma_wait3A_934 = arith.constant 0 : i32
    %dma_wait3A_935 = tpu.memref_slice %arg14[%dma_wait3A_929, %dma_wait3A_934] : memref<32x512xi32, #tpu.memory_space<vmem>> -> memref<1x512xi32, #tpu.memory_space<vmem>>
    %dma_wait3A_936 = tpu.memref_squeeze %dma_wait3A_935 : memref<1x512xi32, #tpu.memory_space<vmem>> -> memref<512xi32, #tpu.memory_space<vmem>>
    %dma_wait3A_937 = arith.constant 0 : i32
    %dma_wait3A_938 = tpu.memref_slice %arg3[%dma_wait3A_937] : memref<32006144xf32, #tpu.memory_space<hbm>> -> memref<32006144xf32, #tpu.memory_space<hbm>>
    tpu.wait_indirect_dma semaphore(%arg23 : memref<!tpu.dma_semaphore, #tpu.memory_space<semaphore_mem>>) src(%dma_wait3A_938 : memref<32006144xf32, #tpu.memory_space<hbm>>) dst(%dma_wait3A_933 : memref<512xf32, #tpu.memory_space<vmem>>)
    %dma_wait3A_939 = arith.constant 14 : i32
    %dma_wait3A_940 = arith.constant 14 : i32
    %dma_wait3A_941 = arith.constant 0 : i32
    %dma_wait3A_942 = tpu.memref_slice %arg15[%dma_wait3A_940, %dma_wait3A_941] : memref<32x512xf32, #tpu.memory_space<vmem>> -> memref<1x512xf32, #tpu.memory_space<vmem>>
    %dma_wait3A_943 = tpu.memref_squeeze %dma_wait3A_942 : memref<1x512xf32, #tpu.memory_space<vmem>> -> memref<512xf32, #tpu.memory_space<vmem>>
    %dma_wait3A_944 = arith.constant 0 : i32
    %dma_wait3A_945 = tpu.memref_slice %arg13[%dma_wait3A_939, %dma_wait3A_944] : memref<32x512xi32, #tpu.memory_space<vmem>> -> memref<1x512xi32, #tpu.memory_space<vmem>>
    %dma_wait3A_946 = tpu.memref_squeeze %dma_wait3A_945 : memref<1x512xi32, #tpu.memory_space<vmem>> -> memref<512xi32, #tpu.memory_space<vmem>>
    %dma_wait3A_947 = arith.constant 0 : i32
    %dma_wait3A_948 = tpu.memref_slice %arg2[%dma_wait3A_947] : memref<32006144xf32, #tpu.memory_space<hbm>> -> memref<32006144xf32, #tpu.memory_space<hbm>>
    tpu.wait_indirect_dma semaphore(%arg22 : memref<!tpu.dma_semaphore, #tpu.memory_space<semaphore_mem>>) src(%dma_wait3A_948 : memref<32006144xf32, #tpu.memory_space<hbm>>) dst(%dma_wait3A_943 : memref<512xf32, #tpu.memory_space<vmem>>)
    %dma_wait3A_949 = arith.constant 14 : i32
    %dma_wait3A_950 = arith.constant 14 : i32
    %dma_wait3A_951 = arith.constant 0 : i32
    %dma_wait3A_952 = tpu.memref_slice %arg16[%dma_wait3A_950, %dma_wait3A_951] : memref<32x512xf32, #tpu.memory_space<vmem>> -> memref<1x512xf32, #tpu.memory_space<vmem>>
    %dma_wait3A_953 = tpu.memref_squeeze %dma_wait3A_952 : memref<1x512xf32, #tpu.memory_space<vmem>> -> memref<512xf32, #tpu.memory_space<vmem>>
    %dma_wait3A_954 = arith.constant 0 : i32
    %dma_wait3A_955 = tpu.memref_slice %arg14[%dma_wait3A_949, %dma_wait3A_954] : memref<32x512xi32, #tpu.memory_space<vmem>> -> memref<1x512xi32, #tpu.memory_space<vmem>>
    %dma_wait3A_956 = tpu.memref_squeeze %dma_wait3A_955 : memref<1x512xi32, #tpu.memory_space<vmem>> -> memref<512xi32, #tpu.memory_space<vmem>>
    %dma_wait3A_957 = arith.constant 0 : i32
    %dma_wait3A_958 = tpu.memref_slice %arg3[%dma_wait3A_957] : memref<32006144xf32, #tpu.memory_space<hbm>> -> memref<32006144xf32, #tpu.memory_space<hbm>>
    tpu.wait_indirect_dma semaphore(%arg23 : memref<!tpu.dma_semaphore, #tpu.memory_space<semaphore_mem>>) src(%dma_wait3A_958 : memref<32006144xf32, #tpu.memory_space<hbm>>) dst(%dma_wait3A_953 : memref<512xf32, #tpu.memory_space<vmem>>)
    %dma_wait3A_959 = arith.constant 15 : i32
    %dma_wait3A_960 = arith.constant 15 : i32
    %dma_wait3A_961 = arith.constant 0 : i32
    %dma_wait3A_962 = tpu.memref_slice %arg15[%dma_wait3A_960, %dma_wait3A_961] : memref<32x512xf32, #tpu.memory_space<vmem>> -> memref<1x512xf32, #tpu.memory_space<vmem>>
    %dma_wait3A_963 = tpu.memref_squeeze %dma_wait3A_962 : memref<1x512xf32, #tpu.memory_space<vmem>> -> memref<512xf32, #tpu.memory_space<vmem>>
    %dma_wait3A_964 = arith.constant 0 : i32
    %dma_wait3A_965 = tpu.memref_slice %arg13[%dma_wait3A_959, %dma_wait3A_964] : memref<32x512xi32, #tpu.memory_space<vmem>> -> memref<1x512xi32, #tpu.memory_space<vmem>>
    %dma_wait3A_966 = tpu.memref_squeeze %dma_wait3A_965 : memref<1x512xi32, #tpu.memory_space<vmem>> -> memref<512xi32, #tpu.memory_space<vmem>>
    %dma_wait3A_967 = arith.constant 0 : i32
    %dma_wait3A_968 = tpu.memref_slice %arg2[%dma_wait3A_967] : memref<32006144xf32, #tpu.memory_space<hbm>> -> memref<32006144xf32, #tpu.memory_space<hbm>>
    tpu.wait_indirect_dma semaphore(%arg22 : memref<!tpu.dma_semaphore, #tpu.memory_space<semaphore_mem>>) src(%dma_wait3A_968 : memref<32006144xf32, #tpu.memory_space<hbm>>) dst(%dma_wait3A_963 : memref<512xf32, #tpu.memory_space<vmem>>)
    %dma_wait3A_969 = arith.constant 15 : i32
    %dma_wait3A_970 = arith.constant 15 : i32
    %dma_wait3A_971 = arith.constant 0 : i32
    %dma_wait3A_972 = tpu.memref_slice %arg16[%dma_wait3A_970, %dma_wait3A_971] : memref<32x512xf32, #tpu.memory_space<vmem>> -> memref<1x512xf32, #tpu.memory_space<vmem>>
    %dma_wait3A_973 = tpu.memref_squeeze %dma_wait3A_972 : memref<1x512xf32, #tpu.memory_space<vmem>> -> memref<512xf32, #tpu.memory_space<vmem>>
    %dma_wait3A_974 = arith.constant 0 : i32
    %dma_wait3A_975 = tpu.memref_slice %arg14[%dma_wait3A_969, %dma_wait3A_974] : memref<32x512xi32, #tpu.memory_space<vmem>> -> memref<1x512xi32, #tpu.memory_space<vmem>>
    %dma_wait3A_976 = tpu.memref_squeeze %dma_wait3A_975 : memref<1x512xi32, #tpu.memory_space<vmem>> -> memref<512xi32, #tpu.memory_space<vmem>>
    %dma_wait3A_977 = arith.constant 0 : i32
    %dma_wait3A_978 = tpu.memref_slice %arg3[%dma_wait3A_977] : memref<32006144xf32, #tpu.memory_space<hbm>> -> memref<32006144xf32, #tpu.memory_space<hbm>>
    tpu.wait_indirect_dma semaphore(%arg23 : memref<!tpu.dma_semaphore, #tpu.memory_space<semaphore_mem>>) src(%dma_wait3A_978 : memref<32006144xf32, #tpu.memory_space<hbm>>) dst(%dma_wait3A_973 : memref<512xf32, #tpu.memory_space<vmem>>)
    %dma_wait3A_979 = arith.constant 16 : i32
    %dma_wait3A_980 = arith.constant 16 : i32
    %dma_wait3A_981 = arith.constant 0 : i32
    %dma_wait3A_982 = tpu.memref_slice %arg15[%dma_wait3A_980, %dma_wait3A_981] : memref<32x512xf32, #tpu.memory_space<vmem>> -> memref<1x512xf32, #tpu.memory_space<vmem>>
    %dma_wait3A_983 = tpu.memref_squeeze %dma_wait3A_982 : memref<1x512xf32, #tpu.memory_space<vmem>> -> memref<512xf32, #tpu.memory_space<vmem>>
    %dma_wait3A_984 = arith.constant 0 : i32
    %dma_wait3A_985 = tpu.memref_slice %arg13[%dma_wait3A_979, %dma_wait3A_984] : memref<32x512xi32, #tpu.memory_space<vmem>> -> memref<1x512xi32, #tpu.memory_space<vmem>>
    %dma_wait3A_986 = tpu.memref_squeeze %dma_wait3A_985 : memref<1x512xi32, #tpu.memory_space<vmem>> -> memref<512xi32, #tpu.memory_space<vmem>>
    %dma_wait3A_987 = arith.constant 0 : i32
    %dma_wait3A_988 = tpu.memref_slice %arg2[%dma_wait3A_987] : memref<32006144xf32, #tpu.memory_space<hbm>> -> memref<32006144xf32, #tpu.memory_space<hbm>>
    tpu.wait_indirect_dma semaphore(%arg22 : memref<!tpu.dma_semaphore, #tpu.memory_space<semaphore_mem>>) src(%dma_wait3A_988 : memref<32006144xf32, #tpu.memory_space<hbm>>) dst(%dma_wait3A_983 : memref<512xf32, #tpu.memory_space<vmem>>)
    %dma_wait3A_989 = arith.constant 16 : i32
    %dma_wait3A_990 = arith.constant 16 : i32
    %dma_wait3A_991 = arith.constant 0 : i32
    %dma_wait3A_992 = tpu.memref_slice %arg16[%dma_wait3A_990, %dma_wait3A_991] : memref<32x512xf32, #tpu.memory_space<vmem>> -> memref<1x512xf32, #tpu.memory_space<vmem>>
    %dma_wait3A_993 = tpu.memref_squeeze %dma_wait3A_992 : memref<1x512xf32, #tpu.memory_space<vmem>> -> memref<512xf32, #tpu.memory_space<vmem>>
    %dma_wait3A_994 = arith.constant 0 : i32
    %dma_wait3A_995 = tpu.memref_slice %arg14[%dma_wait3A_989, %dma_wait3A_994] : memref<32x512xi32, #tpu.memory_space<vmem>> -> memref<1x512xi32, #tpu.memory_space<vmem>>
    %dma_wait3A_996 = tpu.memref_squeeze %dma_wait3A_995 : memref<1x512xi32, #tpu.memory_space<vmem>> -> memref<512xi32, #tpu.memory_space<vmem>>
    %dma_wait3A_997 = arith.constant 0 : i32
    %dma_wait3A_998 = tpu.memref_slice %arg3[%dma_wait3A_997] : memref<32006144xf32, #tpu.memory_space<hbm>> -> memref<32006144xf32, #tpu.memory_space<hbm>>
    tpu.wait_indirect_dma semaphore(%arg23 : memref<!tpu.dma_semaphore, #tpu.memory_space<semaphore_mem>>) src(%dma_wait3A_998 : memref<32006144xf32, #tpu.memory_space<hbm>>) dst(%dma_wait3A_993 : memref<512xf32, #tpu.memory_space<vmem>>)
    %dma_wait3A_999 = arith.constant 17 : i32
    %dma_wait3A_1000 = arith.constant 17 : i32
    %dma_wait3A_1001 = arith.constant 0 : i32
    %dma_wait3A_1002 = tpu.memref_slice %arg15[%dma_wait3A_1000, %dma_wait3A_1001] : memref<32x512xf32, #tpu.memory_space<vmem>> -> memref<1x512xf32, #tpu.memory_space<vmem>>
    %dma_wait3A_1003 = tpu.memref_squeeze %dma_wait3A_1002 : memref<1x512xf32, #tpu.memory_space<vmem>> -> memref<512xf32, #tpu.memory_space<vmem>>
    %dma_wait3A_1004 = arith.constant 0 : i32
    %dma_wait3A_1005 = tpu.memref_slice %arg13[%dma_wait3A_999, %dma_wait3A_1004] : memref<32x512xi32, #tpu.memory_space<vmem>> -> memref<1x512xi32, #tpu.memory_space<vmem>>
    %dma_wait3A_1006 = tpu.memref_squeeze %dma_wait3A_1005 : memref<1x512xi32, #tpu.memory_space<vmem>> -> memref<512xi32, #tpu.memory_space<vmem>>
    %dma_wait3A_1007 = arith.constant 0 : i32
    %dma_wait3A_1008 = tpu.memref_slice %arg2[%dma_wait3A_1007] : memref<32006144xf32, #tpu.memory_space<hbm>> -> memref<32006144xf32, #tpu.memory_space<hbm>>
    tpu.wait_indirect_dma semaphore(%arg22 : memref<!tpu.dma_semaphore, #tpu.memory_space<semaphore_mem>>) src(%dma_wait3A_1008 : memref<32006144xf32, #tpu.memory_space<hbm>>) dst(%dma_wait3A_1003 : memref<512xf32, #tpu.memory_space<vmem>>)
    %dma_wait3A_1009 = arith.constant 17 : i32
    %dma_wait3A_1010 = arith.constant 17 : i32
    %dma_wait3A_1011 = arith.constant 0 : i32
    %dma_wait3A_1012 = tpu.memref_slice %arg16[%dma_wait3A_1010, %dma_wait3A_1011] : memref<32x512xf32, #tpu.memory_space<vmem>> -> memref<1x512xf32, #tpu.memory_space<vmem>>
    %dma_wait3A_1013 = tpu.memref_squeeze %dma_wait3A_1012 : memref<1x512xf32, #tpu.memory_space<vmem>> -> memref<512xf32, #tpu.memory_space<vmem>>
    %dma_wait3A_1014 = arith.constant 0 : i32
    %dma_wait3A_1015 = tpu.memref_slice %arg14[%dma_wait3A_1009, %dma_wait3A_1014] : memref<32x512xi32, #tpu.memory_space<vmem>> -> memref<1x512xi32, #tpu.memory_space<vmem>>
    %dma_wait3A_1016 = tpu.memref_squeeze %dma_wait3A_1015 : memref<1x512xi32, #tpu.memory_space<vmem>> -> memref<512xi32, #tpu.memory_space<vmem>>
    %dma_wait3A_1017 = arith.constant 0 : i32
    %dma_wait3A_1018 = tpu.memref_slice %arg3[%dma_wait3A_1017] : memref<32006144xf32, #tpu.memory_space<hbm>> -> memref<32006144xf32, #tpu.memory_space<hbm>>
    tpu.wait_indirect_dma semaphore(%arg23 : memref<!tpu.dma_semaphore, #tpu.memory_space<semaphore_mem>>) src(%dma_wait3A_1018 : memref<32006144xf32, #tpu.memory_space<hbm>>) dst(%dma_wait3A_1013 : memref<512xf32, #tpu.memory_space<vmem>>)
    %dma_wait3A_1019 = arith.constant 18 : i32
    %dma_wait3A_1020 = arith.constant 18 : i32
    %dma_wait3A_1021 = arith.constant 0 : i32
    %dma_wait3A_1022 = tpu.memref_slice %arg15[%dma_wait3A_1020, %dma_wait3A_1021] : memref<32x512xf32, #tpu.memory_space<vmem>> -> memref<1x512xf32, #tpu.memory_space<vmem>>
    %dma_wait3A_1023 = tpu.memref_squeeze %dma_wait3A_1022 : memref<1x512xf32, #tpu.memory_space<vmem>> -> memref<512xf32, #tpu.memory_space<vmem>>
    %dma_wait3A_1024 = arith.constant 0 : i32
    %dma_wait3A_1025 = tpu.memref_slice %arg13[%dma_wait3A_1019, %dma_wait3A_1024] : memref<32x512xi32, #tpu.memory_space<vmem>> -> memref<1x512xi32, #tpu.memory_space<vmem>>
    %dma_wait3A_1026 = tpu.memref_squeeze %dma_wait3A_1025 : memref<1x512xi32, #tpu.memory_space<vmem>> -> memref<512xi32, #tpu.memory_space<vmem>>
    %dma_wait3A_1027 = arith.constant 0 : i32
    %dma_wait3A_1028 = tpu.memref_slice %arg2[%dma_wait3A_1027] : memref<32006144xf32, #tpu.memory_space<hbm>> -> memref<32006144xf32, #tpu.memory_space<hbm>>
    tpu.wait_indirect_dma semaphore(%arg22 : memref<!tpu.dma_semaphore, #tpu.memory_space<semaphore_mem>>) src(%dma_wait3A_1028 : memref<32006144xf32, #tpu.memory_space<hbm>>) dst(%dma_wait3A_1023 : memref<512xf32, #tpu.memory_space<vmem>>)
    %dma_wait3A_1029 = arith.constant 18 : i32
    %dma_wait3A_1030 = arith.constant 18 : i32
    %dma_wait3A_1031 = arith.constant 0 : i32
    %dma_wait3A_1032 = tpu.memref_slice %arg16[%dma_wait3A_1030, %dma_wait3A_1031] : memref<32x512xf32, #tpu.memory_space<vmem>> -> memref<1x512xf32, #tpu.memory_space<vmem>>
    %dma_wait3A_1033 = tpu.memref_squeeze %dma_wait3A_1032 : memref<1x512xf32, #tpu.memory_space<vmem>> -> memref<512xf32, #tpu.memory_space<vmem>>
    %dma_wait3A_1034 = arith.constant 0 : i32
    %dma_wait3A_1035 = tpu.memref_slice %arg14[%dma_wait3A_1029, %dma_wait3A_1034] : memref<32x512xi32, #tpu.memory_space<vmem>> -> memref<1x512xi32, #tpu.memory_space<vmem>>
    %dma_wait3A_1036 = tpu.memref_squeeze %dma_wait3A_1035 : memref<1x512xi32, #tpu.memory_space<vmem>> -> memref<512xi32, #tpu.memory_space<vmem>>
    %dma_wait3A_1037 = arith.constant 0 : i32
    %dma_wait3A_1038 = tpu.memref_slice %arg3[%dma_wait3A_1037] : memref<32006144xf32, #tpu.memory_space<hbm>> -> memref<32006144xf32, #tpu.memory_space<hbm>>
    tpu.wait_indirect_dma semaphore(%arg23 : memref<!tpu.dma_semaphore, #tpu.memory_space<semaphore_mem>>) src(%dma_wait3A_1038 : memref<32006144xf32, #tpu.memory_space<hbm>>) dst(%dma_wait3A_1033 : memref<512xf32, #tpu.memory_space<vmem>>)
    %dma_wait3A_1039 = arith.constant 19 : i32
    %dma_wait3A_1040 = arith.constant 19 : i32
    %dma_wait3A_1041 = arith.constant 0 : i32
    %dma_wait3A_1042 = tpu.memref_slice %arg15[%dma_wait3A_1040, %dma_wait3A_1041] : memref<32x512xf32, #tpu.memory_space<vmem>> -> memref<1x512xf32, #tpu.memory_space<vmem>>
    %dma_wait3A_1043 = tpu.memref_squeeze %dma_wait3A_1042 : memref<1x512xf32, #tpu.memory_space<vmem>> -> memref<512xf32, #tpu.memory_space<vmem>>
    %dma_wait3A_1044 = arith.constant 0 : i32
    %dma_wait3A_1045 = tpu.memref_slice %arg13[%dma_wait3A_1039, %dma_wait3A_1044] : memref<32x512xi32, #tpu.memory_space<vmem>> -> memref<1x512xi32, #tpu.memory_space<vmem>>
    %dma_wait3A_1046 = tpu.memref_squeeze %dma_wait3A_1045 : memref<1x512xi32, #tpu.memory_space<vmem>> -> memref<512xi32, #tpu.memory_space<vmem>>
    %dma_wait3A_1047 = arith.constant 0 : i32
    %dma_wait3A_1048 = tpu.memref_slice %arg2[%dma_wait3A_1047] : memref<32006144xf32, #tpu.memory_space<hbm>> -> memref<32006144xf32, #tpu.memory_space<hbm>>
    tpu.wait_indirect_dma semaphore(%arg22 : memref<!tpu.dma_semaphore, #tpu.memory_space<semaphore_mem>>) src(%dma_wait3A_1048 : memref<32006144xf32, #tpu.memory_space<hbm>>) dst(%dma_wait3A_1043 : memref<512xf32, #tpu.memory_space<vmem>>)
    %dma_wait3A_1049 = arith.constant 19 : i32
    %dma_wait3A_1050 = arith.constant 19 : i32
    %dma_wait3A_1051 = arith.constant 0 : i32
    %dma_wait3A_1052 = tpu.memref_slice %arg16[%dma_wait3A_1050, %dma_wait3A_1051] : memref<32x512xf32, #tpu.memory_space<vmem>> -> memref<1x512xf32, #tpu.memory_space<vmem>>
    %dma_wait3A_1053 = tpu.memref_squeeze %dma_wait3A_1052 : memref<1x512xf32, #tpu.memory_space<vmem>> -> memref<512xf32, #tpu.memory_space<vmem>>
    %dma_wait3A_1054 = arith.constant 0 : i32
    %dma_wait3A_1055 = tpu.memref_slice %arg14[%dma_wait3A_1049, %dma_wait3A_1054] : memref<32x512xi32, #tpu.memory_space<vmem>> -> memref<1x512xi32, #tpu.memory_space<vmem>>
    %dma_wait3A_1056 = tpu.memref_squeeze %dma_wait3A_1055 : memref<1x512xi32, #tpu.memory_space<vmem>> -> memref<512xi32, #tpu.memory_space<vmem>>
    %dma_wait3A_1057 = arith.constant 0 : i32
    %dma_wait3A_1058 = tpu.memref_slice %arg3[%dma_wait3A_1057] : memref<32006144xf32, #tpu.memory_space<hbm>> -> memref<32006144xf32, #tpu.memory_space<hbm>>
    tpu.wait_indirect_dma semaphore(%arg23 : memref<!tpu.dma_semaphore, #tpu.memory_space<semaphore_mem>>) src(%dma_wait3A_1058 : memref<32006144xf32, #tpu.memory_space<hbm>>) dst(%dma_wait3A_1053 : memref<512xf32, #tpu.memory_space<vmem>>)
    %dma_wait3A_1059 = arith.constant 20 : i32
    %dma_wait3A_1060 = arith.constant 20 : i32
    %dma_wait3A_1061 = arith.constant 0 : i32
    %dma_wait3A_1062 = tpu.memref_slice %arg15[%dma_wait3A_1060, %dma_wait3A_1061] : memref<32x512xf32, #tpu.memory_space<vmem>> -> memref<1x512xf32, #tpu.memory_space<vmem>>
    %dma_wait3A_1063 = tpu.memref_squeeze %dma_wait3A_1062 : memref<1x512xf32, #tpu.memory_space<vmem>> -> memref<512xf32, #tpu.memory_space<vmem>>
    %dma_wait3A_1064 = arith.constant 0 : i32
    %dma_wait3A_1065 = tpu.memref_slice %arg13[%dma_wait3A_1059, %dma_wait3A_1064] : memref<32x512xi32, #tpu.memory_space<vmem>> -> memref<1x512xi32, #tpu.memory_space<vmem>>
    %dma_wait3A_1066 = tpu.memref_squeeze %dma_wait3A_1065 : memref<1x512xi32, #tpu.memory_space<vmem>> -> memref<512xi32, #tpu.memory_space<vmem>>
    %dma_wait3A_1067 = arith.constant 0 : i32
    %dma_wait3A_1068 = tpu.memref_slice %arg2[%dma_wait3A_1067] : memref<32006144xf32, #tpu.memory_space<hbm>> -> memref<32006144xf32, #tpu.memory_space<hbm>>
    tpu.wait_indirect_dma semaphore(%arg22 : memref<!tpu.dma_semaphore, #tpu.memory_space<semaphore_mem>>) src(%dma_wait3A_1068 : memref<32006144xf32, #tpu.memory_space<hbm>>) dst(%dma_wait3A_1063 : memref<512xf32, #tpu.memory_space<vmem>>)
    %dma_wait3A_1069 = arith.constant 20 : i32
    %dma_wait3A_1070 = arith.constant 20 : i32
    %dma_wait3A_1071 = arith.constant 0 : i32
    %dma_wait3A_1072 = tpu.memref_slice %arg16[%dma_wait3A_1070, %dma_wait3A_1071] : memref<32x512xf32, #tpu.memory_space<vmem>> -> memref<1x512xf32, #tpu.memory_space<vmem>>
    %dma_wait3A_1073 = tpu.memref_squeeze %dma_wait3A_1072 : memref<1x512xf32, #tpu.memory_space<vmem>> -> memref<512xf32, #tpu.memory_space<vmem>>
    %dma_wait3A_1074 = arith.constant 0 : i32
    %dma_wait3A_1075 = tpu.memref_slice %arg14[%dma_wait3A_1069, %dma_wait3A_1074] : memref<32x512xi32, #tpu.memory_space<vmem>> -> memref<1x512xi32, #tpu.memory_space<vmem>>
    %dma_wait3A_1076 = tpu.memref_squeeze %dma_wait3A_1075 : memref<1x512xi32, #tpu.memory_space<vmem>> -> memref<512xi32, #tpu.memory_space<vmem>>
    %dma_wait3A_1077 = arith.constant 0 : i32
    %dma_wait3A_1078 = tpu.memref_slice %arg3[%dma_wait3A_1077] : memref<32006144xf32, #tpu.memory_space<hbm>> -> memref<32006144xf32, #tpu.memory_space<hbm>>
    tpu.wait_indirect_dma semaphore(%arg23 : memref<!tpu.dma_semaphore, #tpu.memory_space<semaphore_mem>>) src(%dma_wait3A_1078 : memref<32006144xf32, #tpu.memory_space<hbm>>) dst(%dma_wait3A_1073 : memref<512xf32, #tpu.memory_space<vmem>>)
    %dma_wait3A_1079 = arith.constant 21 : i32
    %dma_wait3A_1080 = arith.constant 21 : i32
    %dma_wait3A_1081 = arith.constant 0 : i32
    %dma_wait3A_1082 = tpu.memref_slice %arg15[%dma_wait3A_1080, %dma_wait3A_1081] : memref<32x512xf32, #tpu.memory_space<vmem>> -> memref<1x512xf32, #tpu.memory_space<vmem>>
    %dma_wait3A_1083 = tpu.memref_squeeze %dma_wait3A_1082 : memref<1x512xf32, #tpu.memory_space<vmem>> -> memref<512xf32, #tpu.memory_space<vmem>>
    %dma_wait3A_1084 = arith.constant 0 : i32
    %dma_wait3A_1085 = tpu.memref_slice %arg13[%dma_wait3A_1079, %dma_wait3A_1084] : memref<32x512xi32, #tpu.memory_space<vmem>> -> memref<1x512xi32, #tpu.memory_space<vmem>>
    %dma_wait3A_1086 = tpu.memref_squeeze %dma_wait3A_1085 : memref<1x512xi32, #tpu.memory_space<vmem>> -> memref<512xi32, #tpu.memory_space<vmem>>
    %dma_wait3A_1087 = arith.constant 0 : i32
    %dma_wait3A_1088 = tpu.memref_slice %arg2[%dma_wait3A_1087] : memref<32006144xf32, #tpu.memory_space<hbm>> -> memref<32006144xf32, #tpu.memory_space<hbm>>
    tpu.wait_indirect_dma semaphore(%arg22 : memref<!tpu.dma_semaphore, #tpu.memory_space<semaphore_mem>>) src(%dma_wait3A_1088 : memref<32006144xf32, #tpu.memory_space<hbm>>) dst(%dma_wait3A_1083 : memref<512xf32, #tpu.memory_space<vmem>>)
    %dma_wait3A_1089 = arith.constant 21 : i32
    %dma_wait3A_1090 = arith.constant 21 : i32
    %dma_wait3A_1091 = arith.constant 0 : i32
    %dma_wait3A_1092 = tpu.memref_slice %arg16[%dma_wait3A_1090, %dma_wait3A_1091] : memref<32x512xf32, #tpu.memory_space<vmem>> -> memref<1x512xf32, #tpu.memory_space<vmem>>
    %dma_wait3A_1093 = tpu.memref_squeeze %dma_wait3A_1092 : memref<1x512xf32, #tpu.memory_space<vmem>> -> memref<512xf32, #tpu.memory_space<vmem>>
    %dma_wait3A_1094 = arith.constant 0 : i32
    %dma_wait3A_1095 = tpu.memref_slice %arg14[%dma_wait3A_1089, %dma_wait3A_1094] : memref<32x512xi32, #tpu.memory_space<vmem>> -> memref<1x512xi32, #tpu.memory_space<vmem>>
    %dma_wait3A_1096 = tpu.memref_squeeze %dma_wait3A_1095 : memref<1x512xi32, #tpu.memory_space<vmem>> -> memref<512xi32, #tpu.memory_space<vmem>>
    %dma_wait3A_1097 = arith.constant 0 : i32
    %dma_wait3A_1098 = tpu.memref_slice %arg3[%dma_wait3A_1097] : memref<32006144xf32, #tpu.memory_space<hbm>> -> memref<32006144xf32, #tpu.memory_space<hbm>>
    tpu.wait_indirect_dma semaphore(%arg23 : memref<!tpu.dma_semaphore, #tpu.memory_space<semaphore_mem>>) src(%dma_wait3A_1098 : memref<32006144xf32, #tpu.memory_space<hbm>>) dst(%dma_wait3A_1093 : memref<512xf32, #tpu.memory_space<vmem>>)
    %dma_wait3A_1099 = arith.constant 22 : i32
    %dma_wait3A_1100 = arith.constant 22 : i32
    %dma_wait3A_1101 = arith.constant 0 : i32
    %dma_wait3A_1102 = tpu.memref_slice %arg15[%dma_wait3A_1100, %dma_wait3A_1101] : memref<32x512xf32, #tpu.memory_space<vmem>> -> memref<1x512xf32, #tpu.memory_space<vmem>>
    %dma_wait3A_1103 = tpu.memref_squeeze %dma_wait3A_1102 : memref<1x512xf32, #tpu.memory_space<vmem>> -> memref<512xf32, #tpu.memory_space<vmem>>
    %dma_wait3A_1104 = arith.constant 0 : i32
    %dma_wait3A_1105 = tpu.memref_slice %arg13[%dma_wait3A_1099, %dma_wait3A_1104] : memref<32x512xi32, #tpu.memory_space<vmem>> -> memref<1x512xi32, #tpu.memory_space<vmem>>
    %dma_wait3A_1106 = tpu.memref_squeeze %dma_wait3A_1105 : memref<1x512xi32, #tpu.memory_space<vmem>> -> memref<512xi32, #tpu.memory_space<vmem>>
    %dma_wait3A_1107 = arith.constant 0 : i32
    %dma_wait3A_1108 = tpu.memref_slice %arg2[%dma_wait3A_1107] : memref<32006144xf32, #tpu.memory_space<hbm>> -> memref<32006144xf32, #tpu.memory_space<hbm>>
    tpu.wait_indirect_dma semaphore(%arg22 : memref<!tpu.dma_semaphore, #tpu.memory_space<semaphore_mem>>) src(%dma_wait3A_1108 : memref<32006144xf32, #tpu.memory_space<hbm>>) dst(%dma_wait3A_1103 : memref<512xf32, #tpu.memory_space<vmem>>)
    %dma_wait3A_1109 = arith.constant 22 : i32
    %dma_wait3A_1110 = arith.constant 22 : i32
    %dma_wait3A_1111 = arith.constant 0 : i32
    %dma_wait3A_1112 = tpu.memref_slice %arg16[%dma_wait3A_1110, %dma_wait3A_1111] : memref<32x512xf32, #tpu.memory_space<vmem>> -> memref<1x512xf32, #tpu.memory_space<vmem>>
    %dma_wait3A_1113 = tpu.memref_squeeze %dma_wait3A_1112 : memref<1x512xf32, #tpu.memory_space<vmem>> -> memref<512xf32, #tpu.memory_space<vmem>>
    %dma_wait3A_1114 = arith.constant 0 : i32
    %dma_wait3A_1115 = tpu.memref_slice %arg14[%dma_wait3A_1109, %dma_wait3A_1114] : memref<32x512xi32, #tpu.memory_space<vmem>> -> memref<1x512xi32, #tpu.memory_space<vmem>>
    %dma_wait3A_1116 = tpu.memref_squeeze %dma_wait3A_1115 : memref<1x512xi32, #tpu.memory_space<vmem>> -> memref<512xi32, #tpu.memory_space<vmem>>
    %dma_wait3A_1117 = arith.constant 0 : i32
    %dma_wait3A_1118 = tpu.memref_slice %arg3[%dma_wait3A_1117] : memref<32006144xf32, #tpu.memory_space<hbm>> -> memref<32006144xf32, #tpu.memory_space<hbm>>
    tpu.wait_indirect_dma semaphore(%arg23 : memref<!tpu.dma_semaphore, #tpu.memory_space<semaphore_mem>>) src(%dma_wait3A_1118 : memref<32006144xf32, #tpu.memory_space<hbm>>) dst(%dma_wait3A_1113 : memref<512xf32, #tpu.memory_space<vmem>>)
    %dma_wait3A_1119 = arith.constant 23 : i32
    %dma_wait3A_1120 = arith.constant 23 : i32
    %dma_wait3A_1121 = arith.constant 0 : i32
    %dma_wait3A_1122 = tpu.memref_slice %arg15[%dma_wait3A_1120, %dma_wait3A_1121] : memref<32x512xf32, #tpu.memory_space<vmem>> -> memref<1x512xf32, #tpu.memory_space<vmem>>
    %dma_wait3A_1123 = tpu.memref_squeeze %dma_wait3A_1122 : memref<1x512xf32, #tpu.memory_space<vmem>> -> memref<512xf32, #tpu.memory_space<vmem>>
    %dma_wait3A_1124 = arith.constant 0 : i32
    %dma_wait3A_1125 = tpu.memref_slice %arg13[%dma_wait3A_1119, %dma_wait3A_1124] : memref<32x512xi32, #tpu.memory_space<vmem>> -> memref<1x512xi32, #tpu.memory_space<vmem>>
    %dma_wait3A_1126 = tpu.memref_squeeze %dma_wait3A_1125 : memref<1x512xi32, #tpu.memory_space<vmem>> -> memref<512xi32, #tpu.memory_space<vmem>>
    %dma_wait3A_1127 = arith.constant 0 : i32
    %dma_wait3A_1128 = tpu.memref_slice %arg2[%dma_wait3A_1127] : memref<32006144xf32, #tpu.memory_space<hbm>> -> memref<32006144xf32, #tpu.memory_space<hbm>>
    tpu.wait_indirect_dma semaphore(%arg22 : memref<!tpu.dma_semaphore, #tpu.memory_space<semaphore_mem>>) src(%dma_wait3A_1128 : memref<32006144xf32, #tpu.memory_space<hbm>>) dst(%dma_wait3A_1123 : memref<512xf32, #tpu.memory_space<vmem>>)
    %dma_wait3A_1129 = arith.constant 23 : i32
    %dma_wait3A_1130 = arith.constant 23 : i32
    %dma_wait3A_1131 = arith.constant 0 : i32
    %dma_wait3A_1132 = tpu.memref_slice %arg16[%dma_wait3A_1130, %dma_wait3A_1131] : memref<32x512xf32, #tpu.memory_space<vmem>> -> memref<1x512xf32, #tpu.memory_space<vmem>>
    %dma_wait3A_1133 = tpu.memref_squeeze %dma_wait3A_1132 : memref<1x512xf32, #tpu.memory_space<vmem>> -> memref<512xf32, #tpu.memory_space<vmem>>
    %dma_wait3A_1134 = arith.constant 0 : i32
    %dma_wait3A_1135 = tpu.memref_slice %arg14[%dma_wait3A_1129, %dma_wait3A_1134] : memref<32x512xi32, #tpu.memory_space<vmem>> -> memref<1x512xi32, #tpu.memory_space<vmem>>
    %dma_wait3A_1136 = tpu.memref_squeeze %dma_wait3A_1135 : memref<1x512xi32, #tpu.memory_space<vmem>> -> memref<512xi32, #tpu.memory_space<vmem>>
    %dma_wait3A_1137 = arith.constant 0 : i32
    %dma_wait3A_1138 = tpu.memref_slice %arg3[%dma_wait3A_1137] : memref<32006144xf32, #tpu.memory_space<hbm>> -> memref<32006144xf32, #tpu.memory_space<hbm>>
    tpu.wait_indirect_dma semaphore(%arg23 : memref<!tpu.dma_semaphore, #tpu.memory_space<semaphore_mem>>) src(%dma_wait3A_1138 : memref<32006144xf32, #tpu.memory_space<hbm>>) dst(%dma_wait3A_1133 : memref<512xf32, #tpu.memory_space<vmem>>)
    %dma_wait3A_1139 = arith.constant 24 : i32
    %dma_wait3A_1140 = arith.constant 24 : i32
    %dma_wait3A_1141 = arith.constant 0 : i32
    %dma_wait3A_1142 = tpu.memref_slice %arg15[%dma_wait3A_1140, %dma_wait3A_1141] : memref<32x512xf32, #tpu.memory_space<vmem>> -> memref<1x512xf32, #tpu.memory_space<vmem>>
    %dma_wait3A_1143 = tpu.memref_squeeze %dma_wait3A_1142 : memref<1x512xf32, #tpu.memory_space<vmem>> -> memref<512xf32, #tpu.memory_space<vmem>>
    %dma_wait3A_1144 = arith.constant 0 : i32
    %dma_wait3A_1145 = tpu.memref_slice %arg13[%dma_wait3A_1139, %dma_wait3A_1144] : memref<32x512xi32, #tpu.memory_space<vmem>> -> memref<1x512xi32, #tpu.memory_space<vmem>>
    %dma_wait3A_1146 = tpu.memref_squeeze %dma_wait3A_1145 : memref<1x512xi32, #tpu.memory_space<vmem>> -> memref<512xi32, #tpu.memory_space<vmem>>
    %dma_wait3A_1147 = arith.constant 0 : i32
    %dma_wait3A_1148 = tpu.memref_slice %arg2[%dma_wait3A_1147] : memref<32006144xf32, #tpu.memory_space<hbm>> -> memref<32006144xf32, #tpu.memory_space<hbm>>
    tpu.wait_indirect_dma semaphore(%arg22 : memref<!tpu.dma_semaphore, #tpu.memory_space<semaphore_mem>>) src(%dma_wait3A_1148 : memref<32006144xf32, #tpu.memory_space<hbm>>) dst(%dma_wait3A_1143 : memref<512xf32, #tpu.memory_space<vmem>>)
    %dma_wait3A_1149 = arith.constant 24 : i32
    %dma_wait3A_1150 = arith.constant 24 : i32
    %dma_wait3A_1151 = arith.constant 0 : i32
    %dma_wait3A_1152 = tpu.memref_slice %arg16[%dma_wait3A_1150, %dma_wait3A_1151] : memref<32x512xf32, #tpu.memory_space<vmem>> -> memref<1x512xf32, #tpu.memory_space<vmem>>
    %dma_wait3A_1153 = tpu.memref_squeeze %dma_wait3A_1152 : memref<1x512xf32, #tpu.memory_space<vmem>> -> memref<512xf32, #tpu.memory_space<vmem>>
    %dma_wait3A_1154 = arith.constant 0 : i32
    %dma_wait3A_1155 = tpu.memref_slice %arg14[%dma_wait3A_1149, %dma_wait3A_1154] : memref<32x512xi32, #tpu.memory_space<vmem>> -> memref<1x512xi32, #tpu.memory_space<vmem>>
    %dma_wait3A_1156 = tpu.memref_squeeze %dma_wait3A_1155 : memref<1x512xi32, #tpu.memory_space<vmem>> -> memref<512xi32, #tpu.memory_space<vmem>>
    %dma_wait3A_1157 = arith.constant 0 : i32
    %dma_wait3A_1158 = tpu.memref_slice %arg3[%dma_wait3A_1157] : memref<32006144xf32, #tpu.memory_space<hbm>> -> memref<32006144xf32, #tpu.memory_space<hbm>>
    tpu.wait_indirect_dma semaphore(%arg23 : memref<!tpu.dma_semaphore, #tpu.memory_space<semaphore_mem>>) src(%dma_wait3A_1158 : memref<32006144xf32, #tpu.memory_space<hbm>>) dst(%dma_wait3A_1153 : memref<512xf32, #tpu.memory_space<vmem>>)
    %dma_wait3A_1159 = arith.constant 25 : i32
    %dma_wait3A_1160 = arith.constant 25 : i32
    %dma_wait3A_1161 = arith.constant 0 : i32
    %dma_wait3A_1162 = tpu.memref_slice %arg15[%dma_wait3A_1160, %dma_wait3A_1161] : memref<32x512xf32, #tpu.memory_space<vmem>> -> memref<1x512xf32, #tpu.memory_space<vmem>>
    %dma_wait3A_1163 = tpu.memref_squeeze %dma_wait3A_1162 : memref<1x512xf32, #tpu.memory_space<vmem>> -> memref<512xf32, #tpu.memory_space<vmem>>
    %dma_wait3A_1164 = arith.constant 0 : i32
    %dma_wait3A_1165 = tpu.memref_slice %arg13[%dma_wait3A_1159, %dma_wait3A_1164] : memref<32x512xi32, #tpu.memory_space<vmem>> -> memref<1x512xi32, #tpu.memory_space<vmem>>
    %dma_wait3A_1166 = tpu.memref_squeeze %dma_wait3A_1165 : memref<1x512xi32, #tpu.memory_space<vmem>> -> memref<512xi32, #tpu.memory_space<vmem>>
    %dma_wait3A_1167 = arith.constant 0 : i32
    %dma_wait3A_1168 = tpu.memref_slice %arg2[%dma_wait3A_1167] : memref<32006144xf32, #tpu.memory_space<hbm>> -> memref<32006144xf32, #tpu.memory_space<hbm>>
    tpu.wait_indirect_dma semaphore(%arg22 : memref<!tpu.dma_semaphore, #tpu.memory_space<semaphore_mem>>) src(%dma_wait3A_1168 : memref<32006144xf32, #tpu.memory_space<hbm>>) dst(%dma_wait3A_1163 : memref<512xf32, #tpu.memory_space<vmem>>)
    %dma_wait3A_1169 = arith.constant 25 : i32
    %dma_wait3A_1170 = arith.constant 25 : i32
    %dma_wait3A_1171 = arith.constant 0 : i32
    %dma_wait3A_1172 = tpu.memref_slice %arg16[%dma_wait3A_1170, %dma_wait3A_1171] : memref<32x512xf32, #tpu.memory_space<vmem>> -> memref<1x512xf32, #tpu.memory_space<vmem>>
    %dma_wait3A_1173 = tpu.memref_squeeze %dma_wait3A_1172 : memref<1x512xf32, #tpu.memory_space<vmem>> -> memref<512xf32, #tpu.memory_space<vmem>>
    %dma_wait3A_1174 = arith.constant 0 : i32
    %dma_wait3A_1175 = tpu.memref_slice %arg14[%dma_wait3A_1169, %dma_wait3A_1174] : memref<32x512xi32, #tpu.memory_space<vmem>> -> memref<1x512xi32, #tpu.memory_space<vmem>>
    %dma_wait3A_1176 = tpu.memref_squeeze %dma_wait3A_1175 : memref<1x512xi32, #tpu.memory_space<vmem>> -> memref<512xi32, #tpu.memory_space<vmem>>
    %dma_wait3A_1177 = arith.constant 0 : i32
    %dma_wait3A_1178 = tpu.memref_slice %arg3[%dma_wait3A_1177] : memref<32006144xf32, #tpu.memory_space<hbm>> -> memref<32006144xf32, #tpu.memory_space<hbm>>
    tpu.wait_indirect_dma semaphore(%arg23 : memref<!tpu.dma_semaphore, #tpu.memory_space<semaphore_mem>>) src(%dma_wait3A_1178 : memref<32006144xf32, #tpu.memory_space<hbm>>) dst(%dma_wait3A_1173 : memref<512xf32, #tpu.memory_space<vmem>>)
    %dma_wait3A_1179 = arith.constant 26 : i32
    %dma_wait3A_1180 = arith.constant 26 : i32
    %dma_wait3A_1181 = arith.constant 0 : i32
    %dma_wait3A_1182 = tpu.memref_slice %arg15[%dma_wait3A_1180, %dma_wait3A_1181] : memref<32x512xf32, #tpu.memory_space<vmem>> -> memref<1x512xf32, #tpu.memory_space<vmem>>
    %dma_wait3A_1183 = tpu.memref_squeeze %dma_wait3A_1182 : memref<1x512xf32, #tpu.memory_space<vmem>> -> memref<512xf32, #tpu.memory_space<vmem>>
    %dma_wait3A_1184 = arith.constant 0 : i32
    %dma_wait3A_1185 = tpu.memref_slice %arg13[%dma_wait3A_1179, %dma_wait3A_1184] : memref<32x512xi32, #tpu.memory_space<vmem>> -> memref<1x512xi32, #tpu.memory_space<vmem>>
    %dma_wait3A_1186 = tpu.memref_squeeze %dma_wait3A_1185 : memref<1x512xi32, #tpu.memory_space<vmem>> -> memref<512xi32, #tpu.memory_space<vmem>>
    %dma_wait3A_1187 = arith.constant 0 : i32
    %dma_wait3A_1188 = tpu.memref_slice %arg2[%dma_wait3A_1187] : memref<32006144xf32, #tpu.memory_space<hbm>> -> memref<32006144xf32, #tpu.memory_space<hbm>>
    tpu.wait_indirect_dma semaphore(%arg22 : memref<!tpu.dma_semaphore, #tpu.memory_space<semaphore_mem>>) src(%dma_wait3A_1188 : memref<32006144xf32, #tpu.memory_space<hbm>>) dst(%dma_wait3A_1183 : memref<512xf32, #tpu.memory_space<vmem>>)
    %dma_wait3A_1189 = arith.constant 26 : i32
    %dma_wait3A_1190 = arith.constant 26 : i32
    %dma_wait3A_1191 = arith.constant 0 : i32
    %dma_wait3A_1192 = tpu.memref_slice %arg16[%dma_wait3A_1190, %dma_wait3A_1191] : memref<32x512xf32, #tpu.memory_space<vmem>> -> memref<1x512xf32, #tpu.memory_space<vmem>>
    %dma_wait3A_1193 = tpu.memref_squeeze %dma_wait3A_1192 : memref<1x512xf32, #tpu.memory_space<vmem>> -> memref<512xf32, #tpu.memory_space<vmem>>
    %dma_wait3A_1194 = arith.constant 0 : i32
    %dma_wait3A_1195 = tpu.memref_slice %arg14[%dma_wait3A_1189, %dma_wait3A_1194] : memref<32x512xi32, #tpu.memory_space<vmem>> -> memref<1x512xi32, #tpu.memory_space<vmem>>
    %dma_wait3A_1196 = tpu.memref_squeeze %dma_wait3A_1195 : memref<1x512xi32, #tpu.memory_space<vmem>> -> memref<512xi32, #tpu.memory_space<vmem>>
    %dma_wait3A_1197 = arith.constant 0 : i32
    %dma_wait3A_1198 = tpu.memref_slice %arg3[%dma_wait3A_1197] : memref<32006144xf32, #tpu.memory_space<hbm>> -> memref<32006144xf32, #tpu.memory_space<hbm>>
    tpu.wait_indirect_dma semaphore(%arg23 : memref<!tpu.dma_semaphore, #tpu.memory_space<semaphore_mem>>) src(%dma_wait3A_1198 : memref<32006144xf32, #tpu.memory_space<hbm>>) dst(%dma_wait3A_1193 : memref<512xf32, #tpu.memory_space<vmem>>)
    %dma_wait3A_1199 = arith.constant 27 : i32
    %dma_wait3A_1200 = arith.constant 27 : i32
    %dma_wait3A_1201 = arith.constant 0 : i32
    %dma_wait3A_1202 = tpu.memref_slice %arg15[%dma_wait3A_1200, %dma_wait3A_1201] : memref<32x512xf32, #tpu.memory_space<vmem>> -> memref<1x512xf32, #tpu.memory_space<vmem>>
    %dma_wait3A_1203 = tpu.memref_squeeze %dma_wait3A_1202 : memref<1x512xf32, #tpu.memory_space<vmem>> -> memref<512xf32, #tpu.memory_space<vmem>>
    %dma_wait3A_1204 = arith.constant 0 : i32
    %dma_wait3A_1205 = tpu.memref_slice %arg13[%dma_wait3A_1199, %dma_wait3A_1204] : memref<32x512xi32, #tpu.memory_space<vmem>> -> memref<1x512xi32, #tpu.memory_space<vmem>>
    %dma_wait3A_1206 = tpu.memref_squeeze %dma_wait3A_1205 : memref<1x512xi32, #tpu.memory_space<vmem>> -> memref<512xi32, #tpu.memory_space<vmem>>
    %dma_wait3A_1207 = arith.constant 0 : i32
    %dma_wait3A_1208 = tpu.memref_slice %arg2[%dma_wait3A_1207] : memref<32006144xf32, #tpu.memory_space<hbm>> -> memref<32006144xf32, #tpu.memory_space<hbm>>
    tpu.wait_indirect_dma semaphore(%arg22 : memref<!tpu.dma_semaphore, #tpu.memory_space<semaphore_mem>>) src(%dma_wait3A_1208 : memref<32006144xf32, #tpu.memory_space<hbm>>) dst(%dma_wait3A_1203 : memref<512xf32, #tpu.memory_space<vmem>>)
    %dma_wait3A_1209 = arith.constant 27 : i32
    %dma_wait3A_1210 = arith.constant 27 : i32
    %dma_wait3A_1211 = arith.constant 0 : i32
    %dma_wait3A_1212 = tpu.memref_slice %arg16[%dma_wait3A_1210, %dma_wait3A_1211] : memref<32x512xf32, #tpu.memory_space<vmem>> -> memref<1x512xf32, #tpu.memory_space<vmem>>
    %dma_wait3A_1213 = tpu.memref_squeeze %dma_wait3A_1212 : memref<1x512xf32, #tpu.memory_space<vmem>> -> memref<512xf32, #tpu.memory_space<vmem>>
    %dma_wait3A_1214 = arith.constant 0 : i32
    %dma_wait3A_1215 = tpu.memref_slice %arg14[%dma_wait3A_1209, %dma_wait3A_1214] : memref<32x512xi32, #tpu.memory_space<vmem>> -> memref<1x512xi32, #tpu.memory_space<vmem>>
    %dma_wait3A_1216 = tpu.memref_squeeze %dma_wait3A_1215 : memref<1x512xi32, #tpu.memory_space<vmem>> -> memref<512xi32, #tpu.memory_space<vmem>>
    %dma_wait3A_1217 = arith.constant 0 : i32
    %dma_wait3A_1218 = tpu.memref_slice %arg3[%dma_wait3A_1217] : memref<32006144xf32, #tpu.memory_space<hbm>> -> memref<32006144xf32, #tpu.memory_space<hbm>>
    tpu.wait_indirect_dma semaphore(%arg23 : memref<!tpu.dma_semaphore, #tpu.memory_space<semaphore_mem>>) src(%dma_wait3A_1218 : memref<32006144xf32, #tpu.memory_space<hbm>>) dst(%dma_wait3A_1213 : memref<512xf32, #tpu.memory_space<vmem>>)
    %dma_wait3A_1219 = arith.constant 28 : i32
    %dma_wait3A_1220 = arith.constant 28 : i32
    %dma_wait3A_1221 = arith.constant 0 : i32
    %dma_wait3A_1222 = tpu.memref_slice %arg15[%dma_wait3A_1220, %dma_wait3A_1221] : memref<32x512xf32, #tpu.memory_space<vmem>> -> memref<1x512xf32, #tpu.memory_space<vmem>>
    %dma_wait3A_1223 = tpu.memref_squeeze %dma_wait3A_1222 : memref<1x512xf32, #tpu.memory_space<vmem>> -> memref<512xf32, #tpu.memory_space<vmem>>
    %dma_wait3A_1224 = arith.constant 0 : i32
    %dma_wait3A_1225 = tpu.memref_slice %arg13[%dma_wait3A_1219, %dma_wait3A_1224] : memref<32x512xi32, #tpu.memory_space<vmem>> -> memref<1x512xi32, #tpu.memory_space<vmem>>
    %dma_wait3A_1226 = tpu.memref_squeeze %dma_wait3A_1225 : memref<1x512xi32, #tpu.memory_space<vmem>> -> memref<512xi32, #tpu.memory_space<vmem>>
    %dma_wait3A_1227 = arith.constant 0 : i32
    %dma_wait3A_1228 = tpu.memref_slice %arg2[%dma_wait3A_1227] : memref<32006144xf32, #tpu.memory_space<hbm>> -> memref<32006144xf32, #tpu.memory_space<hbm>>
    tpu.wait_indirect_dma semaphore(%arg22 : memref<!tpu.dma_semaphore, #tpu.memory_space<semaphore_mem>>) src(%dma_wait3A_1228 : memref<32006144xf32, #tpu.memory_space<hbm>>) dst(%dma_wait3A_1223 : memref<512xf32, #tpu.memory_space<vmem>>)
    %dma_wait3A_1229 = arith.constant 28 : i32
    %dma_wait3A_1230 = arith.constant 28 : i32
    %dma_wait3A_1231 = arith.constant 0 : i32
    %dma_wait3A_1232 = tpu.memref_slice %arg16[%dma_wait3A_1230, %dma_wait3A_1231] : memref<32x512xf32, #tpu.memory_space<vmem>> -> memref<1x512xf32, #tpu.memory_space<vmem>>
    %dma_wait3A_1233 = tpu.memref_squeeze %dma_wait3A_1232 : memref<1x512xf32, #tpu.memory_space<vmem>> -> memref<512xf32, #tpu.memory_space<vmem>>
    %dma_wait3A_1234 = arith.constant 0 : i32
    %dma_wait3A_1235 = tpu.memref_slice %arg14[%dma_wait3A_1229, %dma_wait3A_1234] : memref<32x512xi32, #tpu.memory_space<vmem>> -> memref<1x512xi32, #tpu.memory_space<vmem>>
    %dma_wait3A_1236 = tpu.memref_squeeze %dma_wait3A_1235 : memref<1x512xi32, #tpu.memory_space<vmem>> -> memref<512xi32, #tpu.memory_space<vmem>>
    %dma_wait3A_1237 = arith.constant 0 : i32
    %dma_wait3A_1238 = tpu.memref_slice %arg3[%dma_wait3A_1237] : memref<32006144xf32, #tpu.memory_space<hbm>> -> memref<32006144xf32, #tpu.memory_space<hbm>>
    tpu.wait_indirect_dma semaphore(%arg23 : memref<!tpu.dma_semaphore, #tpu.memory_space<semaphore_mem>>) src(%dma_wait3A_1238 : memref<32006144xf32, #tpu.memory_space<hbm>>) dst(%dma_wait3A_1233 : memref<512xf32, #tpu.memory_space<vmem>>)
    %dma_wait3A_1239 = arith.constant 29 : i32
    %dma_wait3A_1240 = arith.constant 29 : i32
    %dma_wait3A_1241 = arith.constant 0 : i32
    %dma_wait3A_1242 = tpu.memref_slice %arg15[%dma_wait3A_1240, %dma_wait3A_1241] : memref<32x512xf32, #tpu.memory_space<vmem>> -> memref<1x512xf32, #tpu.memory_space<vmem>>
    %dma_wait3A_1243 = tpu.memref_squeeze %dma_wait3A_1242 : memref<1x512xf32, #tpu.memory_space<vmem>> -> memref<512xf32, #tpu.memory_space<vmem>>
    %dma_wait3A_1244 = arith.constant 0 : i32
    %dma_wait3A_1245 = tpu.memref_slice %arg13[%dma_wait3A_1239, %dma_wait3A_1244] : memref<32x512xi32, #tpu.memory_space<vmem>> -> memref<1x512xi32, #tpu.memory_space<vmem>>
    %dma_wait3A_1246 = tpu.memref_squeeze %dma_wait3A_1245 : memref<1x512xi32, #tpu.memory_space<vmem>> -> memref<512xi32, #tpu.memory_space<vmem>>
    %dma_wait3A_1247 = arith.constant 0 : i32
    %dma_wait3A_1248 = tpu.memref_slice %arg2[%dma_wait3A_1247] : memref<32006144xf32, #tpu.memory_space<hbm>> -> memref<32006144xf32, #tpu.memory_space<hbm>>
    tpu.wait_indirect_dma semaphore(%arg22 : memref<!tpu.dma_semaphore, #tpu.memory_space<semaphore_mem>>) src(%dma_wait3A_1248 : memref<32006144xf32, #tpu.memory_space<hbm>>) dst(%dma_wait3A_1243 : memref<512xf32, #tpu.memory_space<vmem>>)
    %dma_wait3A_1249 = arith.constant 29 : i32
    %dma_wait3A_1250 = arith.constant 29 : i32
    %dma_wait3A_1251 = arith.constant 0 : i32
    %dma_wait3A_1252 = tpu.memref_slice %arg16[%dma_wait3A_1250, %dma_wait3A_1251] : memref<32x512xf32, #tpu.memory_space<vmem>> -> memref<1x512xf32, #tpu.memory_space<vmem>>
    %dma_wait3A_1253 = tpu.memref_squeeze %dma_wait3A_1252 : memref<1x512xf32, #tpu.memory_space<vmem>> -> memref<512xf32, #tpu.memory_space<vmem>>
    %dma_wait3A_1254 = arith.constant 0 : i32
    %dma_wait3A_1255 = tpu.memref_slice %arg14[%dma_wait3A_1249, %dma_wait3A_1254] : memref<32x512xi32, #tpu.memory_space<vmem>> -> memref<1x512xi32, #tpu.memory_space<vmem>>
    %dma_wait3A_1256 = tpu.memref_squeeze %dma_wait3A_1255 : memref<1x512xi32, #tpu.memory_space<vmem>> -> memref<512xi32, #tpu.memory_space<vmem>>
    %dma_wait3A_1257 = arith.constant 0 : i32
    %dma_wait3A_1258 = tpu.memref_slice %arg3[%dma_wait3A_1257] : memref<32006144xf32, #tpu.memory_space<hbm>> -> memref<32006144xf32, #tpu.memory_space<hbm>>
    tpu.wait_indirect_dma semaphore(%arg23 : memref<!tpu.dma_semaphore, #tpu.memory_space<semaphore_mem>>) src(%dma_wait3A_1258 : memref<32006144xf32, #tpu.memory_space<hbm>>) dst(%dma_wait3A_1253 : memref<512xf32, #tpu.memory_space<vmem>>)
    %dma_wait3A_1259 = arith.constant 30 : i32
    %dma_wait3A_1260 = arith.constant 30 : i32
    %dma_wait3A_1261 = arith.constant 0 : i32
    %dma_wait3A_1262 = tpu.memref_slice %arg15[%dma_wait3A_1260, %dma_wait3A_1261] : memref<32x512xf32, #tpu.memory_space<vmem>> -> memref<1x512xf32, #tpu.memory_space<vmem>>
    %dma_wait3A_1263 = tpu.memref_squeeze %dma_wait3A_1262 : memref<1x512xf32, #tpu.memory_space<vmem>> -> memref<512xf32, #tpu.memory_space<vmem>>
    %dma_wait3A_1264 = arith.constant 0 : i32
    %dma_wait3A_1265 = tpu.memref_slice %arg13[%dma_wait3A_1259, %dma_wait3A_1264] : memref<32x512xi32, #tpu.memory_space<vmem>> -> memref<1x512xi32, #tpu.memory_space<vmem>>
    %dma_wait3A_1266 = tpu.memref_squeeze %dma_wait3A_1265 : memref<1x512xi32, #tpu.memory_space<vmem>> -> memref<512xi32, #tpu.memory_space<vmem>>
    %dma_wait3A_1267 = arith.constant 0 : i32
    %dma_wait3A_1268 = tpu.memref_slice %arg2[%dma_wait3A_1267] : memref<32006144xf32, #tpu.memory_space<hbm>> -> memref<32006144xf32, #tpu.memory_space<hbm>>
    tpu.wait_indirect_dma semaphore(%arg22 : memref<!tpu.dma_semaphore, #tpu.memory_space<semaphore_mem>>) src(%dma_wait3A_1268 : memref<32006144xf32, #tpu.memory_space<hbm>>) dst(%dma_wait3A_1263 : memref<512xf32, #tpu.memory_space<vmem>>)
    %dma_wait3A_1269 = arith.constant 30 : i32
    %dma_wait3A_1270 = arith.constant 30 : i32
    %dma_wait3A_1271 = arith.constant 0 : i32
    %dma_wait3A_1272 = tpu.memref_slice %arg16[%dma_wait3A_1270, %dma_wait3A_1271] : memref<32x512xf32, #tpu.memory_space<vmem>> -> memref<1x512xf32, #tpu.memory_space<vmem>>
    %dma_wait3A_1273 = tpu.memref_squeeze %dma_wait3A_1272 : memref<1x512xf32, #tpu.memory_space<vmem>> -> memref<512xf32, #tpu.memory_space<vmem>>
    %dma_wait3A_1274 = arith.constant 0 : i32
    %dma_wait3A_1275 = tpu.memref_slice %arg14[%dma_wait3A_1269, %dma_wait3A_1274] : memref<32x512xi32, #tpu.memory_space<vmem>> -> memref<1x512xi32, #tpu.memory_space<vmem>>
    %dma_wait3A_1276 = tpu.memref_squeeze %dma_wait3A_1275 : memref<1x512xi32, #tpu.memory_space<vmem>> -> memref<512xi32, #tpu.memory_space<vmem>>
    %dma_wait3A_1277 = arith.constant 0 : i32
    %dma_wait3A_1278 = tpu.memref_slice %arg3[%dma_wait3A_1277] : memref<32006144xf32, #tpu.memory_space<hbm>> -> memref<32006144xf32, #tpu.memory_space<hbm>>
    tpu.wait_indirect_dma semaphore(%arg23 : memref<!tpu.dma_semaphore, #tpu.memory_space<semaphore_mem>>) src(%dma_wait3A_1278 : memref<32006144xf32, #tpu.memory_space<hbm>>) dst(%dma_wait3A_1273 : memref<512xf32, #tpu.memory_space<vmem>>)
    %dma_wait3A_1279 = arith.constant 31 : i32
    %dma_wait3A_1280 = arith.constant 31 : i32
    %dma_wait3A_1281 = arith.constant 0 : i32
    %dma_wait3A_1282 = tpu.memref_slice %arg15[%dma_wait3A_1280, %dma_wait3A_1281] : memref<32x512xf32, #tpu.memory_space<vmem>> -> memref<1x512xf32, #tpu.memory_space<vmem>>
    %dma_wait3A_1283 = tpu.memref_squeeze %dma_wait3A_1282 : memref<1x512xf32, #tpu.memory_space<vmem>> -> memref<512xf32, #tpu.memory_space<vmem>>
    %dma_wait3A_1284 = arith.constant 0 : i32
    %dma_wait3A_1285 = tpu.memref_slice %arg13[%dma_wait3A_1279, %dma_wait3A_1284] : memref<32x512xi32, #tpu.memory_space<vmem>> -> memref<1x512xi32, #tpu.memory_space<vmem>>
    %dma_wait3A_1286 = tpu.memref_squeeze %dma_wait3A_1285 : memref<1x512xi32, #tpu.memory_space<vmem>> -> memref<512xi32, #tpu.memory_space<vmem>>
    %dma_wait3A_1287 = arith.constant 0 : i32
    %dma_wait3A_1288 = tpu.memref_slice %arg2[%dma_wait3A_1287] : memref<32006144xf32, #tpu.memory_space<hbm>> -> memref<32006144xf32, #tpu.memory_space<hbm>>
    tpu.wait_indirect_dma semaphore(%arg22 : memref<!tpu.dma_semaphore, #tpu.memory_space<semaphore_mem>>) src(%dma_wait3A_1288 : memref<32006144xf32, #tpu.memory_space<hbm>>) dst(%dma_wait3A_1283 : memref<512xf32, #tpu.memory_space<vmem>>)
    %dma_wait3A_1289 = arith.constant 31 : i32
    %dma_wait3A_1290 = arith.constant 31 : i32
    %dma_wait3A_1291 = arith.constant 0 : i32
    %dma_wait3A_1292 = tpu.memref_slice %arg16[%dma_wait3A_1290, %dma_wait3A_1291] : memref<32x512xf32, #tpu.memory_space<vmem>> -> memref<1x512xf32, #tpu.memory_space<vmem>>
    %dma_wait3A_1293 = tpu.memref_squeeze %dma_wait3A_1292 : memref<1x512xf32, #tpu.memory_space<vmem>> -> memref<512xf32, #tpu.memory_space<vmem>>
    %dma_wait3A_1294 = arith.constant 0 : i32
    %dma_wait3A_1295 = tpu.memref_slice %arg14[%dma_wait3A_1289, %dma_wait3A_1294] : memref<32x512xi32, #tpu.memory_space<vmem>> -> memref<1x512xi32, #tpu.memory_space<vmem>>
    %dma_wait3A_1296 = tpu.memref_squeeze %dma_wait3A_1295 : memref<1x512xi32, #tpu.memory_space<vmem>> -> memref<512xi32, #tpu.memory_space<vmem>>
    %dma_wait3A_1297 = arith.constant 0 : i32
    %dma_wait3A_1298 = tpu.memref_slice %arg3[%dma_wait3A_1297] : memref<32006144xf32, #tpu.memory_space<hbm>> -> memref<32006144xf32, #tpu.memory_space<hbm>>
    tpu.wait_indirect_dma semaphore(%arg23 : memref<!tpu.dma_semaphore, #tpu.memory_space<semaphore_mem>>) src(%dma_wait3A_1298 : memref<32006144xf32, #tpu.memory_space<hbm>>) dst(%dma_wait3A_1293 : memref<512xf32, #tpu.memory_space<vmem>>)
    %dma_wait3A_1299 = arith.constant 0 : i32
    %dma_wait3A_1300 = tpu.memref_slice %arg4[%dma_wait3A_1299] : memref<1000000xf32, #tpu.memory_space<hbm>> -> memref<1000000xf32, #tpu.memory_space<hbm>>
    tpu.wait_indirect_dma semaphore(%arg24 : memref<!tpu.dma_semaphore, #tpu.memory_space<semaphore_mem>>) src(%dma_wait3A_1300 : memref<1000000xf32, #tpu.memory_space<hbm>>) dst(%arg17 : memref<512xf32, #tpu.memory_space<vmem>>)
    %dma_wait3A_1301 = arith.constant 0 : i32
    %dma_wait3A_1302 = tpu.memref_slice %arg5[%dma_wait3A_1301] : memref<1000000xf32, #tpu.memory_space<hbm>> -> memref<1000000xf32, #tpu.memory_space<hbm>>
    tpu.wait_indirect_dma semaphore(%arg24 : memref<!tpu.dma_semaphore, #tpu.memory_space<semaphore_mem>>) src(%dma_wait3A_1302 : memref<1000000xf32, #tpu.memory_space<hbm>>) dst(%arg18 : memref<512xf32, #tpu.memory_space<vmem>>)
    %iota3A = tpu.iota {dimensions = array<i32: 0>} : vector<16xi32>
    %scan3A_1303 = arith.constant 0 : i32
    %scan3A_1304 = arith.constant 0 : i32
    %scan3A_1305 = arith.constant 32 : i32
    %scan3A_1306 = arith.addi %scan3A_1304, %scan3A_1305 : i32
    %scan3A_1307 = arith.constant 1 : i32
    %scan3A_1308 = scf.for %scan3A_1310 = %scan3A_1304 to %scan3A_1306 step %scan3A_1307 iter_args(%scan3A_1311 = %scan3A_1303) -> (i32)  : i32 {
      %mul3A_1312 = arith.constant 16 : i32
      %mul3A_1313 = arith.muli %scan3A_1310, %mul3A_1312 : i32
      %get3A = arith.index_cast %mul3A_1313 : i32 to index
      %get3A_1314 = tpu.vector_load %arg11[%get3A] {strides = array<i32>} : memref<512xi32, #tpu.memory_space<vmem>>, vector<16xi32>,
      %get3A_1315 = arith.index_cast %mul3A_1313 : i32 to index
      %get3A_1316 = tpu.vector_load %arg12[%get3A_1315] {strides = array<i32>} : memref<512xi32, #tpu.memory_space<vmem>>, vector<16xi32>,
      %get3A_1317 = arith.index_cast %mul3A_1313 : i32 to index
      %get3A_1318 = tpu.vector_load %arg17[%get3A_1317] {strides = array<i32>} : memref<512xf32, #tpu.memory_space<vmem>>, vector<16xf32>,
      %get3A_1319 = arith.index_cast %mul3A_1313 : i32 to index
      %get3A_1320 = tpu.vector_load %arg18[%get3A_1319] {strides = array<i32>} : memref<512xf32, #tpu.memory_space<vmem>>, vector<16xf32>,
      %add3A_1321 = arith.addf %get3A_1318, %get3A_1320 : vector<16xf32>
      %get3A_1322 = arith.constant 0 : i32
      %get3A_1323 = arith.index_cast %get3A_1322 : i32 to index
      %get3A_1324 = arith.index_cast %mul3A_1313 : i32 to index
      %get3A_1325 = tpu.vector_load %arg15[%get3A_1323, %get3A_1324] {strides = array<i32>} : memref<32x512xf32, #tpu.memory_space<vmem>>, vector<16xf32>,
      %get3A_1326 = arith.constant 0 : i32
      %get3A_1327 = arith.index_cast %get3A_1326 : i32 to index
      %get3A_1328 = arith.index_cast %mul3A_1313 : i32 to index
      %get3A_1329 = tpu.vector_load %arg16[%get3A_1327, %get3A_1328] {strides = array<i32>} : memref<32x512xf32, #tpu.memory_space<vmem>>, vector<16xf32>,
      %mul3A_1330 = arith.mulf %get3A_1325, %get3A_1329 : vector<16xf32>
      %add3A_1331 = arith.addf %add3A_1321, %mul3A_1330 : vector<16xf32>
      %get3A_1332 = arith.constant 1 : i32
      %get3A_1333 = arith.index_cast %get3A_1332 : i32 to index
      %get3A_1334 = arith.index_cast %mul3A_1313 : i32 to index
      %get3A_1335 = tpu.vector_load %arg15[%get3A_1333, %get3A_1334] {strides = array<i32>} : memref<32x512xf32, #tpu.memory_space<vmem>>, vector<16xf32>,
      %get3A_1336 = arith.constant 1 : i32
      %get3A_1337 = arith.index_cast %get3A_1336 : i32 to index
      %get3A_1338 = arith.index_cast %mul3A_1313 : i32 to index
      %get3A_1339 = tpu.vector_load %arg16[%get3A_1337, %get3A_1338] {strides = array<i32>} : memref<32x512xf32, #tpu.memory_space<vmem>>, vector<16xf32>,
      %mul3A_1340 = arith.mulf %get3A_1335, %get3A_1339 : vector<16xf32>
      %add3A_1341 = arith.addf %add3A_1331, %mul3A_1340 : vector<16xf32>
      %get3A_1342 = arith.constant 2 : i32
      %get3A_1343 = arith.index_cast %get3A_1342 : i32 to index
      %get3A_1344 = arith.index_cast %mul3A_1313 : i32 to index
      %get3A_1345 = tpu.vector_load %arg15[%get3A_1343, %get3A_1344] {strides = array<i32>} : memref<32x512xf32, #tpu.memory_space<vmem>>, vector<16xf32>,
      %get3A_1346 = arith.constant 2 : i32
      %get3A_1347 = arith.index_cast %get3A_1346 : i32 to index
      %get3A_1348 = arith.index_cast %mul3A_1313 : i32 to index
      %get3A_1349 = tpu.vector_load %arg16[%get3A_1347, %get3A_1348] {strides = array<i32>} : memref<32x512xf32, #tpu.memory_space<vmem>>, vector<16xf32>,
      %mul3A_1350 = arith.mulf %get3A_1345, %get3A_1349 : vector<16xf32>
      %add3A_1351 = arith.addf %add3A_1341, %mul3A_1350 : vector<16xf32>
      %get3A_1352 = arith.constant 3 : i32
      %get3A_1353 = arith.index_cast %get3A_1352 : i32 to index
      %get3A_1354 = arith.index_cast %mul3A_1313 : i32 to index
      %get3A_1355 = tpu.vector_load %arg15[%get3A_1353, %get3A_1354] {strides = array<i32>} : memref<32x512xf32, #tpu.memory_space<vmem>>, vector<16xf32>,
      %get3A_1356 = arith.constant 3 : i32
      %get3A_1357 = arith.index_cast %get3A_1356 : i32 to index
      %get3A_1358 = arith.index_cast %mul3A_1313 : i32 to index
      %get3A_1359 = tpu.vector_load %arg16[%get3A_1357, %get3A_1358] {strides = array<i32>} : memref<32x512xf32, #tpu.memory_space<vmem>>, vector<16xf32>,
      %mul3A_1360 = arith.mulf %get3A_1355, %get3A_1359 : vector<16xf32>
      %add3A_1361 = arith.addf %add3A_1351, %mul3A_1360 : vector<16xf32>
      %get3A_1362 = arith.constant 4 : i32
      %get3A_1363 = arith.index_cast %get3A_1362 : i32 to index
      %get3A_1364 = arith.index_cast %mul3A_1313 : i32 to index
      %get3A_1365 = tpu.vector_load %arg15[%get3A_1363, %get3A_1364] {strides = array<i32>} : memref<32x512xf32, #tpu.memory_space<vmem>>, vector<16xf32>,
      %get3A_1366 = arith.constant 4 : i32
      %get3A_1367 = arith.index_cast %get3A_1366 : i32 to index
      %get3A_1368 = arith.index_cast %mul3A_1313 : i32 to index
      %get3A_1369 = tpu.vector_load %arg16[%get3A_1367, %get3A_1368] {strides = array<i32>} : memref<32x512xf32, #tpu.memory_space<vmem>>, vector<16xf32>,
      %mul3A_1370 = arith.mulf %get3A_1365, %get3A_1369 : vector<16xf32>
      %add3A_1371 = arith.addf %add3A_1361, %mul3A_1370 : vector<16xf32>
      %get3A_1372 = arith.constant 5 : i32
      %get3A_1373 = arith.index_cast %get3A_1372 : i32 to index
      %get3A_1374 = arith.index_cast %mul3A_1313 : i32 to index
      %get3A_1375 = tpu.vector_load %arg15[%get3A_1373, %get3A_1374] {strides = array<i32>} : memref<32x512xf32, #tpu.memory_space<vmem>>, vector<16xf32>,
      %get3A_1376 = arith.constant 5 : i32
      %get3A_1377 = arith.index_cast %get3A_1376 : i32 to index
      %get3A_1378 = arith.index_cast %mul3A_1313 : i32 to index
      %get3A_1379 = tpu.vector_load %arg16[%get3A_1377, %get3A_1378] {strides = array<i32>} : memref<32x512xf32, #tpu.memory_space<vmem>>, vector<16xf32>,
      %mul3A_1380 = arith.mulf %get3A_1375, %get3A_1379 : vector<16xf32>
      %add3A_1381 = arith.addf %add3A_1371, %mul3A_1380 : vector<16xf32>
      %get3A_1382 = arith.constant 6 : i32
      %get3A_1383 = arith.index_cast %get3A_1382 : i32 to index
      %get3A_1384 = arith.index_cast %mul3A_1313 : i32 to index
      %get3A_1385 = tpu.vector_load %arg15[%get3A_1383, %get3A_1384] {strides = array<i32>} : memref<32x512xf32, #tpu.memory_space<vmem>>, vector<16xf32>,
      %get3A_1386 = arith.constant 6 : i32
      %get3A_1387 = arith.index_cast %get3A_1386 : i32 to index
      %get3A_1388 = arith.index_cast %mul3A_1313 : i32 to index
      %get3A_1389 = tpu.vector_load %arg16[%get3A_1387, %get3A_1388] {strides = array<i32>} : memref<32x512xf32, #tpu.memory_space<vmem>>, vector<16xf32>,
      %mul3A_1390 = arith.mulf %get3A_1385, %get3A_1389 : vector<16xf32>
      %add3A_1391 = arith.addf %add3A_1381, %mul3A_1390 : vector<16xf32>
      %get3A_1392 = arith.constant 7 : i32
      %get3A_1393 = arith.index_cast %get3A_1392 : i32 to index
      %get3A_1394 = arith.index_cast %mul3A_1313 : i32 to index
      %get3A_1395 = tpu.vector_load %arg15[%get3A_1393, %get3A_1394] {strides = array<i32>} : memref<32x512xf32, #tpu.memory_space<vmem>>, vector<16xf32>,
      %get3A_1396 = arith.constant 7 : i32
      %get3A_1397 = arith.index_cast %get3A_1396 : i32 to index
      %get3A_1398 = arith.index_cast %mul3A_1313 : i32 to index
      %get3A_1399 = tpu.vector_load %arg16[%get3A_1397, %get3A_1398] {strides = array<i32>} : memref<32x512xf32, #tpu.memory_space<vmem>>, vector<16xf32>,
      %mul3A_1400 = arith.mulf %get3A_1395, %get3A_1399 : vector<16xf32>
      %add3A_1401 = arith.addf %add3A_1391, %mul3A_1400 : vector<16xf32>
      %get3A_1402 = arith.constant 8 : i32
      %get3A_1403 = arith.index_cast %get3A_1402 : i32 to index
      %get3A_1404 = arith.index_cast %mul3A_1313 : i32 to index
      %get3A_1405 = tpu.vector_load %arg15[%get3A_1403, %get3A_1404] {strides = array<i32>} : memref<32x512xf32, #tpu.memory_space<vmem>>, vector<16xf32>,
      %get3A_1406 = arith.constant 8 : i32
      %get3A_1407 = arith.index_cast %get3A_1406 : i32 to index
      %get3A_1408 = arith.index_cast %mul3A_1313 : i32 to index
      %get3A_1409 = tpu.vector_load %arg16[%get3A_1407, %get3A_1408] {strides = array<i32>} : memref<32x512xf32, #tpu.memory_space<vmem>>, vector<16xf32>,
      %mul3A_1410 = arith.mulf %get3A_1405, %get3A_1409 : vector<16xf32>
      %add3A_1411 = arith.addf %add3A_1401, %mul3A_1410 : vector<16xf32>
      %get3A_1412 = arith.constant 9 : i32
      %get3A_1413 = arith.index_cast %get3A_1412 : i32 to index
      %get3A_1414 = arith.index_cast %mul3A_1313 : i32 to index
      %get3A_1415 = tpu.vector_load %arg15[%get3A_1413, %get3A_1414] {strides = array<i32>} : memref<32x512xf32, #tpu.memory_space<vmem>>, vector<16xf32>,
      %get3A_1416 = arith.constant 9 : i32
      %get3A_1417 = arith.index_cast %get3A_1416 : i32 to index
      %get3A_1418 = arith.index_cast %mul3A_1313 : i32 to index
      %get3A_1419 = tpu.vector_load %arg16[%get3A_1417, %get3A_1418] {strides = array<i32>} : memref<32x512xf32, #tpu.memory_space<vmem>>, vector<16xf32>,
      %mul3A_1420 = arith.mulf %get3A_1415, %get3A_1419 : vector<16xf32>
      %add3A_1421 = arith.addf %add3A_1411, %mul3A_1420 : vector<16xf32>
      %get3A_1422 = arith.constant 10 : i32
      %get3A_1423 = arith.index_cast %get3A_1422 : i32 to index
      %get3A_1424 = arith.index_cast %mul3A_1313 : i32 to index
      %get3A_1425 = tpu.vector_load %arg15[%get3A_1423, %get3A_1424] {strides = array<i32>} : memref<32x512xf32, #tpu.memory_space<vmem>>, vector<16xf32>,
      %get3A_1426 = arith.constant 10 : i32
      %get3A_1427 = arith.index_cast %get3A_1426 : i32 to index
      %get3A_1428 = arith.index_cast %mul3A_1313 : i32 to index
      %get3A_1429 = tpu.vector_load %arg16[%get3A_1427, %get3A_1428] {strides = array<i32>} : memref<32x512xf32, #tpu.memory_space<vmem>>, vector<16xf32>,
      %mul3A_1430 = arith.mulf %get3A_1425, %get3A_1429 : vector<16xf32>
      %add3A_1431 = arith.addf %add3A_1421, %mul3A_1430 : vector<16xf32>
      %get3A_1432 = arith.constant 11 : i32
      %get3A_1433 = arith.index_cast %get3A_1432 : i32 to index
      %get3A_1434 = arith.index_cast %mul3A_1313 : i32 to index
      %get3A_1435 = tpu.vector_load %arg15[%get3A_1433, %get3A_1434] {strides = array<i32>} : memref<32x512xf32, #tpu.memory_space<vmem>>, vector<16xf32>,
      %get3A_1436 = arith.constant 11 : i32
      %get3A_1437 = arith.index_cast %get3A_1436 : i32 to index
      %get3A_1438 = arith.index_cast %mul3A_1313 : i32 to index
      %get3A_1439 = tpu.vector_load %arg16[%get3A_1437, %get3A_1438] {strides = array<i32>} : memref<32x512xf32, #tpu.memory_space<vmem>>, vector<16xf32>,
      %mul3A_1440 = arith.mulf %get3A_1435, %get3A_1439 : vector<16xf32>
      %add3A_1441 = arith.addf %add3A_1431, %mul3A_1440 : vector<16xf32>
      %get3A_1442 = arith.constant 12 : i32
      %get3A_1443 = arith.index_cast %get3A_1442 : i32 to index
      %get3A_1444 = arith.index_cast %mul3A_1313 : i32 to index
      %get3A_1445 = tpu.vector_load %arg15[%get3A_1443, %get3A_1444] {strides = array<i32>} : memref<32x512xf32, #tpu.memory_space<vmem>>, vector<16xf32>,
      %get3A_1446 = arith.constant 12 : i32
      %get3A_1447 = arith.index_cast %get3A_1446 : i32 to index
      %get3A_1448 = arith.index_cast %mul3A_1313 : i32 to index
      %get3A_1449 = tpu.vector_load %arg16[%get3A_1447, %get3A_1448] {strides = array<i32>} : memref<32x512xf32, #tpu.memory_space<vmem>>, vector<16xf32>,
      %mul3A_1450 = arith.mulf %get3A_1445, %get3A_1449 : vector<16xf32>
      %add3A_1451 = arith.addf %add3A_1441, %mul3A_1450 : vector<16xf32>
      %get3A_1452 = arith.constant 13 : i32
      %get3A_1453 = arith.index_cast %get3A_1452 : i32 to index
      %get3A_1454 = arith.index_cast %mul3A_1313 : i32 to index
      %get3A_1455 = tpu.vector_load %arg15[%get3A_1453, %get3A_1454] {strides = array<i32>} : memref<32x512xf32, #tpu.memory_space<vmem>>, vector<16xf32>,
      %get3A_1456 = arith.constant 13 : i32
      %get3A_1457 = arith.index_cast %get3A_1456 : i32 to index
      %get3A_1458 = arith.index_cast %mul3A_1313 : i32 to index
      %get3A_1459 = tpu.vector_load %arg16[%get3A_1457, %get3A_1458] {strides = array<i32>} : memref<32x512xf32, #tpu.memory_space<vmem>>, vector<16xf32>,
      %mul3A_1460 = arith.mulf %get3A_1455, %get3A_1459 : vector<16xf32>
      %add3A_1461 = arith.addf %add3A_1451, %mul3A_1460 : vector<16xf32>
      %get3A_1462 = arith.constant 14 : i32
      %get3A_1463 = arith.index_cast %get3A_1462 : i32 to index
      %get3A_1464 = arith.index_cast %mul3A_1313 : i32 to index
      %get3A_1465 = tpu.vector_load %arg15[%get3A_1463, %get3A_1464] {strides = array<i32>} : memref<32x512xf32, #tpu.memory_space<vmem>>, vector<16xf32>,
      %get3A_1466 = arith.constant 14 : i32
      %get3A_1467 = arith.index_cast %get3A_1466 : i32 to index
      %get3A_1468 = arith.index_cast %mul3A_1313 : i32 to index
      %get3A_1469 = tpu.vector_load %arg16[%get3A_1467, %get3A_1468] {strides = array<i32>} : memref<32x512xf32, #tpu.memory_space<vmem>>, vector<16xf32>,
      %mul3A_1470 = arith.mulf %get3A_1465, %get3A_1469 : vector<16xf32>
      %add3A_1471 = arith.addf %add3A_1461, %mul3A_1470 : vector<16xf32>
      %get3A_1472 = arith.constant 15 : i32
      %get3A_1473 = arith.index_cast %get3A_1472 : i32 to index
      %get3A_1474 = arith.index_cast %mul3A_1313 : i32 to index
      %get3A_1475 = tpu.vector_load %arg15[%get3A_1473, %get3A_1474] {strides = array<i32>} : memref<32x512xf32, #tpu.memory_space<vmem>>, vector<16xf32>,
      %get3A_1476 = arith.constant 15 : i32
      %get3A_1477 = arith.index_cast %get3A_1476 : i32 to index
      %get3A_1478 = arith.index_cast %mul3A_1313 : i32 to index
      %get3A_1479 = tpu.vector_load %arg16[%get3A_1477, %get3A_1478] {strides = array<i32>} : memref<32x512xf32, #tpu.memory_space<vmem>>, vector<16xf32>,
      %mul3A_1480 = arith.mulf %get3A_1475, %get3A_1479 : vector<16xf32>
      %add3A_1481 = arith.addf %add3A_1471, %mul3A_1480 : vector<16xf32>
      %get3A_1482 = arith.constant 16 : i32
      %get3A_1483 = arith.index_cast %get3A_1482 : i32 to index
      %get3A_1484 = arith.index_cast %mul3A_1313 : i32 to index
      %get3A_1485 = tpu.vector_load %arg15[%get3A_1483, %get3A_1484] {strides = array<i32>} : memref<32x512xf32, #tpu.memory_space<vmem>>, vector<16xf32>,
      %get3A_1486 = arith.constant 16 : i32
      %get3A_1487 = arith.index_cast %get3A_1486 : i32 to index
      %get3A_1488 = arith.index_cast %mul3A_1313 : i32 to index
      %get3A_1489 = tpu.vector_load %arg16[%get3A_1487, %get3A_1488] {strides = array<i32>} : memref<32x512xf32, #tpu.memory_space<vmem>>, vector<16xf32>,
      %mul3A_1490 = arith.mulf %get3A_1485, %get3A_1489 : vector<16xf32>
      %add3A_1491 = arith.addf %add3A_1481, %mul3A_1490 : vector<16xf32>
      %get3A_1492 = arith.constant 17 : i32
      %get3A_1493 = arith.index_cast %get3A_1492 : i32 to index
      %get3A_1494 = arith.index_cast %mul3A_1313 : i32 to index
      %get3A_1495 = tpu.vector_load %arg15[%get3A_1493, %get3A_1494] {strides = array<i32>} : memref<32x512xf32, #tpu.memory_space<vmem>>, vector<16xf32>,
      %get3A_1496 = arith.constant 17 : i32
      %get3A_1497 = arith.index_cast %get3A_1496 : i32 to index
      %get3A_1498 = arith.index_cast %mul3A_1313 : i32 to index
      %get3A_1499 = tpu.vector_load %arg16[%get3A_1497, %get3A_1498] {strides = array<i32>} : memref<32x512xf32, #tpu.memory_space<vmem>>, vector<16xf32>,
      %mul3A_1500 = arith.mulf %get3A_1495, %get3A_1499 : vector<16xf32>
      %add3A_1501 = arith.addf %add3A_1491, %mul3A_1500 : vector<16xf32>
      %get3A_1502 = arith.constant 18 : i32
      %get3A_1503 = arith.index_cast %get3A_1502 : i32 to index
      %get3A_1504 = arith.index_cast %mul3A_1313 : i32 to index
      %get3A_1505 = tpu.vector_load %arg15[%get3A_1503, %get3A_1504] {strides = array<i32>} : memref<32x512xf32, #tpu.memory_space<vmem>>, vector<16xf32>,
      %get3A_1506 = arith.constant 18 : i32
      %get3A_1507 = arith.index_cast %get3A_1506 : i32 to index
      %get3A_1508 = arith.index_cast %mul3A_1313 : i32 to index
      %get3A_1509 = tpu.vector_load %arg16[%get3A_1507, %get3A_1508] {strides = array<i32>} : memref<32x512xf32, #tpu.memory_space<vmem>>, vector<16xf32>,
      %mul3A_1510 = arith.mulf %get3A_1505, %get3A_1509 : vector<16xf32>
      %add3A_1511 = arith.addf %add3A_1501, %mul3A_1510 : vector<16xf32>
      %get3A_1512 = arith.constant 19 : i32
      %get3A_1513 = arith.index_cast %get3A_1512 : i32 to index
      %get3A_1514 = arith.index_cast %mul3A_1313 : i32 to index
      %get3A_1515 = tpu.vector_load %arg15[%get3A_1513, %get3A_1514] {strides = array<i32>} : memref<32x512xf32, #tpu.memory_space<vmem>>, vector<16xf32>,
      %get3A_1516 = arith.constant 19 : i32
      %get3A_1517 = arith.index_cast %get3A_1516 : i32 to index
      %get3A_1518 = arith.index_cast %mul3A_1313 : i32 to index
      %get3A_1519 = tpu.vector_load %arg16[%get3A_1517, %get3A_1518] {strides = array<i32>} : memref<32x512xf32, #tpu.memory_space<vmem>>, vector<16xf32>,
      %mul3A_1520 = arith.mulf %get3A_1515, %get3A_1519 : vector<16xf32>
      %add3A_1521 = arith.addf %add3A_1511, %mul3A_1520 : vector<16xf32>
      %get3A_1522 = arith.constant 20 : i32
      %get3A_1523 = arith.index_cast %get3A_1522 : i32 to index
      %get3A_1524 = arith.index_cast %mul3A_1313 : i32 to index
      %get3A_1525 = tpu.vector_load %arg15[%get3A_1523, %get3A_1524] {strides = array<i32>} : memref<32x512xf32, #tpu.memory_space<vmem>>, vector<16xf32>,
      %get3A_1526 = arith.constant 20 : i32
      %get3A_1527 = arith.index_cast %get3A_1526 : i32 to index
      %get3A_1528 = arith.index_cast %mul3A_1313 : i32 to index
      %get3A_1529 = tpu.vector_load %arg16[%get3A_1527, %get3A_1528] {strides = array<i32>} : memref<32x512xf32, #tpu.memory_space<vmem>>, vector<16xf32>,
      %mul3A_1530 = arith.mulf %get3A_1525, %get3A_1529 : vector<16xf32>
      %add3A_1531 = arith.addf %add3A_1521, %mul3A_1530 : vector<16xf32>
      %get3A_1532 = arith.constant 21 : i32
      %get3A_1533 = arith.index_cast %get3A_1532 : i32 to index
      %get3A_1534 = arith.index_cast %mul3A_1313 : i32 to index
      %get3A_1535 = tpu.vector_load %arg15[%get3A_1533, %get3A_1534] {strides = array<i32>} : memref<32x512xf32, #tpu.memory_space<vmem>>, vector<16xf32>,
      %get3A_1536 = arith.constant 21 : i32
      %get3A_1537 = arith.index_cast %get3A_1536 : i32 to index
      %get3A_1538 = arith.index_cast %mul3A_1313 : i32 to index
      %get3A_1539 = tpu.vector_load %arg16[%get3A_1537, %get3A_1538] {strides = array<i32>} : memref<32x512xf32, #tpu.memory_space<vmem>>, vector<16xf32>,
      %mul3A_1540 = arith.mulf %get3A_1535, %get3A_1539 : vector<16xf32>
      %add3A_1541 = arith.addf %add3A_1531, %mul3A_1540 : vector<16xf32>
      %get3A_1542 = arith.constant 22 : i32
      %get3A_1543 = arith.index_cast %get3A_1542 : i32 to index
      %get3A_1544 = arith.index_cast %mul3A_1313 : i32 to index
      %get3A_1545 = tpu.vector_load %arg15[%get3A_1543, %get3A_1544] {strides = array<i32>} : memref<32x512xf32, #tpu.memory_space<vmem>>, vector<16xf32>,
      %get3A_1546 = arith.constant 22 : i32
      %get3A_1547 = arith.index_cast %get3A_1546 : i32 to index
      %get3A_1548 = arith.index_cast %mul3A_1313 : i32 to index
      %get3A_1549 = tpu.vector_load %arg16[%get3A_1547, %get3A_1548] {strides = array<i32>} : memref<32x512xf32, #tpu.memory_space<vmem>>, vector<16xf32>,
      %mul3A_1550 = arith.mulf %get3A_1545, %get3A_1549 : vector<16xf32>
      %add3A_1551 = arith.addf %add3A_1541, %mul3A_1550 : vector<16xf32>
      %get3A_1552 = arith.constant 23 : i32
      %get3A_1553 = arith.index_cast %get3A_1552 : i32 to index
      %get3A_1554 = arith.index_cast %mul3A_1313 : i32 to index
      %get3A_1555 = tpu.vector_load %arg15[%get3A_1553, %get3A_1554] {strides = array<i32>} : memref<32x512xf32, #tpu.memory_space<vmem>>, vector<16xf32>,
      %get3A_1556 = arith.constant 23 : i32
      %get3A_1557 = arith.index_cast %get3A_1556 : i32 to index
      %get3A_1558 = arith.index_cast %mul3A_1313 : i32 to index
      %get3A_1559 = tpu.vector_load %arg16[%get3A_1557, %get3A_1558] {strides = array<i32>} : memref<32x512xf32, #tpu.memory_space<vmem>>, vector<16xf32>,
      %mul3A_1560 = arith.mulf %get3A_1555, %get3A_1559 : vector<16xf32>
      %add3A_1561 = arith.addf %add3A_1551, %mul3A_1560 : vector<16xf32>
      %get3A_1562 = arith.constant 24 : i32
      %get3A_1563 = arith.index_cast %get3A_1562 : i32 to index
      %get3A_1564 = arith.index_cast %mul3A_1313 : i32 to index
      %get3A_1565 = tpu.vector_load %arg15[%get3A_1563, %get3A_1564] {strides = array<i32>} : memref<32x512xf32, #tpu.memory_space<vmem>>, vector<16xf32>,
      %get3A_1566 = arith.constant 24 : i32
      %get3A_1567 = arith.index_cast %get3A_1566 : i32 to index
      %get3A_1568 = arith.index_cast %mul3A_1313 : i32 to index
      %get3A_1569 = tpu.vector_load %arg16[%get3A_1567, %get3A_1568] {strides = array<i32>} : memref<32x512xf32, #tpu.memory_space<vmem>>, vector<16xf32>,
      %mul3A_1570 = arith.mulf %get3A_1565, %get3A_1569 : vector<16xf32>
      %add3A_1571 = arith.addf %add3A_1561, %mul3A_1570 : vector<16xf32>
      %get3A_1572 = arith.constant 25 : i32
      %get3A_1573 = arith.index_cast %get3A_1572 : i32 to index
      %get3A_1574 = arith.index_cast %mul3A_1313 : i32 to index
      %get3A_1575 = tpu.vector_load %arg15[%get3A_1573, %get3A_1574] {strides = array<i32>} : memref<32x512xf32, #tpu.memory_space<vmem>>, vector<16xf32>,
      %get3A_1576 = arith.constant 25 : i32
      %get3A_1577 = arith.index_cast %get3A_1576 : i32 to index
      %get3A_1578 = arith.index_cast %mul3A_1313 : i32 to index
      %get3A_1579 = tpu.vector_load %arg16[%get3A_1577, %get3A_1578] {strides = array<i32>} : memref<32x512xf32, #tpu.memory_space<vmem>>, vector<16xf32>,
      %mul3A_1580 = arith.mulf %get3A_1575, %get3A_1579 : vector<16xf32>
      %add3A_1581 = arith.addf %add3A_1571, %mul3A_1580 : vector<16xf32>
      %get3A_1582 = arith.constant 26 : i32
      %get3A_1583 = arith.index_cast %get3A_1582 : i32 to index
      %get3A_1584 = arith.index_cast %mul3A_1313 : i32 to index
      %get3A_1585 = tpu.vector_load %arg15[%get3A_1583, %get3A_1584] {strides = array<i32>} : memref<32x512xf32, #tpu.memory_space<vmem>>, vector<16xf32>,
      %get3A_1586 = arith.constant 26 : i32
      %get3A_1587 = arith.index_cast %get3A_1586 : i32 to index
      %get3A_1588 = arith.index_cast %mul3A_1313 : i32 to index
      %get3A_1589 = tpu.vector_load %arg16[%get3A_1587, %get3A_1588] {strides = array<i32>} : memref<32x512xf32, #tpu.memory_space<vmem>>, vector<16xf32>,
      %mul3A_1590 = arith.mulf %get3A_1585, %get3A_1589 : vector<16xf32>
      %add3A_1591 = arith.addf %add3A_1581, %mul3A_1590 : vector<16xf32>
      %get3A_1592 = arith.constant 27 : i32
      %get3A_1593 = arith.index_cast %get3A_1592 : i32 to index
      %get3A_1594 = arith.index_cast %mul3A_1313 : i32 to index
      %get3A_1595 = tpu.vector_load %arg15[%get3A_1593, %get3A_1594] {strides = array<i32>} : memref<32x512xf32, #tpu.memory_space<vmem>>, vector<16xf32>,
      %get3A_1596 = arith.constant 27 : i32
      %get3A_1597 = arith.index_cast %get3A_1596 : i32 to index
      %get3A_1598 = arith.index_cast %mul3A_1313 : i32 to index
      %get3A_1599 = tpu.vector_load %arg16[%get3A_1597, %get3A_1598] {strides = array<i32>} : memref<32x512xf32, #tpu.memory_space<vmem>>, vector<16xf32>,
      %mul3A_1600 = arith.mulf %get3A_1595, %get3A_1599 : vector<16xf32>
      %add3A_1601 = arith.addf %add3A_1591, %mul3A_1600 : vector<16xf32>
      %get3A_1602 = arith.constant 28 : i32
      %get3A_1603 = arith.index_cast %get3A_1602 : i32 to index
      %get3A_1604 = arith.index_cast %mul3A_1313 : i32 to index
      %get3A_1605 = tpu.vector_load %arg15[%get3A_1603, %get3A_1604] {strides = array<i32>} : memref<32x512xf32, #tpu.memory_space<vmem>>, vector<16xf32>,
      %get3A_1606 = arith.constant 28 : i32
      %get3A_1607 = arith.index_cast %get3A_1606 : i32 to index
      %get3A_1608 = arith.index_cast %mul3A_1313 : i32 to index
      %get3A_1609 = tpu.vector_load %arg16[%get3A_1607, %get3A_1608] {strides = array<i32>} : memref<32x512xf32, #tpu.memory_space<vmem>>, vector<16xf32>,
      %mul3A_1610 = arith.mulf %get3A_1605, %get3A_1609 : vector<16xf32>
      %add3A_1611 = arith.addf %add3A_1601, %mul3A_1610 : vector<16xf32>
      %get3A_1612 = arith.constant 29 : i32
      %get3A_1613 = arith.index_cast %get3A_1612 : i32 to index
      %get3A_1614 = arith.index_cast %mul3A_1313 : i32 to index
      %get3A_1615 = tpu.vector_load %arg15[%get3A_1613, %get3A_1614] {strides = array<i32>} : memref<32x512xf32, #tpu.memory_space<vmem>>, vector<16xf32>,
      %get3A_1616 = arith.constant 29 : i32
      %get3A_1617 = arith.index_cast %get3A_1616 : i32 to index
      %get3A_1618 = arith.index_cast %mul3A_1313 : i32 to index
      %get3A_1619 = tpu.vector_load %arg16[%get3A_1617, %get3A_1618] {strides = array<i32>} : memref<32x512xf32, #tpu.memory_space<vmem>>, vector<16xf32>,
      %mul3A_1620 = arith.mulf %get3A_1615, %get3A_1619 : vector<16xf32>
      %add3A_1621 = arith.addf %add3A_1611, %mul3A_1620 : vector<16xf32>
      %get3A_1622 = arith.constant 30 : i32
      %get3A_1623 = arith.index_cast %get3A_1622 : i32 to index
      %get3A_1624 = arith.index_cast %mul3A_1313 : i32 to index
      %get3A_1625 = tpu.vector_load %arg15[%get3A_1623, %get3A_1624] {strides = array<i32>} : memref<32x512xf32, #tpu.memory_space<vmem>>, vector<16xf32>,
      %get3A_1626 = arith.constant 30 : i32
      %get3A_1627 = arith.index_cast %get3A_1626 : i32 to index
      %get3A_1628 = arith.index_cast %mul3A_1313 : i32 to index
      %get3A_1629 = tpu.vector_load %arg16[%get3A_1627, %get3A_1628] {strides = array<i32>} : memref<32x512xf32, #tpu.memory_space<vmem>>, vector<16xf32>,
      %mul3A_1630 = arith.mulf %get3A_1625, %get3A_1629 : vector<16xf32>
      %add3A_1631 = arith.addf %add3A_1621, %mul3A_1630 : vector<16xf32>
      %get3A_1632 = arith.constant 31 : i32
      %get3A_1633 = arith.index_cast %get3A_1632 : i32 to index
      %get3A_1634 = arith.index_cast %mul3A_1313 : i32 to index
      %get3A_1635 = tpu.vector_load %arg15[%get3A_1633, %get3A_1634] {strides = array<i32>} : memref<32x512xf32, #tpu.memory_space<vmem>>, vector<16xf32>,
      %get3A_1636 = arith.constant 31 : i32
      %get3A_1637 = arith.index_cast %get3A_1636 : i32 to index
      %get3A_1638 = arith.index_cast %mul3A_1313 : i32 to index
      %get3A_1639 = tpu.vector_load %arg16[%get3A_1637, %get3A_1638] {strides = array<i32>} : memref<32x512xf32, #tpu.memory_space<vmem>>, vector<16xf32>,
      %mul3A_1640 = arith.mulf %get3A_1635, %get3A_1639 : vector<16xf32>
      %add3A_1641 = arith.addf %add3A_1631, %mul3A_1640 : vector<16xf32>
      %swap3A = arith.index_cast %mul3A_1313 : i32 to index
      %swap3A_1642 = tpu.vector_load %arg21[%swap3A] {strides = array<i32>} : memref<512xf32, #tpu.memory_space<vmem>>, vector<16xf32>,
      tpu.vector_store %arg21[%swap3A], %add3A_1641 {strides = array<i32>} : memref<512xf32, #tpu.memory_space<vmem>>, vector<16xf32>,
      %ge3A = arith.constant 999936 : i32
      %ge3A_1643 = vector.broadcast %ge3A : i32 to vector<16xi32>
      %ge3A_1644 = arith.cmpi sge, %get3A_1314, %ge3A_1643 : vector<16xi32>
      %ge3A_1645 = arith.constant 999936 : i32
      %ge3A_1646 = vector.broadcast %ge3A_1645 : i32 to vector<16xi32>
      %ge3A_1647 = arith.cmpi sge, %get3A_1316, %ge3A_1646 : vector<16xi32>
      %or3A = arith.ori %ge3A_1644, %ge3A_1647 : vector<16xi1>
      %jit3A = arith.constant 1 : i32
      %jit3A_1648 = arith.constant 0 : i32
      %broadcast_in_dim3A = vector.broadcast %jit3A : i32 to vector<16xi32>
      %broadcast_in_dim3A_1649 = vector.broadcast %jit3A_1648 : i32 to vector<16xi32>
      %select_n3A = arith.select %or3A, %broadcast_in_dim3A, %broadcast_in_dim3A_1649 : vector<16xi1>, vector<16xi32>
      %reduce_max3A = arith.constant true
      %reduce_max3A_1650 = vector.broadcast %reduce_max3A : i1 to vector<16xi1>
      %reduce_max3A_1651 = arith.constant -2147483648 : i32
      %reduce_max3A_1652 = vector.broadcast %reduce_max3A_1651 : i32 to vector<16xi32>
      %reduce_max3A_1653 = arith.xori %select_n3A, %reduce_max3A_1652 : vector<16xi32>
      %reduce_max3A_1654 = tpu.scan <max>, %reduce_max3A_1653 masked %reduce_max3A_1650 : vector<16xi32>, vector<16xi1> -> vector<16xi32>
      %reduce_max3A_1655 = arith.xori %reduce_max3A_1654, %reduce_max3A_1652 : vector<16xi32>
      %reduce_max3A_1656 = vector.extract %reduce_max3A_1655[15] : i32 from vector<16xi32>
      %gt3A = arith.constant 0 : i32
      %gt3A_1657 = arith.cmpi sgt, %reduce_max3A_1656, %gt3A : i32
      %convert_element_type3A = arith.extui %gt3A_1657 : i1 to i32
      %cond3A = arith.constant 0 : i32
      %cond3A_1658 = arith.cmpi ne, %convert_element_type3A, %cond3A : i32
      scf.if %cond3A_1658 {
        %sub3A = arith.constant 999936 : i32
        %sub3A_1660 = vector.broadcast %sub3A : i32 to vector<16xi32>
        %sub3A_1661 = arith.subi %get3A_1314, %sub3A_1660 : vector<16xi32>
        %jit3A_1662 = arith.constant 0 : i32
        %jit3A_1663 = arith.constant 63 : i32
        %max3A = vector.broadcast %jit3A_1662 : i32 to vector<16xi32>
        %max3A_1664 = arith.maxsi %max3A, %sub3A_1661 : vector<16xi32>
        %min3A = vector.broadcast %jit3A_1663 : i32 to vector<16xi32>
        %min3A_1665 = arith.minsi %min3A, %max3A_1664 : vector<16xi32>
        %sub3A_1666 = arith.constant 999936 : i32
        %sub3A_1667 = vector.broadcast %sub3A_1666 : i32 to vector<16xi32>
        %sub3A_1668 = arith.subi %get3A_1316, %sub3A_1667 : vector<16xi32>
        %jit3A_1669 = arith.constant 0 : i32
        %jit3A_1670 = arith.constant 63 : i32
        %max3A_1671 = vector.broadcast %jit3A_1669 : i32 to vector<16xi32>
        %max3A_1672 = arith.maxsi %max3A_1671, %sub3A_1668 : vector<16xi32>
        %min3A_1673 = vector.broadcast %jit3A_1670 : i32 to vector<16xi32>
        %min3A_1674 = arith.minsi %min3A_1673, %max3A_1672 : vector<16xi32>
        %get3A_1675 = arith.index_cast %mul3A_1313 : i32 to index
        %get3A_1676 = tpu.vector_load %arg17[%get3A_1675] {strides = array<i32>} : memref<512xf32, #tpu.memory_space<vmem>>, vector<16xf32>,
        %get3A_1677 = arith.index_cast %mul3A_1313 : i32 to index
        %get3A_1678 = tpu.vector_load %arg18[%get3A_1677] {strides = array<i32>} : memref<512xf32, #tpu.memory_space<vmem>>, vector<16xf32>,
        %add3A_1679 = arith.addf %get3A_1676, %get3A_1678 : vector<16xf32>
        %add3A_1680 = arith.constant 0 : i32
        %add3A_1681 = vector.broadcast %add3A_1680 : i32 to vector<16xi32>
        %add3A_1682 = arith.addi %add3A_1681, %min3A_1665 : vector<16xi32>
        %gather3A = tpu.vector_load_idx %arg19[%add3A_1682] : memref<2048xf32, #tpu.memory_space<vmem>>[vector<16xi32>], vector<16xf32>,
        %add3A_1683 = arith.constant 0 : i32
        %add3A_1684 = vector.broadcast %add3A_1683 : i32 to vector<16xi32>
        %add3A_1685 = arith.addi %add3A_1684, %min3A_1674 : vector<16xi32>
        %gather3A_1686 = tpu.vector_load_idx %arg20[%add3A_1685] : memref<2048xf32, #tpu.memory_space<vmem>>[vector<16xi32>], vector<16xf32>,
        %get3A_1687 = arith.constant 0 : i32
        %get3A_1688 = arith.index_cast %get3A_1687 : i32 to index
        %get3A_1689 = arith.index_cast %mul3A_1313 : i32 to index
        %get3A_1690 = tpu.vector_load %arg15[%get3A_1688, %get3A_1689] {strides = array<i32>} : memref<32x512xf32, #tpu.memory_space<vmem>>, vector<16xf32>,
        %select_n3A_1691 = arith.select %ge3A_1644, %gather3A, %get3A_1690 : vector<16xi1>, vector<16xf32>
        %get3A_1692 = arith.constant 0 : i32
        %get3A_1693 = arith.index_cast %get3A_1692 : i32 to index
        %get3A_1694 = arith.index_cast %mul3A_1313 : i32 to index
        %get3A_1695 = tpu.vector_load %arg16[%get3A_1693, %get3A_1694] {strides = array<i32>} : memref<32x512xf32, #tpu.memory_space<vmem>>, vector<16xf32>,
        %select_n3A_1696 = arith.select %ge3A_1647, %gather3A_1686, %get3A_1695 : vector<16xi1>, vector<16xf32>
        %mul3A_1697 = arith.mulf %select_n3A_1691, %select_n3A_1696 : vector<16xf32>
        %add3A_1698 = arith.addf %add3A_1679, %mul3A_1697 : vector<16xf32>
        %add3A_1699 = arith.constant 64 : i32
        %add3A_1700 = vector.broadcast %add3A_1699 : i32 to vector<16xi32>
        %add3A_1701 = arith.addi %add3A_1700, %min3A_1665 : vector<16xi32>
        %gather3A_1702 = tpu.vector_load_idx %arg19[%add3A_1701] : memref<2048xf32, #tpu.memory_space<vmem>>[vector<16xi32>], vector<16xf32>,
        %add3A_1703 = arith.constant 64 : i32
        %add3A_1704 = vector.broadcast %add3A_1703 : i32 to vector<16xi32>
        %add3A_1705 = arith.addi %add3A_1704, %min3A_1674 : vector<16xi32>
        %gather3A_1706 = tpu.vector_load_idx %arg20[%add3A_1705] : memref<2048xf32, #tpu.memory_space<vmem>>[vector<16xi32>], vector<16xf32>,
        %get3A_1707 = arith.constant 1 : i32
        %get3A_1708 = arith.index_cast %get3A_1707 : i32 to index
        %get3A_1709 = arith.index_cast %mul3A_1313 : i32 to index
        %get3A_1710 = tpu.vector_load %arg15[%get3A_1708, %get3A_1709] {strides = array<i32>} : memref<32x512xf32, #tpu.memory_space<vmem>>, vector<16xf32>,
        %select_n3A_1711 = arith.select %ge3A_1644, %gather3A_1702, %get3A_1710 : vector<16xi1>, vector<16xf32>
        %get3A_1712 = arith.constant 1 : i32
        %get3A_1713 = arith.index_cast %get3A_1712 : i32 to index
        %get3A_1714 = arith.index_cast %mul3A_1313 : i32 to index
        %get3A_1715 = tpu.vector_load %arg16[%get3A_1713, %get3A_1714] {strides = array<i32>} : memref<32x512xf32, #tpu.memory_space<vmem>>, vector<16xf32>,
        %select_n3A_1716 = arith.select %ge3A_1647, %gather3A_1706, %get3A_1715 : vector<16xi1>, vector<16xf32>
        %mul3A_1717 = arith.mulf %select_n3A_1711, %select_n3A_1716 : vector<16xf32>
        %add3A_1718 = arith.addf %add3A_1698, %mul3A_1717 : vector<16xf32>
        %add3A_1719 = arith.constant 128 : i32
        %add3A_1720 = vector.broadcast %add3A_1719 : i32 to vector<16xi32>
        %add3A_1721 = arith.addi %add3A_1720, %min3A_1665 : vector<16xi32>
        %gather3A_1722 = tpu.vector_load_idx %arg19[%add3A_1721] : memref<2048xf32, #tpu.memory_space<vmem>>[vector<16xi32>], vector<16xf32>,
        %add3A_1723 = arith.constant 128 : i32
        %add3A_1724 = vector.broadcast %add3A_1723 : i32 to vector<16xi32>
        %add3A_1725 = arith.addi %add3A_1724, %min3A_1674 : vector<16xi32>
        %gather3A_1726 = tpu.vector_load_idx %arg20[%add3A_1725] : memref<2048xf32, #tpu.memory_space<vmem>>[vector<16xi32>], vector<16xf32>,
        %get3A_1727 = arith.constant 2 : i32
        %get3A_1728 = arith.index_cast %get3A_1727 : i32 to index
        %get3A_1729 = arith.index_cast %mul3A_1313 : i32 to index
        %get3A_1730 = tpu.vector_load %arg15[%get3A_1728, %get3A_1729] {strides = array<i32>} : memref<32x512xf32, #tpu.memory_space<vmem>>, vector<16xf32>,
        %select_n3A_1731 = arith.select %ge3A_1644, %gather3A_1722, %get3A_1730 : vector<16xi1>, vector<16xf32>
        %get3A_1732 = arith.constant 2 : i32
        %get3A_1733 = arith.index_cast %get3A_1732 : i32 to index
        %get3A_1734 = arith.index_cast %mul3A_1313 : i32 to index
        %get3A_1735 = tpu.vector_load %arg16[%get3A_1733, %get3A_1734] {strides = array<i32>} : memref<32x512xf32, #tpu.memory_space<vmem>>, vector<16xf32>,
        %select_n3A_1736 = arith.select %ge3A_1647, %gather3A_1726, %get3A_1735 : vector<16xi1>, vector<16xf32>
        %mul3A_1737 = arith.mulf %select_n3A_1731, %select_n3A_1736 : vector<16xf32>
        %add3A_1738 = arith.addf %add3A_1718, %mul3A_1737 : vector<16xf32>
        %add3A_1739 = arith.constant 192 : i32
        %add3A_1740 = vector.broadcast %add3A_1739 : i32 to vector<16xi32>
        %add3A_1741 = arith.addi %add3A_1740, %min3A_1665 : vector<16xi32>
        %gather3A_1742 = tpu.vector_load_idx %arg19[%add3A_1741] : memref<2048xf32, #tpu.memory_space<vmem>>[vector<16xi32>], vector<16xf32>,
        %add3A_1743 = arith.constant 192 : i32
        %add3A_1744 = vector.broadcast %add3A_1743 : i32 to vector<16xi32>
        %add3A_1745 = arith.addi %add3A_1744, %min3A_1674 : vector<16xi32>
        %gather3A_1746 = tpu.vector_load_idx %arg20[%add3A_1745] : memref<2048xf32, #tpu.memory_space<vmem>>[vector<16xi32>], vector<16xf32>,
        %get3A_1747 = arith.constant 3 : i32
        %get3A_1748 = arith.index_cast %get3A_1747 : i32 to index
        %get3A_1749 = arith.index_cast %mul3A_1313 : i32 to index
        %get3A_1750 = tpu.vector_load %arg15[%get3A_1748, %get3A_1749] {strides = array<i32>} : memref<32x512xf32, #tpu.memory_space<vmem>>, vector<16xf32>,
        %select_n3A_1751 = arith.select %ge3A_1644, %gather3A_1742, %get3A_1750 : vector<16xi1>, vector<16xf32>
        %get3A_1752 = arith.constant 3 : i32
        %get3A_1753 = arith.index_cast %get3A_1752 : i32 to index
        %get3A_1754 = arith.index_cast %mul3A_1313 : i32 to index
        %get3A_1755 = tpu.vector_load %arg16[%get3A_1753, %get3A_1754] {strides = array<i32>} : memref<32x512xf32, #tpu.memory_space<vmem>>, vector<16xf32>,
        %select_n3A_1756 = arith.select %ge3A_1647, %gather3A_1746, %get3A_1755 : vector<16xi1>, vector<16xf32>
        %mul3A_1757 = arith.mulf %select_n3A_1751, %select_n3A_1756 : vector<16xf32>
        %add3A_1758 = arith.addf %add3A_1738, %mul3A_1757 : vector<16xf32>
        %add3A_1759 = arith.constant 256 : i32
        %add3A_1760 = vector.broadcast %add3A_1759 : i32 to vector<16xi32>
        %add3A_1761 = arith.addi %add3A_1760, %min3A_1665 : vector<16xi32>
        %gather3A_1762 = tpu.vector_load_idx %arg19[%add3A_1761] : memref<2048xf32, #tpu.memory_space<vmem>>[vector<16xi32>], vector<16xf32>,
        %add3A_1763 = arith.constant 256 : i32
        %add3A_1764 = vector.broadcast %add3A_1763 : i32 to vector<16xi32>
        %add3A_1765 = arith.addi %add3A_1764, %min3A_1674 : vector<16xi32>
        %gather3A_1766 = tpu.vector_load_idx %arg20[%add3A_1765] : memref<2048xf32, #tpu.memory_space<vmem>>[vector<16xi32>], vector<16xf32>,
        %get3A_1767 = arith.constant 4 : i32
        %get3A_1768 = arith.index_cast %get3A_1767 : i32 to index
        %get3A_1769 = arith.index_cast %mul3A_1313 : i32 to index
        %get3A_1770 = tpu.vector_load %arg15[%get3A_1768, %get3A_1769] {strides = array<i32>} : memref<32x512xf32, #tpu.memory_space<vmem>>, vector<16xf32>,
        %select_n3A_1771 = arith.select %ge3A_1644, %gather3A_1762, %get3A_1770 : vector<16xi1>, vector<16xf32>
        %get3A_1772 = arith.constant 4 : i32
        %get3A_1773 = arith.index_cast %get3A_1772 : i32 to index
        %get3A_1774 = arith.index_cast %mul3A_1313 : i32 to index
        %get3A_1775 = tpu.vector_load %arg16[%get3A_1773, %get3A_1774] {strides = array<i32>} : memref<32x512xf32, #tpu.memory_space<vmem>>, vector<16xf32>,
        %select_n3A_1776 = arith.select %ge3A_1647, %gather3A_1766, %get3A_1775 : vector<16xi1>, vector<16xf32>
        %mul3A_1777 = arith.mulf %select_n3A_1771, %select_n3A_1776 : vector<16xf32>
        %add3A_1778 = arith.addf %add3A_1758, %mul3A_1777 : vector<16xf32>
        %add3A_1779 = arith.constant 320 : i32
        %add3A_1780 = vector.broadcast %add3A_1779 : i32 to vector<16xi32>
        %add3A_1781 = arith.addi %add3A_1780, %min3A_1665 : vector<16xi32>
        %gather3A_1782 = tpu.vector_load_idx %arg19[%add3A_1781] : memref<2048xf32, #tpu.memory_space<vmem>>[vector<16xi32>], vector<16xf32>,
        %add3A_1783 = arith.constant 320 : i32
        %add3A_1784 = vector.broadcast %add3A_1783 : i32 to vector<16xi32>
        %add3A_1785 = arith.addi %add3A_1784, %min3A_1674 : vector<16xi32>
        %gather3A_1786 = tpu.vector_load_idx %arg20[%add3A_1785] : memref<2048xf32, #tpu.memory_space<vmem>>[vector<16xi32>], vector<16xf32>,
        %get3A_1787 = arith.constant 5 : i32
        %get3A_1788 = arith.index_cast %get3A_1787 : i32 to index
        %get3A_1789 = arith.index_cast %mul3A_1313 : i32 to index
        %get3A_1790 = tpu.vector_load %arg15[%get3A_1788, %get3A_1789] {strides = array<i32>} : memref<32x512xf32, #tpu.memory_space<vmem>>, vector<16xf32>,
        %select_n3A_1791 = arith.select %ge3A_1644, %gather3A_1782, %get3A_1790 : vector<16xi1>, vector<16xf32>
        %get3A_1792 = arith.constant 5 : i32
        %get3A_1793 = arith.index_cast %get3A_1792 : i32 to index
        %get3A_1794 = arith.index_cast %mul3A_1313 : i32 to index
        %get3A_1795 = tpu.vector_load %arg16[%get3A_1793, %get3A_1794] {strides = array<i32>} : memref<32x512xf32, #tpu.memory_space<vmem>>, vector<16xf32>,
        %select_n3A_1796 = arith.select %ge3A_1647, %gather3A_1786, %get3A_1795 : vector<16xi1>, vector<16xf32>
        %mul3A_1797 = arith.mulf %select_n3A_1791, %select_n3A_1796 : vector<16xf32>
        %add3A_1798 = arith.addf %add3A_1778, %mul3A_1797 : vector<16xf32>
        %add3A_1799 = arith.constant 384 : i32
        %add3A_1800 = vector.broadcast %add3A_1799 : i32 to vector<16xi32>
        %add3A_1801 = arith.addi %add3A_1800, %min3A_1665 : vector<16xi32>
        %gather3A_1802 = tpu.vector_load_idx %arg19[%add3A_1801] : memref<2048xf32, #tpu.memory_space<vmem>>[vector<16xi32>], vector<16xf32>,
        %add3A_1803 = arith.constant 384 : i32
        %add3A_1804 = vector.broadcast %add3A_1803 : i32 to vector<16xi32>
        %add3A_1805 = arith.addi %add3A_1804, %min3A_1674 : vector<16xi32>
        %gather3A_1806 = tpu.vector_load_idx %arg20[%add3A_1805] : memref<2048xf32, #tpu.memory_space<vmem>>[vector<16xi32>], vector<16xf32>,
        %get3A_1807 = arith.constant 6 : i32
        %get3A_1808 = arith.index_cast %get3A_1807 : i32 to index
        %get3A_1809 = arith.index_cast %mul3A_1313 : i32 to index
        %get3A_1810 = tpu.vector_load %arg15[%get3A_1808, %get3A_1809] {strides = array<i32>} : memref<32x512xf32, #tpu.memory_space<vmem>>, vector<16xf32>,
        %select_n3A_1811 = arith.select %ge3A_1644, %gather3A_1802, %get3A_1810 : vector<16xi1>, vector<16xf32>
        %get3A_1812 = arith.constant 6 : i32
        %get3A_1813 = arith.index_cast %get3A_1812 : i32 to index
        %get3A_1814 = arith.index_cast %mul3A_1313 : i32 to index
        %get3A_1815 = tpu.vector_load %arg16[%get3A_1813, %get3A_1814] {strides = array<i32>} : memref<32x512xf32, #tpu.memory_space<vmem>>, vector<16xf32>,
        %select_n3A_1816 = arith.select %ge3A_1647, %gather3A_1806, %get3A_1815 : vector<16xi1>, vector<16xf32>
        %mul3A_1817 = arith.mulf %select_n3A_1811, %select_n3A_1816 : vector<16xf32>
        %add3A_1818 = arith.addf %add3A_1798, %mul3A_1817 : vector<16xf32>
        %add3A_1819 = arith.constant 448 : i32
        %add3A_1820 = vector.broadcast %add3A_1819 : i32 to vector<16xi32>
        %add3A_1821 = arith.addi %add3A_1820, %min3A_1665 : vector<16xi32>
        %gather3A_1822 = tpu.vector_load_idx %arg19[%add3A_1821] : memref<2048xf32, #tpu.memory_space<vmem>>[vector<16xi32>], vector<16xf32>,
        %add3A_1823 = arith.constant 448 : i32
        %add3A_1824 = vector.broadcast %add3A_1823 : i32 to vector<16xi32>
        %add3A_1825 = arith.addi %add3A_1824, %min3A_1674 : vector<16xi32>
        %gather3A_1826 = tpu.vector_load_idx %arg20[%add3A_1825] : memref<2048xf32, #tpu.memory_space<vmem>>[vector<16xi32>], vector<16xf32>,
        %get3A_1827 = arith.constant 7 : i32
        %get3A_1828 = arith.index_cast %get3A_1827 : i32 to index
        %get3A_1829 = arith.index_cast %mul3A_1313 : i32 to index
        %get3A_1830 = tpu.vector_load %arg15[%get3A_1828, %get3A_1829] {strides = array<i32>} : memref<32x512xf32, #tpu.memory_space<vmem>>, vector<16xf32>,
        %select_n3A_1831 = arith.select %ge3A_1644, %gather3A_1822, %get3A_1830 : vector<16xi1>, vector<16xf32>
        %get3A_1832 = arith.constant 7 : i32
        %get3A_1833 = arith.index_cast %get3A_1832 : i32 to index
        %get3A_1834 = arith.index_cast %mul3A_1313 : i32 to index
        %get3A_1835 = tpu.vector_load %arg16[%get3A_1833, %get3A_1834] {strides = array<i32>} : memref<32x512xf32, #tpu.memory_space<vmem>>, vector<16xf32>,
        %select_n3A_1836 = arith.select %ge3A_1647, %gather3A_1826, %get3A_1835 : vector<16xi1>, vector<16xf32>
        %mul3A_1837 = arith.mulf %select_n3A_1831, %select_n3A_1836 : vector<16xf32>
        %add3A_1838 = arith.addf %add3A_1818, %mul3A_1837 : vector<16xf32>
        %add3A_1839 = arith.constant 512 : i32
        %add3A_1840 = vector.broadcast %add3A_1839 : i32 to vector<16xi32>
        %add3A_1841 = arith.addi %add3A_1840, %min3A_1665 : vector<16xi32>
        %gather3A_1842 = tpu.vector_load_idx %arg19[%add3A_1841] : memref<2048xf32, #tpu.memory_space<vmem>>[vector<16xi32>], vector<16xf32>,
        %add3A_1843 = arith.constant 512 : i32
        %add3A_1844 = vector.broadcast %add3A_1843 : i32 to vector<16xi32>
        %add3A_1845 = arith.addi %add3A_1844, %min3A_1674 : vector<16xi32>
        %gather3A_1846 = tpu.vector_load_idx %arg20[%add3A_1845] : memref<2048xf32, #tpu.memory_space<vmem>>[vector<16xi32>], vector<16xf32>,
        %get3A_1847 = arith.constant 8 : i32
        %get3A_1848 = arith.index_cast %get3A_1847 : i32 to index
        %get3A_1849 = arith.index_cast %mul3A_1313 : i32 to index
        %get3A_1850 = tpu.vector_load %arg15[%get3A_1848, %get3A_1849] {strides = array<i32>} : memref<32x512xf32, #tpu.memory_space<vmem>>, vector<16xf32>,
        %select_n3A_1851 = arith.select %ge3A_1644, %gather3A_1842, %get3A_1850 : vector<16xi1>, vector<16xf32>
        %get3A_1852 = arith.constant 8 : i32
        %get3A_1853 = arith.index_cast %get3A_1852 : i32 to index
        %get3A_1854 = arith.index_cast %mul3A_1313 : i32 to index
        %get3A_1855 = tpu.vector_load %arg16[%get3A_1853, %get3A_1854] {strides = array<i32>} : memref<32x512xf32, #tpu.memory_space<vmem>>, vector<16xf32>,
        %select_n3A_1856 = arith.select %ge3A_1647, %gather3A_1846, %get3A_1855 : vector<16xi1>, vector<16xf32>
        %mul3A_1857 = arith.mulf %select_n3A_1851, %select_n3A_1856 : vector<16xf32>
        %add3A_1858 = arith.addf %add3A_1838, %mul3A_1857 : vector<16xf32>
        %add3A_1859 = arith.constant 576 : i32
        %add3A_1860 = vector.broadcast %add3A_1859 : i32 to vector<16xi32>
        %add3A_1861 = arith.addi %add3A_1860, %min3A_1665 : vector<16xi32>
        %gather3A_1862 = tpu.vector_load_idx %arg19[%add3A_1861] : memref<2048xf32, #tpu.memory_space<vmem>>[vector<16xi32>], vector<16xf32>,
        %add3A_1863 = arith.constant 576 : i32
        %add3A_1864 = vector.broadcast %add3A_1863 : i32 to vector<16xi32>
        %add3A_1865 = arith.addi %add3A_1864, %min3A_1674 : vector<16xi32>
        %gather3A_1866 = tpu.vector_load_idx %arg20[%add3A_1865] : memref<2048xf32, #tpu.memory_space<vmem>>[vector<16xi32>], vector<16xf32>,
        %get3A_1867 = arith.constant 9 : i32
        %get3A_1868 = arith.index_cast %get3A_1867 : i32 to index
        %get3A_1869 = arith.index_cast %mul3A_1313 : i32 to index
        %get3A_1870 = tpu.vector_load %arg15[%get3A_1868, %get3A_1869] {strides = array<i32>} : memref<32x512xf32, #tpu.memory_space<vmem>>, vector<16xf32>,
        %select_n3A_1871 = arith.select %ge3A_1644, %gather3A_1862, %get3A_1870 : vector<16xi1>, vector<16xf32>
        %get3A_1872 = arith.constant 9 : i32
        %get3A_1873 = arith.index_cast %get3A_1872 : i32 to index
        %get3A_1874 = arith.index_cast %mul3A_1313 : i32 to index
        %get3A_1875 = tpu.vector_load %arg16[%get3A_1873, %get3A_1874] {strides = array<i32>} : memref<32x512xf32, #tpu.memory_space<vmem>>, vector<16xf32>,
        %select_n3A_1876 = arith.select %ge3A_1647, %gather3A_1866, %get3A_1875 : vector<16xi1>, vector<16xf32>
        %mul3A_1877 = arith.mulf %select_n3A_1871, %select_n3A_1876 : vector<16xf32>
        %add3A_1878 = arith.addf %add3A_1858, %mul3A_1877 : vector<16xf32>
        %add3A_1879 = arith.constant 640 : i32
        %add3A_1880 = vector.broadcast %add3A_1879 : i32 to vector<16xi32>
        %add3A_1881 = arith.addi %add3A_1880, %min3A_1665 : vector<16xi32>
        %gather3A_1882 = tpu.vector_load_idx %arg19[%add3A_1881] : memref<2048xf32, #tpu.memory_space<vmem>>[vector<16xi32>], vector<16xf32>,
        %add3A_1883 = arith.constant 640 : i32
        %add3A_1884 = vector.broadcast %add3A_1883 : i32 to vector<16xi32>
        %add3A_1885 = arith.addi %add3A_1884, %min3A_1674 : vector<16xi32>
        %gather3A_1886 = tpu.vector_load_idx %arg20[%add3A_1885] : memref<2048xf32, #tpu.memory_space<vmem>>[vector<16xi32>], vector<16xf32>,
        %get3A_1887 = arith.constant 10 : i32
        %get3A_1888 = arith.index_cast %get3A_1887 : i32 to index
        %get3A_1889 = arith.index_cast %mul3A_1313 : i32 to index
        %get3A_1890 = tpu.vector_load %arg15[%get3A_1888, %get3A_1889] {strides = array<i32>} : memref<32x512xf32, #tpu.memory_space<vmem>>, vector<16xf32>,
        %select_n3A_1891 = arith.select %ge3A_1644, %gather3A_1882, %get3A_1890 : vector<16xi1>, vector<16xf32>
        %get3A_1892 = arith.constant 10 : i32
        %get3A_1893 = arith.index_cast %get3A_1892 : i32 to index
        %get3A_1894 = arith.index_cast %mul3A_1313 : i32 to index
        %get3A_1895 = tpu.vector_load %arg16[%get3A_1893, %get3A_1894] {strides = array<i32>} : memref<32x512xf32, #tpu.memory_space<vmem>>, vector<16xf32>,
        %select_n3A_1896 = arith.select %ge3A_1647, %gather3A_1886, %get3A_1895 : vector<16xi1>, vector<16xf32>
        %mul3A_1897 = arith.mulf %select_n3A_1891, %select_n3A_1896 : vector<16xf32>
        %add3A_1898 = arith.addf %add3A_1878, %mul3A_1897 : vector<16xf32>
        %add3A_1899 = arith.constant 704 : i32
        %add3A_1900 = vector.broadcast %add3A_1899 : i32 to vector<16xi32>
        %add3A_1901 = arith.addi %add3A_1900, %min3A_1665 : vector<16xi32>
        %gather3A_1902 = tpu.vector_load_idx %arg19[%add3A_1901] : memref<2048xf32, #tpu.memory_space<vmem>>[vector<16xi32>], vector<16xf32>,
        %add3A_1903 = arith.constant 704 : i32
        %add3A_1904 = vector.broadcast %add3A_1903 : i32 to vector<16xi32>
        %add3A_1905 = arith.addi %add3A_1904, %min3A_1674 : vector<16xi32>
        %gather3A_1906 = tpu.vector_load_idx %arg20[%add3A_1905] : memref<2048xf32, #tpu.memory_space<vmem>>[vector<16xi32>], vector<16xf32>,
        %get3A_1907 = arith.constant 11 : i32
        %get3A_1908 = arith.index_cast %get3A_1907 : i32 to index
        %get3A_1909 = arith.index_cast %mul3A_1313 : i32 to index
        %get3A_1910 = tpu.vector_load %arg15[%get3A_1908, %get3A_1909] {strides = array<i32>} : memref<32x512xf32, #tpu.memory_space<vmem>>, vector<16xf32>,
        %select_n3A_1911 = arith.select %ge3A_1644, %gather3A_1902, %get3A_1910 : vector<16xi1>, vector<16xf32>
        %get3A_1912 = arith.constant 11 : i32
        %get3A_1913 = arith.index_cast %get3A_1912 : i32 to index
        %get3A_1914 = arith.index_cast %mul3A_1313 : i32 to index
        %get3A_1915 = tpu.vector_load %arg16[%get3A_1913, %get3A_1914] {strides = array<i32>} : memref<32x512xf32, #tpu.memory_space<vmem>>, vector<16xf32>,
        %select_n3A_1916 = arith.select %ge3A_1647, %gather3A_1906, %get3A_1915 : vector<16xi1>, vector<16xf32>
        %mul3A_1917 = arith.mulf %select_n3A_1911, %select_n3A_1916 : vector<16xf32>
        %add3A_1918 = arith.addf %add3A_1898, %mul3A_1917 : vector<16xf32>
        %add3A_1919 = arith.constant 768 : i32
        %add3A_1920 = vector.broadcast %add3A_1919 : i32 to vector<16xi32>
        %add3A_1921 = arith.addi %add3A_1920, %min3A_1665 : vector<16xi32>
        %gather3A_1922 = tpu.vector_load_idx %arg19[%add3A_1921] : memref<2048xf32, #tpu.memory_space<vmem>>[vector<16xi32>], vector<16xf32>,
        %add3A_1923 = arith.constant 768 : i32
        %add3A_1924 = vector.broadcast %add3A_1923 : i32 to vector<16xi32>
        %add3A_1925 = arith.addi %add3A_1924, %min3A_1674 : vector<16xi32>
        %gather3A_1926 = tpu.vector_load_idx %arg20[%add3A_1925] : memref<2048xf32, #tpu.memory_space<vmem>>[vector<16xi32>], vector<16xf32>,
        %get3A_1927 = arith.constant 12 : i32
        %get3A_1928 = arith.index_cast %get3A_1927 : i32 to index
        %get3A_1929 = arith.index_cast %mul3A_1313 : i32 to index
        %get3A_1930 = tpu.vector_load %arg15[%get3A_1928, %get3A_1929] {strides = array<i32>} : memref<32x512xf32, #tpu.memory_space<vmem>>, vector<16xf32>,
        %select_n3A_1931 = arith.select %ge3A_1644, %gather3A_1922, %get3A_1930 : vector<16xi1>, vector<16xf32>
        %get3A_1932 = arith.constant 12 : i32
        %get3A_1933 = arith.index_cast %get3A_1932 : i32 to index
        %get3A_1934 = arith.index_cast %mul3A_1313 : i32 to index
        %get3A_1935 = tpu.vector_load %arg16[%get3A_1933, %get3A_1934] {strides = array<i32>} : memref<32x512xf32, #tpu.memory_space<vmem>>, vector<16xf32>,
        %select_n3A_1936 = arith.select %ge3A_1647, %gather3A_1926, %get3A_1935 : vector<16xi1>, vector<16xf32>
        %mul3A_1937 = arith.mulf %select_n3A_1931, %select_n3A_1936 : vector<16xf32>
        %add3A_1938 = arith.addf %add3A_1918, %mul3A_1937 : vector<16xf32>
        %add3A_1939 = arith.constant 832 : i32
        %add3A_1940 = vector.broadcast %add3A_1939 : i32 to vector<16xi32>
        %add3A_1941 = arith.addi %add3A_1940, %min3A_1665 : vector<16xi32>
        %gather3A_1942 = tpu.vector_load_idx %arg19[%add3A_1941] : memref<2048xf32, #tpu.memory_space<vmem>>[vector<16xi32>], vector<16xf32>,
        %add3A_1943 = arith.constant 832 : i32
        %add3A_1944 = vector.broadcast %add3A_1943 : i32 to vector<16xi32>
        %add3A_1945 = arith.addi %add3A_1944, %min3A_1674 : vector<16xi32>
        %gather3A_1946 = tpu.vector_load_idx %arg20[%add3A_1945] : memref<2048xf32, #tpu.memory_space<vmem>>[vector<16xi32>], vector<16xf32>,
        %get3A_1947 = arith.constant 13 : i32
        %get3A_1948 = arith.index_cast %get3A_1947 : i32 to index
        %get3A_1949 = arith.index_cast %mul3A_1313 : i32 to index
        %get3A_1950 = tpu.vector_load %arg15[%get3A_1948, %get3A_1949] {strides = array<i32>} : memref<32x512xf32, #tpu.memory_space<vmem>>, vector<16xf32>,
        %select_n3A_1951 = arith.select %ge3A_1644, %gather3A_1942, %get3A_1950 : vector<16xi1>, vector<16xf32>
        %get3A_1952 = arith.constant 13 : i32
        %get3A_1953 = arith.index_cast %get3A_1952 : i32 to index
        %get3A_1954 = arith.index_cast %mul3A_1313 : i32 to index
        %get3A_1955 = tpu.vector_load %arg16[%get3A_1953, %get3A_1954] {strides = array<i32>} : memref<32x512xf32, #tpu.memory_space<vmem>>, vector<16xf32>,
        %select_n3A_1956 = arith.select %ge3A_1647, %gather3A_1946, %get3A_1955 : vector<16xi1>, vector<16xf32>
        %mul3A_1957 = arith.mulf %select_n3A_1951, %select_n3A_1956 : vector<16xf32>
        %add3A_1958 = arith.addf %add3A_1938, %mul3A_1957 : vector<16xf32>
        %add3A_1959 = arith.constant 896 : i32
        %add3A_1960 = vector.broadcast %add3A_1959 : i32 to vector<16xi32>
        %add3A_1961 = arith.addi %add3A_1960, %min3A_1665 : vector<16xi32>
        %gather3A_1962 = tpu.vector_load_idx %arg19[%add3A_1961] : memref<2048xf32, #tpu.memory_space<vmem>>[vector<16xi32>], vector<16xf32>,
        %add3A_1963 = arith.constant 896 : i32
        %add3A_1964 = vector.broadcast %add3A_1963 : i32 to vector<16xi32>
        %add3A_1965 = arith.addi %add3A_1964, %min3A_1674 : vector<16xi32>
        %gather3A_1966 = tpu.vector_load_idx %arg20[%add3A_1965] : memref<2048xf32, #tpu.memory_space<vmem>>[vector<16xi32>], vector<16xf32>,
        %get3A_1967 = arith.constant 14 : i32
        %get3A_1968 = arith.index_cast %get3A_1967 : i32 to index
        %get3A_1969 = arith.index_cast %mul3A_1313 : i32 to index
        %get3A_1970 = tpu.vector_load %arg15[%get3A_1968, %get3A_1969] {strides = array<i32>} : memref<32x512xf32, #tpu.memory_space<vmem>>, vector<16xf32>,
        %select_n3A_1971 = arith.select %ge3A_1644, %gather3A_1962, %get3A_1970 : vector<16xi1>, vector<16xf32>
        %get3A_1972 = arith.constant 14 : i32
        %get3A_1973 = arith.index_cast %get3A_1972 : i32 to index
        %get3A_1974 = arith.index_cast %mul3A_1313 : i32 to index
        %get3A_1975 = tpu.vector_load %arg16[%get3A_1973, %get3A_1974] {strides = array<i32>} : memref<32x512xf32, #tpu.memory_space<vmem>>, vector<16xf32>,
        %select_n3A_1976 = arith.select %ge3A_1647, %gather3A_1966, %get3A_1975 : vector<16xi1>, vector<16xf32>
        %mul3A_1977 = arith.mulf %select_n3A_1971, %select_n3A_1976 : vector<16xf32>
        %add3A_1978 = arith.addf %add3A_1958, %mul3A_1977 : vector<16xf32>
        %add3A_1979 = arith.constant 960 : i32
        %add3A_1980 = vector.broadcast %add3A_1979 : i32 to vector<16xi32>
        %add3A_1981 = arith.addi %add3A_1980, %min3A_1665 : vector<16xi32>
        %gather3A_1982 = tpu.vector_load_idx %arg19[%add3A_1981] : memref<2048xf32, #tpu.memory_space<vmem>>[vector<16xi32>], vector<16xf32>,
        %add3A_1983 = arith.constant 960 : i32
        %add3A_1984 = vector.broadcast %add3A_1983 : i32 to vector<16xi32>
        %add3A_1985 = arith.addi %add3A_1984, %min3A_1674 : vector<16xi32>
        %gather3A_1986 = tpu.vector_load_idx %arg20[%add3A_1985] : memref<2048xf32, #tpu.memory_space<vmem>>[vector<16xi32>], vector<16xf32>,
        %get3A_1987 = arith.constant 15 : i32
        %get3A_1988 = arith.index_cast %get3A_1987 : i32 to index
        %get3A_1989 = arith.index_cast %mul3A_1313 : i32 to index
        %get3A_1990 = tpu.vector_load %arg15[%get3A_1988, %get3A_1989] {strides = array<i32>} : memref<32x512xf32, #tpu.memory_space<vmem>>, vector<16xf32>,
        %select_n3A_1991 = arith.select %ge3A_1644, %gather3A_1982, %get3A_1990 : vector<16xi1>, vector<16xf32>
        %get3A_1992 = arith.constant 15 : i32
        %get3A_1993 = arith.index_cast %get3A_1992 : i32 to index
        %get3A_1994 = arith.index_cast %mul3A_1313 : i32 to index
        %get3A_1995 = tpu.vector_load %arg16[%get3A_1993, %get3A_1994] {strides = array<i32>} : memref<32x512xf32, #tpu.memory_space<vmem>>, vector<16xf32>,
        %select_n3A_1996 = arith.select %ge3A_1647, %gather3A_1986, %get3A_1995 : vector<16xi1>, vector<16xf32>
        %mul3A_1997 = arith.mulf %select_n3A_1991, %select_n3A_1996 : vector<16xf32>
        %add3A_1998 = arith.addf %add3A_1978, %mul3A_1997 : vector<16xf32>
        %add3A_1999 = arith.constant 1024 : i32
        %add3A_2000 = vector.broadcast %add3A_1999 : i32 to vector<16xi32>
        %add3A_2001 = arith.addi %add3A_2000, %min3A_1665 : vector<16xi32>
        %gather3A_2002 = tpu.vector_load_idx %arg19[%add3A_2001] : memref<2048xf32, #tpu.memory_space<vmem>>[vector<16xi32>], vector<16xf32>,
        %add3A_2003 = arith.constant 1024 : i32
        %add3A_2004 = vector.broadcast %add3A_2003 : i32 to vector<16xi32>
        %add3A_2005 = arith.addi %add3A_2004, %min3A_1674 : vector<16xi32>
        %gather3A_2006 = tpu.vector_load_idx %arg20[%add3A_2005] : memref<2048xf32, #tpu.memory_space<vmem>>[vector<16xi32>], vector<16xf32>,
        %get3A_2007 = arith.constant 16 : i32
        %get3A_2008 = arith.index_cast %get3A_2007 : i32 to index
        %get3A_2009 = arith.index_cast %mul3A_1313 : i32 to index
        %get3A_2010 = tpu.vector_load %arg15[%get3A_2008, %get3A_2009] {strides = array<i32>} : memref<32x512xf32, #tpu.memory_space<vmem>>, vector<16xf32>,
        %select_n3A_2011 = arith.select %ge3A_1644, %gather3A_2002, %get3A_2010 : vector<16xi1>, vector<16xf32>
        %get3A_2012 = arith.constant 16 : i32
        %get3A_2013 = arith.index_cast %get3A_2012 : i32 to index
        %get3A_2014 = arith.index_cast %mul3A_1313 : i32 to index
        %get3A_2015 = tpu.vector_load %arg16[%get3A_2013, %get3A_2014] {strides = array<i32>} : memref<32x512xf32, #tpu.memory_space<vmem>>, vector<16xf32>,
        %select_n3A_2016 = arith.select %ge3A_1647, %gather3A_2006, %get3A_2015 : vector<16xi1>, vector<16xf32>
        %mul3A_2017 = arith.mulf %select_n3A_2011, %select_n3A_2016 : vector<16xf32>
        %add3A_2018 = arith.addf %add3A_1998, %mul3A_2017 : vector<16xf32>
        %add3A_2019 = arith.constant 1088 : i32
        %add3A_2020 = vector.broadcast %add3A_2019 : i32 to vector<16xi32>
        %add3A_2021 = arith.addi %add3A_2020, %min3A_1665 : vector<16xi32>
        %gather3A_2022 = tpu.vector_load_idx %arg19[%add3A_2021] : memref<2048xf32, #tpu.memory_space<vmem>>[vector<16xi32>], vector<16xf32>,
        %add3A_2023 = arith.constant 1088 : i32
        %add3A_2024 = vector.broadcast %add3A_2023 : i32 to vector<16xi32>
        %add3A_2025 = arith.addi %add3A_2024, %min3A_1674 : vector<16xi32>
        %gather3A_2026 = tpu.vector_load_idx %arg20[%add3A_2025] : memref<2048xf32, #tpu.memory_space<vmem>>[vector<16xi32>], vector<16xf32>,
        %get3A_2027 = arith.constant 17 : i32
        %get3A_2028 = arith.index_cast %get3A_2027 : i32 to index
        %get3A_2029 = arith.index_cast %mul3A_1313 : i32 to index
        %get3A_2030 = tpu.vector_load %arg15[%get3A_2028, %get3A_2029] {strides = array<i32>} : memref<32x512xf32, #tpu.memory_space<vmem>>, vector<16xf32>,
        %select_n3A_2031 = arith.select %ge3A_1644, %gather3A_2022, %get3A_2030 : vector<16xi1>, vector<16xf32>
        %get3A_2032 = arith.constant 17 : i32
        %get3A_2033 = arith.index_cast %get3A_2032 : i32 to index
        %get3A_2034 = arith.index_cast %mul3A_1313 : i32 to index
        %get3A_2035 = tpu.vector_load %arg16[%get3A_2033, %get3A_2034] {strides = array<i32>} : memref<32x512xf32, #tpu.memory_space<vmem>>, vector<16xf32>,
        %select_n3A_2036 = arith.select %ge3A_1647, %gather3A_2026, %get3A_2035 : vector<16xi1>, vector<16xf32>
        %mul3A_2037 = arith.mulf %select_n3A_2031, %select_n3A_2036 : vector<16xf32>
        %add3A_2038 = arith.addf %add3A_2018, %mul3A_2037 : vector<16xf32>
        %add3A_2039 = arith.constant 1152 : i32
        %add3A_2040 = vector.broadcast %add3A_2039 : i32 to vector<16xi32>
        %add3A_2041 = arith.addi %add3A_2040, %min3A_1665 : vector<16xi32>
        %gather3A_2042 = tpu.vector_load_idx %arg19[%add3A_2041] : memref<2048xf32, #tpu.memory_space<vmem>>[vector<16xi32>], vector<16xf32>,
        %add3A_2043 = arith.constant 1152 : i32
        %add3A_2044 = vector.broadcast %add3A_2043 : i32 to vector<16xi32>
        %add3A_2045 = arith.addi %add3A_2044, %min3A_1674 : vector<16xi32>
        %gather3A_2046 = tpu.vector_load_idx %arg20[%add3A_2045] : memref<2048xf32, #tpu.memory_space<vmem>>[vector<16xi32>], vector<16xf32>,
        %get3A_2047 = arith.constant 18 : i32
        %get3A_2048 = arith.index_cast %get3A_2047 : i32 to index
        %get3A_2049 = arith.index_cast %mul3A_1313 : i32 to index
        %get3A_2050 = tpu.vector_load %arg15[%get3A_2048, %get3A_2049] {strides = array<i32>} : memref<32x512xf32, #tpu.memory_space<vmem>>, vector<16xf32>,
        %select_n3A_2051 = arith.select %ge3A_1644, %gather3A_2042, %get3A_2050 : vector<16xi1>, vector<16xf32>
        %get3A_2052 = arith.constant 18 : i32
        %get3A_2053 = arith.index_cast %get3A_2052 : i32 to index
        %get3A_2054 = arith.index_cast %mul3A_1313 : i32 to index
        %get3A_2055 = tpu.vector_load %arg16[%get3A_2053, %get3A_2054] {strides = array<i32>} : memref<32x512xf32, #tpu.memory_space<vmem>>, vector<16xf32>,
        %select_n3A_2056 = arith.select %ge3A_1647, %gather3A_2046, %get3A_2055 : vector<16xi1>, vector<16xf32>
        %mul3A_2057 = arith.mulf %select_n3A_2051, %select_n3A_2056 : vector<16xf32>
        %add3A_2058 = arith.addf %add3A_2038, %mul3A_2057 : vector<16xf32>
        %add3A_2059 = arith.constant 1216 : i32
        %add3A_2060 = vector.broadcast %add3A_2059 : i32 to vector<16xi32>
        %add3A_2061 = arith.addi %add3A_2060, %min3A_1665 : vector<16xi32>
        %gather3A_2062 = tpu.vector_load_idx %arg19[%add3A_2061] : memref<2048xf32, #tpu.memory_space<vmem>>[vector<16xi32>], vector<16xf32>,
        %add3A_2063 = arith.constant 1216 : i32
        %add3A_2064 = vector.broadcast %add3A_2063 : i32 to vector<16xi32>
        %add3A_2065 = arith.addi %add3A_2064, %min3A_1674 : vector<16xi32>
        %gather3A_2066 = tpu.vector_load_idx %arg20[%add3A_2065] : memref<2048xf32, #tpu.memory_space<vmem>>[vector<16xi32>], vector<16xf32>,
        %get3A_2067 = arith.constant 19 : i32
        %get3A_2068 = arith.index_cast %get3A_2067 : i32 to index
        %get3A_2069 = arith.index_cast %mul3A_1313 : i32 to index
        %get3A_2070 = tpu.vector_load %arg15[%get3A_2068, %get3A_2069] {strides = array<i32>} : memref<32x512xf32, #tpu.memory_space<vmem>>, vector<16xf32>,
        %select_n3A_2071 = arith.select %ge3A_1644, %gather3A_2062, %get3A_2070 : vector<16xi1>, vector<16xf32>
        %get3A_2072 = arith.constant 19 : i32
        %get3A_2073 = arith.index_cast %get3A_2072 : i32 to index
        %get3A_2074 = arith.index_cast %mul3A_1313 : i32 to index
        %get3A_2075 = tpu.vector_load %arg16[%get3A_2073, %get3A_2074] {strides = array<i32>} : memref<32x512xf32, #tpu.memory_space<vmem>>, vector<16xf32>,
        %select_n3A_2076 = arith.select %ge3A_1647, %gather3A_2066, %get3A_2075 : vector<16xi1>, vector<16xf32>
        %mul3A_2077 = arith.mulf %select_n3A_2071, %select_n3A_2076 : vector<16xf32>
        %add3A_2078 = arith.addf %add3A_2058, %mul3A_2077 : vector<16xf32>
        %add3A_2079 = arith.constant 1280 : i32
        %add3A_2080 = vector.broadcast %add3A_2079 : i32 to vector<16xi32>
        %add3A_2081 = arith.addi %add3A_2080, %min3A_1665 : vector<16xi32>
        %gather3A_2082 = tpu.vector_load_idx %arg19[%add3A_2081] : memref<2048xf32, #tpu.memory_space<vmem>>[vector<16xi32>], vector<16xf32>,
        %add3A_2083 = arith.constant 1280 : i32
        %add3A_2084 = vector.broadcast %add3A_2083 : i32 to vector<16xi32>
        %add3A_2085 = arith.addi %add3A_2084, %min3A_1674 : vector<16xi32>
        %gather3A_2086 = tpu.vector_load_idx %arg20[%add3A_2085] : memref<2048xf32, #tpu.memory_space<vmem>>[vector<16xi32>], vector<16xf32>,
        %get3A_2087 = arith.constant 20 : i32
        %get3A_2088 = arith.index_cast %get3A_2087 : i32 to index
        %get3A_2089 = arith.index_cast %mul3A_1313 : i32 to index
        %get3A_2090 = tpu.vector_load %arg15[%get3A_2088, %get3A_2089] {strides = array<i32>} : memref<32x512xf32, #tpu.memory_space<vmem>>, vector<16xf32>,
        %select_n3A_2091 = arith.select %ge3A_1644, %gather3A_2082, %get3A_2090 : vector<16xi1>, vector<16xf32>
        %get3A_2092 = arith.constant 20 : i32
        %get3A_2093 = arith.index_cast %get3A_2092 : i32 to index
        %get3A_2094 = arith.index_cast %mul3A_1313 : i32 to index
        %get3A_2095 = tpu.vector_load %arg16[%get3A_2093, %get3A_2094] {strides = array<i32>} : memref<32x512xf32, #tpu.memory_space<vmem>>, vector<16xf32>,
        %select_n3A_2096 = arith.select %ge3A_1647, %gather3A_2086, %get3A_2095 : vector<16xi1>, vector<16xf32>
        %mul3A_2097 = arith.mulf %select_n3A_2091, %select_n3A_2096 : vector<16xf32>
        %add3A_2098 = arith.addf %add3A_2078, %mul3A_2097 : vector<16xf32>
        %add3A_2099 = arith.constant 1344 : i32
        %add3A_2100 = vector.broadcast %add3A_2099 : i32 to vector<16xi32>
        %add3A_2101 = arith.addi %add3A_2100, %min3A_1665 : vector<16xi32>
        %gather3A_2102 = tpu.vector_load_idx %arg19[%add3A_2101] : memref<2048xf32, #tpu.memory_space<vmem>>[vector<16xi32>], vector<16xf32>,
        %add3A_2103 = arith.constant 1344 : i32
        %add3A_2104 = vector.broadcast %add3A_2103 : i32 to vector<16xi32>
        %add3A_2105 = arith.addi %add3A_2104, %min3A_1674 : vector<16xi32>
        %gather3A_2106 = tpu.vector_load_idx %arg20[%add3A_2105] : memref<2048xf32, #tpu.memory_space<vmem>>[vector<16xi32>], vector<16xf32>,
        %get3A_2107 = arith.constant 21 : i32
        %get3A_2108 = arith.index_cast %get3A_2107 : i32 to index
        %get3A_2109 = arith.index_cast %mul3A_1313 : i32 to index
        %get3A_2110 = tpu.vector_load %arg15[%get3A_2108, %get3A_2109] {strides = array<i32>} : memref<32x512xf32, #tpu.memory_space<vmem>>, vector<16xf32>,
        %select_n3A_2111 = arith.select %ge3A_1644, %gather3A_2102, %get3A_2110 : vector<16xi1>, vector<16xf32>
        %get3A_2112 = arith.constant 21 : i32
        %get3A_2113 = arith.index_cast %get3A_2112 : i32 to index
        %get3A_2114 = arith.index_cast %mul3A_1313 : i32 to index
        %get3A_2115 = tpu.vector_load %arg16[%get3A_2113, %get3A_2114] {strides = array<i32>} : memref<32x512xf32, #tpu.memory_space<vmem>>, vector<16xf32>,
        %select_n3A_2116 = arith.select %ge3A_1647, %gather3A_2106, %get3A_2115 : vector<16xi1>, vector<16xf32>
        %mul3A_2117 = arith.mulf %select_n3A_2111, %select_n3A_2116 : vector<16xf32>
        %add3A_2118 = arith.addf %add3A_2098, %mul3A_2117 : vector<16xf32>
        %add3A_2119 = arith.constant 1408 : i32
        %add3A_2120 = vector.broadcast %add3A_2119 : i32 to vector<16xi32>
        %add3A_2121 = arith.addi %add3A_2120, %min3A_1665 : vector<16xi32>
        %gather3A_2122 = tpu.vector_load_idx %arg19[%add3A_2121] : memref<2048xf32, #tpu.memory_space<vmem>>[vector<16xi32>], vector<16xf32>,
        %add3A_2123 = arith.constant 1408 : i32
        %add3A_2124 = vector.broadcast %add3A_2123 : i32 to vector<16xi32>
        %add3A_2125 = arith.addi %add3A_2124, %min3A_1674 : vector<16xi32>
        %gather3A_2126 = tpu.vector_load_idx %arg20[%add3A_2125] : memref<2048xf32, #tpu.memory_space<vmem>>[vector<16xi32>], vector<16xf32>,
        %get3A_2127 = arith.constant 22 : i32
        %get3A_2128 = arith.index_cast %get3A_2127 : i32 to index
        %get3A_2129 = arith.index_cast %mul3A_1313 : i32 to index
        %get3A_2130 = tpu.vector_load %arg15[%get3A_2128, %get3A_2129] {strides = array<i32>} : memref<32x512xf32, #tpu.memory_space<vmem>>, vector<16xf32>,
        %select_n3A_2131 = arith.select %ge3A_1644, %gather3A_2122, %get3A_2130 : vector<16xi1>, vector<16xf32>
        %get3A_2132 = arith.constant 22 : i32
        %get3A_2133 = arith.index_cast %get3A_2132 : i32 to index
        %get3A_2134 = arith.index_cast %mul3A_1313 : i32 to index
        %get3A_2135 = tpu.vector_load %arg16[%get3A_2133, %get3A_2134] {strides = array<i32>} : memref<32x512xf32, #tpu.memory_space<vmem>>, vector<16xf32>,
        %select_n3A_2136 = arith.select %ge3A_1647, %gather3A_2126, %get3A_2135 : vector<16xi1>, vector<16xf32>
        %mul3A_2137 = arith.mulf %select_n3A_2131, %select_n3A_2136 : vector<16xf32>
        %add3A_2138 = arith.addf %add3A_2118, %mul3A_2137 : vector<16xf32>
        %add3A_2139 = arith.constant 1472 : i32
        %add3A_2140 = vector.broadcast %add3A_2139 : i32 to vector<16xi32>
        %add3A_2141 = arith.addi %add3A_2140, %min3A_1665 : vector<16xi32>
        %gather3A_2142 = tpu.vector_load_idx %arg19[%add3A_2141] : memref<2048xf32, #tpu.memory_space<vmem>>[vector<16xi32>], vector<16xf32>,
        %add3A_2143 = arith.constant 1472 : i32
        %add3A_2144 = vector.broadcast %add3A_2143 : i32 to vector<16xi32>
        %add3A_2145 = arith.addi %add3A_2144, %min3A_1674 : vector<16xi32>
        %gather3A_2146 = tpu.vector_load_idx %arg20[%add3A_2145] : memref<2048xf32, #tpu.memory_space<vmem>>[vector<16xi32>], vector<16xf32>,
        %get3A_2147 = arith.constant 23 : i32
        %get3A_2148 = arith.index_cast %get3A_2147 : i32 to index
        %get3A_2149 = arith.index_cast %mul3A_1313 : i32 to index
        %get3A_2150 = tpu.vector_load %arg15[%get3A_2148, %get3A_2149] {strides = array<i32>} : memref<32x512xf32, #tpu.memory_space<vmem>>, vector<16xf32>,
        %select_n3A_2151 = arith.select %ge3A_1644, %gather3A_2142, %get3A_2150 : vector<16xi1>, vector<16xf32>
        %get3A_2152 = arith.constant 23 : i32
        %get3A_2153 = arith.index_cast %get3A_2152 : i32 to index
        %get3A_2154 = arith.index_cast %mul3A_1313 : i32 to index
        %get3A_2155 = tpu.vector_load %arg16[%get3A_2153, %get3A_2154] {strides = array<i32>} : memref<32x512xf32, #tpu.memory_space<vmem>>, vector<16xf32>,
        %select_n3A_2156 = arith.select %ge3A_1647, %gather3A_2146, %get3A_2155 : vector<16xi1>, vector<16xf32>
        %mul3A_2157 = arith.mulf %select_n3A_2151, %select_n3A_2156 : vector<16xf32>
        %add3A_2158 = arith.addf %add3A_2138, %mul3A_2157 : vector<16xf32>
        %add3A_2159 = arith.constant 1536 : i32
        %add3A_2160 = vector.broadcast %add3A_2159 : i32 to vector<16xi32>
        %add3A_2161 = arith.addi %add3A_2160, %min3A_1665 : vector<16xi32>
        %gather3A_2162 = tpu.vector_load_idx %arg19[%add3A_2161] : memref<2048xf32, #tpu.memory_space<vmem>>[vector<16xi32>], vector<16xf32>,
        %add3A_2163 = arith.constant 1536 : i32
        %add3A_2164 = vector.broadcast %add3A_2163 : i32 to vector<16xi32>
        %add3A_2165 = arith.addi %add3A_2164, %min3A_1674 : vector<16xi32>
        %gather3A_2166 = tpu.vector_load_idx %arg20[%add3A_2165] : memref<2048xf32, #tpu.memory_space<vmem>>[vector<16xi32>], vector<16xf32>,
        %get3A_2167 = arith.constant 24 : i32
        %get3A_2168 = arith.index_cast %get3A_2167 : i32 to index
        %get3A_2169 = arith.index_cast %mul3A_1313 : i32 to index
        %get3A_2170 = tpu.vector_load %arg15[%get3A_2168, %get3A_2169] {strides = array<i32>} : memref<32x512xf32, #tpu.memory_space<vmem>>, vector<16xf32>,
        %select_n3A_2171 = arith.select %ge3A_1644, %gather3A_2162, %get3A_2170 : vector<16xi1>, vector<16xf32>
        %get3A_2172 = arith.constant 24 : i32
        %get3A_2173 = arith.index_cast %get3A_2172 : i32 to index
        %get3A_2174 = arith.index_cast %mul3A_1313 : i32 to index
        %get3A_2175 = tpu.vector_load %arg16[%get3A_2173, %get3A_2174] {strides = array<i32>} : memref<32x512xf32, #tpu.memory_space<vmem>>, vector<16xf32>,
        %select_n3A_2176 = arith.select %ge3A_1647, %gather3A_2166, %get3A_2175 : vector<16xi1>, vector<16xf32>
        %mul3A_2177 = arith.mulf %select_n3A_2171, %select_n3A_2176 : vector<16xf32>
        %add3A_2178 = arith.addf %add3A_2158, %mul3A_2177 : vector<16xf32>
        %add3A_2179 = arith.constant 1600 : i32
        %add3A_2180 = vector.broadcast %add3A_2179 : i32 to vector<16xi32>
        %add3A_2181 = arith.addi %add3A_2180, %min3A_1665 : vector<16xi32>
        %gather3A_2182 = tpu.vector_load_idx %arg19[%add3A_2181] : memref<2048xf32, #tpu.memory_space<vmem>>[vector<16xi32>], vector<16xf32>,
        %add3A_2183 = arith.constant 1600 : i32
        %add3A_2184 = vector.broadcast %add3A_2183 : i32 to vector<16xi32>
        %add3A_2185 = arith.addi %add3A_2184, %min3A_1674 : vector<16xi32>
        %gather3A_2186 = tpu.vector_load_idx %arg20[%add3A_2185] : memref<2048xf32, #tpu.memory_space<vmem>>[vector<16xi32>], vector<16xf32>,
        %get3A_2187 = arith.constant 25 : i32
        %get3A_2188 = arith.index_cast %get3A_2187 : i32 to index
        %get3A_2189 = arith.index_cast %mul3A_1313 : i32 to index
        %get3A_2190 = tpu.vector_load %arg15[%get3A_2188, %get3A_2189] {strides = array<i32>} : memref<32x512xf32, #tpu.memory_space<vmem>>, vector<16xf32>,
        %select_n3A_2191 = arith.select %ge3A_1644, %gather3A_2182, %get3A_2190 : vector<16xi1>, vector<16xf32>
        %get3A_2192 = arith.constant 25 : i32
        %get3A_2193 = arith.index_cast %get3A_2192 : i32 to index
        %get3A_2194 = arith.index_cast %mul3A_1313 : i32 to index
        %get3A_2195 = tpu.vector_load %arg16[%get3A_2193, %get3A_2194] {strides = array<i32>} : memref<32x512xf32, #tpu.memory_space<vmem>>, vector<16xf32>,
        %select_n3A_2196 = arith.select %ge3A_1647, %gather3A_2186, %get3A_2195 : vector<16xi1>, vector<16xf32>
        %mul3A_2197 = arith.mulf %select_n3A_2191, %select_n3A_2196 : vector<16xf32>
        %add3A_2198 = arith.addf %add3A_2178, %mul3A_2197 : vector<16xf32>
        %add3A_2199 = arith.constant 1664 : i32
        %add3A_2200 = vector.broadcast %add3A_2199 : i32 to vector<16xi32>
        %add3A_2201 = arith.addi %add3A_2200, %min3A_1665 : vector<16xi32>
        %gather3A_2202 = tpu.vector_load_idx %arg19[%add3A_2201] : memref<2048xf32, #tpu.memory_space<vmem>>[vector<16xi32>], vector<16xf32>,
        %add3A_2203 = arith.constant 1664 : i32
        %add3A_2204 = vector.broadcast %add3A_2203 : i32 to vector<16xi32>
        %add3A_2205 = arith.addi %add3A_2204, %min3A_1674 : vector<16xi32>
        %gather3A_2206 = tpu.vector_load_idx %arg20[%add3A_2205] : memref<2048xf32, #tpu.memory_space<vmem>>[vector<16xi32>], vector<16xf32>,
        %get3A_2207 = arith.constant 26 : i32
        %get3A_2208 = arith.index_cast %get3A_2207 : i32 to index
        %get3A_2209 = arith.index_cast %mul3A_1313 : i32 to index
        %get3A_2210 = tpu.vector_load %arg15[%get3A_2208, %get3A_2209] {strides = array<i32>} : memref<32x512xf32, #tpu.memory_space<vmem>>, vector<16xf32>,
        %select_n3A_2211 = arith.select %ge3A_1644, %gather3A_2202, %get3A_2210 : vector<16xi1>, vector<16xf32>
        %get3A_2212 = arith.constant 26 : i32
        %get3A_2213 = arith.index_cast %get3A_2212 : i32 to index
        %get3A_2214 = arith.index_cast %mul3A_1313 : i32 to index
        %get3A_2215 = tpu.vector_load %arg16[%get3A_2213, %get3A_2214] {strides = array<i32>} : memref<32x512xf32, #tpu.memory_space<vmem>>, vector<16xf32>,
        %select_n3A_2216 = arith.select %ge3A_1647, %gather3A_2206, %get3A_2215 : vector<16xi1>, vector<16xf32>
        %mul3A_2217 = arith.mulf %select_n3A_2211, %select_n3A_2216 : vector<16xf32>
        %add3A_2218 = arith.addf %add3A_2198, %mul3A_2217 : vector<16xf32>
        %add3A_2219 = arith.constant 1728 : i32
        %add3A_2220 = vector.broadcast %add3A_2219 : i32 to vector<16xi32>
        %add3A_2221 = arith.addi %add3A_2220, %min3A_1665 : vector<16xi32>
        %gather3A_2222 = tpu.vector_load_idx %arg19[%add3A_2221] : memref<2048xf32, #tpu.memory_space<vmem>>[vector<16xi32>], vector<16xf32>,
        %add3A_2223 = arith.constant 1728 : i32
        %add3A_2224 = vector.broadcast %add3A_2223 : i32 to vector<16xi32>
        %add3A_2225 = arith.addi %add3A_2224, %min3A_1674 : vector<16xi32>
        %gather3A_2226 = tpu.vector_load_idx %arg20[%add3A_2225] : memref<2048xf32, #tpu.memory_space<vmem>>[vector<16xi32>], vector<16xf32>,
        %get3A_2227 = arith.constant 27 : i32
        %get3A_2228 = arith.index_cast %get3A_2227 : i32 to index
        %get3A_2229 = arith.index_cast %mul3A_1313 : i32 to index
        %get3A_2230 = tpu.vector_load %arg15[%get3A_2228, %get3A_2229] {strides = array<i32>} : memref<32x512xf32, #tpu.memory_space<vmem>>, vector<16xf32>,
        %select_n3A_2231 = arith.select %ge3A_1644, %gather3A_2222, %get3A_2230 : vector<16xi1>, vector<16xf32>
        %get3A_2232 = arith.constant 27 : i32
        %get3A_2233 = arith.index_cast %get3A_2232 : i32 to index
        %get3A_2234 = arith.index_cast %mul3A_1313 : i32 to index
        %get3A_2235 = tpu.vector_load %arg16[%get3A_2233, %get3A_2234] {strides = array<i32>} : memref<32x512xf32, #tpu.memory_space<vmem>>, vector<16xf32>,
        %select_n3A_2236 = arith.select %ge3A_1647, %gather3A_2226, %get3A_2235 : vector<16xi1>, vector<16xf32>
        %mul3A_2237 = arith.mulf %select_n3A_2231, %select_n3A_2236 : vector<16xf32>
        %add3A_2238 = arith.addf %add3A_2218, %mul3A_2237 : vector<16xf32>
        %add3A_2239 = arith.constant 1792 : i32
        %add3A_2240 = vector.broadcast %add3A_2239 : i32 to vector<16xi32>
        %add3A_2241 = arith.addi %add3A_2240, %min3A_1665 : vector<16xi32>
        %gather3A_2242 = tpu.vector_load_idx %arg19[%add3A_2241] : memref<2048xf32, #tpu.memory_space<vmem>>[vector<16xi32>], vector<16xf32>,
        %add3A_2243 = arith.constant 1792 : i32
        %add3A_2244 = vector.broadcast %add3A_2243 : i32 to vector<16xi32>
        %add3A_2245 = arith.addi %add3A_2244, %min3A_1674 : vector<16xi32>
        %gather3A_2246 = tpu.vector_load_idx %arg20[%add3A_2245] : memref<2048xf32, #tpu.memory_space<vmem>>[vector<16xi32>], vector<16xf32>,
        %get3A_2247 = arith.constant 28 : i32
        %get3A_2248 = arith.index_cast %get3A_2247 : i32 to index
        %get3A_2249 = arith.index_cast %mul3A_1313 : i32 to index
        %get3A_2250 = tpu.vector_load %arg15[%get3A_2248, %get3A_2249] {strides = array<i32>} : memref<32x512xf32, #tpu.memory_space<vmem>>, vector<16xf32>,
        %select_n3A_2251 = arith.select %ge3A_1644, %gather3A_2242, %get3A_2250 : vector<16xi1>, vector<16xf32>
        %get3A_2252 = arith.constant 28 : i32
        %get3A_2253 = arith.index_cast %get3A_2252 : i32 to index
        %get3A_2254 = arith.index_cast %mul3A_1313 : i32 to index
        %get3A_2255 = tpu.vector_load %arg16[%get3A_2253, %get3A_2254] {strides = array<i32>} : memref<32x512xf32, #tpu.memory_space<vmem>>, vector<16xf32>,
        %select_n3A_2256 = arith.select %ge3A_1647, %gather3A_2246, %get3A_2255 : vector<16xi1>, vector<16xf32>
        %mul3A_2257 = arith.mulf %select_n3A_2251, %select_n3A_2256 : vector<16xf32>
        %add3A_2258 = arith.addf %add3A_2238, %mul3A_2257 : vector<16xf32>
        %add3A_2259 = arith.constant 1856 : i32
        %add3A_2260 = vector.broadcast %add3A_2259 : i32 to vector<16xi32>
        %add3A_2261 = arith.addi %add3A_2260, %min3A_1665 : vector<16xi32>
        %gather3A_2262 = tpu.vector_load_idx %arg19[%add3A_2261] : memref<2048xf32, #tpu.memory_space<vmem>>[vector<16xi32>], vector<16xf32>,
        %add3A_2263 = arith.constant 1856 : i32
        %add3A_2264 = vector.broadcast %add3A_2263 : i32 to vector<16xi32>
        %add3A_2265 = arith.addi %add3A_2264, %min3A_1674 : vector<16xi32>
        %gather3A_2266 = tpu.vector_load_idx %arg20[%add3A_2265] : memref<2048xf32, #tpu.memory_space<vmem>>[vector<16xi32>], vector<16xf32>,
        %get3A_2267 = arith.constant 29 : i32
        %get3A_2268 = arith.index_cast %get3A_2267 : i32 to index
        %get3A_2269 = arith.index_cast %mul3A_1313 : i32 to index
        %get3A_2270 = tpu.vector_load %arg15[%get3A_2268, %get3A_2269] {strides = array<i32>} : memref<32x512xf32, #tpu.memory_space<vmem>>, vector<16xf32>,
        %select_n3A_2271 = arith.select %ge3A_1644, %gather3A_2262, %get3A_2270 : vector<16xi1>, vector<16xf32>
        %get3A_2272 = arith.constant 29 : i32
        %get3A_2273 = arith.index_cast %get3A_2272 : i32 to index
        %get3A_2274 = arith.index_cast %mul3A_1313 : i32 to index
        %get3A_2275 = tpu.vector_load %arg16[%get3A_2273, %get3A_2274] {strides = array<i32>} : memref<32x512xf32, #tpu.memory_space<vmem>>, vector<16xf32>,
        %select_n3A_2276 = arith.select %ge3A_1647, %gather3A_2266, %get3A_2275 : vector<16xi1>, vector<16xf32>
        %mul3A_2277 = arith.mulf %select_n3A_2271, %select_n3A_2276 : vector<16xf32>
        %add3A_2278 = arith.addf %add3A_2258, %mul3A_2277 : vector<16xf32>
        %add3A_2279 = arith.constant 1920 : i32
        %add3A_2280 = vector.broadcast %add3A_2279 : i32 to vector<16xi32>
        %add3A_2281 = arith.addi %add3A_2280, %min3A_1665 : vector<16xi32>
        %gather3A_2282 = tpu.vector_load_idx %arg19[%add3A_2281] : memref<2048xf32, #tpu.memory_space<vmem>>[vector<16xi32>], vector<16xf32>,
        %add3A_2283 = arith.constant 1920 : i32
        %add3A_2284 = vector.broadcast %add3A_2283 : i32 to vector<16xi32>
        %add3A_2285 = arith.addi %add3A_2284, %min3A_1674 : vector<16xi32>
        %gather3A_2286 = tpu.vector_load_idx %arg20[%add3A_2285] : memref<2048xf32, #tpu.memory_space<vmem>>[vector<16xi32>], vector<16xf32>,
        %get3A_2287 = arith.constant 30 : i32
        %get3A_2288 = arith.index_cast %get3A_2287 : i32 to index
        %get3A_2289 = arith.index_cast %mul3A_1313 : i32 to index
        %get3A_2290 = tpu.vector_load %arg15[%get3A_2288, %get3A_2289] {strides = array<i32>} : memref<32x512xf32, #tpu.memory_space<vmem>>, vector<16xf32>,
        %select_n3A_2291 = arith.select %ge3A_1644, %gather3A_2282, %get3A_2290 : vector<16xi1>, vector<16xf32>
        %get3A_2292 = arith.constant 30 : i32
        %get3A_2293 = arith.index_cast %get3A_2292 : i32 to index
        %get3A_2294 = arith.index_cast %mul3A_1313 : i32 to index
        %get3A_2295 = tpu.vector_load %arg16[%get3A_2293, %get3A_2294] {strides = array<i32>} : memref<32x512xf32, #tpu.memory_space<vmem>>, vector<16xf32>,
        %select_n3A_2296 = arith.select %ge3A_1647, %gather3A_2286, %get3A_2295 : vector<16xi1>, vector<16xf32>
        %mul3A_2297 = arith.mulf %select_n3A_2291, %select_n3A_2296 : vector<16xf32>
        %add3A_2298 = arith.addf %add3A_2278, %mul3A_2297 : vector<16xf32>
        %add3A_2299 = arith.constant 1984 : i32
        %add3A_2300 = vector.broadcast %add3A_2299 : i32 to vector<16xi32>
        %add3A_2301 = arith.addi %add3A_2300, %min3A_1665 : vector<16xi32>
        %gather3A_2302 = tpu.vector_load_idx %arg19[%add3A_2301] : memref<2048xf32, #tpu.memory_space<vmem>>[vector<16xi32>], vector<16xf32>,
        %add3A_2303 = arith.constant 1984 : i32
        %add3A_2304 = vector.broadcast %add3A_2303 : i32 to vector<16xi32>
        %add3A_2305 = arith.addi %add3A_2304, %min3A_1674 : vector<16xi32>
        %gather3A_2306 = tpu.vector_load_idx %arg20[%add3A_2305] : memref<2048xf32, #tpu.memory_space<vmem>>[vector<16xi32>], vector<16xf32>,
        %get3A_2307 = arith.constant 31 : i32
        %get3A_2308 = arith.index_cast %get3A_2307 : i32 to index
        %get3A_2309 = arith.index_cast %mul3A_1313 : i32 to index
        %get3A_2310 = tpu.vector_load %arg15[%get3A_2308, %get3A_2309] {strides = array<i32>} : memref<32x512xf32, #tpu.memory_space<vmem>>, vector<16xf32>,
        %select_n3A_2311 = arith.select %ge3A_1644, %gather3A_2302, %get3A_2310 : vector<16xi1>, vector<16xf32>
        %get3A_2312 = arith.constant 31 : i32
        %get3A_2313 = arith.index_cast %get3A_2312 : i32 to index
        %get3A_2314 = arith.index_cast %mul3A_1313 : i32 to index
        %get3A_2315 = tpu.vector_load %arg16[%get3A_2313, %get3A_2314] {strides = array<i32>} : memref<32x512xf32, #tpu.memory_space<vmem>>, vector<16xf32>,
        %select_n3A_2316 = arith.select %ge3A_1647, %gather3A_2306, %get3A_2315 : vector<16xi1>, vector<16xf32>
        %mul3A_2317 = arith.mulf %select_n3A_2311, %select_n3A_2316 : vector<16xf32>
        %add3A_2318 = arith.addf %add3A_2298, %mul3A_2317 : vector<16xf32>
        %swap3A_2319 = arith.index_cast %mul3A_1313 : i32 to index
        %swap3A_2320 = tpu.vector_load %arg21[%swap3A_2319] {strides = array<i32>} : memref<512xf32, #tpu.memory_space<vmem>>, vector<16xf32>,
        tpu.vector_store %arg21[%swap3A_2319], %add3A_2318 {strides = array<i32>} : memref<512xf32, #tpu.memory_space<vmem>>, vector<16xf32>,
      } else {
      }
      %scan3A_1659 = arith.constant 0 : i32
      scf.yield %scan3A_1659 : i32
    }
    %scan3A_1309 = arith.constant 32 : i32
    "tpu.region"() ({
      %run_scoped3A = tpu.sem_alloc : memref<!tpu.dma_semaphore, #tpu.memory_space<semaphore_mem>>
      %dma_start3A_1310 = tpu.memref_slice %arg10[%mul3A_2] : memref<16384xf32, #tpu.memory_space<hbm>> -> memref<512xf32, #tpu.memory_space<hbm>>
      %dma_start3A_1311 = tpu.memref_slice %arg10[%mul3A_2] : memref<16384xf32, #tpu.memory_space<hbm>> -> memref<512xf32, #tpu.memory_space<hbm>>
      tpu.enqueue_dma source(%arg21 : memref<512xf32, #tpu.memory_space<vmem>>) target(%dma_start3A_1311 : memref<512xf32, #tpu.memory_space<hbm>>) target_semaphore(%run_scoped3A : memref<!tpu.dma_semaphore, #tpu.memory_space<semaphore_mem>>)
      %dma_wait3A_1312 = tpu.memref_slice %arg10[%mul3A_2] : memref<16384xf32, #tpu.memory_space<hbm>> -> memref<512xf32, #tpu.memory_space<hbm>>
      %dma_wait3A_1313 = tpu.memref_slice %arg10[%mul3A_2] : memref<16384xf32, #tpu.memory_space<hbm>> -> memref<512xf32, #tpu.memory_space<hbm>>
      tpu.wait_dma2 semaphore(%run_scoped3A : memref<!tpu.dma_semaphore, #tpu.memory_space<semaphore_mem>>) src(%arg21 : memref<512xf32, #tpu.memory_space<vmem>>) dst(%dma_wait3A_1313 : memref<512xf32, #tpu.memory_space<hbm>>)
      tpu.yield
    }) : () -> ()
    return
  }
}

</mosaic_0001>

<sc_bundles>
// kernel: _mf.4.cloned.1.call-start
scs
__scs_entry_jumppad:
0x0: {  	(pc) =	sbr.rel $0x88, $3  }
0x1: {  	(tag) =	ssettag $0x0;
	lr =	simm.s32 $0x1  }
0x2: {  	[smem:$0x3F9B] =	sst lr;
	_ =	strace $0xD0000000  }
0x3: {  	_ = 	snop  }
0x4: {  	_ = 	snop  }
0x5: {  	_ = 	snop  }
0x6: {  	_ = 	snop  }
0x7: {  	_ = 	snop  }
__scs_overlays_trampoline_lowered:
0x8: {  	[smem:$0x3FAA] =	sst s0  }
0x9: {  	[smem:$0x3FAB] =	sst s1  }
0xa: {  	[smem:$0x3FAC] =	sst s2  }
0xb: {  	[smem:$0x3FAD] =	sst s3  }
0xc: {  	[smem:$0x3FAE] =	sst s4  }
0xd: {  	[smem:$0x3FAF] =	sst s5  }
0xe: {  	[smem:$0x3FB0] =	sst s6  }
0xf: {  	[smem:$0x3FB1] =	sst s7  }
0x10: {  	[smem:$0x3FB2] =	sst s8  }
0x11: {  	[smem:$0x3FB3] =	sst s9;
	s0 =	simm.s32 @!p0 $0x0  }
0x12: {  	s1 =	sld [smem:$0x3F99];
	s0 =	simm.s32 @p0 $0x1  }
0x13: {  	[smem:$0x3FB4] =	sst s0;
	s0 =	simm.s32 @!p1 $0x0  }
0x14: {  	s2 =	sld [smem:$0x3F98];
	s0 =	simm.s32 @p1 $0x1  }
0x15: {  	[smem:$0x3FB5] =	sst s0;
	s0 =	simm.s32 @!p2 $0x0  }
0x16: {  	s3 =	sld [smem:$0x3FDB];
	s0 =	simm.s32 @p2 $0x1  }
0x17: {  	s4 =	simm.s32 $0x1BF5;
	[smem:$0x3FB7] =	sst s0  }
0x18: {  	s0 =	sld [smem:$0x3F9A];
	_ =	swait.ge [sflag:s4], $0x0  }
0x19: {  	s7 =	sld [smem:$0x3F9B]  }
0x1a: {  	s8 =	sadd.s32 $0xFFFFE003, lr  }
0x1b: {  	s9 =	sadd.s32 $0xFFFFFEF7, lr;
	s5 =	simm.s32 $0xFFFFFFFF;
	p2 =	slt.u32 s8, $0xFFFFF086  }
0x1c: {  	p1 =	slt.u32 s9, $0xF7A;
	s5 =	simm.s32 @!p2 $0x0  }
0x1d: {  	s5 =	simm.s32 @p1 $0x1;
	p0 =	seq.s32 s7, s2  }
0x1e: {  	s7 =	smul.u32 @!p0 $0xF7A, s2;
	p2 =	seq.s32 @!p0 s5, $0x0  }
0x1f: {  	s9 =	smul.u32 $0xF7A, s1;
	s8 =	simm.s32 @!p0 $0x1BF5;
	p2 =	por !p2, p0  }
0x20: {  	[sflag:s8] =	ssyncset.s32 @!p0 $0xFFFFF086;
	s6 =	sadd.s32 @!p0 s3, s7;
	s7 =	simm.s32 @!p0 $0x108  }
0x21: {  	s3 =	sadd.s32 s3, s9;
	s6 =	sadd.s32 @!p0 $0x88, s6;
	s7 =	simm.s32 @p2 $0x1082  }
0x22: {  	[simem:s7], [sflag:s8] =	dma.local @!p0 [hbm:s6], $0xF7A  }
0x23: {  	s9 =	sor.u32 $0xD0000000, s2;
	s6 =	simm.s32 $0x108;
	_ =	swait.ge @!p0 [sflag:s8], $0x0  }
0x24: {  	s3 =	sadd.s32 $0x88, s3;
	s6 =	simm.s32 @!p1 $0x1082;
	[sflag:s4] =	ssyncset.s32 $0xFFFFF086  }
0x25: {  	[simem:s6], [sflag:s4] =	dma.local [hbm:s3], $0xF7A  }
0x26: {  	[smem:$0x3F9B] =	sst s1;
	(tag) =	ssettag s2;
	_ =	strace s9  }
0x27: {  	s1 =	sld [smem:$0x3FAB]  }
0x28: {  	s2 =	sld [smem:$0x3FAC]  }
0x29: {  	s4 =	sld [smem:$0x3FAE]  }
0x2a: {  	p0 =	seq.s32 s5, $0x0;
	s5 =	sld [smem:$0x3FAF]  }
0x2b: {  	s6 =	sld [smem:$0x3FB0]  }
0x2c: {  	s7 =	sld [smem:$0x3FB1]  }
0x2d: {  	s3 =	simm.s32 $0x108;
	s8 =	sld [smem:$0x3FB2]  }
0x2e: {  	s3 =	simm.s32 @!p0 $0x1082;
	s9 =	sld [smem:$0x3FB3]  }
0x2f: {  	lr =	sadd.s32 s0, s3;
	s0 =	sld [smem:$0x3FAA]  }
0x30: {  	s3 =	sld [smem:$0x3FAD]  }
0x31: {  	[smem:$0x3FB6] =	sst s10  }
0x32: {  	s10 =	sld [smem:$0x3FB4];
	_ =	sdelay $0x3  }
0x33: {  	p0 =	seq.s32 s10, $0x1;
	s10 =	sld [smem:$0x3FB6];
	_ =	sdelay $0x3  }
0x34: {  	[smem:$0x3FB6] =	sst s10  }
0x35: {  	s10 =	sld [smem:$0x3FB5];
	_ =	sdelay $0x3  }
0x36: {  	p1 =	seq.s32 s10, $0x1;
	s10 =	sld [smem:$0x3FB6];
	_ =	sdelay $0x3  }
0x37: {  	[smem:$0x3FB6] =	sst s10  }
0x38: {  	s10 =	sld [smem:$0x3FB7]  }
0x39: {  	_ = 	snop;
	(pc) =	sbr.ind lr, $3  }
0x3a: {  	_ = 	snop  }
0x3b: {  	_ = 	snop  }
0x3c: {  	p2 =	seq.s32 s10, $0x1;
	s10 =	sld [smem:$0x3FB6]  }
0x3d: {  	_ =	shalt  }
0x3e: {  	_ =	shalt  }
0x3f: {  	_ =	shalt  }
0x40: {  	_ =	shalt  }
0x41: {  	_ =	shalt  }
0x42: {  	_ =	shalt  }
0x43: {  	_ =	shalt  }
0x44: {  	_ =	shalt  }
0x45: {  	_ =	shalt  }
0x46: {  	_ =	shalt  }
0x47: {  	_ =	shalt  }
0x48: {  	_ =	shalt  }
0x49: {  	_ =	shalt  }
0x4a: {  	_ =	shalt  }
0x4b: {  	_ =	shalt  }
0x4c: {  	_ =	shalt  }
0x4d: {  	_ =	shalt  }
0x4e: {  	_ =	shalt  }
0x4f: {  	_ =	shalt  }
0x50: {  	_ =	shalt  }
0x51: {  	_ =	shalt  }
0x52: {  	_ =	shalt  }
0x53: {  	_ =	shalt  }
0x54: {  	_ =	shalt  }
0x55: {  	_ =	shalt  }
0x56: {  	_ =	shalt  }
0x57: {  	_ =	shalt  }
0x58: {  	_ =	shalt  }
0x59: {  	_ =	shalt  }
0x5a: {  	_ =	shalt  }
0x5b: {  	_ =	shalt  }
0x5c: {  	_ =	shalt  }
0x5d: {  	_ =	shalt  }
0x5e: {  	_ =	shalt  }
0x5f: {  	_ =	shalt  }
0x60: {  	_ =	shalt  }
0x61: {  	_ =	shalt  }
0x62: {  	_ =	shalt  }
0x63: {  	_ =	shalt  }
0x64: {  	_ =	shalt  }
0x65: {  	_ =	shalt  }
0x66: {  	_ =	shalt  }
0x67: {  	_ =	shalt  }
0x68: {  	_ =	shalt  }
0x69: {  	_ =	shalt  }
0x6a: {  	_ =	shalt  }
0x6b: {  	_ =	shalt  }
0x6c: {  	_ =	shalt  }
0x6d: {  	_ =	shalt  }
0x6e: {  	_ =	shalt  }
0x6f: {  	_ =	shalt  }
0x70: {  	_ =	shalt  }
0x71: {  	_ =	shalt  }
0x72: {  	_ =	shalt  }
0x73: {  	_ =	shalt  }
0x74: {  	_ =	shalt  }
0x75: {  	_ =	shalt  }
0x76: {  	_ =	shalt  }
0x77: {  	_ =	shalt  }
0x78: {  	_ =	shalt  }
0x79: {  	_ =	shalt  }
0x7a: {  	_ =	shalt  }
0x7b: {  	_ =	shalt  }
0x7c: {  	_ =	shalt  }
0x7d: {  	_ =	shalt  }
0x7e: {  	_ =	shalt  }
0x7f: {  	_ =	shalt  }
0x80: {  	_ =	shalt  }
0x81: {  	_ =	shalt  }
0x82: {  	_ =	shalt  }
0x83: {  	_ =	shalt  }
0x84: {  	_ =	shalt  }
0x85: {  	_ =	shalt  }
0x86: {  	_ =	shalt  }
0x87: {  	_ =	shalt  }
.Lfunc_end0:
.L_simem_size_0:
called_computation_lowered:
.L_overlay_start_0:
0x88: {  	s2 =	sld [smem:$0x3FD9]  }
0x89: {  	s3 =	sld [smem:$0x3FFE];
	_ =	sdelay $0x1  }
0x8a: {  	s1 =	srdreg.scid  }
0x8b: {  	s0 =	sand.u32 $0x1, s1  }
0x8c: {  	s17 =	sshll.u32 s0, $0xA;
	s2 =	sadd.s32 s3, s2  }
0x8d: {  	s2 =	sadd.s32 s2, s17  }
0x8e: {  	[smem:$0x3FC2] =	sst s2  }
0x8f: {  	_ = 	snop  }
0x90: {  	s2 =	sld [smem:$0x3FC7]  }
0x91: {  	s18 =	sld [smem:$0x3FC6];
	(tm) =	ssettm $0x1  }
0x92: {  	s4 =	sld [smem:$0x3FFB];
	_ =	sdelay $0x3  }
0x93: {  	_ =	strace s4  }
0x94: {  	s4 =	sld [smem:$0x3FFC];
	_ =	sdelay $0x3  }
0x95: {  	_ =	strace s4  }
0x96: {  	s4 =	sld [smem:$0x3FFD];
	_ =	sdelay $0x3  }
0x97: {  	_ =	strace s4  }
0x98: {  	_ =	strace $0x8FFFFFFF  }
0x99: {  	s19 =	sld [smem:$0x3FDB];
	_ =	sdelay $0x1  }
0x9a: {  	s5 =	simm.s32 $_scs_section_size  }
0x9b: {  	s6 =	simm.s32 $_size__tile_overlayer_lowered;
	s7 =	simm.s32 $_tile_overlayer_lowered  }
0x9c: {  	s22 =	simm.s32 $0x1BFF;
	s21 =	sshll.u32 s7, $0x1;
	s4 =	sadd.s32 s5, s19  }
0x9d: {  	s8 =	simm.s32 $0x0;
	s20 =	sshll.u32 s6, $0x1;
	s6 =	sadd.s32 s21, s4  }
0x9e: {  	[timem:s8], [sflag:s22] =	dma.local [hbm:s6], s20  }
0x9f: {  	_ =	swait.ge [sflag:s22], s20  }
0xa0: {  	s5 =	ssub.s32 $0x0, s20;
	[sflag:s22] =	ssyncset.done $0x0  }
0xa1: {  	[sflag:s22] =	ssyncadd.s32 s5;
	_ =	sdelay $0x1  }
0xa2: {  	s23 =	simm.s32 $0x1B8B  }
0xa3: {  	_ =	swait.ge [sflag:s23], $0x1  }
0xa4: {  	[sflag:s23] =	ssyncset.done $0x0  }
0xa5: {  	s25 =	simm.s32 $0x1B8E;
	s24 =	sld [smem:$0x3FFE];
	[sflag:s23] =	ssyncadd.s32 $0xFFFFFFFF  }
0xa6: {  	s26 =	simm.s32 $execute0_lowered;
	[smem:$0x3FD2] =	sst s25  }
0xa7: {  	s6 =	sshll.u32 s26, $0x1;
	_ =	strace $0x80000046;
	[dreg:$0x1] =	wrdreg $0xFFFFFFFF  }
0xa8: {  	s28 =	simm.s32 $_size_execute0_lowered;
	s4 =	sadd.s32 s4, s6;
	[dreg:$0x0] =	wrdreg $0x0  }
0xa9: {  	s6 =	sshll.u32 s28, $0x1;
	[dreg:$0x2] =	wrdreg s4  }
0xaa: {  	[dreg:$0x3] =	wrdreg s6  }
0xab: {  	[dreg:$0x4] =	wrdreg $0xC0  }
0xac: {  	_ =	task [dreg:s8], $0x5FFFF  }
0xad: {  	[dreg:$0x1] =	wrdreg $0xFFFFFFFF  }
0xae: {  	[dreg:$0x0] =	wrdreg $0x60  }
0xaf: {  	[dreg:$0x2] =	wrdreg s2  }
0xb0: {  	[dreg:$0x3] =	wrdreg s18  }
0xb1: {  	[dreg:$0x4] =	wrdreg s24  }
0xb2: {  	[dreg:$0x5] =	wrdreg $0x9  }
0xb3: {  	_ =	task.clear_ibuf [dreg:s8], $0x6FFFF;
	_ =	strace $0x90000046  }
0xb4: {  	s29 =	simm.s32 $0x9;
	_ =	strace $0x80000048  }
0xb5: {  	_ =	swait.ge [sflag:s29], $0x1  }
0xb6: {  	[sflag:s29] =	ssyncadd.s32 $0xFFFFFFFF  }
0xb7: {  	_ =	strace $0x90000048  }
0xb8: {  	_ =	sfence  }
0xb9: {  	s30 =	sld [smem:$0x0];
	_ =	sdelay $0x2  }
0xba: {  	s31 =	sshll.u32 s1, $0xD;
	s1 =	sshrl.u32 s1, $0x2  }
0xbb: {  	s3 =	sand.u32 $0x4000, s31;
	s1 =	sadd.s32 s1, s30  }
0xbc: {  	s0 =	sor.u32 s3, s0;
	s1 =	sshll.u32 s1, $0x11  }
0xbd: {  	s0 =	sor.u32 s1, s0  }
0xbe: {  	s0 =	sadd.s32 $0x8F2B, s0  }
0xbf: {  	[sflag:s0] =	ssyncadd.remote.s32 $0x1  }
0xc0: {  	_ =	sfence.sel $0xFFFF  }
0xc1: {  	[dreg:$0x0] =	wrdreg $0xFFFFFFFF;
	(pc) =	sbr.abs _section_cstart, $3  }
0xc2: {  	[dreg:$0x1] =	wrdreg $0xFFFFFFFF  }
0xc3: {  	_ =	task.clear_ibuf [dreg:s8], $0x2FFFF;
	_ =	strace $0x9FFFFFFF  }
0xc4: {  	(tm) =	ssettm $0x7FFFFFFF  }
0xc5: {  	_ =	shalt  }
tec
execute0_lowered:
.L_overlay_start_1:
0x0: {  	(tag) =	ssettag $0x1  }
0x1: {  	s8 =	rddreg [dreg:$0x0]  }
0x2: {  	s9 =	rddreg [dreg:$0x1]  }
0x3: {  	s3 =	rddreg [dreg:$0x2]  }
0x4: {  	s0 =	rddreg [dreg:$0x3]  }
0x5: {  	s2 =	simm.s32 $0x0;
	s4 =	srdreg.scid;
	s1 =	stileid.u32  }
0x6: {  	[smem:$0x7FF] =	sst s2;
	s10 =	sand.u32 $0x1, s4;
	s5 =	sshll.u32 s1, $0xC  }
0x7: {  	s7 =	sshll.u32 s1, $0xB;
	_ =	strace $0x80000047;
	s6 =	sshll.u32 s10, $0xB  }
0x8: {  	s4 =	ssub.s32 $0x2, s10;
	s7 =	sadd.s32 s7, s3;
	s11 =	sor.u32 s6, s5  }
0x9: {  	s3 =	sshll.u32 s1, $0x1;
	s12 =	sshrl.u32 s4, $0x1;
	s5 =	sadd.s32 $0x7B1800, s11  }
0xa: {  	s4 =	ssub.s32 s4, s12;
	s13 =	sadd.s32 $0xF52C00, s11;
	s26 =	sshrl.u32 s5, $0x3  }
0xb: {  	s31 =	sadd.s32 $0x16F4000, s11;
	s17 =	sadd.s32 $0x7B1400, s11;
	s28 =	sadd.s32 s26, s9  }
0xc: {  	s29 =	sshrl.u32 s13, $0x3;
	s6 =	sadd.s32 s26, s8;
	[dreg:$0x4] =	wrdreg s28  }
0xd: {  	s21 =	sadd.s32 $0xF52800, s11;
	s30 =	sadd.s32 s29, s9;
	[dreg:$0x5] =	wrdreg s6  }
0xe: {  	s15 =	sshrl.u32 s31, $0x3;
	s14 =	sadd.s32 s29, s8;
	[dreg:$0x6] =	wrdreg s30  }
0xf: {  	s25 =	sadd.s32 $0x16F3C00, s11;
	s16 =	sadd.s32 s15, s9;
	[dreg:$0x7] =	wrdreg s14  }
0x10: {  	s19 =	sshrl.u32 s17, $0x3;
	s18 =	sadd.s32 s15, s8;
	[dreg:$0x8] =	wrdreg s16  }
0x11: {  	s4 =	smax.u32 s4, $0x1;
	s20 =	sadd.s32 s19, s9;
	[dreg:$0x9] =	wrdreg s18  }
0x12: {  	s23 =	sshrl.u32 s21, $0x3;
	s22 =	sadd.s32 s19, s8;
	[dreg:$0xa] =	wrdreg s20  }
0x13: {  	s5 =	sshll.u32 s10, $0xA;
	s24 =	sadd.s32 s23, s9;
	[dreg:$0xb] =	wrdreg s22  }
0x14: {  	s13 =	sshrl.u32 s25, $0x3;
	s12 =	sadd.s32 s23, s8;
	[dreg:$0xc] =	wrdreg s24  }
0x15: {  	s26 =	sadd.s32 s13, s9;
	s29 =	sadd.s32 $0x7A1800, s11;
	[dreg:$0xd] =	wrdreg s12  }
0x16: {  	s6 =	sadd.s32 $0x3D1200, s7;
	[dreg:$0xe] =	wrdreg s26;
	s28 =	sadd.s32 s13, s8  }
0x17: {  	s30 =	sor.u32 $0x20, s10;
	s13 =	sshrl.u32 s29, $0x3;
	s14 =	sadd.s32 $0xF42C00, s11  }
0x18: {  	s16 =	sadd.s32 $0x16E4000, s11;
	s20 =	sadd.s32 $0x7A1400, s11;
	[dreg:$0xf] =	wrdreg s28  }
0x19: {  	s24 =	sadd.s32 $0xF42800, s11;
	[dreg:$0x10] =	wrdreg s30;
	s31 =	sadd.s32 s13, s9  }
0x1a: {  	s13 =	sadd.s32 s13, s8;
	s14 =	sshrl.u32 s14, $0x3;
	[dreg:$0x11] =	wrdreg s31  }
0x1b: {  	s7 =	sadd.s32 $0x600, s7;
	[dreg:$0x12] =	wrdreg s13;
	s15 =	sadd.s32 s14, s9  }
0x1c: {  	s18 =	sshrl.u32 s16, $0x3;
	s17 =	sadd.s32 s14, s8;
	[dreg:$0x13] =	wrdreg s15  }
0x1d: {  	s29 =	sshll.u32 s1, $0x9;
	s19 =	sadd.s32 s18, s9;
	[dreg:$0x14] =	wrdreg s17  }
0x1e: {  	s22 =	sshrl.u32 s20, $0x3;
	s21 =	sadd.s32 s18, s8;
	[dreg:$0x15] =	wrdreg s19  }
0x1f: {  	s11 =	sadd.s32 $0x16E3C00, s11;
	s23 =	sadd.s32 s22, s9;
	[dreg:$0x16] =	wrdreg s21  }
0x20: {  	s26 =	sshrl.u32 s24, $0x3;
	s25 =	sadd.s32 s22, s8;
	[dreg:$0x17] =	wrdreg s23  }
0x21: {  	s10 =	sshll.u32 s10, $0x8;
	s28 =	sadd.s32 s26, s9;
	[dreg:$0x18] =	wrdreg s25  }
0x22: {  	s11 =	sshrl.u32 s11, $0x3;
	s13 =	sadd.s32 s26, s8;
	[dreg:$0x19] =	wrdreg s28  }
0x23: {  	s30 =	sadd.s32 s29, s8;
	s31 =	sadd.s32 s11, s9;
	[dreg:$0x1a] =	wrdreg s13  }
0x24: {  	s9 =	sadd.s32 s29, s9;
	s11 =	sadd.s32 s11, s8;
	[dreg:$0x1b] =	wrdreg s31  }
0x25: {  	s8 =	sadd.s32 s10, s30;
	s9 =	sadd.s32 s10, s9;
	[dreg:$0x1c] =	wrdreg s11  }
.LBB2_1:
0x26: {  	s14 =	rddreg [dreg:$0x18]  }
0x27: {  	p1 =	sgt.u32 s3, $0xF41;
	s17 =	rddreg [dreg:$0x17]  }
0x28: {  	s19 =	rddreg [dreg:$0x1a];
	p0 =	por p1, p1  }
0x29: {  	s31 =	rddreg [dreg:$0x10];
	s15 =	sadd.s32 @!p0 $0x0, s8;
	s10 =	simm.s32 @!p0 $0x0  }
0x2a: {  	[tilespmem:s10], [sflag:$0x1] =	stream.linear.gather @!p0 [hbm4b:s15+s10], $0x400, $0x38;
	[tilespmem:$0x8000] =	vst v63  }
0x2b: {  	s12 =	simm.s32 @!p1 $0x400;
	s16 =	sadd.s32 @!p1 $0x0, s9;
	s11 =	simm.s32 @!p0 $0x2000  }
0x2c: {  	[tilespmem:s11], [sflag:$0x2] =	stream.linear.gather @!p0 [hbm4b:s16+s10], $0x400, $0x38;
	[tilespmem:$0x8000] =	vst v63  }
0x2d: {  	s13 =	simm.s32 @!p1 $0x2400;
	s18 =	simm.s32 @!p1 $0x800;
	s14 =	sadd.s32 @!p0 $0x0, s14  }
0x2e: {  	[tilespmem:s12], [sflag:$0x1] =	stream.linear.gather @!p0 [hbm4b:s14+s10], $0x400, $0x38;
	[tilespmem:$0x8000] =	vst v63  }
0x2f: {  	s12 =	simm.s32 @!p1 $0xC00;
	s14 =	sadd.s32 @!p0 $0x0, s17;
	s17 =	rddreg [dreg:$0x19]  }
0x30: {  	[tilespmem:s13], [sflag:$0x2] =	stream.linear.gather @!p0 [hbm4b:s14+s10], $0x400, $0x38;
	[tilespmem:$0x8000] =	vst v63  }
0x31: {  	s13 =	sadd.s32 @!p1 $0x80, s16;
	s14 =	sadd.s32 @!p0 $0x0, s19;
	s16 =	rddreg [dreg:$0x1c]  }
0x32: {  	[tilespmem:s18], [sflag:$0x1] =	stream.linear.gather @!p0 [hbm4b:s14+s10], $0x400, $0x38;
	[tilespmem:$0x8000] =	vst v63  }
0x33: {  	s19 =	rddreg [dreg:$0x13];
	s14 =	sadd.s32 @!p0 $0x0, s17;
	s18 =	simm.s32 @!p0 $0x2800  }
0x34: {  	[tilespmem:s18], [sflag:$0x2] =	stream.linear.gather @!p0 [hbm4b:s14+s10], $0x400, $0x38;
	[tilespmem:$0x8000] =	vst v63  }
0x35: {  	s17 =	rddreg [dreg:$0x1b];
	s14 =	sadd.s32 @!p0 $0x80, s15;
	s15 =	sadd.s32 @!p0 $0x0, s16  }
0x36: {  	[tilespmem:s12], [sflag:$0x1] =	stream.linear.gather @!p0 [hbm4b:s15+s10], $0x400, $0x38;
	[tilespmem:$0x8000] =	vst v63  }
0x37: {  	s16 =	rddreg [dreg:$0x12];
	s12 =	sadd.s32 @!p0 $0x0, s17;
	s15 =	simm.s32 @!p0 $0x2C00  }
0x38: {  	[tilespmem:s15], [sflag:$0x2] =	stream.linear.gather @!p0 [hbm4b:s12+s10], $0x400, $0x38;
	[tilespmem:$0x8000] =	vst v63  }
0x39: {  	s18 =	rddreg [dreg:$0x14];
	s15 =	simm.s32 @!p0 $0x1000  }
0x3a: {  	[tilespmem:s15], [sflag:$0x1] =	stream.linear.gather @!p0 [hbm4b:s14+s10], $0x400, $0x38;
	[tilespmem:$0x8000] =	vst v63  }
0x3b: {  	s17 =	rddreg [dreg:$0x11];
	s15 =	simm.s32 @!p0 $0x3000  }
0x3c: {  	[tilespmem:s15], [sflag:$0x2] =	stream.linear.gather @!p0 [hbm4b:s13+s10], $0x400, $0x38;
	[tilespmem:$0x8000] =	vst v63  }
0x3d: {  	s12 =	simm.s32 @!p0 $0x3C00;
	s13 =	sadd.s32 @!p0 $0x0, s16;
	s15 =	simm.s32 @!p0 $0x1400  }
0x3e: {  	[tilespmem:s15], [sflag:$0x1] =	stream.linear.gather @!p0 [hbm4b:s13+s10], $0x400, $0x38;
	[tilespmem:$0x8000] =	vst v63  }
0x3f: {  	s14 =	simm.s32 @!p0 $0x1C00;
	s13 =	sadd.s32 @!p0 $0x0, s17;
	s17 =	simm.s32 @!p0 $0x3400  }
0x40: {  	[tilespmem:s17], [sflag:$0x2] =	stream.linear.gather @!p0 [hbm4b:s13+s10], $0x400, $0x38;
	[tilespmem:$0x8000] =	vst v63  }
0x41: {  	s16 =	rddreg [dreg:$0x16];
	s13 =	sadd.s32 @!p0 $0x0, s18;
	s17 =	simm.s32 @!p0 $0x1800  }
0x42: {  	[tilespmem:s17], [sflag:$0x1] =	stream.linear.gather @!p0 [hbm4b:s13+s10], $0x400, $0x38;
	[tilespmem:$0x8000] =	vst v63  }
0x43: {  	s15 =	sadd.s32 s3, s31;
	s13 =	sadd.s32 @!p0 $0x0, s19;
	s17 =	simm.s32 @!p0 $0x3800  }
0x44: {  	[tilespmem:s17], [sflag:$0x2] =	stream.linear.gather @!p0 [hbm4b:s13+s10], $0x400, $0x38;
	[tilespmem:$0x8000] =	vst v63  }
0x45: {  	p1 =	sgt.u32 s15, $0xF41;
	s18 =	rddreg [dreg:$0x15];
	s13 =	sadd.s32 @!p0 $0x0, s16  }
0x46: {  	[tilespmem:s14], [sflag:$0x1] =	stream.linear.gather @!p0 [hbm4b:s13+s10], $0x400, $0x38;
	[tilespmem:$0x8000] =	vst v63  }
0x47: {  	s16 =	sadd.s32 @!p0 $0x0, s18;
	s17 =	simm.s32 @!p1 $0x4000;
	s13 =	sadd.s32 @!p1 $0x0, s8  }
0x48: {  	[tilespmem:s12], [sflag:$0x2] =	stream.linear.gather @!p0 [hbm4b:s16+s10], $0x400, $0x38;
	[tilespmem:$0x8000] =	vst v63  }
0x49: {  	s14 =	sadd.s32 @!p1 $0x0, s9;
	s12 =	sadd.s32 @!p1 $0x2000, s13;
	s16 =	simm.s32 @!p1 $0x0  }
0x4a: {  	[tilespmem:s17], [sflag:$0x3] =	stream.linear.gather @!p1 [hbm4b:s12+s16], $0x400, $0x38;
	[tilespmem:$0x8000] =	vst v63  }
0x4b: {  	s15 =	rddreg [dreg:$0xb];
	s18 =	simm.s32 @!p1 $0x6000;
	s19 =	sadd.s32 @!p1 $0x2000, s14  }
0x4c: {  	[tilespmem:s18], [sflag:$0x4] =	stream.linear.gather @!p1 [hbm4b:s19+s16], $0x400, $0x38;
	[tilespmem:$0x8000] =	vst v63  }
0x4d: {  	s15 =	sadd.s32 @!p1 $0x0, s15;
	s20 =	simm.s32 @!p1 $0x4400;
	s12 =	rddreg [dreg:$0xa]  }
0x4e: {  	[tilespmem:s20], [sflag:$0x3] =	stream.linear.gather @!p1 [hbm4b:s15+s16], $0x400, $0x38;
	[tilespmem:$0x8000] =	vst v63  }
0x4f: {  	s12 =	sadd.s32 @!p1 $0x0, s12;
	s19 =	rddreg [dreg:$0xd];
	s15 =	simm.s32 @!p1 $0x6400  }
0x50: {  	[tilespmem:s15], [sflag:$0x4] =	stream.linear.gather @!p1 [hbm4b:s12+s16], $0x400, $0x38;
	[tilespmem:$0x8000] =	vst v63  }
0x51: {  	s20 =	rddreg [dreg:$0xc];
	s12 =	sadd.s32 @!p1 $0x0, s19;
	s15 =	simm.s32 @!p1 $0x4800  }
0x52: {  	[tilespmem:s15], [sflag:$0x3] =	stream.linear.gather @!p1 [hbm4b:s12+s16], $0x400, $0x38;
	[tilespmem:$0x8000] =	vst v63  }
0x53: {  	s19 =	rddreg [dreg:$0xf];
	s12 =	sadd.s32 @!p1 $0x0, s20;
	s15 =	simm.s32 @!p1 $0x6800  }
0x54: {  	[tilespmem:s15], [sflag:$0x4] =	stream.linear.gather @!p1 [hbm4b:s12+s16], $0x400, $0x38;
	[tilespmem:$0x8000] =	vst v63  }
0x55: {  	s20 =	rddreg [dreg:$0xe];
	s12 =	sadd.s32 @!p1 $0x0, s19;
	s15 =	simm.s32 @!p1 $0x4C00  }
0x56: {  	[tilespmem:s15], [sflag:$0x3] =	stream.linear.gather @!p1 [hbm4b:s12+s16], $0x400, $0x38;
	[tilespmem:$0x8000] =	vst v63  }
0x57: {  	s12 =	sadd.s32 @!p1 $0x0, s20;
	s15 =	simm.s32 @!p1 $0x6C00  }
0x58: {  	[tilespmem:s15], [sflag:$0x4] =	stream.linear.gather @!p1 [hbm4b:s12+s16], $0x400, $0x38;
	[tilespmem:$0x8000] =	vst v63  }
0x59: {  	s12 =	sadd.s32 @!p1 $0x2080, s13;
	s13 =	simm.s32 @!p1 $0x5000  }
0x5a: {  	[tilespmem:s13], [sflag:$0x3] =	stream.linear.gather @!p1 [hbm4b:s12+s16], $0x400, $0x38;
	[tilespmem:$0x8000] =	vst v63  }
0x5b: {  	s15 =	rddreg [dreg:$0x5];
	s12 =	sadd.s32 @!p1 $0x2080, s14;
	s13 =	simm.s32 @!p1 $0x7000  }
0x5c: {  	[tilespmem:s13], [sflag:$0x4] =	stream.linear.gather @!p1 [hbm4b:s12+s16], $0x400, $0x38;
	[tilespmem:$0x8000] =	vst v63  }
0x5d: {  	s14 =	rddreg [dreg:$0x4];
	s12 =	sadd.s32 @!p1 $0x0, s15;
	s13 =	simm.s32 @!p1 $0x5400  }
0x5e: {  	[tilespmem:s13], [sflag:$0x3] =	stream.linear.gather @!p1 [hbm4b:s12+s16], $0x400, $0x38;
	[tilespmem:$0x8000] =	vst v63  }
0x5f: {  	s15 =	rddreg [dreg:$0x7];
	s12 =	sadd.s32 @!p1 $0x0, s14;
	s13 =	simm.s32 @!p1 $0x7400  }
0x60: {  	[tilespmem:s13], [sflag:$0x4] =	stream.linear.gather @!p1 [hbm4b:s12+s16], $0x400, $0x38;
	[tilespmem:$0x8000] =	vst v63  }
0x61: {  	s14 =	rddreg [dreg:$0x6];
	s12 =	sadd.s32 @!p1 $0x0, s15;
	s13 =	simm.s32 @!p1 $0x5800  }
0x62: {  	[tilespmem:s13], [sflag:$0x3] =	stream.linear.gather @!p1 [hbm4b:s12+s16], $0x400, $0x38;
	[tilespmem:$0x8000] =	vst v63  }
0x63: {  	s15 =	rddreg [dreg:$0x9];
	s12 =	sadd.s32 @!p1 $0x0, s14;
	s13 =	simm.s32 @!p1 $0x7800  }
0x64: {  	[tilespmem:s13], [sflag:$0x4] =	stream.linear.gather @!p1 [hbm4b:s12+s16], $0x400, $0x38;
	[tilespmem:$0x8000] =	vst v63  }
0x65: {  	s14 =	rddreg [dreg:$0x8];
	s12 =	sadd.s32 @!p1 $0x0, s15;
	s13 =	simm.s32 @!p1 $0x5C00  }
0x66: {  	[tilespmem:s13], [sflag:$0x3] =	stream.linear.gather @!p1 [hbm4b:s12+s16], $0x400, $0x38;
	[tilespmem:$0x8000] =	vst v63  }
0x67: {  	s12 =	sadd.s32 @!p1 $0x0, s14;
	s13 =	simm.s32 @!p1 $0x7C00;
	s14 =	simm.s32 @!p0 $0x1  }
0x68: {  	[tilespmem:s13], [sflag:$0x4] =	stream.linear.gather @!p1 [hbm4b:s12+s16], $0x400, $0x38;
	[tilespmem:$0x8000] =	vst v63  }
0x69: {  	_ =	swait.ge @!p0 [sflag:s14], $0x2000  }
0x6a: {  	[sflag:s14] =	ssyncset.done @!p0 $0x0  }
0x6b: {  	s13 =	simm.s32 @!p0 $0x2;
	[sflag:s14] =	ssyncadd.s32 @!p0 $0xFFFFE000  }
0x6c: {  	_ =	swait.ge @!p0 [sflag:s13], $0x2000  }
0x6d: {  	s23 =	simm.s32 @!p1 $0x3;
	s19 =	sadd.s32 @!p0 s6, s5;
	[sflag:s13] =	ssyncset.done @!p0 $0x0  }
0x6e: {  	s15 =	sadd.s32 @!p1 s6, s5;
	[sflag:s13] =	ssyncadd.s32 @!p0 $0xFFFFE000;
	s13 =	sadd.s32 @!p0 s7, s5  }
0x6f: {  	[hbm4b:s13+s10] =	stream.linear.scatter @!p0 [tilespmem:s10], [sflag:$0x5], $0x2000, $0x38;
	[tilespmem:$0x8000] =	vst v63  }
0x70: {  	s22 =	sadd.s32 @!p1 $0x8000, s15;
	s12 =	simm.s32 $0x4000;
	s13 =	sadd.s32 @!p1 s7, s5  }
0x71: {  	s14 =	simm.s32 $0x8000;
	s21 =	sadd.s32 @!p1 $0x8000, s13;
	s13 =	sadd.s32 $0x40, s3  }
0x72: {  	[hbm4b:s19+s10] =	stream.linear.scatter @!p0 [tilespmem:s11], [sflag:$0x6], $0x2000, $0x38;
	[tilespmem:$0x8000] =	vst v63  }
0x73: {  	s10 =	sadd.s32 $0x10000, s7;
	s11 =	smov.u32 s6;
	_ =	swait.ge @!p1 [sflag:s23], $0x2000  }
.LBB2_2:
0x74: {  	[sflag:s23] =	ssyncset.done @!p1 $0x0  }
0x75: {  	s19 =	simm.s32 @!p1 $0x4;
	[sflag:s23] =	ssyncadd.s32 @!p1 $0xFFFFE000  }
0x76: {  	_ =	swait.ge @!p1 [sflag:s19], $0x2000  }
0x77: {  	[sflag:s19] =	ssyncset.done @!p1 $0x0  }
0x78: {  	[sflag:s19] =	ssyncadd.s32 @!p1 $0xFFFFE000  }
0x79: {  	[hbm4b:s21+s16] =	stream.linear.scatter @!p1 [tilespmem:s17], [sflag:$0x7], $0x2000, $0x38;
	[tilespmem:$0x8000] =	vst v63  }
0x7a: {  	s19 =	simm.s32 @!p0 $0x5  }
0x7b: {  	[hbm4b:s22+s16] =	stream.linear.scatter @!p1 [tilespmem:s18], [sflag:$0x8], $0x2000, $0x38;
	[tilespmem:$0x8000] =	vst v63  }
0x7c: {  	_ =	swait.ge @!p0 [sflag:s19], $0x2000  }
0x7d: {  	[sflag:s19] =	ssyncset.done @!p0 $0x0  }
0x7e: {  	s16 =	simm.s32 @!p0 $0x6;
	[sflag:s19] =	ssyncadd.s32 @!p0 $0xFFFFE000  }
0x7f: {  	_ =	swait.ge @!p0 [sflag:s16], $0x2000  }
0x80: {  	[sflag:s16] =	ssyncset.done @!p0 $0x0  }
0x81: {  	s19 =	simm.s32 @!p1 $0x7;
	[sflag:s16] =	ssyncadd.s32 @!p0 $0xFFFFE000  }
0x82: {  	_ =	swait.ge @!p1 [sflag:s19], $0x2000  }
0x83: {  	s11 =	sadd.s32 $0x10000, s11;
	p3 =	sgt.u32 s13, $0xF41;
	[sflag:s19] =	ssyncset.done @!p1 $0x0  }
0x84: {  	s23 =	simm.s32 @!p3 $0xC00;
	[sflag:s19] =	ssyncadd.s32 @!p1 $0xFFFFE000;
	s19 =	simm.s32 @!p1 $0x8  }
0x85: {  	s17 =	simm.s32 @!p3 $0x400;
	p0 =	por p3, p3;
	_ =	swait.ge @!p1 [sflag:s19], $0x2000  }
0x86: {  	s26 =	sadd.s32 @!p0 s12, s8;
	s24 =	rddreg [dreg:$0x17];
	[sflag:s19] =	ssyncset.done @!p1 $0x0  }
0x87: {  	s25 =	rddreg [dreg:$0x18];
	[sflag:s19] =	ssyncadd.s32 @!p1 $0xFFFFE000;
	s19 =	simm.s32 @!p0 $0x0  }
0x88: {  	[tilespmem:s19], [sflag:$0x1] =	stream.linear.gather @!p0 [hbm4b:s26+s19], $0x400, $0x38;
	[tilespmem:$0x8000] =	vst v63  }
0x89: {  	s22 =	sadd.s32 @!p3 s12, s9;
	s20 =	simm.s32 @!p0 $0x2000;
	s28 =	rddreg [dreg:$0x1a]  }
0x8a: {  	[tilespmem:s20], [sflag:$0x2] =	stream.linear.gather @!p0 [hbm4b:s22+s19], $0x400, $0x38;
	[tilespmem:$0x8000] =	vst v63  }
0x8b: {  	s16 =	sadd.s32 @!p3 $0x80, s22;
	s29 =	rddreg [dreg:$0x19];
	s22 =	sadd.s32 @!p0 s12, s25  }
0x8c: {  	[tilespmem:s17], [sflag:$0x1] =	stream.linear.gather @!p0 [hbm4b:s22+s19], $0x400, $0x38;
	[tilespmem:$0x8000] =	vst v63  }
0x8d: {  	s18 =	simm.s32 @!p3 $0x2400;
	s31 =	rddreg [dreg:$0x10];
	s24 =	sadd.s32 @!p0 s12, s24  }
0x8e: {  	[tilespmem:s18], [sflag:$0x2] =	stream.linear.gather @!p0 [hbm4b:s24+s19], $0x400, $0x38;
	[tilespmem:$0x8000] =	vst v63  }
0x8f: {  	s21 =	simm.s32 @!p3 $0x800;
	s25 =	sadd.s32 @!p0 s12, s28;
	s28 =	rddreg [dreg:$0x1c]  }
0x90: {  	[tilespmem:s21], [sflag:$0x1] =	stream.linear.gather @!p0 [hbm4b:s25+s19], $0x400, $0x38;
	[tilespmem:$0x8000] =	vst v63  }
0x91: {  	s17 =	sadd.s32 @!p0 s12, s29;
	s22 =	rddreg [dreg:$0x1b];
	s21 =	simm.s32 @!p0 $0x2800  }
0x92: {  	[tilespmem:s21], [sflag:$0x2] =	stream.linear.gather @!p0 [hbm4b:s17+s19], $0x400, $0x38;
	[tilespmem:$0x8000] =	vst v63  }
0x93: {  	s26 =	sadd.s32 @!p0 $0x80, s26;
	s22 =	sadd.s32 @!p0 s12, s22;
	s18 =	sadd.s32 @!p0 s12, s28  }
0x94: {  	[tilespmem:s23], [sflag:$0x1] =	stream.linear.gather @!p0 [hbm4b:s18+s19], $0x400, $0x38;
	[tilespmem:$0x8000] =	vst v63  }
0x95: {  	s24 =	simm.s32 @!p0 $0x1C00;
	s25 =	rddreg [dreg:$0x13];
	s18 =	simm.s32 @!p0 $0x2C00  }
0x96: {  	[tilespmem:s18], [sflag:$0x2] =	stream.linear.gather @!p0 [hbm4b:s22+s19], $0x400, $0x38;
	[tilespmem:$0x8000] =	vst v63  }
0x97: {  	s28 =	rddreg [dreg:$0x4];
	s25 =	sadd.s32 @!p0 s12, s25;
	s18 =	simm.s32 @!p0 $0x1000  }
0x98: {  	[tilespmem:s18], [sflag:$0x1] =	stream.linear.gather @!p0 [hbm4b:s26+s19], $0x400, $0x38;
	[tilespmem:$0x8000] =	vst v63  }
0x99: {  	s17 =	rddreg [dreg:$0x12];
	s21 =	simm.s32 @!p0 $0x3C00;
	s18 =	simm.s32 @!p0 $0x3000  }
0x9a: {  	[tilespmem:s18], [sflag:$0x2] =	stream.linear.gather @!p0 [hbm4b:s16+s19], $0x400, $0x38;
	[tilespmem:$0x8000] =	vst v63  }
0x9b: {  	s17 =	sadd.s32 @!p0 s12, s17;
	s23 =	rddreg [dreg:$0x11];
	s16 =	simm.s32 @!p0 $0x1400  }
0x9c: {  	[tilespmem:s16], [sflag:$0x1] =	stream.linear.gather @!p0 [hbm4b:s17+s19], $0x400, $0x38;
	[tilespmem:$0x8000] =	vst v63  }
0x9d: {  	s23 =	sadd.s32 @!p0 s12, s23;
	s22 =	rddreg [dreg:$0x14];
	s17 =	simm.s32 @!p0 $0x3400  }
0x9e: {  	[tilespmem:s17], [sflag:$0x2] =	stream.linear.gather @!p0 [hbm4b:s23+s19], $0x400, $0x38;
	[tilespmem:$0x8000] =	vst v63  }
0x9f: {  	s26 =	rddreg [dreg:$0xd];
	s18 =	sadd.s32 @!p0 s12, s22;
	s17 =	simm.s32 @!p0 $0x1800  }
0xa0: {  	[tilespmem:s17], [sflag:$0x1] =	stream.linear.gather @!p0 [hbm4b:s18+s19], $0x400, $0x38;
	[tilespmem:$0x8000] =	vst v63  }
0xa1: {  	s22 =	rddreg [dreg:$0x16];
	s16 =	sadd.s32 s13, s31;
	s17 =	simm.s32 @!p0 $0x3800  }
0xa2: {  	[tilespmem:s17], [sflag:$0x2] =	stream.linear.gather @!p0 [hbm4b:s25+s19], $0x400, $0x38;
	[tilespmem:$0x8000] =	vst v63  }
0xa3: {  	s22 =	sadd.s32 @!p0 s12, s22;
	p1 =	sgt.u32 s16, $0xF41;
	s23 =	rddreg [dreg:$0x15]  }
0xa4: {  	[tilespmem:s24], [sflag:$0x1] =	stream.linear.gather @!p0 [hbm4b:s22+s19], $0x400, $0x38;
	[tilespmem:$0x8000] =	vst v63  }
0xa5: {  	s16 =	simm.s32 @!p1 $0x0;
	s17 =	sadd.s32 @!p0 s12, s23;
	s22 =	sadd.s32 @!p1 s12, s8  }
0xa6: {  	[tilespmem:s21], [sflag:$0x2] =	stream.linear.gather @!p0 [hbm4b:s17+s19], $0x400, $0x38;
	[tilespmem:$0x8000] =	vst v63  }
0xa7: {  	s24 =	sadd.s32 @!p1 s12, s9;
	s18 =	sadd.s32 @!p1 $0x2000, s22;
	s17 =	simm.s32 @!p1 $0x4000  }
0xa8: {  	[tilespmem:s17], [sflag:$0x3] =	stream.linear.gather @!p1 [hbm4b:s18+s16], $0x400, $0x38;
	[tilespmem:$0x8000] =	vst v63  }
0xa9: {  	s25 =	rddreg [dreg:$0xb];
	s21 =	sadd.s32 @!p1 $0x2000, s24;
	s18 =	simm.s32 @!p1 $0x6000  }
0xaa: {  	[tilespmem:s18], [sflag:$0x4] =	stream.linear.gather @!p1 [hbm4b:s21+s16], $0x400, $0x38;
	[tilespmem:$0x8000] =	vst v63  }
0xab: {  	s23 =	rddreg [dreg:$0xa];
	s21 =	sadd.s32 @!p1 s12, s25;
	s25 =	simm.s32 @!p1 $0x4400  }
0xac: {  	[tilespmem:s25], [sflag:$0x3] =	stream.linear.gather @!p1 [hbm4b:s21+s16], $0x400, $0x38;
	[tilespmem:$0x8000] =	vst v63  }
0xad: {  	s22 =	sadd.s32 @!p1 $0x2080, s22;
	s21 =	sadd.s32 @!p1 s12, s23;
	s23 =	simm.s32 @!p1 $0x6400  }
0xae: {  	[tilespmem:s23], [sflag:$0x4] =	stream.linear.gather @!p1 [hbm4b:s21+s16], $0x400, $0x38;
	[tilespmem:$0x8000] =	vst v63  }
0xaf: {  	s25 =	rddreg [dreg:$0xc];
	s21 =	sadd.s32 @!p1 s12, s26;
	s23 =	simm.s32 @!p1 $0x4800  }
0xb0: {  	[tilespmem:s23], [sflag:$0x3] =	stream.linear.gather @!p1 [hbm4b:s21+s16], $0x400, $0x38;
	[tilespmem:$0x8000] =	vst v63  }
0xb1: {  	s26 =	rddreg [dreg:$0xf];
	s21 =	sadd.s32 @!p1 s12, s25;
	s23 =	simm.s32 @!p1 $0x6800  }
0xb2: {  	[tilespmem:s23], [sflag:$0x4] =	stream.linear.gather @!p1 [hbm4b:s21+s16], $0x400, $0x38;
	[tilespmem:$0x8000] =	vst v63  }
0xb3: {  	s25 =	rddreg [dreg:$0xe];
	s21 =	sadd.s32 @!p1 s12, s26;
	s23 =	simm.s32 @!p1 $0x4C00  }
0xb4: {  	[tilespmem:s23], [sflag:$0x3] =	stream.linear.gather @!p1 [hbm4b:s21+s16], $0x400, $0x38;
	[tilespmem:$0x8000] =	vst v63  }
0xb5: {  	s26 =	sadd.s32 @!p1 s10, s5;
	s23 =	sadd.s32 @!p1 s12, s25;
	s25 =	simm.s32 @!p1 $0x6C00  }
0xb6: {  	[tilespmem:s25], [sflag:$0x4] =	stream.linear.gather @!p1 [hbm4b:s23+s16], $0x400, $0x38;
	[tilespmem:$0x8000] =	vst v63  }
0xb7: {  	s24 =	sadd.s32 @!p1 $0x2080, s24;
	s21 =	sadd.s32 @!p1 $0x8000, s26;
	s23 =	simm.s32 @!p1 $0x5000  }
0xb8: {  	[tilespmem:s23], [sflag:$0x3] =	stream.linear.gather @!p1 [hbm4b:s22+s16], $0x400, $0x38;
	[tilespmem:$0x8000] =	vst v63  }
0xb9: {  	s26 =	sadd.s32 @!p1 s11, s5;
	s25 =	rddreg [dreg:$0x5];
	s23 =	simm.s32 @!p1 $0x7000  }
0xba: {  	[tilespmem:s23], [sflag:$0x4] =	stream.linear.gather @!p1 [hbm4b:s24+s16], $0x400, $0x38;
	[tilespmem:$0x8000] =	vst v63  }
0xbb: {  	s22 =	sadd.s32 @!p1 $0x8000, s26;
	s23 =	sadd.s32 @!p1 s12, s25;
	s24 =	simm.s32 @!p1 $0x5400  }
0xbc: {  	[tilespmem:s24], [sflag:$0x3] =	stream.linear.gather @!p1 [hbm4b:s23+s16], $0x400, $0x38;
	[tilespmem:$0x8000] =	vst v63  }
0xbd: {  	s25 =	rddreg [dreg:$0x7];
	s23 =	sadd.s32 @!p1 s12, s28;
	s24 =	simm.s32 @!p1 $0x7400  }
0xbe: {  	[tilespmem:s24], [sflag:$0x4] =	stream.linear.gather @!p1 [hbm4b:s23+s16], $0x400, $0x38;
	[tilespmem:$0x8000] =	vst v63  }
0xbf: {  	s26 =	rddreg [dreg:$0x6];
	s23 =	sadd.s32 @!p1 s12, s25;
	s24 =	simm.s32 @!p1 $0x5800  }
0xc0: {  	[tilespmem:s24], [sflag:$0x3] =	stream.linear.gather @!p1 [hbm4b:s23+s16], $0x400, $0x38;
	[tilespmem:$0x8000] =	vst v63  }
0xc1: {  	s25 =	rddreg [dreg:$0x9];
	s23 =	sadd.s32 @!p1 s12, s26;
	s24 =	simm.s32 @!p1 $0x7800  }
0xc2: {  	[tilespmem:s24], [sflag:$0x4] =	stream.linear.gather @!p1 [hbm4b:s23+s16], $0x400, $0x38;
	[tilespmem:$0x8000] =	vst v63  }
0xc3: {  	s26 =	rddreg [dreg:$0x8];
	s23 =	sadd.s32 @!p1 s12, s25;
	s24 =	simm.s32 @!p1 $0x5C00  }
0xc4: {  	[tilespmem:s24], [sflag:$0x3] =	stream.linear.gather @!p1 [hbm4b:s23+s16], $0x400, $0x38;
	[tilespmem:$0x8000] =	vst v63  }
0xc5: {  	s12 =	sadd.s32 @!p1 s12, s26;
	s23 =	simm.s32 @!p1 $0x7C00;
	s24 =	simm.s32 @!p0 $0x1  }
0xc6: {  	[tilespmem:s23], [sflag:$0x4] =	stream.linear.gather @!p1 [hbm4b:s12+s16], $0x400, $0x38;
	[tilespmem:$0x8000] =	vst v63  }
0xc7: {  	_ =	swait.ge @!p0 [sflag:s24], $0x2000  }
0xc8: {  	s15 =	smov.u32 s14;
	[sflag:s24] =	ssyncset.done @!p0 $0x0  }
0xc9: {  	s12 =	smov.u32 s15;
	s15 =	simm.s32 @!p0 $0x2;
	[sflag:s24] =	ssyncadd.s32 @!p0 $0xFFFFE000  }
0xca: {  	s14 =	sadd.s32 $0x4000, s14;
	_ =	swait.ge @!p0 [sflag:s15], $0x2000  }
0xcb: {  	p2 =	sne.s32 s14, $0xF8000;
	[sflag:s15] =	ssyncset.done @!p0 $0x0  }
.Ltmp0:
0xcc: {  	[sflag:s15] =	ssyncadd.s32 @!p0 $0xFFFFE000;
	s15 =	sadd.s32 @!p0 s10, s5;
	(pc) =	sbr.rel @p2 .LBB2_2-.Ltmp0, $4  }
0xcd: {  	[hbm4b:s15+s19] =	stream.linear.scatter @!p0 [tilespmem:s19], [sflag:$0x5], $0x2000, $0x38;
	[tilespmem:$0x8000] =	vst v63  }
0xce: {  	s23 =	simm.s32 @!p1 $0x3;
	s15 =	sadd.s32 @!p0 s11, s5  }
0xcf: {  	[hbm4b:s15+s19] =	stream.linear.scatter @!p0 [tilespmem:s20], [sflag:$0x6], $0x2000, $0x38;
	[tilespmem:$0x8000] =	vst v63  }
0xd0: {  	s13 =	sadd.s32 $0x40, s13;
	s10 =	sadd.s32 $0x10000, s10;
	_ =	swait.ge @!p1 [sflag:s23], $0x2000  }
0xd1: {  	[sflag:s23] =	ssyncset.done @!p1 $0x0  }
0xd2: {  	s14 =	simm.s32 @!p1 $0x4;
	[sflag:s23] =	ssyncadd.s32 @!p1 $0xFFFFE000  }
0xd3: {  	_ =	swait.ge @!p1 [sflag:s14], $0x2000  }
0xd4: {  	[sflag:s14] =	ssyncset.done @!p1 $0x0  }
0xd5: {  	[sflag:s14] =	ssyncadd.s32 @!p1 $0xFFFFE000  }
0xd6: {  	[hbm4b:s21+s16] =	stream.linear.scatter @!p1 [tilespmem:s17], [sflag:$0x7], $0x2000, $0x38;
	[tilespmem:$0x8000] =	vst v63  }
0xd7: {  	s14 =	simm.s32 @!p0 $0x5  }
0xd8: {  	[hbm4b:s22+s16] =	stream.linear.scatter @!p1 [tilespmem:s18], [sflag:$0x8], $0x2000, $0x38;
	[tilespmem:$0x8000] =	vst v63  }
0xd9: {  	_ =	swait.ge @!p0 [sflag:s14], $0x2000  }
0xda: {  	[sflag:s14] =	ssyncset.done @!p0 $0x0  }
0xdb: {  	[sflag:s14] =	ssyncadd.s32 @!p0 $0xFFFFE000;
	s14 =	simm.s32 @!p0 $0x6  }
0xdc: {  	_ =	swait.ge @!p0 [sflag:s14], $0x2000  }
0xdd: {  	[sflag:s14] =	ssyncset.done @!p0 $0x0  }
0xde: {  	[sflag:s14] =	ssyncadd.s32 @!p0 $0xFFFFE000;
	s14 =	simm.s32 @!p1 $0x7  }
0xdf: {  	_ =	swait.ge @!p1 [sflag:s14], $0x2000  }
0xe0: {  	[sflag:s14] =	ssyncset.done @!p1 $0x0  }
0xe1: {  	p2 =	sgt.u32 s13, $0xF41;
	[sflag:s14] =	ssyncadd.s32 @!p1 $0xFFFFE000;
	s14 =	simm.s32 @!p1 $0x8  }
0xe2: {  	s20 =	sadd.s32 @!p2 s12, s9;
	p0 =	por p2, p2;
	_ =	swait.ge @!p1 [sflag:s14], $0x2000  }
0xe3: {  	s17 =	simm.s32 @!p2 $0x2400;
	s19 =	sadd.s32 @!p0 s12, s8;
	[sflag:s14] =	ssyncset.done @!p1 $0x0  }
0xe4: {  	s18 =	rddreg [dreg:$0x18];
	[sflag:s14] =	ssyncadd.s32 @!p1 $0xFFFFE000;
	s14 =	simm.s32 @!p0 $0x0  }
0xe5: {  	[tilespmem:s14], [sflag:$0x1] =	stream.linear.gather @!p0 [hbm4b:s19+s14], $0x400, $0x38;
	[tilespmem:$0x8000] =	vst v63  }
0xe6: {  	s16 =	simm.s32 @!p2 $0x400;
	s15 =	simm.s32 @!p0 $0x2000;
	s21 =	rddreg [dreg:$0x17]  }
0xe7: {  	[tilespmem:s15], [sflag:$0x2] =	stream.linear.gather @!p0 [hbm4b:s20+s14], $0x400, $0x38;
	[tilespmem:$0x8000] =	vst v63  }
0xe8: {  	s22 =	simm.s32 @!p2 $0x800;
	s23 =	rddreg [dreg:$0x1a];
	s18 =	sadd.s32 @!p0 s12, s18  }
0xe9: {  	[tilespmem:s16], [sflag:$0x1] =	stream.linear.gather @!p0 [hbm4b:s18+s14], $0x400, $0x38;
	[tilespmem:$0x8000] =	vst v63  }
0xea: {  	s30 =	rddreg [dreg:$0x10];
	s16 =	simm.s32 @!p2 $0xC00;
	s18 =	sadd.s32 @!p0 s12, s21  }
0xeb: {  	[tilespmem:s17], [sflag:$0x2] =	stream.linear.gather @!p0 [hbm4b:s18+s14], $0x400, $0x38;
	[tilespmem:$0x8000] =	vst v63  }
0xec: {  	s21 =	rddreg [dreg:$0x19];
	s17 =	sadd.s32 @!p2 $0x80, s20;
	s18 =	sadd.s32 @!p0 s12, s23  }
0xed: {  	[tilespmem:s22], [sflag:$0x1] =	stream.linear.gather @!p0 [hbm4b:s18+s14], $0x400, $0x38;
	[tilespmem:$0x8000] =	vst v63  }
0xee: {  	s20 =	rddreg [dreg:$0x1c];
	s18 =	sadd.s32 @!p0 s12, s21;
	s22 =	simm.s32 @!p0 $0x2800  }
0xef: {  	[tilespmem:s22], [sflag:$0x2] =	stream.linear.gather @!p0 [hbm4b:s18+s14], $0x400, $0x38;
	[tilespmem:$0x8000] =	vst v63  }
0xf0: {  	s21 =	rddreg [dreg:$0x1b];
	s18 =	sadd.s32 @!p0 $0x80, s19;
	s19 =	sadd.s32 @!p0 s12, s20  }
0xf1: {  	[tilespmem:s16], [sflag:$0x1] =	stream.linear.gather @!p0 [hbm4b:s19+s14], $0x400, $0x38;
	[tilespmem:$0x8000] =	vst v63  }
0xf2: {  	s31 =	sadd.s32 s13, s30;
	s16 =	sadd.s32 @!p0 s12, s21;
	s19 =	simm.s32 @!p0 $0x2C00  }
0xf3: {  	[tilespmem:s19], [sflag:$0x2] =	stream.linear.gather @!p0 [hbm4b:s16+s14], $0x400, $0x38;
	[tilespmem:$0x8000] =	vst v63  }
0xf4: {  	p1 =	sgt.u32 s31, $0xF41;
	s19 =	simm.s32 @!p0 $0x1000  }
0xf5: {  	[tilespmem:s19], [sflag:$0x1] =	stream.linear.gather @!p0 [hbm4b:s18+s14], $0x400, $0x38;
	[tilespmem:$0x8000] =	vst v63  }
0xf6: {  	s13 =	simm.s32 @!p1 $0x0;
	s20 =	rddreg [dreg:$0x12];
	s19 =	simm.s32 @!p0 $0x3000  }
0xf7: {  	[tilespmem:s19], [sflag:$0x2] =	stream.linear.gather @!p0 [hbm4b:s17+s14], $0x400, $0x38;
	[tilespmem:$0x8000] =	vst v63  }
0xf8: {  	s21 =	rddreg [dreg:$0x11];
	s17 =	sadd.s32 @!p0 s12, s20;
	s19 =	simm.s32 @!p0 $0x1400  }
0xf9: {  	[tilespmem:s19], [sflag:$0x1] =	stream.linear.gather @!p0 [hbm4b:s17+s14], $0x400, $0x38;
	[tilespmem:$0x8000] =	vst v63  }
0xfa: {  	s22 =	rddreg [dreg:$0x14];
	s17 =	sadd.s32 @!p0 s12, s21;
	s21 =	simm.s32 @!p0 $0x3400  }
0xfb: {  	[tilespmem:s21], [sflag:$0x2] =	stream.linear.gather @!p0 [hbm4b:s17+s14], $0x400, $0x38;
	[tilespmem:$0x8000] =	vst v63  }
0xfc: {  	s23 =	rddreg [dreg:$0x13];
	s17 =	sadd.s32 @!p0 s12, s22;
	s21 =	simm.s32 @!p0 $0x1800  }
0xfd: {  	[tilespmem:s21], [sflag:$0x1] =	stream.linear.gather @!p0 [hbm4b:s17+s14], $0x400, $0x38;
	[tilespmem:$0x8000] =	vst v63  }
0xfe: {  	s20 =	rddreg [dreg:$0x16];
	s19 =	simm.s32 @!p0 $0x3800;
	s17 =	sadd.s32 @!p0 s12, s23  }
0xff: {  	[tilespmem:s19], [sflag:$0x2] =	stream.linear.gather @!p0 [hbm4b:s17+s14], $0x400, $0x38;
	[tilespmem:$0x8000] =	vst v63  }
0x100: {  	s18 =	simm.s32 @!p0 $0x1C00;
	s22 =	rddreg [dreg:$0x15];
	s17 =	sadd.s32 @!p0 s12, s20  }
0x101: {  	[tilespmem:s18], [sflag:$0x1] =	stream.linear.gather @!p0 [hbm4b:s17+s14], $0x400, $0x38;
	[tilespmem:$0x8000] =	vst v63  }
0x102: {  	s16 =	simm.s32 @!p0 $0x3C00;
	s19 =	sadd.s32 @!p0 s12, s22;
	s18 =	sadd.s32 @!p1 s12, s8  }
0x103: {  	[tilespmem:s16], [sflag:$0x2] =	stream.linear.gather @!p0 [hbm4b:s19+s14], $0x400, $0x38;
	[tilespmem:$0x8000] =	vst v63  }
0x104: {  	s20 =	sadd.s32 @!p1 s12, s9;
	s17 =	sadd.s32 @!p1 $0x2000, s18;
	s16 =	simm.s32 @!p1 $0x4000  }
0x105: {  	[tilespmem:s16], [sflag:$0x3] =	stream.linear.gather @!p1 [hbm4b:s17+s13], $0x400, $0x38;
	[tilespmem:$0x8000] =	vst v63  }
0x106: {  	s21 =	rddreg [dreg:$0xb];
	s22 =	sadd.s32 @!p1 $0x2000, s20;
	s17 =	simm.s32 @!p1 $0x6000  }
0x107: {  	[tilespmem:s17], [sflag:$0x4] =	stream.linear.gather @!p1 [hbm4b:s22+s13], $0x400, $0x38;
	[tilespmem:$0x8000] =	vst v63  }
0x108: {  	s23 =	simm.s32 @!p1 $0x4400;
	s21 =	sadd.s32 @!p1 s12, s21;
	s19 =	rddreg [dreg:$0xa]  }
0x109: {  	[tilespmem:s23], [sflag:$0x3] =	stream.linear.gather @!p1 [hbm4b:s21+s13], $0x400, $0x38;
	[tilespmem:$0x8000] =	vst v63  }
0x10a: {  	s19 =	sadd.s32 @!p1 s12, s19;
	s22 =	rddreg [dreg:$0xd];
	s21 =	simm.s32 @!p1 $0x6400  }
0x10b: {  	[tilespmem:s21], [sflag:$0x4] =	stream.linear.gather @!p1 [hbm4b:s19+s13], $0x400, $0x38;
	[tilespmem:$0x8000] =	vst v63  }
0x10c: {  	s23 =	rddreg [dreg:$0xc];
	s19 =	sadd.s32 @!p1 s12, s22;
	s21 =	simm.s32 @!p1 $0x4800  }
0x10d: {  	[tilespmem:s21], [sflag:$0x3] =	stream.linear.gather @!p1 [hbm4b:s19+s13], $0x400, $0x38;
	[tilespmem:$0x8000] =	vst v63  }
0x10e: {  	s22 =	rddreg [dreg:$0xf];
	s19 =	sadd.s32 @!p1 s12, s23;
	s21 =	simm.s32 @!p1 $0x6800  }
0x10f: {  	[tilespmem:s21], [sflag:$0x4] =	stream.linear.gather @!p1 [hbm4b:s19+s13], $0x400, $0x38;
	[tilespmem:$0x8000] =	vst v63  }
0x110: {  	s23 =	rddreg [dreg:$0xe];
	s19 =	sadd.s32 @!p1 s12, s22;
	s21 =	simm.s32 @!p1 $0x4C00  }
0x111: {  	[tilespmem:s21], [sflag:$0x3] =	stream.linear.gather @!p1 [hbm4b:s19+s13], $0x400, $0x38;
	[tilespmem:$0x8000] =	vst v63  }
0x112: {  	s19 =	sadd.s32 @!p1 s12, s23;
	s21 =	simm.s32 @!p1 $0x6C00  }
0x113: {  	[tilespmem:s21], [sflag:$0x4] =	stream.linear.gather @!p1 [hbm4b:s19+s13], $0x400, $0x38;
	[tilespmem:$0x8000] =	vst v63  }
0x114: {  	s18 =	sadd.s32 @!p1 $0x2080, s18;
	s19 =	simm.s32 @!p1 $0x5000  }
0x115: {  	[tilespmem:s19], [sflag:$0x3] =	stream.linear.gather @!p1 [hbm4b:s18+s13], $0x400, $0x38;
	[tilespmem:$0x8000] =	vst v63  }
0x116: {  	s21 =	rddreg [dreg:$0x5];
	s18 =	sadd.s32 @!p1 $0x2080, s20;
	s19 =	simm.s32 @!p1 $0x7000  }
0x117: {  	[tilespmem:s19], [sflag:$0x4] =	stream.linear.gather @!p1 [hbm4b:s18+s13], $0x400, $0x38;
	[tilespmem:$0x8000] =	vst v63  }
0x118: {  	s20 =	rddreg [dreg:$0x4];
	s18 =	sadd.s32 @!p1 s12, s21;
	s19 =	simm.s32 @!p1 $0x5400  }
0x119: {  	[tilespmem:s19], [sflag:$0x3] =	stream.linear.gather @!p1 [hbm4b:s18+s13], $0x400, $0x38;
	[tilespmem:$0x8000] =	vst v63  }
0x11a: {  	s21 =	rddreg [dreg:$0x7];
	s18 =	sadd.s32 @!p1 s12, s20;
	s19 =	simm.s32 @!p1 $0x7400  }
0x11b: {  	[tilespmem:s19], [sflag:$0x4] =	stream.linear.gather @!p1 [hbm4b:s18+s13], $0x400, $0x38;
	[tilespmem:$0x8000] =	vst v63  }
0x11c: {  	s20 =	rddreg [dreg:$0x6];
	s18 =	sadd.s32 @!p1 s12, s21;
	s19 =	simm.s32 @!p1 $0x5800  }
0x11d: {  	[tilespmem:s19], [sflag:$0x3] =	stream.linear.gather @!p1 [hbm4b:s18+s13], $0x400, $0x38;
	[tilespmem:$0x8000] =	vst v63  }
0x11e: {  	s21 =	rddreg [dreg:$0x9];
	s18 =	sadd.s32 @!p1 s12, s20;
	s19 =	simm.s32 @!p1 $0x7800  }
0x11f: {  	[tilespmem:s19], [sflag:$0x4] =	stream.linear.gather @!p1 [hbm4b:s18+s13], $0x400, $0x38;
	[tilespmem:$0x8000] =	vst v63  }
0x120: {  	s20 =	rddreg [dreg:$0x8];
	s18 =	sadd.s32 @!p1 s12, s21;
	s19 =	simm.s32 @!p1 $0x5C00  }
0x121: {  	[tilespmem:s19], [sflag:$0x3] =	stream.linear.gather @!p1 [hbm4b:s18+s13], $0x400, $0x38;
	[tilespmem:$0x8000] =	vst v63  }
0x122: {  	s12 =	sadd.s32 @!p1 s12, s20;
	s18 =	simm.s32 @!p1 $0x7C00;
	s19 =	simm.s32 @!p0 $0x1  }
0x123: {  	[tilespmem:s18], [sflag:$0x4] =	stream.linear.gather @!p1 [hbm4b:s12+s13], $0x400, $0x38;
	[tilespmem:$0x8000] =	vst v63  }
0x124: {  	_ =	swait.ge @!p0 [sflag:s19], $0x2000  }
0x125: {  	[sflag:s19] =	ssyncset.done @!p0 $0x0  }
0x126: {  	s12 =	simm.s32 @!p0 $0x2;
	[sflag:s19] =	ssyncadd.s32 @!p0 $0xFFFFE000  }
0x127: {  	_ =	swait.ge @!p0 [sflag:s12], $0x2000  }
0x128: {  	[sflag:s12] =	ssyncset.done @!p0 $0x0  }
0x129: {  	s11 =	sadd.s32 $0x10000, s11;
	[sflag:s12] =	ssyncadd.s32 @!p0 $0xFFFFE000;
	s12 =	sadd.s32 @!p0 s10, s5  }
0x12a: {  	[hbm4b:s12+s14] =	stream.linear.scatter @!p0 [tilespmem:s14], [sflag:$0x5], $0x2000, $0x38;
	[tilespmem:$0x8000] =	vst v63  }
0x12b: {  	s18 =	simm.s32 @!p1 $0x3;
	s12 =	sadd.s32 @!p0 s11, s5  }
0x12c: {  	[hbm4b:s12+s14] =	stream.linear.scatter @!p0 [tilespmem:s15], [sflag:$0x6], $0x2000, $0x38;
	[tilespmem:$0x8000] =	vst v63  }
0x12d: {  	_ =	swait.ge @!p1 [sflag:s18], $0x2000  }
0x12e: {  	[sflag:s18] =	ssyncset.done @!p1 $0x0  }
0x12f: {  	s12 =	simm.s32 @!p1 $0x4;
	[sflag:s18] =	ssyncadd.s32 @!p1 $0xFFFFE000  }
0x130: {  	_ =	swait.ge @!p1 [sflag:s12], $0x2000  }
0x131: {  	s10 =	sadd.s32 @!p1 s10, s5;
	[sflag:s12] =	ssyncset.done @!p1 $0x0  }
0x132: {  	s10 =	sadd.s32 @!p1 $0x8000, s10;
	s11 =	sadd.s32 @!p1 s11, s5;
	[sflag:s12] =	ssyncadd.s32 @!p1 $0xFFFFE000  }
0x133: {  	[hbm4b:s10+s13] =	stream.linear.scatter @!p1 [tilespmem:s16], [sflag:$0x7], $0x2000, $0x38;
	[tilespmem:$0x8000] =	vst v63  }
0x134: {  	s10 =	sadd.s32 @!p1 $0x8000, s11;
	s11 =	simm.s32 @!p0 $0x5  }
0x135: {  	[hbm4b:s10+s13] =	stream.linear.scatter @!p1 [tilespmem:s17], [sflag:$0x8], $0x2000, $0x38;
	[tilespmem:$0x8000] =	vst v63  }
0x136: {  	_ =	swait.ge @!p0 [sflag:s11], $0x2000  }
0x137: {  	[sflag:s11] =	ssyncset.done @!p0 $0x0  }
0x138: {  	s10 =	simm.s32 @!p0 $0x6;
	[sflag:s11] =	ssyncadd.s32 @!p0 $0xFFFFE000  }
0x139: {  	_ =	swait.ge @!p0 [sflag:s10], $0x2000  }
0x13a: {  	[sflag:s10] =	ssyncset.done @!p0 $0x0  }
0x13b: {  	s2 =	sadd.s32 $0x1, s2;
	[sflag:s10] =	ssyncadd.s32 @!p0 $0xFFFFE000;
	s10 =	simm.s32 @!p1 $0x7  }
0x13c: {  	p0 =	sne.s32 s2, s4;
	_ =	swait.ge @!p1 [sflag:s10], $0x2000  }
.Ltmp1:
0x13d: {  	[sflag:s10] =	ssyncset.done @!p1 $0x0;
	(pc) =	sbr.rel @p0 .LBB2_1-.Ltmp1, $4  }
0x13e: {  	[sflag:s10] =	ssyncadd.s32 @!p1 $0xFFFFE000;
	s10 =	simm.s32 @!p1 $0x8  }
0x13f: {  	_ =	swait.ge @!p1 [sflag:s10], $0x2000  }
0x140: {  	[sflag:s10] =	ssyncset.done @!p1 $0x0  }
0x141: {  	[sflag:s10] =	ssyncadd.s32 @!p1 $0xFFFFE000  }
0x142: {  	_ =	sfence.sel $0x180000  }
0x143: {  	[bflag:$0x0] =	sbarrier.arrive $0xFFFF  }
0x144: {  	p0 =	sne.s32 s1, $0x0;
	_ =	strace $0x90000047  }
0x145: {  	s0 =	sadd.s32 @!p0 $0x100000, s0;
	[bflag:$0x2] =	sbarrier.arrive $0xFFFF  }
0x146: {  	[sflag:s0] =	ssyncadd.tile.s32 @!p0 $0x1;
	_ =	shalt  }
.Lfunc_end2:
_tile_overlayer_lowered:
.L_overlay_start_2:
0x147: {  	(tag) =	ssettag $0x2  }
0x148: {  	s0 =	rddreg [dreg:$0x0];
	s2 =	stileid.u32  }
0x149: {  	s1 =	rddreg [dreg:$0x1];
	p0 =	sne.s32 s2, $0x0  }
0x14a: {  	s3 =	rddreg [dreg:$0x2];
	[bflag:$0x3] =	sbarrier.arrive $0xFFFF;
	s2 =	simm.s32 @!p0 $0x1C09  }
0x14b: {  	[timem:s3], [sflag:s2] =	dma.local @!p0 [hbm:s0], s1  }
0x14c: {  	s0 =	simm.s32 @!p0 $0x9  }
0x14d: {  	_ =	swait.ge @!p0 [sflag:s0], s1  }
0x14e: {  	s1 =	ssub.s32 @!p0 $0x0, s1;
	[sflag:s0] =	ssyncset.done @!p0 $0x0  }
0x14f: {  	[sflag:s0] =	ssyncadd.s32 @!p0 s1  }
0x150: {  	[bflag:$0x3] =	sbarrier.arrive $0xFFFF  }
0x151: {  	_ =	shalt  }

// kernel: _mf.7.cloned.1.call-start
scs
__scs_entry_jumppad:
0x0: {  	(pc) =	sbr.rel $0x88, $3  }
0x1: {  	(tag) =	ssettag $0x0;
	lr =	simm.s32 $0x1  }
0x2: {  	[smem:$0x3F9B] =	sst lr;
	_ =	strace $0xD0000000  }
0x3: {  	_ = 	snop  }
0x4: {  	_ = 	snop  }
0x5: {  	_ = 	snop  }
0x6: {  	_ = 	snop  }
0x7: {  	_ = 	snop  }
__scs_overlays_trampoline_lowered:
0x8: {  	[smem:$0x3FAA] =	sst s0  }
0x9: {  	[smem:$0x3FAB] =	sst s1  }
0xa: {  	[smem:$0x3FAC] =	sst s2  }
0xb: {  	[smem:$0x3FAD] =	sst s3  }
0xc: {  	[smem:$0x3FAE] =	sst s4  }
0xd: {  	[smem:$0x3FAF] =	sst s5  }
0xe: {  	[smem:$0x3FB0] =	sst s6  }
0xf: {  	[smem:$0x3FB1] =	sst s7  }
0x10: {  	[smem:$0x3FB2] =	sst s8  }
0x11: {  	[smem:$0x3FB3] =	sst s9;
	s0 =	simm.s32 @!p0 $0x0  }
0x12: {  	s1 =	sld [smem:$0x3F99];
	s0 =	simm.s32 @p0 $0x1  }
0x13: {  	[smem:$0x3FB4] =	sst s0;
	s0 =	simm.s32 @!p1 $0x0  }
0x14: {  	s2 =	sld [smem:$0x3F98];
	s0 =	simm.s32 @p1 $0x1  }
0x15: {  	[smem:$0x3FB5] =	sst s0;
	s0 =	simm.s32 @!p2 $0x0  }
0x16: {  	s3 =	sld [smem:$0x3FDB];
	s0 =	simm.s32 @p2 $0x1  }
0x17: {  	s4 =	simm.s32 $0x1BF5;
	[smem:$0x3FB7] =	sst s0  }
0x18: {  	s0 =	sld [smem:$0x3F9A];
	_ =	swait.ge [sflag:s4], $0x0  }
0x19: {  	s7 =	sld [smem:$0x3F9B]  }
0x1a: {  	s8 =	sadd.s32 $0xFFFFE003, lr  }
0x1b: {  	s9 =	sadd.s32 $0xFFFFFEF7, lr;
	s5 =	simm.s32 $0xFFFFFFFF;
	p2 =	slt.u32 s8, $0xFFFFF086  }
0x1c: {  	p1 =	slt.u32 s9, $0xF7A;
	s5 =	simm.s32 @!p2 $0x0  }
0x1d: {  	s5 =	simm.s32 @p1 $0x1;
	p0 =	seq.s32 s7, s2  }
0x1e: {  	s7 =	smul.u32 @!p0 $0xF7A, s2;
	p2 =	seq.s32 @!p0 s5, $0x0  }
0x1f: {  	s9 =	smul.u32 $0xF7A, s1;
	s8 =	simm.s32 @!p0 $0x1BF5;
	p2 =	por !p2, p0  }
0x20: {  	[sflag:s8] =	ssyncset.s32 @!p0 $0xFFFFF086;
	s6 =	sadd.s32 @!p0 s3, s7;
	s7 =	simm.s32 @!p0 $0x108  }
0x21: {  	s3 =	sadd.s32 s3, s9;
	s6 =	sadd.s32 @!p0 $0x88, s6;
	s7 =	simm.s32 @p2 $0x1082  }
0x22: {  	[simem:s7], [sflag:s8] =	dma.local @!p0 [hbm:s6], $0xF7A  }
0x23: {  	s9 =	sor.u32 $0xD0000000, s2;
	s6 =	simm.s32 $0x108;
	_ =	swait.ge @!p0 [sflag:s8], $0x0  }
0x24: {  	s3 =	sadd.s32 $0x88, s3;
	s6 =	simm.s32 @!p1 $0x1082;
	[sflag:s4] =	ssyncset.s32 $0xFFFFF086  }
0x25: {  	[simem:s6], [sflag:s4] =	dma.local [hbm:s3], $0xF7A  }
0x26: {  	[smem:$0x3F9B] =	sst s1;
	(tag) =	ssettag s2;
	_ =	strace s9  }
0x27: {  	s1 =	sld [smem:$0x3FAB]  }
0x28: {  	s2 =	sld [smem:$0x3FAC]  }
0x29: {  	s4 =	sld [smem:$0x3FAE]  }
0x2a: {  	p0 =	seq.s32 s5, $0x0;
	s5 =	sld [smem:$0x3FAF]  }
0x2b: {  	s6 =	sld [smem:$0x3FB0]  }
0x2c: {  	s7 =	sld [smem:$0x3FB1]  }
0x2d: {  	s3 =	simm.s32 $0x108;
	s8 =	sld [smem:$0x3FB2]  }
0x2e: {  	s3 =	simm.s32 @!p0 $0x1082;
	s9 =	sld [smem:$0x3FB3]  }
0x2f: {  	lr =	sadd.s32 s0, s3;
	s0 =	sld [smem:$0x3FAA]  }
0x30: {  	s3 =	sld [smem:$0x3FAD]  }
0x31: {  	[smem:$0x3FB6] =	sst s10  }
0x32: {  	s10 =	sld [smem:$0x3FB4];
	_ =	sdelay $0x3  }
0x33: {  	p0 =	seq.s32 s10, $0x1;
	s10 =	sld [smem:$0x3FB6];
	_ =	sdelay $0x3  }
0x34: {  	[smem:$0x3FB6] =	sst s10  }
0x35: {  	s10 =	sld [smem:$0x3FB5];
	_ =	sdelay $0x3  }
0x36: {  	p1 =	seq.s32 s10, $0x1;
	s10 =	sld [smem:$0x3FB6];
	_ =	sdelay $0x3  }
0x37: {  	[smem:$0x3FB6] =	sst s10  }
0x38: {  	s10 =	sld [smem:$0x3FB7]  }
0x39: {  	_ = 	snop;
	(pc) =	sbr.ind lr, $3  }
0x3a: {  	_ = 	snop  }
0x3b: {  	_ = 	snop  }
0x3c: {  	p2 =	seq.s32 s10, $0x1;
	s10 =	sld [smem:$0x3FB6]  }
0x3d: {  	_ =	shalt  }
0x3e: {  	_ =	shalt  }
0x3f: {  	_ =	shalt  }
0x40: {  	_ =	shalt  }
0x41: {  	_ =	shalt  }
0x42: {  	_ =	shalt  }
0x43: {  	_ =	shalt  }
0x44: {  	_ =	shalt  }
0x45: {  	_ =	shalt  }
0x46: {  	_ =	shalt  }
0x47: {  	_ =	shalt  }
0x48: {  	_ =	shalt  }
0x49: {  	_ =	shalt  }
0x4a: {  	_ =	shalt  }
0x4b: {  	_ =	shalt  }
0x4c: {  	_ =	shalt  }
0x4d: {  	_ =	shalt  }
0x4e: {  	_ =	shalt  }
0x4f: {  	_ =	shalt  }
0x50: {  	_ =	shalt  }
0x51: {  	_ =	shalt  }
0x52: {  	_ =	shalt  }
0x53: {  	_ =	shalt  }
0x54: {  	_ =	shalt  }
0x55: {  	_ =	shalt  }
0x56: {  	_ =	shalt  }
0x57: {  	_ =	shalt  }
0x58: {  	_ =	shalt  }
0x59: {  	_ =	shalt  }
0x5a: {  	_ =	shalt  }
0x5b: {  	_ =	shalt  }
0x5c: {  	_ =	shalt  }
0x5d: {  	_ =	shalt  }
0x5e: {  	_ =	shalt  }
0x5f: {  	_ =	shalt  }
0x60: {  	_ =	shalt  }
0x61: {  	_ =	shalt  }
0x62: {  	_ =	shalt  }
0x63: {  	_ =	shalt  }
0x64: {  	_ =	shalt  }
0x65: {  	_ =	shalt  }
0x66: {  	_ =	shalt  }
0x67: {  	_ =	shalt  }
0x68: {  	_ =	shalt  }
0x69: {  	_ =	shalt  }
0x6a: {  	_ =	shalt  }
0x6b: {  	_ =	shalt  }
0x6c: {  	_ =	shalt  }
0x6d: {  	_ =	shalt  }
0x6e: {  	_ =	shalt  }
0x6f: {  	_ =	shalt  }
0x70: {  	_ =	shalt  }
0x71: {  	_ =	shalt  }
0x72: {  	_ =	shalt  }
0x73: {  	_ =	shalt  }
0x74: {  	_ =	shalt  }
0x75: {  	_ =	shalt  }
0x76: {  	_ =	shalt  }
0x77: {  	_ =	shalt  }
0x78: {  	_ =	shalt  }
0x79: {  	_ =	shalt  }
0x7a: {  	_ =	shalt  }
0x7b: {  	_ =	shalt  }
0x7c: {  	_ =	shalt  }
0x7d: {  	_ =	shalt  }
0x7e: {  	_ =	shalt  }
0x7f: {  	_ =	shalt  }
0x80: {  	_ =	shalt  }
0x81: {  	_ =	shalt  }
0x82: {  	_ =	shalt  }
0x83: {  	_ =	shalt  }
0x84: {  	_ =	shalt  }
0x85: {  	_ =	shalt  }
0x86: {  	_ =	shalt  }
0x87: {  	_ =	shalt  }
.Lfunc_end0:
.L_simem_size_0:
called_computation.1_lowered:
.L_overlay_start_0:
0x88: {  	s2 =	sld [smem:$0x3FD9]  }
0x89: {  	s3 =	sld [smem:$0x3FFE];
	_ =	sdelay $0x1  }
0x8a: {  	s1 =	srdreg.scid  }
0x8b: {  	s0 =	sand.u32 $0x1, s1  }
0x8c: {  	s17 =	sshll.u32 s0, $0xA;
	s2 =	sadd.s32 s3, s2  }
0x8d: {  	s2 =	sadd.s32 s2, s17  }
0x8e: {  	[smem:$0x3FC2] =	sst s2  }
0x8f: {  	_ = 	snop  }
0x90: {  	s2 =	sld [smem:$0x3FC9]  }
0x91: {  	s18 =	sld [smem:$0x3FC8]  }
0x92: {  	s4 =	sld [smem:$0x3FD0];
	(tm) =	ssettm $0x1  }
0x93: {  	s5 =	sld [smem:$0x3FFB];
	_ =	sdelay $0x3  }
0x94: {  	_ =	strace s5  }
0x95: {  	s5 =	sld [smem:$0x3FFC];
	_ =	sdelay $0x3  }
0x96: {  	_ =	strace s5  }
0x97: {  	s5 =	sld [smem:$0x3FFD];
	_ =	sdelay $0x3  }
0x98: {  	_ =	strace s5  }
0x99: {  	_ =	strace $0x8FFFFFFF  }
0x9a: {  	s19 =	sld [smem:$0x3FDB];
	_ =	sdelay $0x1  }
0x9b: {  	s6 =	simm.s32 $_scs_section_size  }
0x9c: {  	s7 =	simm.s32 $_size__tile_overlayer_lowered;
	s8 =	simm.s32 $_tile_overlayer_lowered  }
0x9d: {  	s22 =	simm.s32 $0x1BFF;
	s21 =	sshll.u32 s8, $0x1;
	s5 =	sadd.s32 s6, s19  }
0x9e: {  	s9 =	simm.s32 $0x0;
	s20 =	sshll.u32 s7, $0x1;
	s7 =	sadd.s32 s21, s5  }
0x9f: {  	[timem:s9], [sflag:s22] =	dma.local [hbm:s7], s20  }
0xa0: {  	_ =	swait.ge [sflag:s22], s20  }
0xa1: {  	s6 =	ssub.s32 $0x0, s20;
	[sflag:s22] =	ssyncset.done $0x0  }
0xa2: {  	[sflag:s22] =	ssyncadd.s32 s6;
	_ =	sdelay $0x1  }
0xa3: {  	s23 =	simm.s32 $0x1B8B  }
0xa4: {  	_ =	swait.ge [sflag:s23], $0x1  }
0xa5: {  	[sflag:s23] =	ssyncset.done $0x0  }
0xa6: {  	s25 =	simm.s32 $0x1B8E;
	s24 =	sld [smem:$0x3FFE];
	[sflag:s23] =	ssyncadd.s32 $0xFFFFFFFF  }
0xa7: {  	s26 =	simm.s32 $execute0_lowered;
	[smem:$0x3FD2] =	sst s25  }
0xa8: {  	s7 =	sshll.u32 s26, $0x1;
	_ =	strace $0x80000049;
	[dreg:$0x1] =	wrdreg $0xFFFFFFFF  }
0xa9: {  	s28 =	simm.s32 $_size_execute0_lowered;
	s5 =	sadd.s32 s5, s7;
	[dreg:$0x0] =	wrdreg $0x0  }
0xaa: {  	s7 =	sshll.u32 s28, $0x1;
	[dreg:$0x2] =	wrdreg s5  }
0xab: {  	[dreg:$0x3] =	wrdreg s7  }
0xac: {  	[dreg:$0x4] =	wrdreg $0xC0  }
0xad: {  	_ =	task [dreg:s9], $0x5FFFF  }
0xae: {  	[dreg:$0x1] =	wrdreg $0xFFFFFFFF  }
0xaf: {  	[dreg:$0x0] =	wrdreg $0x60  }
0xb0: {  	[dreg:$0x2] =	wrdreg s24  }
0xb1: {  	[dreg:$0x3] =	wrdreg s2  }
0xb2: {  	[dreg:$0x4] =	wrdreg s18  }
0xb3: {  	[dreg:$0x5] =	wrdreg s4  }
0xb4: {  	[dreg:$0x6] =	wrdreg $0x9  }
0xb5: {  	_ =	task.clear_ibuf [dreg:s9], $0x7FFFF;
	_ =	strace $0x90000049  }
0xb6: {  	s29 =	simm.s32 $0x9;
	_ =	strace $0x8000004B  }
0xb7: {  	_ =	swait.ge [sflag:s29], $0x1  }
0xb8: {  	[sflag:s29] =	ssyncadd.s32 $0xFFFFFFFF  }
0xb9: {  	_ =	strace $0x9000004B  }
0xba: {  	_ =	sfence  }
0xbb: {  	s30 =	sld [smem:$0x0];
	_ =	sdelay $0x2  }
0xbc: {  	s31 =	sshll.u32 s1, $0xD;
	s1 =	sshrl.u32 s1, $0x2  }
0xbd: {  	s3 =	sand.u32 $0x4000, s31;
	s1 =	sadd.s32 s1, s30  }
0xbe: {  	s0 =	sor.u32 s3, s0;
	s1 =	sshll.u32 s1, $0x11  }
0xbf: {  	s0 =	sor.u32 s1, s0  }
0xc0: {  	s0 =	sadd.s32 $0x8F2B, s0  }
0xc1: {  	[sflag:s0] =	ssyncadd.remote.s32 $0x1  }
0xc2: {  	_ =	sfence.sel $0xFFFF  }
0xc3: {  	[dreg:$0x0] =	wrdreg $0xFFFFFFFF;
	(pc) =	sbr.abs _section_cstart, $3  }
0xc4: {  	[dreg:$0x1] =	wrdreg $0xFFFFFFFF  }
0xc5: {  	_ =	task.clear_ibuf [dreg:s9], $0x2FFFF;
	_ =	strace $0x9FFFFFFF  }
0xc6: {  	(tm) =	ssettm $0x7FFFFFFF  }
0xc7: {  	_ =	shalt  }
tec
execute0_lowered:
.L_overlay_start_1:
0x0: {  	(tag) =	ssettag $0x1  }
0x1: {  	s0 =	rddreg [dreg:$0x0]  }
0x2: {  	s4 =	rddreg [dreg:$0x1]  }
0x3: {  	s10 =	rddreg [dreg:$0x2]  }
0x4: {  	s11 =	rddreg [dreg:$0x3];
	s1 =	simm.s32 $0x0  }
0x5: {  	s7 =	srdreg.scid;
	s13 =	stileid.u32;
	s15 =	simm.s32 $0x10800  }
0x6: {  	s16 =	simm.s32 $0x11000;
	s29 =	simm.s32 $0xC000;
	s30 =	simm.s32 $0x8000  }
0x7: {  	s31 =	simm.s32 $0x10000;
	s17 =	simm.s32 $0x8200;
	s18 =	simm.s32 $0x10200  }
0x8: {  	s19 =	simm.s32 $0x1;
	s20 =	simm.s32 $0x2;
	s21 =	simm.s32 $0x3  }
0x9: {  	s22 =	simm.s32 $0x11800;
	s23 =	simm.s32 $0x5;
	s24 =	simm.s32 $0x0  }
0xa: {  	[smem:$0x7FF] =	sst s1;
	s2 =	sadd.s32 $0x600, s0;
	s3 =	sadd.s32 $0x3D1200, s0  }
0xb: {  	s5 =	sadd.s32 $0x7A2200, s0;
	s6 =	sadd.s32 $0x7C0C00, s0;
	s8 =	sand.u32 $0x1, s7  }
0xc: {  	s7 =	sadd.s32 $0x7A1E00, s0;
	s13 =	sshll.u32 s13, $0x7;
	_ =	strace $0x8000004A  }
.Ltmp0:
0xd: {  	s9 =	ssub.s32 $0x2, s8;
	s14 =	sshll.u32 s8, $0x6;
	(pc) =	sbr.rel .LBB2_1-.Ltmp0, $4  }
0xe: {  	s8 =	sadd.s32 $0x7A2000, s0;
	s0 =	simm.s32 $0x4200;
	s12 =	sshrl.u32 s9, $0x1  }
0xf: {  	s28 =	sor.u32 s14, s13;
	s13 =	simm.s32 $0x4;
	s14 =	simm.s32 $0x200  }
0x10: {  	s26 =	ssub.s32 s9, s12;
	s9 =	sadd.s32 s4, s28;
	s10 =	sadd.s32 s10, s28  }
0x11: {  	v0 =	vimm.s32 $0x0;
	s11 =	sadd.s32 s11, s28;
	s4 =	simm.s32 $0xC200;
	s12 =	smax.u32 s26, $0x1  }
.LBB2_7:
0x12: {  	s24 =	sadd.s32 $0x1, s24  }
0x13: {  	p0 =	sne.s32 s24, s12  }
.Ltmp1:
0x14: {  	_ = 	snop;
	(pc) =	sbr.rel @!p0 .LBB2_8-.Ltmp1, $4  }
0x15: {  	[hbm4b:s11+s1] =	stream.linear.scatter [tilespmem:s22], [sflag:$0x5], $0x200, $0x38;
	[tilespmem:$0x11A00] =	vst v63  }
0x16: {  	_ =	swait.ge [sflag:s23], $0x200  }
0x17: {  	[sflag:s23] =	ssyncset.done $0x0  }
0x18: {  	[sflag:s23] =	ssyncadd.s32 $0xFFFFFE00  }
.LBB2_1:
0x19: {  	[tilespmem:s1], [sflag:$0x4] =	stream.linear.gather [hbm4b:s9+s1], $0x200, $0x38;
	[tilespmem:$0x11A00] =	vst v63  }
0x1a: {  	_ =	swait.ge [sflag:s13], $0x200  }
0x1b: {  	[sflag:s13] =	ssyncset.done $0x0  }
0x1c: {  	[sflag:s13] =	ssyncadd.s32 $0xFFFFFE00  }
0x1d: {  	[tilespmem:s14], [sflag:$0x4] =	stream.linear.gather [hbm4b:s10+s1], $0x200, $0x38;
	[tilespmem:$0x11A00] =	vst v63  }
0x1e: {  	_ =	swait.ge [sflag:s13], $0x200  }
0x1f: {  	[sflag:s13] =	ssyncset.done $0x0  }
0x20: {  	[sflag:s13] =	ssyncadd.s32 $0xFFFFFE00  }
0x21: {  	[tilespmem:s15], [sflag:$0x4] =	stream.linear.gather [hbm4b:s7+s1], $0x800, $0x38;
	[tilespmem:$0x11A00] =	vst v63  }
0x22: {  	_ =	swait.ge [sflag:s13], $0x800  }
0x23: {  	[sflag:s13] =	ssyncset.done $0x0  }
0x24: {  	[sflag:s13] =	ssyncadd.s32 $0xFFFFF800  }
0x25: {  	[tilespmem:s16], [sflag:$0x4] =	stream.linear.gather [hbm4b:s8+s1], $0x800, $0x38;
	[tilespmem:$0x11A00] =	vst v63  }
0x26: {  	_ =	swait.ge [sflag:s13], $0x800  }
0x27: {  	[sflag:s13] =	ssyncset.done $0x0  }
0x28: {  	s25 =	simm.s32 $0x10400;
	[sflag:s13] =	ssyncadd.s32 $0xFFFFF800  }
0x29: {  	[tilespmem:s25], [sflag:$0x3] =	stream.indirect.gather [hbm4b:s5+s14], $0x1, s1, s14, $0xb8;
	[tilespmem:$0x11A00] =	vst v63  }
0x2a: {  	s26 =	simm.s32 $0x10600;
	s25 =	simm.s32 $0x0  }
0x2b: {  	[tilespmem:s26], [sflag:$0x3] =	stream.indirect.gather [hbm4b:s6+s14], $0x1, s14, s14, $0xb8;
	[tilespmem:$0x11A00] =	vst v63  }
0x2c: {  	v1 =	vld [tilespmem:s25+$0x200]  }
0x2d: {  	v2 =	vld [tilespmem:s25+$0x0];
	_ =	sdelay $0x3  }
0x2e: {  	vm0 =	vlt.s32 v1, $0xF41FF  }
0x2f: {  	vm1 =	vlt.s32 v2, $0xF41FF;
	v1 =	vnsel vm0, $0xF41FF, v1  }
0x30: {  	v2 =	vnsel vm1, $0xF41FF, v2;
	v3 =	vshll.u32 v1, $0x5  }
0x31: {  	v4 =	vshll.u32 v2, $0x5;
	v1 =	vand.u32 $0x7F, v1;
	v3 =	vand.u32 $0xFFFFF000, v3  }
0x32: {  	v2 =	vand.u32 $0x7F, v2;
	v4 =	vand.u32 $0xFFFFF000, v4;
	v3 =	vor.u32 v1, v3  }
0x33: {  	v1 =	vor.u32 v2, v4;
	[tilespmem:s25+$0x4400] =	vst v3;
	v2 =	vor.u32 $0xF80, v3  }
0x34: {  	v4 =	vor.u32 $0x80, v1;
	[tilespmem:s25+$0x8200] =	vst v2  }
0x35: {  	v11 =	vor.u32 $0xD00, v1;
	[tilespmem:s25+$0x600] =	vst v4  }
0x36: {  	v12 =	vor.u32 $0xD00, v3;
	[tilespmem:s25+$0x3800] =	vst v11  }
0x37: {  	v2 =	vor.u32 $0x80, v3;
	[tilespmem:s25+$0x7800] =	vst v12  }
0x38: {  	v4 =	vor.u32 $0x100, v1;
	[tilespmem:s25+$0x4600] =	vst v2  }
0x39: {  	v2 =	vor.u32 $0x100, v3;
	[tilespmem:s25+$0x800] =	vst v4  }
0x3a: {  	v4 =	vor.u32 $0x180, v1;
	[tilespmem:s25+$0x4800] =	vst v2  }
0x3b: {  	v2 =	vor.u32 $0x180, v3;
	[tilespmem:s25+$0xA00] =	vst v4  }
0x3c: {  	v4 =	vor.u32 $0x200, v1;
	[tilespmem:s25+$0x4A00] =	vst v2  }
0x3d: {  	v2 =	vor.u32 $0x200, v3;
	[tilespmem:s25+$0xC00] =	vst v4  }
0x3e: {  	v4 =	vor.u32 $0x280, v1;
	[tilespmem:s25+$0x4C00] =	vst v2  }
0x3f: {  	v2 =	vor.u32 $0x280, v3;
	[tilespmem:s25+$0xE00] =	vst v4  }
0x40: {  	v4 =	vor.u32 $0x300, v1;
	[tilespmem:s25+$0x4E00] =	vst v2  }
0x41: {  	v2 =	vor.u32 $0x300, v3;
	[tilespmem:s25+$0x1000] =	vst v4  }
0x42: {  	v4 =	vor.u32 $0x380, v1;
	[tilespmem:s25+$0x5000] =	vst v2  }
0x43: {  	v2 =	vor.u32 $0x380, v3;
	[tilespmem:s25+$0x1200] =	vst v4  }
0x44: {  	v4 =	vor.u32 $0x400, v1;
	[tilespmem:s25+$0x5200] =	vst v2  }
0x45: {  	v2 =	vor.u32 $0x400, v3;
	[tilespmem:s25+$0x1400] =	vst v4  }
0x46: {  	v4 =	vor.u32 $0x480, v1;
	[tilespmem:s25+$0x5400] =	vst v2  }
0x47: {  	v2 =	vor.u32 $0x480, v3;
	[tilespmem:s25+$0x1600] =	vst v4  }
0x48: {  	v4 =	vor.u32 $0x500, v1;
	[tilespmem:s25+$0x5600] =	vst v2  }
0x49: {  	v2 =	vor.u32 $0x500, v3;
	[tilespmem:s25+$0x1800] =	vst v4  }
0x4a: {  	v4 =	vor.u32 $0x580, v1;
	[tilespmem:s25+$0x5800] =	vst v2  }
0x4b: {  	v2 =	vor.u32 $0x580, v3;
	[tilespmem:s25+$0x1A00] =	vst v4  }
0x4c: {  	v4 =	vor.u32 $0x600, v1;
	[tilespmem:s25+$0x5A00] =	vst v2  }
0x4d: {  	v2 =	vor.u32 $0x600, v3;
	[tilespmem:s25+$0x1C00] =	vst v4  }
0x4e: {  	v4 =	vor.u32 $0x680, v1;
	[tilespmem:s25+$0x5C00] =	vst v2  }
0x4f: {  	v2 =	vor.u32 $0x680, v3;
	[tilespmem:s25+$0x1E00] =	vst v4  }
0x50: {  	v4 =	vor.u32 $0x700, v1;
	[tilespmem:s25+$0x5E00] =	vst v2  }
0x51: {  	v2 =	vor.u32 $0x700, v3;
	[tilespmem:s25+$0x2000] =	vst v4  }
0x52: {  	v4 =	vor.u32 $0x780, v1;
	[tilespmem:s25+$0x6000] =	vst v2  }
0x53: {  	v2 =	vor.u32 $0x780, v3;
	[tilespmem:s25+$0x2200] =	vst v4  }
0x54: {  	v4 =	vor.u32 $0x800, v1;
	[tilespmem:s25+$0x6200] =	vst v2  }
0x55: {  	v2 =	vor.u32 $0x800, v3;
	[tilespmem:s25+$0x2400] =	vst v4  }
0x56: {  	v4 =	vor.u32 $0x880, v1;
	[tilespmem:s25+$0x6400] =	vst v2  }
0x57: {  	v2 =	vor.u32 $0x880, v3;
	[tilespmem:s25+$0x2600] =	vst v4  }
0x58: {  	v4 =	vor.u32 $0x900, v1;
	[tilespmem:s25+$0x6600] =	vst v2  }
0x59: {  	v2 =	vor.u32 $0x900, v3;
	[tilespmem:s25+$0x2800] =	vst v4  }
0x5a: {  	v4 =	vor.u32 $0x980, v1;
	[tilespmem:s25+$0x6800] =	vst v2  }
0x5b: {  	v2 =	vor.u32 $0x980, v3;
	[tilespmem:s25+$0x2A00] =	vst v4  }
0x5c: {  	v4 =	vor.u32 $0xA00, v1;
	[tilespmem:s25+$0x6A00] =	vst v2  }
0x5d: {  	v2 =	vor.u32 $0xA00, v3;
	[tilespmem:s25+$0x2C00] =	vst v4  }
0x5e: {  	v4 =	vor.u32 $0xA80, v1;
	[tilespmem:s25+$0x6C00] =	vst v2  }
0x5f: {  	v2 =	vor.u32 $0xA80, v3;
	[tilespmem:s25+$0x2E00] =	vst v4  }
0x60: {  	v4 =	vor.u32 $0xB00, v1;
	[tilespmem:s25+$0x6E00] =	vst v2  }
0x61: {  	v2 =	vor.u32 $0xB00, v3;
	[tilespmem:s25+$0x3000] =	vst v4  }
0x62: {  	v4 =	vor.u32 $0xB80, v1;
	[tilespmem:s25+$0x7000] =	vst v2  }
0x63: {  	v2 =	vor.u32 $0xB80, v3;
	[tilespmem:s25+$0x3200] =	vst v4  }
0x64: {  	v4 =	vor.u32 $0xC00, v1;
	[tilespmem:s25+$0x7200] =	vst v2  }
0x65: {  	v10 =	vor.u32 $0xD80, v1;
	v7 =	vor.u32 $0xD80, v3;
	v2 =	vor.u32 $0xC00, v3;
	[tilespmem:s25+$0x3400] =	vst v4  }
0x66: {  	v6 =	vor.u32 $0xE00, v1;
	v9 =	vor.u32 $0xE00, v3;
	v4 =	vor.u32 $0xC80, v1;
	[tilespmem:s25+$0x7400] =	vst v2  }
0x67: {  	v8 =	vor.u32 $0xE80, v1;
	v5 =	vor.u32 $0xE80, v3;
	v2 =	vor.u32 $0xC80, v3;
	[tilespmem:s25+$0x3600] =	vst v4  }
0x68: {  	s28 =	simm.s32 $0x10;
	s26 =	simm.s32 $0x80;
	v4 =	vor.u32 $0xF00, v1;
	v3 =	vor.u32 $0xF00, v3;
	[tilespmem:s25+$0x7600] =	vst v2;
	v2 =	vor.u32 $0xF80, v1  }
.LBB2_2:
0x69: {  	p0 =	sne.s32 s26, $0x7C0;
	v11 =	vld [tilespmem:s28+$0x200];
	[tilespmem:s25+$0x3A00] =	vst v10  }
0x6a: {  	v10 =	vld [tilespmem:s28+$0x0];
	[tilespmem:s25+$0x7A00] =	vst v7  }
0x6b: {  	[tilespmem:s25+$0x3C00] =	vst v6  }
0x6c: {  	[tilespmem:s25+$0x7C00] =	vst v9  }
0x6d: {  	[tilespmem:s25+$0x3E00] =	vst v8  }
0x6e: {  	vm0 =	vlt.s32 v11, $0xF41FF;
	[tilespmem:s25+$0x7E00] =	vst v5  }
0x6f: {  	vm1 =	vlt.s32 v10, $0xF41FF;
	v5 =	vnsel vm0, $0xF41FF, v11;
	[tilespmem:s25+$0x4000] =	vst v4  }
0x70: {  	v4 =	vnsel vm1, $0xF41FF, v10;
	v6 =	vshll.u32 v5, $0x5;
	[tilespmem:s25+$0x8000] =	vst v3  }
0x71: {  	v5 =	vand.u32 $0x7F, v5;
	v3 =	vshll.u32 v4, $0x5;
	v6 =	vand.u32 $0xFFFFF000, v6;
	[tilespmem:s25+$0x4200] =	vst v2  }
0x72: {  	v2 =	vand.u32 $0xFFFFF000, v3;
	v3 =	vand.u32 $0x7F, v4;
	v11 =	vor.u32 v5, v6;
	[tilespmem:s25+$0x400] =	vst v1;
	s25 =	smov.u32 s28  }
0x73: {  	v1 =	vor.u32 v3, v2;
	[tilespmem:s25+$0x4400] =	vst v11;
	v2 =	vor.u32 $0x80, v11;
	v3 =	vor.u32 $0xF80, v11  }
0x74: {  	v6 =	vor.u32 $0x100, v11;
	v4 =	vor.u32 $0x80, v1;
	v5 =	vor.u32 $0x100, v1;
	[tilespmem:s25+$0x8200] =	vst v3  }
0x75: {  	v3 =	vor.u32 $0x180, v1;
	v7 =	vor.u32 $0x200, v1;
	[tilespmem:s25+$0x600] =	vst v4;
	v4 =	vor.u32 $0x180, v11  }
0x76: {  	v9 =	vor.u32 $0x280, v11;
	v8 =	vor.u32 $0x280, v1;
	[tilespmem:s25+$0x4600] =	vst v2;
	v2 =	vor.u32 $0x200, v11  }
0x77: {  	v10 =	vor.u32 $0x300, v11;
	v12 =	vor.u32 $0x380, v1;
	[tilespmem:s25+$0x800] =	vst v5;
	v5 =	vor.u32 $0x300, v1  }
0x78: {  	v14 =	vor.u32 $0x400, v11;
	v13 =	vor.u32 $0x400, v1;
	[tilespmem:s25+$0x4800] =	vst v6;
	v6 =	vor.u32 $0x380, v11  }
0x79: {  	v15 =	vor.u32 $0x480, v11;
	v16 =	vor.u32 $0x500, v1;
	[tilespmem:s25+$0xA00] =	vst v3;
	v3 =	vor.u32 $0x480, v1  }
0x7a: {  	v17 =	vor.u32 $0x500, v11;
	v19 =	vor.u32 $0x580, v11;
	v18 =	vor.u32 $0x580, v1;
	[tilespmem:s25+$0x4A00] =	vst v4  }
0x7b: {  	v21 =	vor.u32 $0x600, v11;
	v20 =	vor.u32 $0x600, v1;
	v22 =	vor.u32 $0x680, v1;
	[tilespmem:s25+$0xC00] =	vst v7  }
0x7c: {  	v23 =	vor.u32 $0x680, v11;
	v25 =	vor.u32 $0x700, v11;
	v24 =	vor.u32 $0x700, v1;
	[tilespmem:s25+$0x4C00] =	vst v2  }
0x7d: {  	v27 =	vor.u32 $0x780, v11;
	v26 =	vor.u32 $0x780, v1;
	v28 =	vor.u32 $0x800, v1;
	[tilespmem:s25+$0xE00] =	vst v8  }
0x7e: {  	v29 =	vor.u32 $0x800, v11;
	v31 =	vor.u32 $0x880, v11;
	v30 =	vor.u32 $0x880, v1;
	[tilespmem:s25+$0x4E00] =	vst v9  }
0x7f: {  	v33 =	vor.u32 $0x900, v11;
	v32 =	vor.u32 $0x900, v1;
	v34 =	vor.u32 $0x980, v1;
	[tilespmem:s25+$0x1000] =	vst v5  }
0x80: {  	v35 =	vor.u32 $0x980, v11;
	v37 =	vor.u32 $0xA00, v11;
	v36 =	vor.u32 $0xA00, v1;
	[tilespmem:s25+$0x5000] =	vst v10  }
0x81: {  	v38 =	vor.u32 $0xA80, v11;
	v39 =	vor.u32 $0xB00, v1;
	[tilespmem:s25+$0x1200] =	vst v12;
	v12 =	vor.u32 $0xA80, v1  }
0x82: {  	v40 =	vor.u32 $0xB00, v11;
	v42 =	vor.u32 $0xB80, v11;
	v41 =	vor.u32 $0xB80, v1;
	[tilespmem:s25+$0x5200] =	vst v6  }
0x83: {  	v43 =	vor.u32 $0xC00, v11;
	v44 =	vor.u32 $0xC80, v1;
	[tilespmem:s25+$0x1400] =	vst v13;
	v13 =	vor.u32 $0xC00, v1  }
0x84: {  	v46 =	vor.u32 $0xD00, v11;
	v45 =	vor.u32 $0xD00, v1;
	[tilespmem:s25+$0x5400] =	vst v14;
	v14 =	vor.u32 $0xC80, v11  }
0x85: {  	v7 =	vor.u32 $0xD80, v11;
	v10 =	vor.u32 $0xD80, v1;
	v6 =	vor.u32 $0xE00, v1;
	[tilespmem:s25+$0x1600] =	vst v3  }
0x86: {  	v8 =	vor.u32 $0xE80, v1;
	v9 =	vor.u32 $0xE00, v11;
	v5 =	vor.u32 $0xE80, v11;
	[tilespmem:s25+$0x5600] =	vst v15  }
0x87: {  	v4 =	vor.u32 $0xF00, v1;
	v2 =	vor.u32 $0xF80, v1;
	v3 =	vor.u32 $0xF00, v11;
	[tilespmem:s25+$0x1800] =	vst v16  }
0x88: {  	[tilespmem:s25+$0x5800] =	vst v17  }
0x89: {  	[tilespmem:s25+$0x1A00] =	vst v18  }
0x8a: {  	[tilespmem:s25+$0x5A00] =	vst v19  }
0x8b: {  	[tilespmem:s25+$0x1C00] =	vst v20  }
0x8c: {  	[tilespmem:s25+$0x5C00] =	vst v21  }
0x8d: {  	[tilespmem:s25+$0x1E00] =	vst v22  }
0x8e: {  	[tilespmem:s25+$0x5E00] =	vst v23  }
0x8f: {  	[tilespmem:s25+$0x2000] =	vst v24  }
0x90: {  	[tilespmem:s25+$0x6000] =	vst v25  }
0x91: {  	[tilespmem:s25+$0x2200] =	vst v26  }
0x92: {  	[tilespmem:s25+$0x6200] =	vst v27  }
0x93: {  	[tilespmem:s25+$0x2400] =	vst v28  }
0x94: {  	[tilespmem:s25+$0x6400] =	vst v29  }
0x95: {  	[tilespmem:s25+$0x2600] =	vst v30  }
0x96: {  	[tilespmem:s25+$0x6600] =	vst v31  }
0x97: {  	[tilespmem:s25+$0x2800] =	vst v32  }
0x98: {  	[tilespmem:s25+$0x6800] =	vst v33  }
0x99: {  	[tilespmem:s25+$0x2A00] =	vst v34  }
0x9a: {  	[tilespmem:s25+$0x6A00] =	vst v35  }
0x9b: {  	[tilespmem:s25+$0x2C00] =	vst v36  }
0x9c: {  	[tilespmem:s25+$0x6C00] =	vst v37  }
0x9d: {  	[tilespmem:s25+$0x2E00] =	vst v12  }
0x9e: {  	[tilespmem:s25+$0x6E00] =	vst v38  }
0x9f: {  	[tilespmem:s25+$0x3000] =	vst v39  }
0xa0: {  	[tilespmem:s25+$0x7000] =	vst v40  }
0xa1: {  	[tilespmem:s25+$0x3200] =	vst v41  }
0xa2: {  	[tilespmem:s25+$0x7200] =	vst v42  }
0xa3: {  	[tilespmem:s25+$0x3400] =	vst v13  }
.Ltmp2:
0xa4: {  	[tilespmem:s25+$0x7400] =	vst v43;
	(pc) =	sbr.rel @p0 .LBB2_2-.Ltmp2, $4  }
0xa5: {  	[tilespmem:s25+$0x3600] =	vst v44  }
0xa6: {  	[tilespmem:s25+$0x7600] =	vst v14  }
0xa7: {  	[tilespmem:s25+$0x3800] =	vst v45  }
0xa8: {  	s28 =	sshra.s32 s26, $0x2;
	s26 =	sadd.s32 $0x40, s26;
	[tilespmem:s25+$0x7800] =	vst v46  }
0xa9: {  	v11 =	vld [tilespmem:s28+$0x200];
	[tilespmem:s25+$0x3A00] =	vst v10  }
0xaa: {  	v10 =	vld [tilespmem:s28+$0x0];
	[tilespmem:s25+$0x7A00] =	vst v7  }
0xab: {  	[tilespmem:s25+$0x3C00] =	vst v6  }
0xac: {  	[tilespmem:s25+$0x7C00] =	vst v9  }
0xad: {  	[tilespmem:s25+$0x3E00] =	vst v8  }
0xae: {  	[tilespmem:s25+$0x7E00] =	vst v5;
	vm0 =	vlt.s32 v11, $0xF41FF  }
0xaf: {  	[tilespmem:s25+$0x4000] =	vst v4;
	vm1 =	vlt.s32 v10, $0xF41FF;
	v31 =	vnsel vm0, $0xF41FF, v11  }
0xb0: {  	[tilespmem:s25+$0x8000] =	vst v3;
	v32 =	vnsel vm1, $0xF41FF, v10;
	v33 =	vshll.u32 v31, $0x5  }
0xb1: {  	[tilespmem:s25+$0x4200] =	vst v2;
	v5 =	vand.u32 $0x7F, v31;
	v3 =	vshll.u32 v32, $0x5;
	v6 =	vand.u32 $0xFFFFF000, v33  }
0xb2: {  	[tilespmem:s25+$0x400] =	vst v1;
	v2 =	vand.u32 $0x7F, v32;
	v1 =	vand.u32 $0xFFFFF000, v3;
	v3 =	vor.u32 v5, v6  }
0xb3: {  	v1 =	vor.u32 v2, v1;
	[tilespmem:s28+$0x4400] =	vst v3;
	v2 =	vor.u32 $0xF80, v3  }
0xb4: {  	[tilespmem:s28+$0x8200] =	vst v2  }
0xb5: {  	v34 =	vor.u32 $0x80, v1;
	[tilespmem:s28+$0x400] =	vst v1  }
0xb6: {  	v2 =	vor.u32 $0x80, v3;
	[tilespmem:s28+$0x600] =	vst v34  }
0xb7: {  	v35 =	vor.u32 $0x100, v1;
	[tilespmem:s28+$0x4600] =	vst v2  }
0xb8: {  	v36 =	vor.u32 $0x180, v1;
	[tilespmem:s28+$0x800] =	vst v35  }
0xb9: {  	v37 =	vor.u32 $0x200, v1;
	[tilespmem:s28+$0xA00] =	vst v36  }
0xba: {  	v38 =	vor.u32 $0x280, v1;
	[tilespmem:s28+$0xC00] =	vst v37  }
0xbb: {  	v39 =	vor.u32 $0x300, v1;
	[tilespmem:s28+$0xE00] =	vst v38  }
0xbc: {  	v40 =	vor.u32 $0x380, v1;
	[tilespmem:s28+$0x1000] =	vst v39  }
0xbd: {  	v41 =	vor.u32 $0x400, v1;
	[tilespmem:s28+$0x1200] =	vst v40  }
0xbe: {  	v42 =	vor.u32 $0x480, v1;
	[tilespmem:s28+$0x1400] =	vst v41  }
0xbf: {  	v43 =	vor.u32 $0x500, v1;
	[tilespmem:s28+$0x1600] =	vst v42  }
0xc0: {  	v44 =	vor.u32 $0x580, v1;
	[tilespmem:s28+$0x1800] =	vst v43  }
0xc1: {  	v45 =	vor.u32 $0x600, v1;
	[tilespmem:s28+$0x1A00] =	vst v44  }
0xc2: {  	v46 =	vor.u32 $0x680, v1;
	[tilespmem:s28+$0x1C00] =	vst v45  }
0xc3: {  	v47 =	vor.u32 $0x700, v1;
	[tilespmem:s28+$0x1E00] =	vst v46  }
0xc4: {  	v48 =	vor.u32 $0x780, v1;
	[tilespmem:s28+$0x2000] =	vst v47  }
0xc5: {  	v49 =	vor.u32 $0x800, v1;
	[tilespmem:s28+$0x2200] =	vst v48  }
0xc6: {  	v50 =	vor.u32 $0x880, v1;
	[tilespmem:s28+$0x2400] =	vst v49  }
0xc7: {  	v51 =	vor.u32 $0x900, v1;
	[tilespmem:s28+$0x2600] =	vst v50  }
0xc8: {  	v52 =	vor.u32 $0x980, v1;
	[tilespmem:s28+$0x2800] =	vst v51  }
0xc9: {  	v53 =	vor.u32 $0xA00, v1;
	[tilespmem:s28+$0x2A00] =	vst v52  }
0xca: {  	v54 =	vor.u32 $0xA80, v1;
	[tilespmem:s28+$0x2C00] =	vst v53  }
0xcb: {  	v55 =	vor.u32 $0xB00, v1;
	[tilespmem:s28+$0x2E00] =	vst v54  }
0xcc: {  	v56 =	vor.u32 $0xB80, v1;
	[tilespmem:s28+$0x3000] =	vst v55  }
0xcd: {  	v57 =	vor.u32 $0xC00, v1;
	[tilespmem:s28+$0x3200] =	vst v56  }
0xce: {  	v58 =	vor.u32 $0xC80, v1;
	[tilespmem:s28+$0x3400] =	vst v57  }
0xcf: {  	v59 =	vor.u32 $0xD00, v1;
	[tilespmem:s28+$0x3600] =	vst v58  }
0xd0: {  	v60 =	vor.u32 $0xD80, v1;
	[tilespmem:s28+$0x3800] =	vst v59  }
0xd1: {  	v61 =	vor.u32 $0xE00, v1;
	[tilespmem:s28+$0x3A00] =	vst v60  }
0xd2: {  	v62 =	vor.u32 $0xE80, v1;
	[tilespmem:s28+$0x3C00] =	vst v61  }
0xd3: {  	v63 =	vor.u32 $0xF00, v1;
	[tilespmem:s28+$0x3E00] =	vst v62  }
0xd4: {  	v2 =	vor.u32 $0x100, v3;
	[tilespmem:s28+$0x4000] =	vst v63  }
0xd5: {  	[tilespmem:s28+$0x4800] =	vst v2;
	v2 =	vor.u32 $0x180, v3  }
0xd6: {  	[tilespmem:s28+$0x4A00] =	vst v2;
	v2 =	vor.u32 $0x200, v3  }
0xd7: {  	[tilespmem:s28+$0x4C00] =	vst v2;
	v2 =	vor.u32 $0x280, v3  }
0xd8: {  	[tilespmem:s28+$0x4E00] =	vst v2;
	v2 =	vor.u32 $0x300, v3  }
0xd9: {  	[tilespmem:s28+$0x5000] =	vst v2;
	v2 =	vor.u32 $0x380, v3  }
0xda: {  	[tilespmem:s28+$0x5200] =	vst v2;
	v2 =	vor.u32 $0x400, v3  }
0xdb: {  	[tilespmem:s28+$0x5400] =	vst v2;
	v2 =	vor.u32 $0x480, v3  }
0xdc: {  	[tilespmem:s28+$0x5600] =	vst v2;
	v2 =	vor.u32 $0x500, v3  }
0xdd: {  	[tilespmem:s28+$0x5800] =	vst v2;
	v2 =	vor.u32 $0x580, v3  }
0xde: {  	[tilespmem:s28+$0x5A00] =	vst v2;
	v2 =	vor.u32 $0x600, v3  }
0xdf: {  	[tilespmem:s28+$0x5C00] =	vst v2;
	v2 =	vor.u32 $0x680, v3  }
0xe0: {  	[tilespmem:s28+$0x5E00] =	vst v2;
	v2 =	vor.u32 $0x700, v3  }
0xe1: {  	[tilespmem:s28+$0x6000] =	vst v2;
	v2 =	vor.u32 $0x780, v3  }
0xe2: {  	[tilespmem:s28+$0x6200] =	vst v2;
	v2 =	vor.u32 $0x800, v3  }
0xe3: {  	[tilespmem:s28+$0x6400] =	vst v2;
	v2 =	vor.u32 $0x880, v3  }
0xe4: {  	[tilespmem:s28+$0x6600] =	vst v2;
	v2 =	vor.u32 $0x900, v3  }
0xe5: {  	[tilespmem:s28+$0x6800] =	vst v2;
	v2 =	vor.u32 $0x980, v3  }
0xe6: {  	[tilespmem:s28+$0x6A00] =	vst v2;
	v2 =	vor.u32 $0xA00, v3  }
0xe7: {  	[tilespmem:s28+$0x6C00] =	vst v2;
	v2 =	vor.u32 $0xA80, v3  }
0xe8: {  	[tilespmem:s28+$0x6E00] =	vst v2;
	v2 =	vor.u32 $0xB00, v3  }
0xe9: {  	[tilespmem:s28+$0x7000] =	vst v2;
	v2 =	vor.u32 $0xB80, v3  }
0xea: {  	[tilespmem:s28+$0x7200] =	vst v2;
	v2 =	vor.u32 $0xC00, v3  }
0xeb: {  	[tilespmem:s28+$0x7400] =	vst v2;
	v2 =	vor.u32 $0xC80, v3  }
0xec: {  	[tilespmem:s28+$0x7600] =	vst v2;
	v2 =	vor.u32 $0xD00, v3  }
0xed: {  	[tilespmem:s28+$0x7800] =	vst v2;
	v2 =	vor.u32 $0xD80, v3  }
0xee: {  	[tilespmem:s28+$0x7A00] =	vst v2;
	v2 =	vor.u32 $0xE00, v3  }
0xef: {  	[tilespmem:s28+$0x7C00] =	vst v2;
	v2 =	vor.u32 $0xE80, v3  }
0xf0: {  	[tilespmem:s28+$0x7E00] =	vst v2;
	v2 =	vor.u32 $0xF00, v3  }
0xf1: {  	v3 =	vor.u32 $0xF80, v1;
	[tilespmem:s28+$0x8000] =	vst v2  }
0xf2: {  	s26 =	simm.s32 $0x8400;
	[tilespmem:s28+$0x4200] =	vst v3;
	s28 =	simm.s32 $0x400  }
0xf3: {  	[tilespmem:s26], [sflag:$0x1] =	stream.indirect.gather [hbm4b:s2+s14], $0x1, s28, s14, $0xb8;
	[tilespmem:$0x11A00] =	vst v63  }
0xf4: {  	s26 =	simm.s32 $0x4400;
	s28 =	simm.s32 $0xC400  }
0xf5: {  	[tilespmem:s28], [sflag:$0x2] =	stream.indirect.gather [hbm4b:s3+s14], $0x1, s26, s14, $0xb8;
	[tilespmem:$0x11A00] =	vst v63  }
0xf6: {  	s26 =	simm.s32 $0x600;
	s28 =	simm.s32 $0x8600  }
0xf7: {  	[tilespmem:s28], [sflag:$0x1] =	stream.indirect.gather [hbm4b:s2+s14], $0x1, s26, s14, $0xb8;
	[tilespmem:$0x11A00] =	vst v63  }
0xf8: {  	s26 =	simm.s32 $0x4600;
	s28 =	simm.s32 $0xC600  }
0xf9: {  	[tilespmem:s28], [sflag:$0x2] =	stream.indirect.gather [hbm4b:s3+s14], $0x1, s26, s14, $0xb8;
	[tilespmem:$0x11A00] =	vst v63  }
0xfa: {  	s26 =	simm.s32 $0x800;
	s28 =	simm.s32 $0x8800  }
0xfb: {  	[tilespmem:s28], [sflag:$0x1] =	stream.indirect.gather [hbm4b:s2+s14], $0x1, s26, s14, $0xb8;
	[tilespmem:$0x11A00] =	vst v63  }
0xfc: {  	s26 =	simm.s32 $0x4800;
	s28 =	simm.s32 $0xC800  }
0xfd: {  	[tilespmem:s28], [sflag:$0x2] =	stream.indirect.gather [hbm4b:s3+s14], $0x1, s26, s14, $0xb8;
	[tilespmem:$0x11A00] =	vst v63  }
0xfe: {  	s26 =	simm.s32 $0xA00;
	s28 =	simm.s32 $0x8A00  }
0xff: {  	[tilespmem:s28], [sflag:$0x1] =	stream.indirect.gather [hbm4b:s2+s14], $0x1, s26, s14, $0xb8;
	[tilespmem:$0x11A00] =	vst v63  }
0x100: {  	s26 =	simm.s32 $0x4A00;
	s28 =	simm.s32 $0xCA00  }
0x101: {  	[tilespmem:s28], [sflag:$0x2] =	stream.indirect.gather [hbm4b:s3+s14], $0x1, s26, s14, $0xb8;
	[tilespmem:$0x11A00] =	vst v63  }
0x102: {  	s26 =	simm.s32 $0xC00;
	s28 =	simm.s32 $0x8C00  }
0x103: {  	[tilespmem:s28], [sflag:$0x1] =	stream.indirect.gather [hbm4b:s2+s14], $0x1, s26, s14, $0xb8;
	[tilespmem:$0x11A00] =	vst v63  }
0x104: {  	s26 =	simm.s32 $0x4C00;
	s28 =	simm.s32 $0xCC00  }
0x105: {  	[tilespmem:s28], [sflag:$0x2] =	stream.indirect.gather [hbm4b:s3+s14], $0x1, s26, s14, $0xb8;
	[tilespmem:$0x11A00] =	vst v63  }
0x106: {  	s26 =	simm.s32 $0xE00;
	s28 =	simm.s32 $0x8E00  }
0x107: {  	[tilespmem:s28], [sflag:$0x1] =	stream.indirect.gather [hbm4b:s2+s14], $0x1, s26, s14, $0xb8;
	[tilespmem:$0x11A00] =	vst v63  }
0x108: {  	s26 =	simm.s32 $0x4E00;
	s28 =	simm.s32 $0xCE00  }
0x109: {  	[tilespmem:s28], [sflag:$0x2] =	stream.indirect.gather [hbm4b:s3+s14], $0x1, s26, s14, $0xb8;
	[tilespmem:$0x11A00] =	vst v63  }
0x10a: {  	s26 =	simm.s32 $0x1000;
	s28 =	simm.s32 $0x9000  }
0x10b: {  	[tilespmem:s28], [sflag:$0x1] =	stream.indirect.gather [hbm4b:s2+s14], $0x1, s26, s14, $0xb8;
	[tilespmem:$0x11A00] =	vst v63  }
0x10c: {  	s26 =	simm.s32 $0x5000;
	s28 =	simm.s32 $0xD000  }
0x10d: {  	[tilespmem:s28], [sflag:$0x2] =	stream.indirect.gather [hbm4b:s3+s14], $0x1, s26, s14, $0xb8;
	[tilespmem:$0x11A00] =	vst v63  }
0x10e: {  	s26 =	simm.s32 $0x1200;
	s28 =	simm.s32 $0x9200  }
0x10f: {  	[tilespmem:s28], [sflag:$0x1] =	stream.indirect.gather [hbm4b:s2+s14], $0x1, s26, s14, $0xb8;
	[tilespmem:$0x11A00] =	vst v63  }
0x110: {  	s26 =	simm.s32 $0x5200;
	s28 =	simm.s32 $0xD200  }
0x111: {  	[tilespmem:s28], [sflag:$0x2] =	stream.indirect.gather [hbm4b:s3+s14], $0x1, s26, s14, $0xb8;
	[tilespmem:$0x11A00] =	vst v63  }
0x112: {  	s26 =	simm.s32 $0x1400;
	s28 =	simm.s32 $0x9400  }
0x113: {  	[tilespmem:s28], [sflag:$0x1] =	stream.indirect.gather [hbm4b:s2+s14], $0x1, s26, s14, $0xb8;
	[tilespmem:$0x11A00] =	vst v63  }
0x114: {  	s26 =	simm.s32 $0x5400;
	s28 =	simm.s32 $0xD400  }
0x115: {  	[tilespmem:s28], [sflag:$0x2] =	stream.indirect.gather [hbm4b:s3+s14], $0x1, s26, s14, $0xb8;
	[tilespmem:$0x11A00] =	vst v63  }
0x116: {  	s26 =	simm.s32 $0x1600;
	s28 =	simm.s32 $0x9600  }
0x117: {  	[tilespmem:s28], [sflag:$0x1] =	stream.indirect.gather [hbm4b:s2+s14], $0x1, s26, s14, $0xb8;
	[tilespmem:$0x11A00] =	vst v63  }
0x118: {  	s26 =	simm.s32 $0x5600;
	s28 =	simm.s32 $0xD600  }
0x119: {  	[tilespmem:s28], [sflag:$0x2] =	stream.indirect.gather [hbm4b:s3+s14], $0x1, s26, s14, $0xb8;
	[tilespmem:$0x11A00] =	vst v63  }
0x11a: {  	s26 =	simm.s32 $0x1800;
	s28 =	simm.s32 $0x9800  }
0x11b: {  	[tilespmem:s28], [sflag:$0x1] =	stream.indirect.gather [hbm4b:s2+s14], $0x1, s26, s14, $0xb8;
	[tilespmem:$0x11A00] =	vst v63  }
0x11c: {  	s26 =	simm.s32 $0x5800;
	s28 =	simm.s32 $0xD800  }
0x11d: {  	[tilespmem:s28], [sflag:$0x2] =	stream.indirect.gather [hbm4b:s3+s14], $0x1, s26, s14, $0xb8;
	[tilespmem:$0x11A00] =	vst v63  }
0x11e: {  	s26 =	simm.s32 $0x1A00;
	s28 =	simm.s32 $0x9A00  }
0x11f: {  	[tilespmem:s28], [sflag:$0x1] =	stream.indirect.gather [hbm4b:s2+s14], $0x1, s26, s14, $0xb8;
	[tilespmem:$0x11A00] =	vst v63  }
0x120: {  	s26 =	simm.s32 $0x5A00;
	s28 =	simm.s32 $0xDA00  }
0x121: {  	[tilespmem:s28], [sflag:$0x2] =	stream.indirect.gather [hbm4b:s3+s14], $0x1, s26, s14, $0xb8;
	[tilespmem:$0x11A00] =	vst v63  }
0x122: {  	s26 =	simm.s32 $0x1C00;
	s28 =	simm.s32 $0x9C00  }
0x123: {  	[tilespmem:s28], [sflag:$0x1] =	stream.indirect.gather [hbm4b:s2+s14], $0x1, s26, s14, $0xb8;
	[tilespmem:$0x11A00] =	vst v63  }
0x124: {  	s26 =	simm.s32 $0x5C00;
	s28 =	simm.s32 $0xDC00  }
0x125: {  	[tilespmem:s28], [sflag:$0x2] =	stream.indirect.gather [hbm4b:s3+s14], $0x1, s26, s14, $0xb8;
	[tilespmem:$0x11A00] =	vst v63  }
0x126: {  	s26 =	simm.s32 $0x1E00;
	s28 =	simm.s32 $0x9E00  }
0x127: {  	[tilespmem:s28], [sflag:$0x1] =	stream.indirect.gather [hbm4b:s2+s14], $0x1, s26, s14, $0xb8;
	[tilespmem:$0x11A00] =	vst v63  }
0x128: {  	s26 =	simm.s32 $0x5E00;
	s28 =	simm.s32 $0xDE00  }
0x129: {  	[tilespmem:s28], [sflag:$0x2] =	stream.indirect.gather [hbm4b:s3+s14], $0x1, s26, s14, $0xb8;
	[tilespmem:$0x11A00] =	vst v63  }
0x12a: {  	s26 =	simm.s32 $0x2000;
	s28 =	simm.s32 $0xA000  }
0x12b: {  	[tilespmem:s28], [sflag:$0x1] =	stream.indirect.gather [hbm4b:s2+s14], $0x1, s26, s14, $0xb8;
	[tilespmem:$0x11A00] =	vst v63  }
0x12c: {  	s26 =	simm.s32 $0x6000;
	s28 =	simm.s32 $0xE000  }
0x12d: {  	[tilespmem:s28], [sflag:$0x2] =	stream.indirect.gather [hbm4b:s3+s14], $0x1, s26, s14, $0xb8;
	[tilespmem:$0x11A00] =	vst v63  }
0x12e: {  	s26 =	simm.s32 $0x2200;
	s28 =	simm.s32 $0xA200  }
0x12f: {  	[tilespmem:s28], [sflag:$0x1] =	stream.indirect.gather [hbm4b:s2+s14], $0x1, s26, s14, $0xb8;
	[tilespmem:$0x11A00] =	vst v63  }
0x130: {  	s26 =	simm.s32 $0x6200;
	s28 =	simm.s32 $0xE200  }
0x131: {  	[tilespmem:s28], [sflag:$0x2] =	stream.indirect.gather [hbm4b:s3+s14], $0x1, s26, s14, $0xb8;
	[tilespmem:$0x11A00] =	vst v63  }
0x132: {  	s26 =	simm.s32 $0x2400;
	s28 =	simm.s32 $0xA400  }
0x133: {  	[tilespmem:s28], [sflag:$0x1] =	stream.indirect.gather [hbm4b:s2+s14], $0x1, s26, s14, $0xb8;
	[tilespmem:$0x11A00] =	vst v63  }
0x134: {  	s26 =	simm.s32 $0x6400;
	s28 =	simm.s32 $0xE400  }
0x135: {  	[tilespmem:s28], [sflag:$0x2] =	stream.indirect.gather [hbm4b:s3+s14], $0x1, s26, s14, $0xb8;
	[tilespmem:$0x11A00] =	vst v63  }
0x136: {  	s26 =	simm.s32 $0x2600;
	s28 =	simm.s32 $0xA600  }
0x137: {  	[tilespmem:s28], [sflag:$0x1] =	stream.indirect.gather [hbm4b:s2+s14], $0x1, s26, s14, $0xb8;
	[tilespmem:$0x11A00] =	vst v63  }
0x138: {  	s26 =	simm.s32 $0x6600;
	s28 =	simm.s32 $0xE600  }
0x139: {  	[tilespmem:s28], [sflag:$0x2] =	stream.indirect.gather [hbm4b:s3+s14], $0x1, s26, s14, $0xb8;
	[tilespmem:$0x11A00] =	vst v63  }
0x13a: {  	s26 =	simm.s32 $0x2800;
	s28 =	simm.s32 $0xA800  }
0x13b: {  	[tilespmem:s28], [sflag:$0x1] =	stream.indirect.gather [hbm4b:s2+s14], $0x1, s26, s14, $0xb8;
	[tilespmem:$0x11A00] =	vst v63  }
0x13c: {  	s26 =	simm.s32 $0x6800;
	s28 =	simm.s32 $0xE800  }
0x13d: {  	[tilespmem:s28], [sflag:$0x2] =	stream.indirect.gather [hbm4b:s3+s14], $0x1, s26, s14, $0xb8;
	[tilespmem:$0x11A00] =	vst v63  }
0x13e: {  	s26 =	simm.s32 $0x2A00;
	s28 =	simm.s32 $0xAA00  }
0x13f: {  	[tilespmem:s28], [sflag:$0x1] =	stream.indirect.gather [hbm4b:s2+s14], $0x1, s26, s14, $0xb8;
	[tilespmem:$0x11A00] =	vst v63  }
0x140: {  	s26 =	simm.s32 $0x6A00;
	s28 =	simm.s32 $0xEA00  }
0x141: {  	[tilespmem:s28], [sflag:$0x2] =	stream.indirect.gather [hbm4b:s3+s14], $0x1, s26, s14, $0xb8;
	[tilespmem:$0x11A00] =	vst v63  }
0x142: {  	s26 =	simm.s32 $0x2C00;
	s28 =	simm.s32 $0xAC00  }
0x143: {  	[tilespmem:s28], [sflag:$0x1] =	stream.indirect.gather [hbm4b:s2+s14], $0x1, s26, s14, $0xb8;
	[tilespmem:$0x11A00] =	vst v63  }
0x144: {  	s26 =	simm.s32 $0x6C00;
	s28 =	simm.s32 $0xEC00  }
0x145: {  	[tilespmem:s28], [sflag:$0x2] =	stream.indirect.gather [hbm4b:s3+s14], $0x1, s26, s14, $0xb8;
	[tilespmem:$0x11A00] =	vst v63  }
0x146: {  	s26 =	simm.s32 $0x2E00;
	s28 =	simm.s32 $0xAE00  }
0x147: {  	[tilespmem:s28], [sflag:$0x1] =	stream.indirect.gather [hbm4b:s2+s14], $0x1, s26, s14, $0xb8;
	[tilespmem:$0x11A00] =	vst v63  }
0x148: {  	s26 =	simm.s32 $0x6E00;
	s28 =	simm.s32 $0xEE00  }
0x149: {  	[tilespmem:s28], [sflag:$0x2] =	stream.indirect.gather [hbm4b:s3+s14], $0x1, s26, s14, $0xb8;
	[tilespmem:$0x11A00] =	vst v63  }
0x14a: {  	s26 =	simm.s32 $0x3000;
	s28 =	simm.s32 $0xB000  }
0x14b: {  	[tilespmem:s28], [sflag:$0x1] =	stream.indirect.gather [hbm4b:s2+s14], $0x1, s26, s14, $0xb8;
	[tilespmem:$0x11A00] =	vst v63  }
0x14c: {  	s26 =	simm.s32 $0x7000;
	s28 =	simm.s32 $0xF000  }
0x14d: {  	[tilespmem:s28], [sflag:$0x2] =	stream.indirect.gather [hbm4b:s3+s14], $0x1, s26, s14, $0xb8;
	[tilespmem:$0x11A00] =	vst v63  }
0x14e: {  	s26 =	simm.s32 $0x3200;
	s28 =	simm.s32 $0xB200  }
0x14f: {  	[tilespmem:s28], [sflag:$0x1] =	stream.indirect.gather [hbm4b:s2+s14], $0x1, s26, s14, $0xb8;
	[tilespmem:$0x11A00] =	vst v63  }
0x150: {  	s26 =	simm.s32 $0x7200;
	s28 =	simm.s32 $0xF200  }
0x151: {  	[tilespmem:s28], [sflag:$0x2] =	stream.indirect.gather [hbm4b:s3+s14], $0x1, s26, s14, $0xb8;
	[tilespmem:$0x11A00] =	vst v63  }
0x152: {  	s26 =	simm.s32 $0x3400;
	s28 =	simm.s32 $0xB400  }
0x153: {  	[tilespmem:s28], [sflag:$0x1] =	stream.indirect.gather [hbm4b:s2+s14], $0x1, s26, s14, $0xb8;
	[tilespmem:$0x11A00] =	vst v63  }
0x154: {  	s26 =	simm.s32 $0x7400;
	s28 =	simm.s32 $0xF400  }
0x155: {  	[tilespmem:s28], [sflag:$0x2] =	stream.indirect.gather [hbm4b:s3+s14], $0x1, s26, s14, $0xb8;
	[tilespmem:$0x11A00] =	vst v63  }
0x156: {  	s26 =	simm.s32 $0x3600;
	s28 =	simm.s32 $0xB600  }
0x157: {  	[tilespmem:s28], [sflag:$0x1] =	stream.indirect.gather [hbm4b:s2+s14], $0x1, s26, s14, $0xb8;
	[tilespmem:$0x11A00] =	vst v63  }
0x158: {  	s26 =	simm.s32 $0x7600;
	s28 =	simm.s32 $0xF600  }
0x159: {  	[tilespmem:s28], [sflag:$0x2] =	stream.indirect.gather [hbm4b:s3+s14], $0x1, s26, s14, $0xb8;
	[tilespmem:$0x11A00] =	vst v63  }
0x15a: {  	s26 =	simm.s32 $0x3800;
	s28 =	simm.s32 $0xB800  }
0x15b: {  	[tilespmem:s28], [sflag:$0x1] =	stream.indirect.gather [hbm4b:s2+s14], $0x1, s26, s14, $0xb8;
	[tilespmem:$0x11A00] =	vst v63  }
0x15c: {  	s26 =	simm.s32 $0x7800;
	s28 =	simm.s32 $0xF800  }
0x15d: {  	[tilespmem:s28], [sflag:$0x2] =	stream.indirect.gather [hbm4b:s3+s14], $0x1, s26, s14, $0xb8;
	[tilespmem:$0x11A00] =	vst v63  }
0x15e: {  	s26 =	simm.s32 $0x3A00;
	s28 =	simm.s32 $0xBA00  }
0x15f: {  	[tilespmem:s28], [sflag:$0x1] =	stream.indirect.gather [hbm4b:s2+s14], $0x1, s26, s14, $0xb8;
	[tilespmem:$0x11A00] =	vst v63  }
0x160: {  	s26 =	simm.s32 $0x7A00;
	s28 =	simm.s32 $0xFA00  }
0x161: {  	[tilespmem:s28], [sflag:$0x2] =	stream.indirect.gather [hbm4b:s3+s14], $0x1, s26, s14, $0xb8;
	[tilespmem:$0x11A00] =	vst v63  }
0x162: {  	s26 =	simm.s32 $0x3C00;
	s28 =	simm.s32 $0xBC00  }
0x163: {  	[tilespmem:s28], [sflag:$0x1] =	stream.indirect.gather [hbm4b:s2+s14], $0x1, s26, s14, $0xb8;
	[tilespmem:$0x11A00] =	vst v63  }
0x164: {  	s26 =	simm.s32 $0x7C00;
	s28 =	simm.s32 $0xFC00  }
0x165: {  	[tilespmem:s28], [sflag:$0x2] =	stream.indirect.gather [hbm4b:s3+s14], $0x1, s26, s14, $0xb8;
	[tilespmem:$0x11A00] =	vst v63  }
0x166: {  	s26 =	simm.s32 $0x3E00;
	s28 =	simm.s32 $0xBE00  }
0x167: {  	[tilespmem:s28], [sflag:$0x1] =	stream.indirect.gather [hbm4b:s2+s14], $0x1, s26, s14, $0xb8;
	[tilespmem:$0x11A00] =	vst v63  }
0x168: {  	s26 =	simm.s32 $0x7E00;
	s28 =	simm.s32 $0xFE00  }
0x169: {  	[tilespmem:s28], [sflag:$0x2] =	stream.indirect.gather [hbm4b:s3+s14], $0x1, s26, s14, $0xb8;
	[tilespmem:$0x11A00] =	vst v63  }
0x16a: {  	s28 =	simm.s32 $0x4000  }
0x16b: {  	[tilespmem:s29], [sflag:$0x1] =	stream.indirect.gather [hbm4b:s2+s14], $0x1, s28, s14, $0xb8;
	[tilespmem:$0x11A00] =	vst v63  }
0x16c: {  	_ = 	snop  }
0x16d: {  	[tilespmem:s31], [sflag:$0x2] =	stream.indirect.gather [hbm4b:s3+s14], $0x1, s30, s14, $0xb8;
	[tilespmem:$0x11A00] =	vst v63  }
0x16e: {  	_ = 	snop  }
0x16f: {  	[tilespmem:s4], [sflag:$0x1] =	stream.indirect.gather [hbm4b:s2+s14], $0x1, s0, s14, $0xb8;
	[tilespmem:$0x11A00] =	vst v63  }
0x170: {  	_ = 	snop  }
0x171: {  	[tilespmem:s18], [sflag:$0x2] =	stream.indirect.gather [hbm4b:s3+s14], $0x1, s17, s14, $0xb8;
	[tilespmem:$0x11A00] =	vst v63  }
0x172: {  	_ =	swait.ge [sflag:s19], $0x200  }
0x173: {  	[sflag:s19] =	ssyncset.done $0x0  }
0x174: {  	[sflag:s19] =	ssyncadd.s32 $0xFFFFFE00  }
0x175: {  	_ =	swait.ge [sflag:s20], $0x200  }
0x176: {  	[sflag:s20] =	ssyncset.done $0x0  }
0x177: {  	[sflag:s20] =	ssyncadd.s32 $0xFFFFFE00  }
0x178: {  	_ =	swait.ge [sflag:s19], $0x200  }
0x179: {  	[sflag:s19] =	ssyncset.done $0x0  }
0x17a: {  	[sflag:s19] =	ssyncadd.s32 $0xFFFFFE00  }
0x17b: {  	_ =	swait.ge [sflag:s20], $0x200  }
0x17c: {  	[sflag:s20] =	ssyncset.done $0x0  }
0x17d: {  	[sflag:s20] =	ssyncadd.s32 $0xFFFFFE00  }
0x17e: {  	_ =	swait.ge [sflag:s19], $0x200  }
0x17f: {  	[sflag:s19] =	ssyncset.done $0x0  }
0x180: {  	[sflag:s19] =	ssyncadd.s32 $0xFFFFFE00  }
0x181: {  	_ =	swait.ge [sflag:s20], $0x200  }
0x182: {  	[sflag:s20] =	ssyncset.done $0x0  }
0x183: {  	[sflag:s20] =	ssyncadd.s32 $0xFFFFFE00  }
0x184: {  	_ =	swait.ge [sflag:s19], $0x200  }
0x185: {  	[sflag:s19] =	ssyncset.done $0x0  }
0x186: {  	[sflag:s19] =	ssyncadd.s32 $0xFFFFFE00  }
0x187: {  	_ =	swait.ge [sflag:s20], $0x200  }
0x188: {  	[sflag:s20] =	ssyncset.done $0x0  }
0x189: {  	[sflag:s20] =	ssyncadd.s32 $0xFFFFFE00  }
0x18a: {  	_ =	swait.ge [sflag:s19], $0x200  }
0x18b: {  	[sflag:s19] =	ssyncset.done $0x0  }
0x18c: {  	[sflag:s19] =	ssyncadd.s32 $0xFFFFFE00  }
0x18d: {  	_ =	swait.ge [sflag:s20], $0x200  }
0x18e: {  	[sflag:s20] =	ssyncset.done $0x0  }
0x18f: {  	[sflag:s20] =	ssyncadd.s32 $0xFFFFFE00  }
0x190: {  	_ =	swait.ge [sflag:s19], $0x200  }
0x191: {  	[sflag:s19] =	ssyncset.done $0x0  }
0x192: {  	[sflag:s19] =	ssyncadd.s32 $0xFFFFFE00  }
0x193: {  	_ =	swait.ge [sflag:s20], $0x200  }
0x194: {  	[sflag:s20] =	ssyncset.done $0x0  }
0x195: {  	[sflag:s20] =	ssyncadd.s32 $0xFFFFFE00  }
0x196: {  	_ =	swait.ge [sflag:s19], $0x200  }
0x197: {  	[sflag:s19] =	ssyncset.done $0x0  }
0x198: {  	[sflag:s19] =	ssyncadd.s32 $0xFFFFFE00  }
0x199: {  	_ =	swait.ge [sflag:s20], $0x200  }
0x19a: {  	[sflag:s20] =	ssyncset.done $0x0  }
0x19b: {  	[sflag:s20] =	ssyncadd.s32 $0xFFFFFE00  }
0x19c: {  	_ =	swait.ge [sflag:s19], $0x200  }
0x19d: {  	[sflag:s19] =	ssyncset.done $0x0  }
0x19e: {  	[sflag:s19] =	ssyncadd.s32 $0xFFFFFE00  }
0x19f: {  	_ =	swait.ge [sflag:s20], $0x200  }
0x1a0: {  	[sflag:s20] =	ssyncset.done $0x0  }
0x1a1: {  	[sflag:s20] =	ssyncadd.s32 $0xFFFFFE00  }
0x1a2: {  	_ =	swait.ge [sflag:s19], $0x200  }
0x1a3: {  	[sflag:s19] =	ssyncset.done $0x0  }
0x1a4: {  	[sflag:s19] =	ssyncadd.s32 $0xFFFFFE00  }
0x1a5: {  	_ =	swait.ge [sflag:s20], $0x200  }
0x1a6: {  	[sflag:s20] =	ssyncset.done $0x0  }
0x1a7: {  	[sflag:s20] =	ssyncadd.s32 $0xFFFFFE00  }
0x1a8: {  	_ =	swait.ge [sflag:s19], $0x200  }
0x1a9: {  	[sflag:s19] =	ssyncset.done $0x0  }
0x1aa: {  	[sflag:s19] =	ssyncadd.s32 $0xFFFFFE00  }
0x1ab: {  	_ =	swait.ge [sflag:s20], $0x200  }
0x1ac: {  	[sflag:s20] =	ssyncset.done $0x0  }
0x1ad: {  	[sflag:s20] =	ssyncadd.s32 $0xFFFFFE00  }
0x1ae: {  	_ =	swait.ge [sflag:s19], $0x200  }
0x1af: {  	[sflag:s19] =	ssyncset.done $0x0  }
0x1b0: {  	[sflag:s19] =	ssyncadd.s32 $0xFFFFFE00  }
0x1b1: {  	_ =	swait.ge [sflag:s20], $0x200  }
0x1b2: {  	[sflag:s20] =	ssyncset.done $0x0  }
0x1b3: {  	[sflag:s20] =	ssyncadd.s32 $0xFFFFFE00  }
0x1b4: {  	_ =	swait.ge [sflag:s19], $0x200  }
0x1b5: {  	[sflag:s19] =	ssyncset.done $0x0  }
0x1b6: {  	[sflag:s19] =	ssyncadd.s32 $0xFFFFFE00  }
0x1b7: {  	_ =	swait.ge [sflag:s20], $0x200  }
0x1b8: {  	[sflag:s20] =	ssyncset.done $0x0  }
0x1b9: {  	[sflag:s20] =	ssyncadd.s32 $0xFFFFFE00  }
0x1ba: {  	_ =	swait.ge [sflag:s19], $0x200  }
0x1bb: {  	[sflag:s19] =	ssyncset.done $0x0  }
0x1bc: {  	[sflag:s19] =	ssyncadd.s32 $0xFFFFFE00  }
0x1bd: {  	_ =	swait.ge [sflag:s20], $0x200  }
0x1be: {  	[sflag:s20] =	ssyncset.done $0x0  }
0x1bf: {  	[sflag:s20] =	ssyncadd.s32 $0xFFFFFE00  }
0x1c0: {  	_ =	swait.ge [sflag:s19], $0x200  }
0x1c1: {  	[sflag:s19] =	ssyncset.done $0x0  }
0x1c2: {  	[sflag:s19] =	ssyncadd.s32 $0xFFFFFE00  }
0x1c3: {  	_ =	swait.ge [sflag:s20], $0x200  }
0x1c4: {  	[sflag:s20] =	ssyncset.done $0x0  }
0x1c5: {  	[sflag:s20] =	ssyncadd.s32 $0xFFFFFE00  }
0x1c6: {  	_ =	swait.ge [sflag:s19], $0x200  }
0x1c7: {  	[sflag:s19] =	ssyncset.done $0x0  }
0x1c8: {  	[sflag:s19] =	ssyncadd.s32 $0xFFFFFE00  }
0x1c9: {  	_ =	swait.ge [sflag:s20], $0x200  }
0x1ca: {  	[sflag:s20] =	ssyncset.done $0x0  }
0x1cb: {  	[sflag:s20] =	ssyncadd.s32 $0xFFFFFE00  }
0x1cc: {  	_ =	swait.ge [sflag:s19], $0x200  }
0x1cd: {  	[sflag:s19] =	ssyncset.done $0x0  }
0x1ce: {  	[sflag:s19] =	ssyncadd.s32 $0xFFFFFE00  }
0x1cf: {  	_ =	swait.ge [sflag:s20], $0x200  }
0x1d0: {  	[sflag:s20] =	ssyncset.done $0x0  }
0x1d1: {  	[sflag:s20] =	ssyncadd.s32 $0xFFFFFE00  }
0x1d2: {  	_ =	swait.ge [sflag:s19], $0x200  }
0x1d3: {  	[sflag:s19] =	ssyncset.done $0x0  }
0x1d4: {  	[sflag:s19] =	ssyncadd.s32 $0xFFFFFE00  }
0x1d5: {  	_ =	swait.ge [sflag:s20], $0x200  }
0x1d6: {  	[sflag:s20] =	ssyncset.done $0x0  }
0x1d7: {  	[sflag:s20] =	ssyncadd.s32 $0xFFFFFE00  }
0x1d8: {  	_ =	swait.ge [sflag:s19], $0x200  }
0x1d9: {  	[sflag:s19] =	ssyncset.done $0x0  }
0x1da: {  	[sflag:s19] =	ssyncadd.s32 $0xFFFFFE00  }
0x1db: {  	_ =	swait.ge [sflag:s20], $0x200  }
0x1dc: {  	[sflag:s20] =	ssyncset.done $0x0  }
0x1dd: {  	[sflag:s20] =	ssyncadd.s32 $0xFFFFFE00  }
0x1de: {  	_ =	swait.ge [sflag:s19], $0x200  }
0x1df: {  	[sflag:s19] =	ssyncset.done $0x0  }
0x1e0: {  	[sflag:s19] =	ssyncadd.s32 $0xFFFFFE00  }
0x1e1: {  	_ =	swait.ge [sflag:s20], $0x200  }
0x1e2: {  	[sflag:s20] =	ssyncset.done $0x0  }
0x1e3: {  	[sflag:s20] =	ssyncadd.s32 $0xFFFFFE00  }
0x1e4: {  	_ =	swait.ge [sflag:s19], $0x200  }
0x1e5: {  	[sflag:s19] =	ssyncset.done $0x0  }
0x1e6: {  	[sflag:s19] =	ssyncadd.s32 $0xFFFFFE00  }
0x1e7: {  	_ =	swait.ge [sflag:s20], $0x200  }
0x1e8: {  	[sflag:s20] =	ssyncset.done $0x0  }
0x1e9: {  	[sflag:s20] =	ssyncadd.s32 $0xFFFFFE00  }
0x1ea: {  	_ =	swait.ge [sflag:s19], $0x200  }
0x1eb: {  	[sflag:s19] =	ssyncset.done $0x0  }
0x1ec: {  	[sflag:s19] =	ssyncadd.s32 $0xFFFFFE00  }
0x1ed: {  	_ =	swait.ge [sflag:s20], $0x200  }
0x1ee: {  	[sflag:s20] =	ssyncset.done $0x0  }
0x1ef: {  	[sflag:s20] =	ssyncadd.s32 $0xFFFFFE00  }
0x1f0: {  	_ =	swait.ge [sflag:s19], $0x200  }
0x1f1: {  	[sflag:s19] =	ssyncset.done $0x0  }
0x1f2: {  	[sflag:s19] =	ssyncadd.s32 $0xFFFFFE00  }
0x1f3: {  	_ =	swait.ge [sflag:s20], $0x200  }
0x1f4: {  	[sflag:s20] =	ssyncset.done $0x0  }
0x1f5: {  	[sflag:s20] =	ssyncadd.s32 $0xFFFFFE00  }
0x1f6: {  	_ =	swait.ge [sflag:s19], $0x200  }
0x1f7: {  	[sflag:s19] =	ssyncset.done $0x0  }
0x1f8: {  	[sflag:s19] =	ssyncadd.s32 $0xFFFFFE00  }
0x1f9: {  	_ =	swait.ge [sflag:s20], $0x200  }
0x1fa: {  	[sflag:s20] =	ssyncset.done $0x0  }
0x1fb: {  	[sflag:s20] =	ssyncadd.s32 $0xFFFFFE00  }
0x1fc: {  	_ =	swait.ge [sflag:s19], $0x200  }
0x1fd: {  	[sflag:s19] =	ssyncset.done $0x0  }
0x1fe: {  	[sflag:s19] =	ssyncadd.s32 $0xFFFFFE00  }
0x1ff: {  	_ =	swait.ge [sflag:s20], $0x200  }
0x200: {  	[sflag:s20] =	ssyncset.done $0x0  }
0x201: {  	[sflag:s20] =	ssyncadd.s32 $0xFFFFFE00  }
0x202: {  	_ =	swait.ge [sflag:s19], $0x200  }
0x203: {  	[sflag:s19] =	ssyncset.done $0x0  }
0x204: {  	[sflag:s19] =	ssyncadd.s32 $0xFFFFFE00  }
0x205: {  	_ =	swait.ge [sflag:s20], $0x200  }
0x206: {  	[sflag:s20] =	ssyncset.done $0x0  }
0x207: {  	[sflag:s20] =	ssyncadd.s32 $0xFFFFFE00  }
0x208: {  	_ =	swait.ge [sflag:s19], $0x200  }
0x209: {  	[sflag:s19] =	ssyncset.done $0x0  }
0x20a: {  	[sflag:s19] =	ssyncadd.s32 $0xFFFFFE00  }
0x20b: {  	_ =	swait.ge [sflag:s20], $0x200  }
0x20c: {  	[sflag:s20] =	ssyncset.done $0x0  }
0x20d: {  	[sflag:s20] =	ssyncadd.s32 $0xFFFFFE00  }
0x20e: {  	_ =	swait.ge [sflag:s19], $0x200  }
0x20f: {  	[sflag:s19] =	ssyncset.done $0x0  }
0x210: {  	[sflag:s19] =	ssyncadd.s32 $0xFFFFFE00  }
0x211: {  	_ =	swait.ge [sflag:s20], $0x200  }
0x212: {  	[sflag:s20] =	ssyncset.done $0x0  }
0x213: {  	[sflag:s20] =	ssyncadd.s32 $0xFFFFFE00  }
0x214: {  	_ =	swait.ge [sflag:s19], $0x200  }
0x215: {  	[sflag:s19] =	ssyncset.done $0x0  }
0x216: {  	[sflag:s19] =	ssyncadd.s32 $0xFFFFFE00  }
0x217: {  	_ =	swait.ge [sflag:s20], $0x200  }
0x218: {  	[sflag:s20] =	ssyncset.done $0x0  }
0x219: {  	[sflag:s20] =	ssyncadd.s32 $0xFFFFFE00  }
0x21a: {  	_ =	swait.ge [sflag:s19], $0x200  }
0x21b: {  	[sflag:s19] =	ssyncset.done $0x0  }
0x21c: {  	[sflag:s19] =	ssyncadd.s32 $0xFFFFFE00  }
0x21d: {  	_ =	swait.ge [sflag:s20], $0x200  }
0x21e: {  	[sflag:s20] =	ssyncset.done $0x0  }
0x21f: {  	[sflag:s20] =	ssyncadd.s32 $0xFFFFFE00  }
0x220: {  	_ =	swait.ge [sflag:s19], $0x200  }
0x221: {  	[sflag:s19] =	ssyncset.done $0x0  }
0x222: {  	[sflag:s19] =	ssyncadd.s32 $0xFFFFFE00  }
0x223: {  	_ =	swait.ge [sflag:s20], $0x200  }
0x224: {  	[sflag:s20] =	ssyncset.done $0x0  }
0x225: {  	[sflag:s20] =	ssyncadd.s32 $0xFFFFFE00  }
0x226: {  	_ =	swait.ge [sflag:s19], $0x200  }
0x227: {  	[sflag:s19] =	ssyncset.done $0x0  }
0x228: {  	[sflag:s19] =	ssyncadd.s32 $0xFFFFFE00  }
0x229: {  	_ =	swait.ge [sflag:s20], $0x200  }
0x22a: {  	[sflag:s20] =	ssyncset.done $0x0  }
0x22b: {  	[sflag:s20] =	ssyncadd.s32 $0xFFFFFE00  }
0x22c: {  	_ =	swait.ge [sflag:s19], $0x200  }
0x22d: {  	[sflag:s19] =	ssyncset.done $0x0  }
0x22e: {  	[sflag:s19] =	ssyncadd.s32 $0xFFFFFE00  }
0x22f: {  	_ =	swait.ge [sflag:s20], $0x200  }
0x230: {  	[sflag:s20] =	ssyncset.done $0x0  }
0x231: {  	[sflag:s20] =	ssyncadd.s32 $0xFFFFFE00  }
0x232: {  	_ =	swait.ge [sflag:s21], $0x200  }
.Ltmp3:
0x233: {  	[sflag:s21] =	ssyncset.done $0x0;
	(pc) =	sbr.rel .LBB2_4-.Ltmp3, $4  }
0x234: {  	[sflag:s21] =	ssyncadd.s32 $0xFFFFFE00  }
0x235: {  	_ =	swait.ge [sflag:s21], $0x200  }
0x236: {  	[sflag:s21] =	ssyncset.done $0x0  }
0x237: {  	s25 =	simm.s32 $0x0;
	[sflag:s21] =	ssyncadd.s32 $0xFFFFFE00  }
.LBB2_6:
0x238: {  	s25 =	sadd.s32 $0x40, s25  }
0x239: {  	p0 =	sne.s32 s25, $0x800  }
.Ltmp4:
0x23a: {  	_ = 	snop;
	(pc) =	sbr.rel @!p0 .LBB2_7-.Ltmp4, $1  }
0x23b: {  	_ =	sdelay $0x3  }
.LBB2_4:
0x23c: {  	s26 =	sshra.s32 s25, $0x2  }
0x23d: {  	v1 =	vld [tilespmem:s26+$0x0]  }
0x23e: {  	v2 =	vld [tilespmem:s26+$0x10400]  }
0x23f: {  	v3 =	vld [tilespmem:s26+$0x10600]  }
0x240: {  	v4 =	vld [tilespmem:s26+$0x8400]  }
0x241: {  	v5 =	vld [tilespmem:s26+$0xC400]  }
0x242: {  	v6 =	vld [tilespmem:s26+$0x8600]  }
0x243: {  	v7 =	vld [tilespmem:s26+$0xC600]  }
0x244: {  	v8 =	vld [tilespmem:s26+$0x8800]  }
0x245: {  	v9 =	vld [tilespmem:s26+$0xC800]  }
0x246: {  	v45 =	vld [tilespmem:s26+$0x8A00];
	v2 =	vadd.f32 v3, v2;
	v3 =	vmul.f32 v5, v4  }
0x247: {  	v46 =	vld [tilespmem:s26+$0xCA00]  }
0x248: {  	v47 =	vld [tilespmem:s26+$0x8C00];
	v2 =	vadd.f32 v3, v2;
	v3 =	vmul.f32 v7, v6  }
0x249: {  	v48 =	vld [tilespmem:s26+$0xCC00]  }
0x24a: {  	v49 =	vld [tilespmem:s26+$0x8E00];
	v2 =	vadd.f32 v3, v2;
	v3 =	vmul.f32 v9, v8  }
0x24b: {  	v50 =	vld [tilespmem:s26+$0xCE00]  }
0x24c: {  	v51 =	vld [tilespmem:s26+$0x9000];
	v2 =	vadd.f32 v3, v2;
	v3 =	vmul.f32 v46, v45  }
0x24d: {  	v52 =	vld [tilespmem:s26+$0xD000]  }
0x24e: {  	v53 =	vld [tilespmem:s26+$0x9200];
	v2 =	vadd.f32 v3, v2;
	v3 =	vmul.f32 v48, v47  }
0x24f: {  	v54 =	vld [tilespmem:s26+$0xD200]  }
0x250: {  	v55 =	vld [tilespmem:s26+$0x9400];
	v2 =	vadd.f32 v3, v2;
	v3 =	vmul.f32 v50, v49  }
0x251: {  	v56 =	vld [tilespmem:s26+$0xD400]  }
0x252: {  	v57 =	vld [tilespmem:s26+$0x9600];
	v2 =	vadd.f32 v3, v2;
	v3 =	vmul.f32 v52, v51  }
0x253: {  	v58 =	vld [tilespmem:s26+$0xD600]  }
0x254: {  	v59 =	vld [tilespmem:s26+$0x9800];
	v2 =	vadd.f32 v3, v2;
	v3 =	vmul.f32 v54, v53  }
0x255: {  	v60 =	vld [tilespmem:s26+$0xD800]  }
0x256: {  	v61 =	vld [tilespmem:s26+$0x9A00];
	v2 =	vadd.f32 v3, v2;
	v3 =	vmul.f32 v56, v55  }
0x257: {  	v62 =	vld [tilespmem:s26+$0xDA00]  }
0x258: {  	v63 =	vld [tilespmem:s26+$0x9C00];
	v2 =	vadd.f32 v3, v2;
	v3 =	vmul.f32 v58, v57  }
0x259: {  	v12 =	vld [tilespmem:s26+$0xDC00]  }
0x25a: {  	v13 =	vld [tilespmem:s26+$0x9E00];
	v2 =	vadd.f32 v3, v2;
	v3 =	vmul.f32 v60, v59  }
0x25b: {  	v14 =	vld [tilespmem:s26+$0xDE00]  }
0x25c: {  	v15 =	vld [tilespmem:s26+$0xA000];
	v2 =	vadd.f32 v3, v2;
	v3 =	vmul.f32 v62, v61  }
0x25d: {  	v16 =	vld [tilespmem:s26+$0xE000]  }
0x25e: {  	v17 =	vld [tilespmem:s26+$0xA200];
	v2 =	vadd.f32 v3, v2;
	v3 =	vmul.f32 v12, v63  }
0x25f: {  	v18 =	vld [tilespmem:s26+$0xE200]  }
0x260: {  	v19 =	vld [tilespmem:s26+$0xA400];
	v2 =	vadd.f32 v3, v2;
	v3 =	vmul.f32 v14, v13  }
0x261: {  	v20 =	vld [tilespmem:s26+$0xE400]  }
0x262: {  	v21 =	vld [tilespmem:s26+$0xA600];
	v2 =	vadd.f32 v3, v2;
	v3 =	vmul.f32 v16, v15  }
0x263: {  	v22 =	vld [tilespmem:s26+$0xE600]  }
0x264: {  	v3 =	vadd.f32 v3, v2;
	v2 =	vld [tilespmem:s26+$0x200]  }
0x265: {  	v23 =	vld [tilespmem:s26+$0xA800];
	v4 =	vmul.f32 v18, v17  }
0x266: {  	v10 =	vld [tilespmem:s26+$0xE800]  }
0x267: {  	v25 =	vld [tilespmem:s26+$0xAA00];
	v24 =	vmul.f32 v20, v19;
	v3 =	vadd.f32 v4, v3  }
0x268: {  	v27 =	vld [tilespmem:s26+$0xEA00];
	v26 =	vmul.f32 v22, v21  }
0x269: {  	v28 =	vld [tilespmem:s26+$0xAC00];
	vm0 =	vgt.s32 v1, $0xF41FF;
	v3 =	vadd.f32 v24, v3;
	vm1 =	vgt.s32 v2, $0xF41FF  }
0x26a: {  	v30 =	vld [tilespmem:s26+$0xEC00];
	vm2 =	vmor vm0, vm1  }
0x26b: {  	v31 =	vld [tilespmem:s26+$0xAE00];
	v29 =	vmul.f32 v10, v23;
	v3 =	vadd.f32 v26, v3;
	v36 =	vsel vm2, $0x1, v0  }
0x26c: {  	v32 =	vld [tilespmem:s26+$0xEE00];
	v8 =	vor.u32 $0x80000000, v36  }
0x26d: {  	v33 =	vld [tilespmem:s26+$0xB000];
	v6 =	vmul.f32 v27, v25;
	v3 =	vadd.f32 v29, v3;
	(xrf0) =	vmax.scan.msk.u32 $0xffff, v8  }
0x26e: {  	v34 =	vld [tilespmem:s26+$0xF000]  }
0x26f: {  	v35 =	vld [tilespmem:s26+$0xB200];
	v5 =	vmul.f32 v30, v28;
	v3 =	vadd.f32 v6, v3  }
0x270: {  	v11 =	vld [tilespmem:s26+$0xF200]  }
0x271: {  	v37 =	vld [tilespmem:s26+$0xB400];
	v4 =	vmul.f32 v32, v31;
	v3 =	vadd.f32 v5, v3  }
0x272: {  	v38 =	vld [tilespmem:s26+$0xF400]  }
0x273: {  	v40 =	vld [tilespmem:s26+$0xB600];
	v39 =	vmul.f32 v34, v33;
	v3 =	vadd.f32 v4, v3;
	v47, _, _ =	vpop (xrf0)  }
0x274: {  	v41 =	vld [tilespmem:s26+$0xF600];
	(v2sf) =	vpush v47, $0xF  }
0x275: {  	v43 =	vld [tilespmem:s26+$0xB800];
	v42 =	vmul.f32 v11, v35;
	v3 =	vadd.f32 v39, v3  }
0x276: {  	v44 =	vld [tilespmem:s26+$0xF800]  }
0x277: {  	v45 =	vmul.f32 v38, v37;
	v46 =	vld [tilespmem:s26+$0xBA00];
	v3 =	vadd.f32 v42, v3  }
0x278: {  	v48 =	vld [tilespmem:s26+$0xFA00]  }
0x279: {  	v49 =	vmul.f32 v41, v40;
	v50 =	vld [tilespmem:s26+$0xBC00];
	v3 =	vadd.f32 v45, v3  }
0x27a: {  	v51 =	vld [tilespmem:s26+$0xFC00]  }
0x27b: {  	v52 =	vmul.f32 v44, v43;
	v53 =	vld [tilespmem:s26+$0xBE00];
	v3 =	vadd.f32 v49, v3  }
0x27c: {  	v54 =	vld [tilespmem:s26+$0xFE00]  }
0x27d: {  	v55 =	vmul.f32 v48, v46;
	v56 =	vld [tilespmem:s26+$0xC000];
	v3 =	vadd.f32 v52, v3  }
0x27e: {  	v57 =	vld [tilespmem:s26+$0x10000]  }
0x27f: {  	v58 =	vmul.f32 v51, v50;
	v59 =	vld [tilespmem:s26+$0xC200];
	v3 =	vadd.f32 v55, v3  }
0x280: {  	v60 =	vld [tilespmem:s26+$0x10200]  }
0x281: {  	v61 =	vmul.f32 v54, v53;
	v3 =	vadd.f32 v58, v3;
	_ =	sdelay $0x1  }
0x282: {  	v62 =	vmul.f32 v57, v56;
	v3 =	vadd.f32 v61, v3;
	s28 =	spop (v2sf)  }
0x283: {  	p0 =	slt.u32 s28, $0x80000001  }
.Ltmp5:
0x284: {  	v63 =	vmul.f32 v60, v59;
	v3 =	vadd.f32 v62, v3;
	(pc) =	sbr.rel @p0 .LBB2_6-.Ltmp5, $3  }
0x285: {  	_ = 	snop  }
0x286: {  	v3 =	vadd.f32 v63, v3;
	_ =	sdelay $0x1  }
0x287: {  	[tilespmem:s26+$0x11800] =	vst v3  }
0x288: {  	v13 =	vld [tilespmem:s26+$0x10400]  }
0x289: {  	v14 =	vld [tilespmem:s26+$0x10600]  }
0x28a: {  	v17 =	vld [tilespmem:s26+$0x8400]  }
0x28b: {  	v18 =	vld [tilespmem:s26+$0xC400]  }
0x28c: {  	v21 =	vld [tilespmem:s26+$0x8600]  }
0x28d: {  	v22 =	vld [tilespmem:s26+$0xC600]  }
0x28e: {  	v25 =	vld [tilespmem:s26+$0x8800]  }
0x28f: {  	v26 =	vld [tilespmem:s26+$0xC800]  }
0x290: {  	v29 =	vld [tilespmem:s26+$0x8A00]  }
0x291: {  	v30 =	vld [tilespmem:s26+$0xCA00]  }
0x292: {  	v33 =	vld [tilespmem:s26+$0x8C00]  }
0x293: {  	v34 =	vld [tilespmem:s26+$0xCC00]  }
0x294: {  	v37 =	vld [tilespmem:s26+$0x8E00]  }
0x295: {  	v1 =	vadd.s32 $0xFFF0BE00, v1;
	v38 =	vld [tilespmem:s26+$0xCE00]  }
0x296: {  	v3 =	vadd.s32 $0xFFF0BE00, v2;
	v41 =	vld [tilespmem:s26+$0x9000];
	vm2 =	vgt.s32 v1, $0x0  }
0x297: {  	v42 =	vld [tilespmem:s26+$0xD000];
	vm15 =	vgt.s32 v3, $0x0;
	v1 =	vnsel vm2, $0x0, v1  }
0x298: {  	v45 =	vld [tilespmem:s26+$0x9200];
	v2 =	vmin.u32 v1, $0x3F;
	v1 =	vnsel vm15, $0x0, v3  }
0x299: {  	v46 =	vld [tilespmem:s26+$0xD200];
	v1 =	vmin.u32 v1, $0x3F  }
0x29a: {  	v49 =	vld [tilespmem:s26+$0x9400];
	v3 =	vor.u32 $0x40, v2  }
0x29b: {  	v50 =	vld [tilespmem:s26+$0xD400];
	v5 =	vor.u32 $0x80, v2  }
0x29c: {  	v8 =	vld [tilespmem:s26+$0xDC00];
	v51 =	vor.u32 $0xC0, v2  }
0x29d: {  	v54 =	vor.u32 $0x140, v2;
	v15 =	vld.idx.msk [tilespmem:v2+s15+$0x0], $0xffff  }
0x29e: {  	v55 =	vor.u32 $0x180, v2;
	v16 =	vld.idx.msk [tilespmem:v1+s16+$0x0], $0xffff  }
0x29f: {  	v58 =	vor.u32 $0x200, v2;
	v19 =	vld.idx.msk [tilespmem:v3+s15+$0x0], $0xffff  }
0x2a0: {  	v59 =	vor.u32 $0x240, v2;
	v23 =	vld.idx.msk [tilespmem:v5+s15+$0x0], $0xffff  }
0x2a1: {  	v7 =	vor.u32 $0x300, v2;
	v27 =	vld.idx.msk [tilespmem:v51+s15+$0x0], $0xffff  }
0x2a2: {  	v35 =	vld.idx.msk [tilespmem:v54+s15+$0x0], $0xffff  }
0x2a3: {  	v4 =	vor.u32 $0x40, v1;
	v39 =	vld.idx.msk [tilespmem:v55+s15+$0x0], $0xffff  }
0x2a4: {  	v52 =	vor.u32 $0xC0, v1;
	v47 =	vld.idx.msk [tilespmem:v58+s15+$0x0], $0xffff  }
0x2a5: {  	v3 =	vor.u32 $0x80, v1;
	v51 =	vld.idx.msk [tilespmem:v59+s15+$0x0], $0xffff  }
0x2a6: {  	v53 =	vor.u32 $0x100, v1;
	v58 =	vld.idx.msk [tilespmem:v7+s15+$0x0], $0xffff  }
0x2a7: {  	v56 =	vor.u32 $0x180, v1;
	v5 =	vld [tilespmem:s26+$0x9A00]  }
0x2a8: {  	v57 =	vor.u32 $0x1C0, v1;
	v20 =	vld.idx.msk [tilespmem:v4+s16+$0x0], $0xffff  }
0x2a9: {  	v60 =	vor.u32 $0x240, v1;
	v28 =	vld.idx.msk [tilespmem:v52+s16+$0x0], $0xffff  }
0x2aa: {  	v24 =	vld.idx.msk [tilespmem:v3+s16+$0x0], $0xffff;
	v3 =	vor.u32 $0x100, v2  }
0x2ab: {  	v32 =	vld.idx.msk [tilespmem:v53+s16+$0x0], $0xffff  }
0x2ac: {  	v6 =	vor.u32 $0x280, v1;
	v40 =	vld.idx.msk [tilespmem:v56+s16+$0x0], $0xffff  }
0x2ad: {  	v61 =	vor.u32 $0x2C0, v2;
	v44 =	vld.idx.msk [tilespmem:v57+s16+$0x0], $0xffff  }
0x2ae: {  	v62 =	vor.u32 $0x2C0, v1;
	v52 =	vld.idx.msk [tilespmem:v60+s16+$0x0], $0xffff  }
0x2af: {  	v31 =	vld.idx.msk [tilespmem:v3+s15+$0x0], $0xffff;
	v3 =	vor.u32 $0x140, v1  }
0x2b0: {  	v63 =	vor.u32 $0x340, v2;
	v53 =	vld [tilespmem:s26+$0x9600]  }
0x2b1: {  	v9 =	vor.u32 $0x340, v1;
	v55 =	vld.idx.msk [tilespmem:v6+s16+$0x0], $0xffff  }
0x2b2: {  	v10 =	vor.u32 $0x380, v2;
	v56 =	vld.idx.msk [tilespmem:v61+s15+$0x0], $0xffff  }
0x2b3: {  	v11 =	vor.u32 $0x380, v1;
	v57 =	vld.idx.msk [tilespmem:v62+s16+$0x0], $0xffff  }
0x2b4: {  	v36 =	vld.idx.msk [tilespmem:v3+s16+$0x0], $0xffff;
	v3 =	vor.u32 $0x1C0, v2  }
0x2b5: {  	v12 =	vor.u32 $0x3C0, v1;
	v60 =	vld.idx.msk [tilespmem:v63+s15+$0x0], $0xffff  }
0x2b6: {  	v61 =	vld.idx.msk [tilespmem:v9+s16+$0x0], $0xffff  }
0x2b7: {  	v62 =	vld.idx.msk [tilespmem:v10+s15+$0x0], $0xffff  }
0x2b8: {  	v63 =	vld.idx.msk [tilespmem:v11+s16+$0x0], $0xffff  }
0x2b9: {  	v43 =	vld.idx.msk [tilespmem:v3+s15+$0x0], $0xffff;
	v3 =	vor.u32 $0x200, v1  }
0x2ba: {  	v12 =	vld.idx.msk [tilespmem:v12+s16+$0x0], $0xffff  }
0x2bb: {  	v11 =	vor.u32 $0x480, v2;
	v15 =	vsel vm0, v15, v17;
	v17 =	vld [tilespmem:s26+$0xE000]  }
0x2bc: {  	v21 =	vsel vm0, v19, v21;
	v19 =	vld [tilespmem:s26+$0xE200]  }
0x2bd: {  	v16 =	vsel vm1, v16, v18;
	v18 =	vld [tilespmem:s26+$0xA600]  }
0x2be: {  	v48 =	vld.idx.msk [tilespmem:v3+s16+$0x0], $0xffff;
	v3 =	vor.u32 $0x280, v2  }
0x2bf: {  	v25 =	vsel vm0, v23, v25;
	v23 =	vld [tilespmem:s26+$0xE600]  }
0x2c0: {  	v6 =	vld.idx.msk [tilespmem:v11+s15+$0x0], $0xffff  }
0x2c1: {  	v13 =	vadd.f32 v14, v13;
	v14 =	vmul.f32 v16, v15;
	v15 =	vld [tilespmem:s26+$0xA200]  }
0x2c2: {  	v16 =	vld [tilespmem:s26+$0xA400]  }
0x2c3: {  	v54 =	vld.idx.msk [tilespmem:v3+s15+$0x0], $0xffff;
	v3 =	vor.u32 $0x300, v1  }
0x2c4: {  	v22 =	vsel vm1, v20, v22;
	v20 =	vsel vm0, v27, v29;
	v27 =	vld [tilespmem:s26+$0xEC00]  }
0x2c5: {  	v29 =	vsel vm1, v28, v30;
	v5 =	vsel vm0, v56, v5;
	v56 =	vld [tilespmem:s26+$0xB800]  }
0x2c6: {  	v30 =	vmul.f32 v29, v20;
	v20 =	vld [tilespmem:s26+$0xA800]  }
0x2c7: {  	v29 =	vld [tilespmem:s26+$0xEA00]  }
0x2c8: {  	v59 =	vld.idx.msk [tilespmem:v3+s16+$0x0], $0xffff;
	v3 =	vor.u32 $0x3C0, v2  }
0x2c9: {  	v9 =	vor.u32 $0x400, v2;
	v13 =	vadd.f32 v14, v13;
	v14 =	vmul.f32 v22, v21;
	v21 =	vld [tilespmem:s26+$0xE400]  }
0x2ca: {  	v40 =	vsel vm1, v40, v42;
	v42 =	vor.u32 $0x580, v2;
	v22 =	vld [tilespmem:s26+$0xAA00]  }
0x2cb: {  	v35 =	vsel vm0, v35, v37;
	v26 =	vsel vm1, v24, v26;
	v24 =	vor.u32 $0x500, v1;
	[tilespmem:$0x1FFB0] =	vst v6;
	v6 =	vld [tilespmem:s26+$0xDA00]  }
0x2cc: {  	v37 =	vor.u32 $0x540, v1;
	v13 =	vadd.f32 v14, v13;
	v14 =	vmul.f32 v26, v25;
	v26 =	vld [tilespmem:s26+$0xE800]  }
0x2cd: {  	v0 =	vld.idx.msk [tilespmem:v3+s15+$0x0], $0xffff  }
0x2ce: {  	v10 =	vor.u32 $0x400, v1;
	v3 =	vld.idx.msk [tilespmem:v9+s15+$0x0], $0xffff  }
0x2cf: {  	v28 =	vld.idx.msk [tilespmem:v42+s15+$0x0], $0xffff;
	v13 =	vadd.f32 v14, v13  }
0x2d0: {  	v24 =	vld.idx.msk [tilespmem:v24+s16+$0x0], $0xffff  }
0x2d1: {  	v25 =	vor.u32 $0x540, v2;
	v13 =	vadd.f32 v30, v13;
	v30 =	vld.idx.msk [tilespmem:v37+s16+$0x0], $0xffff  }
0x2d2: {  	v31 =	vsel vm0, v31, v33;
	v33 =	vsel vm1, v32, v34;
	v32 =	vld [tilespmem:s26+$0xEE00]  }
0x2d3: {  	v7 =	vor.u32 $0x440, v2;
	[tilespmem:$0x1FF70] =	vst v3;
	v3 =	vld.idx.msk [tilespmem:v10+s16+$0x0], $0xffff  }
0x2d4: {  	v37 =	vld [tilespmem:s26+$0xFA00]  }
0x2d5: {  	v34 =	vmul.f32 v33, v31;
	v31 =	vld [tilespmem:s26+$0xAC00];
	[tilespmem:$0x1FF60] =	vst v0;
	v0 =	vor.u32 $0x440, v1  }
0x2d6: {  	v25 =	vld.idx.msk [tilespmem:v25+s15+$0x0], $0xffff  }
0x2d7: {  	v13 =	vadd.f32 v34, v13;
	v34 =	vld [tilespmem:s26+$0xB000]  }
0x2d8: {  	v36 =	vsel vm1, v36, v38;
	v43 =	vsel vm0, v43, v45;
	v45 =	vor.u32 $0x580, v1;
	[tilespmem:$0x1FF80] =	vst v3;
	v3 =	vld.idx.msk [tilespmem:v7+s15+$0x0], $0xffff  }
0x2d9: {  	v38 =	vmul.f32 v36, v35;
	v35 =	vld [tilespmem:s26+$0xAE00];
	v48 =	vsel vm1, v48, v50;
	v50 =	vor.u32 $0x5C0, v2  }
0x2da: {  	v0 =	vld.idx.msk [tilespmem:v0+s16+$0x0], $0xffff  }
0x2db: {  	v44 =	vsel vm1, v44, v46;
	v36 =	vld [tilespmem:s26+$0xBA00];
	v9 =	vor.u32 $0x480, v1  }
0x2dc: {  	v46 =	vmul.f32 v44, v43;
	v44 =	vsel vm1, v63, v17;
	v17 =	vld [tilespmem:s26+$0xB400]  }
0x2dd: {  	v39 =	vsel vm0, v39, v41;
	v14 =	vld.idx.msk [tilespmem:v45+s16+$0x0], $0xffff;
	[tilespmem:$0x1FF90] =	vst v3;
	v3 =	vor.u32 $0x4C0, v1  }
0x2de: {  	v41 =	vmul.f32 v40, v39;
	v33 =	vld.idx.msk [tilespmem:v50+s15+$0x0], $0xffff  }
0x2df: {  	v13 =	vadd.f32 v38, v13;
	v40 =	vsel vm1, v59, v8;
	v8 =	vld [tilespmem:s26+$0xB200];
	[tilespmem:$0x1FFA0] =	vst v0;
	v0 =	vor.u32 $0x500, v2  }
0x2e0: {  	v10 =	vor.u32 $0x4C0, v2;
	v4 =	vld.idx.msk [tilespmem:v9+s16+$0x0], $0xffff  }
0x2e1: {  	v13 =	vadd.f32 v41, v13;
	v9 =	vld [tilespmem:s26+$0x9E00]  }
0x2e2: {  	v3 =	vld.idx.msk [tilespmem:v3+s16+$0x0], $0xffff  }
0x2e3: {  	v13 =	vadd.f32 v46, v13;
	v46 =	vld [tilespmem:$0x1FF60]  }
0x2e4: {  	v0 =	vld.idx.msk [tilespmem:v0+s15+$0x0], $0xffff  }
0x2e5: {  	v11 =	vld.idx.msk [tilespmem:v10+s15+$0x0], $0xffff  }
0x2e6: {  	[tilespmem:$0x1FFC0] =	vst v4;
	v4 =	vld [tilespmem:s26+$0xD800]  }
0x2e7: {  	[tilespmem:$0x1FFE0] =	vst v3;
	v3 =	vld [tilespmem:s26+$0xD600]  }
0x2e8: {  	v7 =	vld [tilespmem:s26+$0x9C00]  }
0x2e9: {  	v47 =	vsel vm0, v47, v49;
	v41 =	vor.u32 $0x640, v2;
	[tilespmem:$0x1FFF0] =	vst v0;
	v0 =	vld [tilespmem:s26+$0x9800]  }
0x2ea: {  	v49 =	vmul.f32 v48, v47;
	v48 =	vld [tilespmem:$0x1FF70]  }
0x2eb: {  	v10 =	vld [tilespmem:s26+$0xDE00]  }
0x2ec: {  	v51 =	vsel vm0, v51, v53;
	v45 =	vor.u32 $0x680, v2;
	[tilespmem:$0x1FFD0] =	vst v11;
	v11 =	vld [tilespmem:s26+$0xA000];
	v3 =	vsel vm1, v52, v3  }
0x2ed: {  	v13 =	vadd.f32 v49, v13;
	v49 =	vld [tilespmem:$0x1FF80];
	v3 =	vmul.f32 v3, v51  }
0x2ee: {  	v4 =	vsel vm1, v55, v4;
	v39 =	vsel vm0, v58, v7;
	v7 =	vld.idx.msk [tilespmem:v41+s15+$0x0], $0xffff;
	v0 =	vsel vm0, v54, v0  }
0x2ef: {  	v41 =	vld [tilespmem:s26+$0xBC00];
	v0 =	vmul.f32 v4, v0;
	v3 =	vadd.f32 v3, v13  }
0x2f0: {  	v6 =	vsel vm1, v57, v6;
	v59 =	vld [tilespmem:$0x1FFD0]  }
0x2f1: {  	v43 =	vsel vm0, v62, v11;
	v11 =	vld.idx.msk [tilespmem:v45+s15+$0x0], $0xffff;
	v0 =	vadd.f32 v0, v3;
	v3 =	vmul.f32 v6, v5  }
0x2f2: {  	v9 =	vsel vm0, v60, v9;
	v60 =	vld [tilespmem:$0x1FFE0]  }
0x2f3: {  	v55 =	vor.u32 $0x600, v2;
	v63 =	vld [tilespmem:$0x1FFF0];
	v0 =	vadd.f32 v3, v0;
	v3 =	vmul.f32 v40, v39  }
0x2f4: {  	v10 =	vsel vm1, v61, v10;
	v52 =	vld [tilespmem:$0x1FFA0]  }
0x2f5: {  	v53 =	vor.u32 $0x5C0, v1;
	v54 =	vld [tilespmem:$0x1FFB0];
	v0 =	vadd.f32 v3, v0;
	v3 =	vmul.f32 v10, v9  }
0x2f6: {  	v4 =	vld [tilespmem:s26+$0xF000]  }
0x2f7: {  	v45 =	vor.u32 $0x780, v1;
	v51 =	vld [tilespmem:$0x1FF90];
	v0 =	vadd.f32 v3, v0;
	v3 =	vmul.f32 v44, v43  }
0x2f8: {  	v12 =	vsel vm1, v12, v19;
	v15 =	vsel vm0, v46, v15;
	v61 =	vor.u32 $0x700, v1;
	v13 =	vld.idx.msk [tilespmem:v55+s15+$0x0], $0xffff  }
0x2f9: {  	v55 =	vld [tilespmem:$0x1FFC0];
	v0 =	vadd.f32 v3, v0;
	v3 =	vmul.f32 v12, v15  }
0x2fa: {  	v5 =	vld.idx.msk [tilespmem:v53+s16+$0x0], $0xffff;
	v15 =	vsel vm0, v48, v16;
	v16 =	vsel vm1, v49, v21  }
0x2fb: {  	v6 =	vld [tilespmem:s26+$0xF200];
	v0 =	vadd.f32 v3, v0;
	v3 =	vmul.f32 v16, v15  }
0x2fc: {  	v57 =	vor.u32 $0x600, v1;
	v23 =	vsel vm1, v52, v23;
	v52 =	vld.idx.msk [tilespmem:v45+s16+$0x0], $0xffff;
	v18 =	vsel vm0, v51, v18  }
0x2fd: {  	v40 =	vld.idx.msk [tilespmem:v61+s16+$0x0], $0xffff;
	v0 =	vadd.f32 v3, v0;
	v3 =	vmul.f32 v23, v18  }
0x2fe: {  	v19 =	vsel vm0, v54, v20;
	v61 =	vld [tilespmem:s26+$0x10200];
	v20 =	vsel vm1, v55, v26  }
0x2ff: {  	v53 =	vor.u32 $0x6C0, v1;
	v55 =	vld [tilespmem:s26+$0xC000];
	v0 =	vadd.f32 v3, v0;
	v3 =	vmul.f32 v20, v19  }
0x300: {  	v42 =	vor.u32 $0x640, v1;
	v22 =	vsel vm0, v59, v22;
	v26 =	vsel vm1, v60, v29;
	v60 =	vld [tilespmem:s26+$0xC200]  }
0x301: {  	v9 =	vld.idx.msk [tilespmem:v57+s16+$0x0], $0xffff;
	v0 =	vadd.f32 v3, v0;
	v3 =	vmul.f32 v26, v22  }
0x302: {  	v24 =	vsel vm1, v24, v27;
	v10 =	vld [tilespmem:s26+$0xF400];
	v26 =	vsel vm0, v63, v31  }
0x303: {  	v38 =	vor.u32 $0x740, v2;
	v57 =	vld [tilespmem:s26+$0xF800];
	v0 =	vadd.f32 v3, v0;
	v3 =	vmul.f32 v24, v26  }
0x304: {  	v30 =	vsel vm1, v30, v32;
	v25 =	vsel vm0, v25, v35;
	v47 =	vor.u32 $0x680, v1;
	v62 =	vld.idx.msk [tilespmem:v53+s16+$0x0], $0xffff  }
0x305: {  	v39 =	vor.u32 $0x740, v1;
	v12 =	vld.idx.msk [tilespmem:v42+s16+$0x0], $0xffff;
	v0 =	vadd.f32 v3, v0;
	v3 =	vmul.f32 v30, v25  }
0x306: {  	v28 =	vsel vm0, v28, v34;
	v50 =	vor.u32 $0x6C0, v2;
	v4 =	vsel vm1, v14, v4;
	v21 =	vld [tilespmem:s26+$0xB600]  }
0x307: {  	v15 =	vld [tilespmem:s26+$0xF600];
	v0 =	vadd.f32 v3, v0;
	v3 =	vmul.f32 v4, v28  }
0x308: {  	v8 =	vsel vm0, v33, v8;
	v58 =	vor.u32 $0x700, v2;
	v5 =	vsel vm1, v5, v6;
	v44 =	vld.idx.msk [tilespmem:v38+s15+$0x0], $0xffff  }
0x309: {  	v18 =	vld.idx.msk [tilespmem:v47+s16+$0x0], $0xffff;
	v0 =	vadd.f32 v3, v0;
	v3 =	vmul.f32 v5, v8  }
0x30a: {  	v46 =	vld.idx.msk [tilespmem:v39+s16+$0x0], $0xffff;
	v9 =	vsel vm1, v9, v10;
	v47 =	vsel vm0, v13, v17  }
0x30b: {  	v16 =	vld.idx.msk [tilespmem:v50+s15+$0x0], $0xffff;
	v0 =	vadd.f32 v3, v0;
	v3 =	vmul.f32 v9, v47  }
0x30c: {  	v43 =	vor.u32 $0x780, v2;
	v42 =	vld [tilespmem:s26+$0xFC00];
	v7 =	vsel vm0, v7, v21;
	v50 =	vsel vm1, v12, v15  }
0x30d: {  	v1 =	vor.u32 $0x7C0, v1;
	v20 =	vld.idx.msk [tilespmem:v58+s15+$0x0], $0xffff;
	v0 =	vadd.f32 v3, v0;
	v3 =	vmul.f32 v50, v7  }
0x30e: {  	v53 =	vsel vm0, v11, v56;
	v2 =	vor.u32 $0x7C0, v2;
	v48 =	vld [tilespmem:s26+$0xBE00];
	v54 =	vsel vm1, v18, v57  }
0x30f: {  	v49 =	vld [tilespmem:s26+$0xFE00];
	v0 =	vadd.f32 v3, v0;
	v3 =	vmul.f32 v54, v53  }
0x310: {  	v56 =	vld [tilespmem:s26+$0x10000];
	v58 =	vsel vm1, v62, v37;
	v57 =	vsel vm0, v16, v36  }
0x311: {  	v51 =	vld.idx.msk [tilespmem:v43+s15+$0x0], $0xffff;
	v0 =	vadd.f32 v3, v0;
	v3 =	vmul.f32 v58, v57  }
0x312: {  	v1 =	vld.idx.msk [tilespmem:v1+s16+$0x0], $0xffff;
	v59 =	vsel vm0, v20, v41;
	v4 =	vsel vm1, v40, v42  }
0x313: {  	v2 =	vld.idx.msk [tilespmem:v2+s15+$0x0], $0xffff;
	v0 =	vadd.f32 v3, v0;
	v3 =	vmul.f32 v4, v59  }
0x314: {  	v6 =	vsel vm0, v44, v48;
	v5 =	vsel vm1, v46, v49  }
0x315: {  	v0 =	vadd.f32 v3, v0;
	v3 =	vmul.f32 v5, v6  }
0x316: {  	v62 =	vsel vm0, v51, v55;
	v63 =	vsel vm1, v52, v56  }
0x317: {  	v0 =	vadd.f32 v3, v0;
	v3 =	vmul.f32 v63, v62  }
0x318: {  	v1 =	vsel vm1, v1, v61;
	v2 =	vsel vm0, v2, v60  }
.Ltmp6:
0x319: {  	v1 =	vmul.f32 v1, v2;
	v0 =	vadd.f32 v3, v0;
	(pc) =	sbr.rel .LBB2_6-.Ltmp6, $3  }
0x31a: {  	_ = 	snop  }
0x31b: {  	v0 =	vadd.f32 v1, v0;
	_ =	sdelay $0x1  }
0x31c: {  	[tilespmem:s26+$0x11800] =	vst v0;
	v0 =	vimm.s32 $0x0  }
.LBB2_8:
0x31d: {  	_ =	sfence.sel $0x180000  }
0x31e: {  	[bflag:$0x0] =	sbarrier.arrive $0xFFFF  }
0x31f: {  	_ =	strace $0x9000004A  }
0x320: {  	s0 =	stileid.u32;
	[bflag:$0x2] =	sbarrier.arrive $0xFFFF  }
0x321: {  	p0 =	sne.s32 s0, $0x0;
	s0 =	rddreg [dreg:$0x4]  }
0x322: {  	s0 =	sadd.s32 @!p0 $0x100000, s0  }
0x323: {  	[sflag:s0] =	ssyncadd.tile.s32 @!p0 $0x1;
	_ =	shalt  }
.Lfunc_end2:
_tile_overlayer_lowered:
.L_overlay_start_2:
0x324: {  	(tag) =	ssettag $0x2  }
0x325: {  	s0 =	rddreg [dreg:$0x0];
	s2 =	stileid.u32  }
0x326: {  	s1 =	rddreg [dreg:$0x1];
	p0 =	sne.s32 s2, $0x0  }
0x327: {  	s3 =	rddreg [dreg:$0x2];
	[bflag:$0x3] =	sbarrier.arrive $0xFFFF;
	s2 =	simm.s32 @!p0 $0x1C05  }
0x328: {  	[timem:s3], [sflag:s2] =	dma.local @!p0 [hbm:s0], s1  }
0x329: {  	s0 =	simm.s32 @!p0 $0x5  }
0x32a: {  	_ =	swait.ge @!p0 [sflag:s0], s1  }
0x32b: {  	s1 =	ssub.s32 @!p0 $0x0, s1;
	[sflag:s0] =	ssyncset.done @!p0 $0x0  }
0x32c: {  	[sflag:s0] =	ssyncadd.s32 @!p0 s1  }
0x32d: {  	[bflag:$0x3] =	sbarrier.arrive $0xFFFF  }
0x32e: {  	_ =	shalt  }

</sc_bundles>
